<compile_context>
chip_gen: v7x
topology: tpu7x:2x2x1
jax: 0.10.2.dev20260603
libtpu: 0.0.44.dev20260713+nightly
codegen_flags: <defaults>
</compile_context>

<pallas_src>
import functools

import jax
import jax.numpy as jnp
from jax import lax
from jax.experimental import pallas as pl
from jax.experimental.pallas import tpu as pltpu
from jax.experimental.pallas import tpu_sc as plsc

N = 10000
E = 320000
D = 128
NC = 2
NS = 16
NW = NC * NS
K = 128
EPAD = 327680
EPT = EPAD // NW
NCHUNK = EPT // K
NQ = 4
QCHUNK = NCHUNK // NQ
NA = 10240
ZT = NA // NS
NZB = ZT // K
NDT = 10

_MESH = plsc.VectorSubcoreMesh(core_axis_name="c", subcore_axis_name="s",
                               num_cores=NC, num_subcores=NS)


def _zero_acc(z_hbm, zidx_hbm, acc, zbuf, zv, s):
    pltpu.sync_copy(z_hbm, zbuf)
    pltpu.sync_copy(zidx_hbm.at[s], zv)

    def zbody(i, carry):
        pltpu.sync_copy(zbuf, acc.at[zv.at[i]])
        return carry

    lax.fori_loop(0, NZB, zbody, 0)


def _sc_body(h_hbm, src_hbm, dst_hbm, z_hbm, zidx_hbm,
             out_rows, acc, src_v, dst_v, zv, rows0, rows1, sem0, sem1):
    c = lax.axis_index("c")
    s = lax.axis_index("s")
    wid = s * NC + c
    _zero_acc(z_hbm, zidx_hbm, acc, rows0, zv, s)
    plsc.subcore_barrier()

    bufs = (rows0, rows1)
    sems = (sem0, sem1)

    def quarter(q, carry):
        pltpu.sync_copy(src_hbm.at[wid, q], src_v)
        pltpu.sync_copy(dst_hbm.at[wid, q], dst_v)
        pltpu.async_copy(h_hbm.at[src_v.at[0]], rows0, sem0)
        for j in range(QCHUNK):
            if j + 1 < QCHUNK:
                pltpu.async_copy(h_hbm.at[src_v.at[j + 1]],
                                 bufs[(j + 1) % 2], sems[(j + 1) % 2])
            pltpu.make_async_copy(h_hbm.at[src_v.at[j]], bufs[j % 2],
                                  sems[j % 2]).wait()
            pltpu.sync_copy(bufs[j % 2], acc.at[dst_v.at[j]], add=True)
        return carry

    lax.fori_loop(0, NQ, quarter, 0)
    plsc.subcore_barrier()

    @pl.when(s < NDT)
    def _drain():
        stripe = pl.ds(s * (N // NDT), N // NDT)
        pltpu.sync_copy(acc.at[stripe], out_rows.at[c, stripe])


_sc_agg = pl.kernel(
    _sc_body,
    out_type=jax.ShapeDtypeStruct((NC, N, D), jnp.float32),
    mesh=_MESH,
    scratch_types=[
        pltpu.VMEM_SHARED((NA, D), jnp.float32),
        pltpu.VMEM((QCHUNK, K), jnp.int32),
        pltpu.VMEM((QCHUNK, K), jnp.int32),
        pltpu.VMEM((NZB, K), jnp.int32),
        pltpu.VMEM((K, D), jnp.float32),
        pltpu.VMEM((K, D), jnp.float32),
        pltpu.SemaphoreType.DMA,
        pltpu.SemaphoreType.DMA,
    ],
)


NV = EPT // 16
HC = NA // 128


def _sc_cnt_body(dst_hbm, hidx_hbm, out_cnt, hist_sp, dst_v, hist, hidx_v):
    c = lax.axis_index("c")
    s = lax.axis_index("s")
    wid = s * NC + c
    zrow = jnp.zeros((16,), jnp.float32)

    def zb(i, carry):
        hist[pl.ds(i * 16, 16)] = zrow
        return carry

    lax.fori_loop(0, NV, zb, 0)
    pltpu.sync_copy(hist.at[pl.ds(0, NA // NS)],
                    hist_sp.at[pl.ds(s * (NA // NS), NA // NS)])
    pltpu.sync_copy(dst_hbm.at[wid], dst_v)
    pltpu.sync_copy(hidx_hbm, hidx_v)
    ones = jnp.ones((16,), jnp.float32)
    plsc.subcore_barrier()

    def hb(e, carry):
        v = dst_v[pl.ds(e * 16, 16)]
        plsc.addupdate_scatter(hist, [v], ones)
        return carry

    lax.fori_loop(0, NV, hb, 0)

    def rb(i, carry):
        pltpu.sync_copy(hist.at[pl.ds(i * 128, 128)],
                        hist_sp.at[hidx_v.at[i]], add=True)
        return carry

    lax.fori_loop(0, HC, rb, 0)
    plsc.subcore_barrier()

    @pl.when(s < 8)
    def _drain():
        stripe = pl.ds(s * (NA // 8), NA // 8)
        pltpu.sync_copy(hist_sp.at[stripe], out_cnt.at[c, stripe])


_sc_cnt = pl.kernel(
    _sc_cnt_body,
    out_type=jax.ShapeDtypeStruct((NC, NA), jnp.float32),
    mesh=_MESH,
    compiler_params=pltpu.CompilerParams(needs_layout_passes=False),
    scratch_types=[
        pltpu.VMEM_SHARED((NA,), jnp.float32),
        pltpu.VMEM((EPT,), jnp.int32),
        pltpu.VMEM((NA,), jnp.float32),
        pltpu.VMEM((HC, 128), jnp.int32),
    ],
)


BN = 1000


def _tc_body(p0, p1, c0, c1, h, wl, wr, b, o, *, act):
    cnt = c0[:, :] + c1[:, :]
    inv = 1.0 / jnp.maximum(cnt, 1.0)
    agg = (p0[:, :] + p1[:, :]) * inv
    y = (jnp.dot(agg, wl[:, :], preferred_element_type=jnp.float32)
         + jnp.dot(h[:, :], wr[:, :], preferred_element_type=jnp.float32)
         + b[:, :])
    o[:, :] = jnp.tanh(y) if act else y


def _tc_layer(parts, cnts, h, Wl, Wr, b, act):
    return pl.pallas_call(
        functools.partial(_tc_body, act=act),
        grid=(N // BN,),
        in_specs=[
            pl.BlockSpec((BN, D), lambda i: (i, 0)),
            pl.BlockSpec((BN, D), lambda i: (i, 0)),
            pl.BlockSpec((BN, 1), lambda i: (i, 0)),
            pl.BlockSpec((BN, 1), lambda i: (i, 0)),
            pl.BlockSpec((BN, D), lambda i: (i, 0)),
            pl.BlockSpec((D, D), lambda i: (0, 0)),
            pl.BlockSpec((D, D), lambda i: (0, 0)),
            pl.BlockSpec((1, D), lambda i: (0, 0)),
        ],
        out_specs=pl.BlockSpec((BN, D), lambda i: (i, 0)),
        out_shape=jax.ShapeDtypeStruct((N, D), jnp.float32),
    )(parts[0], parts[1], cnts[0], cnts[1], h, Wl, Wr, b.reshape(1, D))


def kernel(x, edge_index, Wl0, Wr0, b0, Wl1, Wr1, b1, Wl2, Wr2, b2):
    pad = EPAD - E
    padi = jnp.arange(pad, dtype=jnp.int32)
    srcf = jnp.concatenate([edge_index[0].astype(jnp.int32), padi % N])
    dstf = jnp.concatenate([edge_index[1].astype(jnp.int32),
                            N + padi % (NA - N)])
    src = srcf.reshape(NW, NQ, QCHUNK, K)
    dst = dstf.reshape(NW, NQ, QCHUNK, K)
    dstc = dstf.reshape(NW, EPT)
    z = jnp.zeros((K, D), jnp.float32)
    zidx = jnp.arange(NA, dtype=jnp.int32).reshape(NS, NZB, K)
    hidx = jnp.arange(NA, dtype=jnp.int32).reshape(HC, 128)

    cnts = _sc_cnt(dstc, hidx)
    cnts = cnts[:, :N].reshape(NC, N, 1)
    parts = _sc_agg(x, src, dst, z, zidx)
    h = _tc_layer(parts, cnts, x, Wl0, Wr0, b0, act=True)
    parts = _sc_agg(h, src, dst, z, zidx)
    h = _tc_layer(parts, cnts, h, Wl1, Wr1, b1, act=True)
    parts = _sc_agg(h, src, dst, z, zidx)
    return _tc_layer(parts, cnts, h, Wl2, Wr2, b2, act=False)

# --- scband reference (transcript-rebuilt; emitter-appended) ---
"""Pipeline reference for scband-graph-sage-60610578481667 (READ-ONLY COPY).

The authoritative reference and input builder live on the scoring server;
editing this copy changes nothing except your own understanding.
"""

import jax, jax.numpy as jnp
import numpy as np

N_NODES = 10000
N_EDGES = 320000
D_IN = 128
D_HID = 128
D_OUT = 128


def setup_inputs(seed: int = 0) -> dict:
    key = jax.random.key(seed)
    ks = jax.random.split(key, 12)
    x = jax.random.normal(ks[0], (N_NODES, D_IN), dtype=jnp.float32)
    edge_index = jax.random.randint(ks[1], (2, N_EDGES), 0, N_NODES, dtype=jnp.int64)
    # SAGEConv params per layer: W_neigh (lin_l), W_self (lin_r), bias
    def glorot(k, fan_in, fan_out):
        s = (6.0 / (fan_in + fan_out)) ** 0.5
        return jax.random.uniform(k, (fan_in, fan_out), minval=-s, maxval=s, dtype=jnp.float32)
    Wl0 = glorot(ks[2], D_IN, D_HID); Wr0 = glorot(ks[3], D_IN, D_HID); b0 = jnp.zeros((D_HID,), jnp.float32)
    Wl1 = glorot(ks[4], D_HID, D_HID); Wr1 = glorot(ks[5], D_HID, D_HID); b1 = jnp.zeros((D_HID,), jnp.float32)
    Wl2 = glorot(ks[6], D_HID, D_OUT); Wr2 = glorot(ks[7], D_HID, D_OUT); b2 = jnp.zeros((D_OUT,), jnp.float32)
    return {"x": x, "edge_index": edge_index,
            "Wl0": Wl0, "Wr0": Wr0, "b0": b0,
            "Wl1": Wl1, "Wr1": Wr1, "b1": b1,
            "Wl2": Wl2, "Wr2": Wr2, "b2": b2}


def _sage_conv(x, src, dst, Wl, Wr, b, n_nodes):
    # mean aggregation of source-node features at destination nodes
    msgs = jnp.take(x, src, axis=0)                       # gather  [E, d]
    agg = jax.ops.segment_sum(msgs, dst, num_segments=n_nodes)  # scatter-add
    cnt = jax.ops.segment_sum(jnp.ones((src.shape[0],), jnp.float32), dst,
                              num_segments=n_nodes)
    agg = agg / jnp.maximum(cnt, 1.0)[:, None]
    return agg @ Wl + x @ Wr + b


def reference(x, edge_index, Wl0, Wr0, b0, Wl1, Wr1, b1, Wl2, Wr2, b2):
    src = edge_index[0]
    dst = edge_index[1]
    n = x.shape[0]
    # layer 0 + tanh (dropout is identity in eval mode)
    h = _sage_conv(x, src, dst, Wl0, Wr0, b0, n)
    h = jnp.tanh(h)
    # layer 1 + tanh
    h = _sage_conv(h, src, dst, Wl1, Wr1, b1, n)
    h = jnp.tanh(h)
    # final layer (no activation)
    out = _sage_conv(h, src, dst, Wl2, Wr2, b2, n)
    return out

if __name__ == "__main__":
    import jax
    _d = setup_inputs()
    print(jax.jit(kernel)(*tuple(_d.values())))

</pallas_src>

<mosaic_0001>
#map = affine_map<(d0, d1) -> (0, 0)>
module attributes {stable_mosaic.version = 14 : i64} {
  func.func @_sc_cnt_body(%arg0: i32, %arg1: i32, %arg2: memref<32x10240xi32, #tpu.memory_space<hbm>>, %arg3: memref<80x128xi32, #tpu.memory_space<hbm>>, %arg4: memref<2x10240xf32, #tpu.memory_space<hbm>>, %arg5: memref<10240xf32, #tpu.memory_space<vmem_shared>>, %arg6: memref<10240xi32, #tpu.memory_space<vmem>>, %arg7: memref<10240xf32, #tpu.memory_space<vmem>>, %arg8: memref<80x128xi32, #tpu.memory_space<vmem>>) attributes {dimension_semantics = [#tpu.dimension_semantics<core_parallel>, #tpu.dimension_semantics<subcore_parallel>], iteration_bounds = array<i64: 2, 16>, scalar_prefetch = 0 : i64, scratch_operands = 4 : i64, tpu.core_type = #tpu.core_type<sc_vector_subcore>, window_params = [{transform_indices = #map}, {transform_indices = #map}, {transform_indices = #map}]} {
    %mul3A = arith.constant 2 : i32
    %mul3A_0 = arith.muli %arg1, %mul3A : i32
    %add3A = arith.addi %mul3A_0, %arg0 : i32
    %broadcast_in_dim3A = arith.constant 0.000000e+00 : f32
    %broadcast_in_dim3A_1 = vector.broadcast %broadcast_in_dim3A : f32 to vector<16xf32>
    %scan3A = arith.constant 0 : i32
    %scan3A_2 = arith.constant 0 : i32
    %scan3A_3 = arith.constant 640 : i32
    %scan3A_4 = arith.addi %scan3A_2, %scan3A_3 : i32
    %scan3A_5 = arith.constant 1 : i32
    scf.for %scan3A_26 = %scan3A_2 to %scan3A_4 step %scan3A_5  : i32 {
      %mul3A_27 = arith.constant 16 : i32
      %mul3A_28 = arith.muli %scan3A_26, %mul3A_27 : i32
      %swap3A = arith.index_cast %mul3A_28 : i32 to index
      %swap3A_29 = tpu.vector_load %arg7[%swap3A] {strides = array<i32>} : memref<10240xf32, #tpu.memory_space<vmem>>, vector<16xf32>,
      tpu.vector_store %arg7[%swap3A], %broadcast_in_dim3A_1 {strides = array<i32>} : memref<10240xf32, #tpu.memory_space<vmem>>, vector<16xf32>,
    }
    %scan3A_6 = arith.constant 640 : i32
    %mul3A_7 = arith.constant 640 : i32
    %mul3A_8 = arith.muli %arg1, %mul3A_7 : i32
    "tpu.region"() ({
      %run_scoped3A = tpu.sem_alloc : memref<!tpu.dma_semaphore, #tpu.memory_space<semaphore_mem>>
      %dma_start3A = arith.constant 0 : i32
      %dma_start3A_26 = tpu.memref_slice %arg7[%dma_start3A] : memref<10240xf32, #tpu.memory_space<vmem>> -> memref<640xf32, #tpu.memory_space<vmem>>
      %dma_start3A_27 = tpu.memref_slice %arg5[%mul3A_8] : memref<10240xf32, #tpu.memory_space<vmem_shared>> -> memref<640xf32, #tpu.memory_space<vmem_shared>>
      %dma_start3A_28 = tpu.memref_slice %arg5[%mul3A_8] : memref<10240xf32, #tpu.memory_space<vmem_shared>> -> memref<640xf32, #tpu.memory_space<vmem_shared>>
      %dma_start3A_29 = arith.constant 0 : i32
      %dma_start3A_30 = tpu.memref_slice %arg7[%dma_start3A_29] : memref<10240xf32, #tpu.memory_space<vmem>> -> memref<640xf32, #tpu.memory_space<vmem>>
      tpu.enqueue_dma source(%dma_start3A_30 : memref<640xf32, #tpu.memory_space<vmem>>) target(%dma_start3A_28 : memref<640xf32, #tpu.memory_space<vmem_shared>>) target_semaphore(%run_scoped3A : memref<!tpu.dma_semaphore, #tpu.memory_space<semaphore_mem>>)
      %dma_wait3A = arith.constant 0 : i32
      %dma_wait3A_31 = tpu.memref_slice %arg7[%dma_wait3A] : memref<10240xf32, #tpu.memory_space<vmem>> -> memref<640xf32, #tpu.memory_space<vmem>>
      %dma_wait3A_32 = tpu.memref_slice %arg5[%mul3A_8] : memref<10240xf32, #tpu.memory_space<vmem_shared>> -> memref<640xf32, #tpu.memory_space<vmem_shared>>
      %dma_wait3A_33 = tpu.memref_slice %arg5[%mul3A_8] : memref<10240xf32, #tpu.memory_space<vmem_shared>> -> memref<640xf32, #tpu.memory_space<vmem_shared>>
      %dma_wait3A_34 = arith.constant 0 : i32
      %dma_wait3A_35 = tpu.memref_slice %arg7[%dma_wait3A_34] : memref<10240xf32, #tpu.memory_space<vmem>> -> memref<640xf32, #tpu.memory_space<vmem>>
      tpu.wait_dma2 semaphore(%run_scoped3A : memref<!tpu.dma_semaphore, #tpu.memory_space<semaphore_mem>>) src(%dma_wait3A_35 : memref<640xf32, #tpu.memory_space<vmem>>) dst(%dma_wait3A_33 : memref<640xf32, #tpu.memory_space<vmem_shared>>)
      tpu.yield
    }) : () -> ()
    "tpu.region"() ({
      %run_scoped3A = tpu.sem_alloc : memref<!tpu.dma_semaphore, #tpu.memory_space<semaphore_mem>>
      %dma_start3A = arith.constant 0 : i32
      %dma_start3A_26 = tpu.memref_slice %arg2[%add3A, %dma_start3A] : memref<32x10240xi32, #tpu.memory_space<hbm>> -> memref<1x10240xi32, #tpu.memory_space<hbm>>
      %dma_start3A_27 = tpu.memref_squeeze %dma_start3A_26 : memref<1x10240xi32, #tpu.memory_space<hbm>> -> memref<10240xi32, #tpu.memory_space<hbm>>
      %dma_start3A_28 = arith.constant 0 : i32
      %dma_start3A_29 = tpu.memref_slice %arg2[%add3A, %dma_start3A_28] : memref<32x10240xi32, #tpu.memory_space<hbm>> -> memref<1x10240xi32, #tpu.memory_space<hbm>>
      %dma_start3A_30 = tpu.memref_squeeze %dma_start3A_29 : memref<1x10240xi32, #tpu.memory_space<hbm>> -> memref<10240xi32, #tpu.memory_space<hbm>>
      tpu.enqueue_dma source(%dma_start3A_30 : memref<10240xi32, #tpu.memory_space<hbm>>) target(%arg6 : memref<10240xi32, #tpu.memory_space<vmem>>) target_semaphore(%run_scoped3A : memref<!tpu.dma_semaphore, #tpu.memory_space<semaphore_mem>>)
      %dma_wait3A = arith.constant 0 : i32
      %dma_wait3A_31 = tpu.memref_slice %arg2[%add3A, %dma_wait3A] : memref<32x10240xi32, #tpu.memory_space<hbm>> -> memref<1x10240xi32, #tpu.memory_space<hbm>>
      %dma_wait3A_32 = tpu.memref_squeeze %dma_wait3A_31 : memref<1x10240xi32, #tpu.memory_space<hbm>> -> memref<10240xi32, #tpu.memory_space<hbm>>
      %dma_wait3A_33 = arith.constant 0 : i32
      %dma_wait3A_34 = tpu.memref_slice %arg2[%add3A, %dma_wait3A_33] : memref<32x10240xi32, #tpu.memory_space<hbm>> -> memref<1x10240xi32, #tpu.memory_space<hbm>>
      %dma_wait3A_35 = tpu.memref_squeeze %dma_wait3A_34 : memref<1x10240xi32, #tpu.memory_space<hbm>> -> memref<10240xi32, #tpu.memory_space<hbm>>
      tpu.wait_dma2 semaphore(%run_scoped3A : memref<!tpu.dma_semaphore, #tpu.memory_space<semaphore_mem>>) src(%dma_wait3A_35 : memref<10240xi32, #tpu.memory_space<hbm>>) dst(%arg6 : memref<10240xi32, #tpu.memory_space<vmem>>)
      tpu.yield
    }) : () -> ()
    "tpu.region"() ({
      %run_scoped3A = tpu.sem_alloc : memref<!tpu.dma_semaphore, #tpu.memory_space<semaphore_mem>>
      tpu.enqueue_dma source(%arg3 : memref<80x128xi32, #tpu.memory_space<hbm>>) target(%arg8 : memref<80x128xi32, #tpu.memory_space<vmem>>) target_semaphore(%run_scoped3A : memref<!tpu.dma_semaphore, #tpu.memory_space<semaphore_mem>>)
      tpu.wait_dma2 semaphore(%run_scoped3A : memref<!tpu.dma_semaphore, #tpu.memory_space<semaphore_mem>>) src(%arg3 : memref<80x128xi32, #tpu.memory_space<hbm>>) dst(%arg8 : memref<80x128xi32, #tpu.memory_space<vmem>>)
      tpu.yield
    }) : () -> ()
    %broadcast_in_dim3A_9 = arith.constant 1.000000e+00 : f32
    %broadcast_in_dim3A_10 = vector.broadcast %broadcast_in_dim3A_9 : f32 to vector<16xf32>
    %barrier3A = arith.constant 0 : index
    tpu.barrier barrier_id(%barrier3A)
    %scan3A_11 = arith.constant 0 : i32
    %scan3A_12 = arith.constant 0 : i32
    %scan3A_13 = arith.constant 640 : i32
    %scan3A_14 = arith.addi %scan3A_12, %scan3A_13 : i32
    %scan3A_15 = arith.constant 1 : i32
    scf.for %scan3A_26 = %scan3A_12 to %scan3A_14 step %scan3A_15  : i32 {
      %mul3A_27 = arith.constant 16 : i32
      %mul3A_28 = arith.muli %scan3A_26, %mul3A_27 : i32
      %get3A = arith.index_cast %mul3A_28 : i32 to index
      %get3A_29 = tpu.vector_load %arg6[%get3A] {strides = array<i32>} : memref<10240xi32, #tpu.memory_space<vmem>>, vector<16xi32>,
      tpu.vector_store_idx %arg7[%get3A_29], %broadcast_in_dim3A_10 {add = true} : memref<10240xf32, #tpu.memory_space<vmem>>[vector<16xi32>], vector<16xf32>,
    }
    %scan3A_16 = arith.constant 640 : i32
    %scan3A_17 = arith.constant 0 : i32
    %scan3A_18 = arith.constant 0 : i32
    %scan3A_19 = arith.constant 80 : i32
    %scan3A_20 = arith.addi %scan3A_18, %scan3A_19 : i32
    %scan3A_21 = arith.constant 1 : i32
    scf.for %scan3A_26 = %scan3A_18 to %scan3A_20 step %scan3A_21  : i32 {
      %mul3A_27 = arith.constant 128 : i32
      %mul3A_28 = arith.muli %scan3A_26, %mul3A_27 : i32
      "tpu.region"() ({
        %run_scoped3A = tpu.sem_alloc : memref<!tpu.dma_semaphore, #tpu.memory_space<semaphore_mem>>
        %dma_start3A = tpu.memref_slice %arg7[%mul3A_28] : memref<10240xf32, #tpu.memory_space<vmem>> -> memref<128xf32, #tpu.memory_space<vmem>>
        %dma_start3A_29 = arith.constant 0 : i32
        %dma_start3A_30 = tpu.memref_slice %arg8[%scan3A_26, %dma_start3A_29] : memref<80x128xi32, #tpu.memory_space<vmem>> -> memref<1x128xi32, #tpu.memory_space<vmem>>
        %dma_start3A_31 = tpu.memref_squeeze %dma_start3A_30 : memref<1x128xi32, #tpu.memory_space<vmem>> -> memref<128xi32, #tpu.memory_space<vmem>>
        %dma_start3A_32 = arith.constant 0 : i32
        %dma_start3A_33 = tpu.memref_slice %arg5[%dma_start3A_32] : memref<10240xf32, #tpu.memory_space<vmem_shared>> -> memref<10240xf32, #tpu.memory_space<vmem_shared>>
        tpu.enqueue_indirect_dma source(%dma_start3A : memref<128xf32, #tpu.memory_space<vmem>>) target(%dma_start3A_33 : memref<10240xf32, #tpu.memory_space<vmem_shared>>) offsets(%dma_start3A_31 : memref<128xi32, #tpu.memory_space<vmem>>) semaphore(%run_scoped3A : memref<!tpu.dma_semaphore, #tpu.memory_space<semaphore_mem>>) {add = true}
        %dma_wait3A = tpu.memref_slice %arg7[%mul3A_28] : memref<10240xf32, #tpu.memory_space<vmem>> -> memref<128xf32, #tpu.memory_space<vmem>>
        %dma_wait3A_34 = arith.constant 0 : i32
        %dma_wait3A_35 = tpu.memref_slice %arg8[%scan3A_26, %dma_wait3A_34] : memref<80x128xi32, #tpu.memory_space<vmem>> -> memref<1x128xi32, #tpu.memory_space<vmem>>
        %dma_wait3A_36 = tpu.memref_squeeze %dma_wait3A_35 : memref<1x128xi32, #tpu.memory_space<vmem>> -> memref<128xi32, #tpu.memory_space<vmem>>
        %dma_wait3A_37 = arith.constant 0 : i32
        %dma_wait3A_38 = tpu.memref_slice %arg5[%dma_wait3A_37] : memref<10240xf32, #tpu.memory_space<vmem_shared>> -> memref<10240xf32, #tpu.memory_space<vmem_shared>>
        tpu.wait_indirect_dma semaphore(%run_scoped3A : memref<!tpu.dma_semaphore, #tpu.memory_space<semaphore_mem>>) src(%dma_wait3A : memref<128xf32, #tpu.memory_space<vmem>>) dst(%dma_wait3A_38 : memref<10240xf32, #tpu.memory_space<vmem_shared>>)
        tpu.yield
      }) : () -> ()
    }
    %scan3A_22 = arith.constant 80 : i32
    %barrier3A_23 = arith.constant 0 : index
    tpu.barrier barrier_id(%barrier3A_23)
    %lt3A = arith.constant 8 : i32
    %lt3A_24 = arith.cmpi slt, %arg1, %lt3A : i32
    %convert_element_type3A = arith.extui %lt3A_24 : i1 to i32
    %cond3A = arith.constant 0 : i32
    %cond3A_25 = arith.cmpi ne, %convert_element_type3A, %cond3A : i32
    scf.if %cond3A_25 {
      %mul3A_26 = arith.constant 1280 : i32
      %mul3A_27 = arith.muli %arg1, %mul3A_26 : i32
      "tpu.region"() ({
        %run_scoped3A = tpu.sem_alloc : memref<!tpu.dma_semaphore, #tpu.memory_space<semaphore_mem>>
        %dma_start3A = tpu.memref_slice %arg4[%arg0, %mul3A_27] : memref<2x10240xf32, #tpu.memory_space<hbm>> -> memref<1x1280xf32, #tpu.memory_space<hbm>>
        %dma_start3A_28 = tpu.memref_squeeze %dma_start3A : memref<1x1280xf32, #tpu.memory_space<hbm>> -> memref<1280xf32, #tpu.memory_space<hbm>>
        %dma_start3A_29 = tpu.memref_slice %arg5[%mul3A_27] : memref<10240xf32, #tpu.memory_space<vmem_shared>> -> memref<1280xf32, #tpu.memory_space<vmem_shared>>
        tpu.enqueue_dma source(%dma_start3A_29 : memref<1280xf32, #tpu.memory_space<vmem_shared>>) target(%dma_start3A_28 : memref<1280xf32, #tpu.memory_space<hbm>>) target_semaphore(%run_scoped3A : memref<!tpu.dma_semaphore, #tpu.memory_space<semaphore_mem>>)
        %dma_wait3A = tpu.memref_slice %arg4[%arg0, %mul3A_27] : memref<2x10240xf32, #tpu.memory_space<hbm>> -> memref<1x1280xf32, #tpu.memory_space<hbm>>
        %dma_wait3A_30 = tpu.memref_squeeze %dma_wait3A : memref<1x1280xf32, #tpu.memory_space<hbm>> -> memref<1280xf32, #tpu.memory_space<hbm>>
        %dma_wait3A_31 = tpu.memref_slice %arg5[%mul3A_27] : memref<10240xf32, #tpu.memory_space<vmem_shared>> -> memref<1280xf32, #tpu.memory_space<vmem_shared>>
        tpu.wait_dma2 semaphore(%run_scoped3A : memref<!tpu.dma_semaphore, #tpu.memory_space<semaphore_mem>>) src(%dma_wait3A_31 : memref<1280xf32, #tpu.memory_space<vmem_shared>>) dst(%dma_wait3A_30 : memref<1280xf32, #tpu.memory_space<hbm>>)
        tpu.yield
      }) : () -> ()
    } else {
    }
    return
  }
}

#map = affine_map<(d0, d1) -> (0, 0)>
#map1 = affine_map<(d0, d1) -> (0, 0, 0, 0)>
#map2 = affine_map<(d0, d1) -> (0, 0, 0)>
module attributes {stable_mosaic.version = 14 : i64} {
  func.func @_sc_body(%arg0: i32, %arg1: i32, %arg2: memref<10000x128xf32, #tpu.memory_space<hbm>>, %arg3: memref<32x4x20x128xi32, #tpu.memory_space<hbm>>, %arg4: memref<32x4x20x128xi32, #tpu.memory_space<hbm>>, %arg5: memref<128x128xf32, #tpu.memory_space<hbm>>, %arg6: memref<16x5x128xi32, #tpu.memory_space<hbm>>, %arg7: memref<2x10000x128xf32, #tpu.memory_space<hbm>>, %arg8: memref<10240x128xf32, #tpu.memory_space<vmem_shared>>, %arg9: memref<20x128xi32, #tpu.memory_space<vmem>>, %arg10: memref<20x128xi32, #tpu.memory_space<vmem>>, %arg11: memref<5x128xi32, #tpu.memory_space<vmem>>, %arg12: memref<128x128xf32, #tpu.memory_space<vmem>>, %arg13: memref<128x128xf32, #tpu.memory_space<vmem>>, %arg14: memref<!tpu.dma_semaphore, #tpu.memory_space<semaphore_mem>>, %arg15: memref<!tpu.dma_semaphore, #tpu.memory_space<semaphore_mem>>) attributes {dimension_semantics = [#tpu.dimension_semantics<core_parallel>, #tpu.dimension_semantics<subcore_parallel>], iteration_bounds = array<i64: 2, 16>, scalar_prefetch = 0 : i64, scratch_operands = 8 : i64, tpu.core_type = #tpu.core_type<sc_vector_subcore>, window_params = [{transform_indices = #map}, {transform_indices = #map1}, {transform_indices = #map1}, {transform_indices = #map}, {transform_indices = #map2}, {transform_indices = #map2}]} {
    %mul3A = arith.constant 2 : i32
    %mul3A_0 = arith.muli %arg1, %mul3A : i32
    %add3A = arith.addi %mul3A_0, %arg0 : i32
    "tpu.region"() ({
      %run_scoped3A = tpu.sem_alloc : memref<!tpu.dma_semaphore, #tpu.memory_space<semaphore_mem>>
      tpu.enqueue_dma source(%arg5 : memref<128x128xf32, #tpu.memory_space<hbm>>) target(%arg12 : memref<128x128xf32, #tpu.memory_space<vmem>>) target_semaphore(%run_scoped3A : memref<!tpu.dma_semaphore, #tpu.memory_space<semaphore_mem>>)
      tpu.wait_dma2 semaphore(%run_scoped3A : memref<!tpu.dma_semaphore, #tpu.memory_space<semaphore_mem>>) src(%arg5 : memref<128x128xf32, #tpu.memory_space<hbm>>) dst(%arg12 : memref<128x128xf32, #tpu.memory_space<vmem>>)
      tpu.yield
    }) : () -> ()
    "tpu.region"() ({
      %run_scoped3A = tpu.sem_alloc : memref<!tpu.dma_semaphore, #tpu.memory_space<semaphore_mem>>
      %dma_start3A = arith.constant 0 : i32
      %dma_start3A_15 = arith.constant 0 : i32
      %dma_start3A_16 = tpu.memref_slice %arg6[%arg1, %dma_start3A, %dma_start3A_15] : memref<16x5x128xi32, #tpu.memory_space<hbm>> -> memref<1x5x128xi32, #tpu.memory_space<hbm>>
      %dma_start3A_17 = tpu.memref_squeeze %dma_start3A_16 : memref<1x5x128xi32, #tpu.memory_space<hbm>> -> memref<5x128xi32, #tpu.memory_space<hbm>>
      %dma_start3A_18 = arith.constant 0 : i32
      %dma_start3A_19 = arith.constant 0 : i32
      %dma_start3A_20 = tpu.memref_slice %arg6[%arg1, %dma_start3A_18, %dma_start3A_19] : memref<16x5x128xi32, #tpu.memory_space<hbm>> -> memref<1x5x128xi32, #tpu.memory_space<hbm>>
      %dma_start3A_21 = tpu.memref_squeeze %dma_start3A_20 : memref<1x5x128xi32, #tpu.memory_space<hbm>> -> memref<5x128xi32, #tpu.memory_space<hbm>>
      tpu.enqueue_dma source(%dma_start3A_21 : memref<5x128xi32, #tpu.memory_space<hbm>>) target(%arg11 : memref<5x128xi32, #tpu.memory_space<vmem>>) target_semaphore(%run_scoped3A : memref<!tpu.dma_semaphore, #tpu.memory_space<semaphore_mem>>)
      %dma_wait3A = arith.constant 0 : i32
      %dma_wait3A_22 = arith.constant 0 : i32
      %dma_wait3A_23 = tpu.memref_slice %arg6[%arg1, %dma_wait3A, %dma_wait3A_22] : memref<16x5x128xi32, #tpu.memory_space<hbm>> -> memref<1x5x128xi32, #tpu.memory_space<hbm>>
      %dma_wait3A_24 = tpu.memref_squeeze %dma_wait3A_23 : memref<1x5x128xi32, #tpu.memory_space<hbm>> -> memref<5x128xi32, #tpu.memory_space<hbm>>
      %dma_wait3A_25 = arith.constant 0 : i32
      %dma_wait3A_26 = arith.constant 0 : i32
      %dma_wait3A_27 = tpu.memref_slice %arg6[%arg1, %dma_wait3A_25, %dma_wait3A_26] : memref<16x5x128xi32, #tpu.memory_space<hbm>> -> memref<1x5x128xi32, #tpu.memory_space<hbm>>
      %dma_wait3A_28 = tpu.memref_squeeze %dma_wait3A_27 : memref<1x5x128xi32, #tpu.memory_space<hbm>> -> memref<5x128xi32, #tpu.memory_space<hbm>>
      tpu.wait_dma2 semaphore(%run_scoped3A : memref<!tpu.dma_semaphore, #tpu.memory_space<semaphore_mem>>) src(%dma_wait3A_28 : memref<5x128xi32, #tpu.memory_space<hbm>>) dst(%arg11 : memref<5x128xi32, #tpu.memory_space<vmem>>)
      tpu.yield
    }) : () -> ()
    %scan3A = arith.constant 0 : i32
    %scan3A_1 = arith.constant 0 : i32
    %scan3A_2 = arith.constant 5 : i32
    %scan3A_3 = arith.addi %scan3A_1, %scan3A_2 : i32
    %scan3A_4 = arith.constant 1 : i32
    scf.for %scan3A_15 = %scan3A_1 to %scan3A_3 step %scan3A_4  : i32 {
      "tpu.region"() ({
        %run_scoped3A = tpu.sem_alloc : memref<!tpu.dma_semaphore, #tpu.memory_space<semaphore_mem>>
        %dma_start3A = arith.constant 0 : i32
        %dma_start3A_16 = tpu.memref_slice %arg11[%scan3A_15, %dma_start3A] : memref<5x128xi32, #tpu.memory_space<vmem>> -> memref<1x128xi32, #tpu.memory_space<vmem>>
        %dma_start3A_17 = tpu.memref_squeeze %dma_start3A_16 : memref<1x128xi32, #tpu.memory_space<vmem>> -> memref<128xi32, #tpu.memory_space<vmem>>
        %dma_start3A_18 = arith.constant 0 : i32
        %dma_start3A_19 = arith.constant 0 : i32
        %dma_start3A_20 = tpu.memref_slice %arg8[%dma_start3A_18, %dma_start3A_19] : memref<10240x128xf32, #tpu.memory_space<vmem_shared>> -> memref<10240x128xf32, #tpu.memory_space<vmem_shared>>
        tpu.enqueue_indirect_dma source(%arg12 : memref<128x128xf32, #tpu.memory_space<vmem>>) target(%dma_start3A_20 : memref<10240x128xf32, #tpu.memory_space<vmem_shared>>) offsets(%dma_start3A_17 : memref<128xi32, #tpu.memory_space<vmem>>) semaphore(%run_scoped3A : memref<!tpu.dma_semaphore, #tpu.memory_space<semaphore_mem>>)
        %dma_wait3A = arith.constant 0 : i32
        %dma_wait3A_21 = tpu.memref_slice %arg11[%scan3A_15, %dma_wait3A] : memref<5x128xi32, #tpu.memory_space<vmem>> -> memref<1x128xi32, #tpu.memory_space<vmem>>
        %dma_wait3A_22 = tpu.memref_squeeze %dma_wait3A_21 : memref<1x128xi32, #tpu.memory_space<vmem>> -> memref<128xi32, #tpu.memory_space<vmem>>
        %dma_wait3A_23 = arith.constant 0 : i32
        %dma_wait3A_24 = arith.constant 0 : i32
        %dma_wait3A_25 = tpu.memref_slice %arg8[%dma_wait3A_23, %dma_wait3A_24] : memref<10240x128xf32, #tpu.memory_space<vmem_shared>> -> memref<10240x128xf32, #tpu.memory_space<vmem_shared>>
        tpu.wait_indirect_dma semaphore(%run_scoped3A : memref<!tpu.dma_semaphore, #tpu.memory_space<semaphore_mem>>) src(%arg12 : memref<128x128xf32, #tpu.memory_space<vmem>>) dst(%dma_wait3A_25 : memref<10240x128xf32, #tpu.memory_space<vmem_shared>>)
        tpu.yield
      }) : () -> ()
    }
    %scan3A_5 = arith.constant 5 : i32
    %barrier3A = arith.constant 0 : index
    tpu.barrier barrier_id(%barrier3A)
    %scan3A_6 = arith.constant 0 : i32
    %scan3A_7 = arith.constant 0 : i32
    %scan3A_8 = arith.constant 4 : i32
    %scan3A_9 = arith.addi %scan3A_7, %scan3A_8 : i32
    %scan3A_10 = arith.constant 1 : i32
    scf.for %scan3A_15 = %scan3A_7 to %scan3A_9 step %scan3A_10  : i32 {
      "tpu.region"() ({
        %run_scoped3A_313 = tpu.sem_alloc : memref<!tpu.dma_semaphore, #tpu.memory_space<semaphore_mem>>
        %dma_start3A_314 = arith.constant 0 : i32
        %dma_start3A_315 = arith.constant 0 : i32
        %dma_start3A_316 = tpu.memref_slice %arg3[%add3A, %scan3A_15, %dma_start3A_314, %dma_start3A_315] : memref<32x4x20x128xi32, #tpu.memory_space<hbm>> -> memref<1x1x20x128xi32, #tpu.memory_space<hbm>>
        %dma_start3A_317 = tpu.memref_squeeze %dma_start3A_316 : memref<1x1x20x128xi32, #tpu.memory_space<hbm>> -> memref<20x128xi32, #tpu.memory_space<hbm>>
        %dma_start3A_318 = arith.constant 0 : i32
        %dma_start3A_319 = arith.constant 0 : i32
        %dma_start3A_320 = tpu.memref_slice %arg3[%add3A, %scan3A_15, %dma_start3A_318, %dma_start3A_319] : memref<32x4x20x128xi32, #tpu.memory_space<hbm>> -> memref<1x1x20x128xi32, #tpu.memory_space<hbm>>
        %dma_start3A_321 = tpu.memref_squeeze %dma_start3A_320 : memref<1x1x20x128xi32, #tpu.memory_space<hbm>> -> memref<20x128xi32, #tpu.memory_space<hbm>>
        tpu.enqueue_dma source(%dma_start3A_321 : memref<20x128xi32, #tpu.memory_space<hbm>>) target(%arg9 : memref<20x128xi32, #tpu.memory_space<vmem>>) target_semaphore(%run_scoped3A_313 : memref<!tpu.dma_semaphore, #tpu.memory_space<semaphore_mem>>)
        %dma_wait3A_322 = arith.constant 0 : i32
        %dma_wait3A_323 = arith.constant 0 : i32
        %dma_wait3A_324 = tpu.memref_slice %arg3[%add3A, %scan3A_15, %dma_wait3A_322, %dma_wait3A_323] : memref<32x4x20x128xi32, #tpu.memory_space<hbm>> -> memref<1x1x20x128xi32, #tpu.memory_space<hbm>>
        %dma_wait3A_325 = tpu.memref_squeeze %dma_wait3A_324 : memref<1x1x20x128xi32, #tpu.memory_space<hbm>> -> memref<20x128xi32, #tpu.memory_space<hbm>>
        %dma_wait3A_326 = arith.constant 0 : i32
        %dma_wait3A_327 = arith.constant 0 : i32
        %dma_wait3A_328 = tpu.memref_slice %arg3[%add3A, %scan3A_15, %dma_wait3A_326, %dma_wait3A_327] : memref<32x4x20x128xi32, #tpu.memory_space<hbm>> -> memref<1x1x20x128xi32, #tpu.memory_space<hbm>>
        %dma_wait3A_329 = tpu.memref_squeeze %dma_wait3A_328 : memref<1x1x20x128xi32, #tpu.memory_space<hbm>> -> memref<20x128xi32, #tpu.memory_space<hbm>>
        tpu.wait_dma2 semaphore(%run_scoped3A_313 : memref<!tpu.dma_semaphore, #tpu.memory_space<semaphore_mem>>) src(%dma_wait3A_329 : memref<20x128xi32, #tpu.memory_space<hbm>>) dst(%arg9 : memref<20x128xi32, #tpu.memory_space<vmem>>)
        tpu.yield
      }) : () -> ()
      "tpu.region"() ({
        %run_scoped3A_313 = tpu.sem_alloc : memref<!tpu.dma_semaphore, #tpu.memory_space<semaphore_mem>>
        %dma_start3A_314 = arith.constant 0 : i32
        %dma_start3A_315 = arith.constant 0 : i32
        %dma_start3A_316 = tpu.memref_slice %arg4[%add3A, %scan3A_15, %dma_start3A_314, %dma_start3A_315] : memref<32x4x20x128xi32, #tpu.memory_space<hbm>> -> memref<1x1x20x128xi32, #tpu.memory_space<hbm>>
        %dma_start3A_317 = tpu.memref_squeeze %dma_start3A_316 : memref<1x1x20x128xi32, #tpu.memory_space<hbm>> -> memref<20x128xi32, #tpu.memory_space<hbm>>
        %dma_start3A_318 = arith.constant 0 : i32
        %dma_start3A_319 = arith.constant 0 : i32
        %dma_start3A_320 = tpu.memref_slice %arg4[%add3A, %scan3A_15, %dma_start3A_318, %dma_start3A_319] : memref<32x4x20x128xi32, #tpu.memory_space<hbm>> -> memref<1x1x20x128xi32, #tpu.memory_space<hbm>>
        %dma_start3A_321 = tpu.memref_squeeze %dma_start3A_320 : memref<1x1x20x128xi32, #tpu.memory_space<hbm>> -> memref<20x128xi32, #tpu.memory_space<hbm>>
        tpu.enqueue_dma source(%dma_start3A_321 : memref<20x128xi32, #tpu.memory_space<hbm>>) target(%arg10 : memref<20x128xi32, #tpu.memory_space<vmem>>) target_semaphore(%run_scoped3A_313 : memref<!tpu.dma_semaphore, #tpu.memory_space<semaphore_mem>>)
        %dma_wait3A_322 = arith.constant 0 : i32
        %dma_wait3A_323 = arith.constant 0 : i32
        %dma_wait3A_324 = tpu.memref_slice %arg4[%add3A, %scan3A_15, %dma_wait3A_322, %dma_wait3A_323] : memref<32x4x20x128xi32, #tpu.memory_space<hbm>> -> memref<1x1x20x128xi32, #tpu.memory_space<hbm>>
        %dma_wait3A_325 = tpu.memref_squeeze %dma_wait3A_324 : memref<1x1x20x128xi32, #tpu.memory_space<hbm>> -> memref<20x128xi32, #tpu.memory_space<hbm>>
        %dma_wait3A_326 = arith.constant 0 : i32
        %dma_wait3A_327 = arith.constant 0 : i32
        %dma_wait3A_328 = tpu.memref_slice %arg4[%add3A, %scan3A_15, %dma_wait3A_326, %dma_wait3A_327] : memref<32x4x20x128xi32, #tpu.memory_space<hbm>> -> memref<1x1x20x128xi32, #tpu.memory_space<hbm>>
        %dma_wait3A_329 = tpu.memref_squeeze %dma_wait3A_328 : memref<1x1x20x128xi32, #tpu.memory_space<hbm>> -> memref<20x128xi32, #tpu.memory_space<hbm>>
        tpu.wait_dma2 semaphore(%run_scoped3A_313 : memref<!tpu.dma_semaphore, #tpu.memory_space<semaphore_mem>>) src(%dma_wait3A_329 : memref<20x128xi32, #tpu.memory_space<hbm>>) dst(%arg10 : memref<20x128xi32, #tpu.memory_space<vmem>>)
        tpu.yield
      }) : () -> ()
      %dma_start3A = arith.constant 0 : i32
      %dma_start3A_16 = arith.constant 0 : i32
      %dma_start3A_17 = tpu.memref_slice %arg9[%dma_start3A, %dma_start3A_16] : memref<20x128xi32, #tpu.memory_space<vmem>> -> memref<1x128xi32, #tpu.memory_space<vmem>>
      %dma_start3A_18 = tpu.memref_squeeze %dma_start3A_17 : memref<1x128xi32, #tpu.memory_space<vmem>> -> memref<128xi32, #tpu.memory_space<vmem>>
      %dma_start3A_19 = arith.constant 0 : i32
      %dma_start3A_20 = arith.constant 0 : i32
      %dma_start3A_21 = tpu.memref_slice %arg2[%dma_start3A_19, %dma_start3A_20] : memref<10000x128xf32, #tpu.memory_space<hbm>> -> memref<10000x128xf32, #tpu.memory_space<hbm>>
      tpu.enqueue_indirect_dma source(%dma_start3A_21 : memref<10000x128xf32, #tpu.memory_space<hbm>>) target(%arg12 : memref<128x128xf32, #tpu.memory_space<vmem>>) offsets(%dma_start3A_18 : memref<128xi32, #tpu.memory_space<vmem>>) semaphore(%arg14 : memref<!tpu.dma_semaphore, #tpu.memory_space<semaphore_mem>>)
      %dma_start3A_22 = arith.constant 1 : i32
      %dma_start3A_23 = arith.constant 0 : i32
      %dma_start3A_24 = tpu.memref_slice %arg9[%dma_start3A_22, %dma_start3A_23] : memref<20x128xi32, #tpu.memory_space<vmem>> -> memref<1x128xi32, #tpu.memory_space<vmem>>
      %dma_start3A_25 = tpu.memref_squeeze %dma_start3A_24 : memref<1x128xi32, #tpu.memory_space<vmem>> -> memref<128xi32, #tpu.memory_space<vmem>>
      %dma_start3A_26 = arith.constant 0 : i32
      %dma_start3A_27 = arith.constant 0 : i32
      %dma_start3A_28 = tpu.memref_slice %arg2[%dma_start3A_26, %dma_start3A_27] : memref<10000x128xf32, #tpu.memory_space<hbm>> -> memref<10000x128xf32, #tpu.memory_space<hbm>>
      tpu.enqueue_indirect_dma source(%dma_start3A_28 : memref<10000x128xf32, #tpu.memory_space<hbm>>) target(%arg13 : memref<128x128xf32, #tpu.memory_space<vmem>>) offsets(%dma_start3A_25 : memref<128xi32, #tpu.memory_space<vmem>>) semaphore(%arg15 : memref<!tpu.dma_semaphore, #tpu.memory_space<semaphore_mem>>)
      %dma_wait3A = arith.constant 0 : i32
      %dma_wait3A_29 = arith.constant 0 : i32
      %dma_wait3A_30 = tpu.memref_slice %arg9[%dma_wait3A, %dma_wait3A_29] : memref<20x128xi32, #tpu.memory_space<vmem>> -> memref<1x128xi32, #tpu.memory_space<vmem>>
      %dma_wait3A_31 = tpu.memref_squeeze %dma_wait3A_30 : memref<1x128xi32, #tpu.memory_space<vmem>> -> memref<128xi32, #tpu.memory_space<vmem>>
      %dma_wait3A_32 = arith.constant 0 : i32
      %dma_wait3A_33 = arith.constant 0 : i32
      %dma_wait3A_34 = tpu.memref_slice %arg2[%dma_wait3A_32, %dma_wait3A_33] : memref<10000x128xf32, #tpu.memory_space<hbm>> -> memref<10000x128xf32, #tpu.memory_space<hbm>>
      tpu.wait_indirect_dma semaphore(%arg14 : memref<!tpu.dma_semaphore, #tpu.memory_space<semaphore_mem>>) src(%dma_wait3A_34 : memref<10000x128xf32, #tpu.memory_space<hbm>>) dst(%arg12 : memref<128x128xf32, #tpu.memory_space<vmem>>)
      %run_scoped3A = arith.constant 0 : i32
      "tpu.region"() ({
        %run_scoped3A_313 = tpu.sem_alloc : memref<!tpu.dma_semaphore, #tpu.memory_space<semaphore_mem>>
        %dma_start3A_314 = arith.constant 0 : i32
        %dma_start3A_315 = tpu.memref_slice %arg10[%run_scoped3A, %dma_start3A_314] : memref<20x128xi32, #tpu.memory_space<vmem>> -> memref<1x128xi32, #tpu.memory_space<vmem>>
        %dma_start3A_316 = tpu.memref_squeeze %dma_start3A_315 : memref<1x128xi32, #tpu.memory_space<vmem>> -> memref<128xi32, #tpu.memory_space<vmem>>
        %dma_start3A_317 = arith.constant 0 : i32
        %dma_start3A_318 = arith.constant 0 : i32
        %dma_start3A_319 = tpu.memref_slice %arg8[%dma_start3A_317, %dma_start3A_318] : memref<10240x128xf32, #tpu.memory_space<vmem_shared>> -> memref<10240x128xf32, #tpu.memory_space<vmem_shared>>
        tpu.enqueue_indirect_dma source(%arg12 : memref<128x128xf32, #tpu.memory_space<vmem>>) target(%dma_start3A_319 : memref<10240x128xf32, #tpu.memory_space<vmem_shared>>) offsets(%dma_start3A_316 : memref<128xi32, #tpu.memory_space<vmem>>) semaphore(%run_scoped3A_313 : memref<!tpu.dma_semaphore, #tpu.memory_space<semaphore_mem>>) {add = true}
        %dma_wait3A_320 = arith.constant 0 : i32
        %dma_wait3A_321 = tpu.memref_slice %arg10[%run_scoped3A, %dma_wait3A_320] : memref<20x128xi32, #tpu.memory_space<vmem>> -> memref<1x128xi32, #tpu.memory_space<vmem>>
        %dma_wait3A_322 = tpu.memref_squeeze %dma_wait3A_321 : memref<1x128xi32, #tpu.memory_space<vmem>> -> memref<128xi32, #tpu.memory_space<vmem>>
        %dma_wait3A_323 = arith.constant 0 : i32
        %dma_wait3A_324 = arith.constant 0 : i32
        %dma_wait3A_325 = tpu.memref_slice %arg8[%dma_wait3A_323, %dma_wait3A_324] : memref<10240x128xf32, #tpu.memory_space<vmem_shared>> -> memref<10240x128xf32, #tpu.memory_space<vmem_shared>>
        tpu.wait_indirect_dma semaphore(%run_scoped3A_313 : memref<!tpu.dma_semaphore, #tpu.memory_space<semaphore_mem>>) src(%arg12 : memref<128x128xf32, #tpu.memory_space<vmem>>) dst(%dma_wait3A_325 : memref<10240x128xf32, #tpu.memory_space<vmem_shared>>)
        tpu.yield
      }) : () -> ()
      %dma_start3A_35 = arith.constant 2 : i32
      %dma_start3A_36 = arith.constant 0 : i32
      %dma_start3A_37 = tpu.memref_slice %arg9[%dma_start3A_35, %dma_start3A_36] : memref<20x128xi32, #tpu.memory_space<vmem>> -> memref<1x128xi32, #tpu.memory_space<vmem>>
      %dma_start3A_38 = tpu.memref_squeeze %dma_start3A_37 : memref<1x128xi32, #tpu.memory_space<vmem>> -> memref<128xi32, #tpu.memory_space<vmem>>
      %dma_start3A_39 = arith.constant 0 : i32
      %dma_start3A_40 = arith.constant 0 : i32
      %dma_start3A_41 = tpu.memref_slice %arg2[%dma_start3A_39, %dma_start3A_40] : memref<10000x128xf32, #tpu.memory_space<hbm>> -> memref<10000x128xf32, #tpu.memory_space<hbm>>
      tpu.enqueue_indirect_dma source(%dma_start3A_41 : memref<10000x128xf32, #tpu.memory_space<hbm>>) target(%arg12 : memref<128x128xf32, #tpu.memory_space<vmem>>) offsets(%dma_start3A_38 : memref<128xi32, #tpu.memory_space<vmem>>) semaphore(%arg14 : memref<!tpu.dma_semaphore, #tpu.memory_space<semaphore_mem>>)
      %dma_wait3A_42 = arith.constant 1 : i32
      %dma_wait3A_43 = arith.constant 0 : i32
      %dma_wait3A_44 = tpu.memref_slice %arg9[%dma_wait3A_42, %dma_wait3A_43] : memref<20x128xi32, #tpu.memory_space<vmem>> -> memref<1x128xi32, #tpu.memory_space<vmem>>
      %dma_wait3A_45 = tpu.memref_squeeze %dma_wait3A_44 : memref<1x128xi32, #tpu.memory_space<vmem>> -> memref<128xi32, #tpu.memory_space<vmem>>
      %dma_wait3A_46 = arith.constant 0 : i32
      %dma_wait3A_47 = arith.constant 0 : i32
      %dma_wait3A_48 = tpu.memref_slice %arg2[%dma_wait3A_46, %dma_wait3A_47] : memref<10000x128xf32, #tpu.memory_space<hbm>> -> memref<10000x128xf32, #tpu.memory_space<hbm>>
      tpu.wait_indirect_dma semaphore(%arg15 : memref<!tpu.dma_semaphore, #tpu.memory_space<semaphore_mem>>) src(%dma_wait3A_48 : memref<10000x128xf32, #tpu.memory_space<hbm>>) dst(%arg13 : memref<128x128xf32, #tpu.memory_space<vmem>>)
      %run_scoped3A_49 = arith.constant 1 : i32
      "tpu.region"() ({
        %run_scoped3A_313 = tpu.sem_alloc : memref<!tpu.dma_semaphore, #tpu.memory_space<semaphore_mem>>
        %dma_start3A_314 = arith.constant 0 : i32
        %dma_start3A_315 = tpu.memref_slice %arg10[%run_scoped3A_49, %dma_start3A_314] : memref<20x128xi32, #tpu.memory_space<vmem>> -> memref<1x128xi32, #tpu.memory_space<vmem>>
        %dma_start3A_316 = tpu.memref_squeeze %dma_start3A_315 : memref<1x128xi32, #tpu.memory_space<vmem>> -> memref<128xi32, #tpu.memory_space<vmem>>
        %dma_start3A_317 = arith.constant 0 : i32
        %dma_start3A_318 = arith.constant 0 : i32
        %dma_start3A_319 = tpu.memref_slice %arg8[%dma_start3A_317, %dma_start3A_318] : memref<10240x128xf32, #tpu.memory_space<vmem_shared>> -> memref<10240x128xf32, #tpu.memory_space<vmem_shared>>
        tpu.enqueue_indirect_dma source(%arg13 : memref<128x128xf32, #tpu.memory_space<vmem>>) target(%dma_start3A_319 : memref<10240x128xf32, #tpu.memory_space<vmem_shared>>) offsets(%dma_start3A_316 : memref<128xi32, #tpu.memory_space<vmem>>) semaphore(%run_scoped3A_313 : memref<!tpu.dma_semaphore, #tpu.memory_space<semaphore_mem>>) {add = true}
        %dma_wait3A_320 = arith.constant 0 : i32
        %dma_wait3A_321 = tpu.memref_slice %arg10[%run_scoped3A_49, %dma_wait3A_320] : memref<20x128xi32, #tpu.memory_space<vmem>> -> memref<1x128xi32, #tpu.memory_space<vmem>>
        %dma_wait3A_322 = tpu.memref_squeeze %dma_wait3A_321 : memref<1x128xi32, #tpu.memory_space<vmem>> -> memref<128xi32, #tpu.memory_space<vmem>>
        %dma_wait3A_323 = arith.constant 0 : i32
        %dma_wait3A_324 = arith.constant 0 : i32
        %dma_wait3A_325 = tpu.memref_slice %arg8[%dma_wait3A_323, %dma_wait3A_324] : memref<10240x128xf32, #tpu.memory_space<vmem_shared>> -> memref<10240x128xf32, #tpu.memory_space<vmem_shared>>
        tpu.wait_indirect_dma semaphore(%run_scoped3A_313 : memref<!tpu.dma_semaphore, #tpu.memory_space<semaphore_mem>>) src(%arg13 : memref<128x128xf32, #tpu.memory_space<vmem>>) dst(%dma_wait3A_325 : memref<10240x128xf32, #tpu.memory_space<vmem_shared>>)
        tpu.yield
      }) : () -> ()
      %dma_start3A_50 = arith.constant 3 : i32
      %dma_start3A_51 = arith.constant 0 : i32
      %dma_start3A_52 = tpu.memref_slice %arg9[%dma_start3A_50, %dma_start3A_51] : memref<20x128xi32, #tpu.memory_space<vmem>> -> memref<1x128xi32, #tpu.memory_space<vmem>>
      %dma_start3A_53 = tpu.memref_squeeze %dma_start3A_52 : memref<1x128xi32, #tpu.memory_space<vmem>> -> memref<128xi32, #tpu.memory_space<vmem>>
      %dma_start3A_54 = arith.constant 0 : i32
      %dma_start3A_55 = arith.constant 0 : i32
      %dma_start3A_56 = tpu.memref_slice %arg2[%dma_start3A_54, %dma_start3A_55] : memref<10000x128xf32, #tpu.memory_space<hbm>> -> memref<10000x128xf32, #tpu.memory_space<hbm>>
      tpu.enqueue_indirect_dma source(%dma_start3A_56 : memref<10000x128xf32, #tpu.memory_space<hbm>>) target(%arg13 : memref<128x128xf32, #tpu.memory_space<vmem>>) offsets(%dma_start3A_53 : memref<128xi32, #tpu.memory_space<vmem>>) semaphore(%arg15 : memref<!tpu.dma_semaphore, #tpu.memory_space<semaphore_mem>>)
      %dma_wait3A_57 = arith.constant 2 : i32
      %dma_wait3A_58 = arith.constant 0 : i32
      %dma_wait3A_59 = tpu.memref_slice %arg9[%dma_wait3A_57, %dma_wait3A_58] : memref<20x128xi32, #tpu.memory_space<vmem>> -> memref<1x128xi32, #tpu.memory_space<vmem>>
      %dma_wait3A_60 = tpu.memref_squeeze %dma_wait3A_59 : memref<1x128xi32, #tpu.memory_space<vmem>> -> memref<128xi32, #tpu.memory_space<vmem>>
      %dma_wait3A_61 = arith.constant 0 : i32
      %dma_wait3A_62 = arith.constant 0 : i32
      %dma_wait3A_63 = tpu.memref_slice %arg2[%dma_wait3A_61, %dma_wait3A_62] : memref<10000x128xf32, #tpu.memory_space<hbm>> -> memref<10000x128xf32, #tpu.memory_space<hbm>>
      tpu.wait_indirect_dma semaphore(%arg14 : memref<!tpu.dma_semaphore, #tpu.memory_space<semaphore_mem>>) src(%dma_wait3A_63 : memref<10000x128xf32, #tpu.memory_space<hbm>>) dst(%arg12 : memref<128x128xf32, #tpu.memory_space<vmem>>)
      %run_scoped3A_64 = arith.constant 2 : i32
      "tpu.region"() ({
        %run_scoped3A_313 = tpu.sem_alloc : memref<!tpu.dma_semaphore, #tpu.memory_space<semaphore_mem>>
        %dma_start3A_314 = arith.constant 0 : i32
        %dma_start3A_315 = tpu.memref_slice %arg10[%run_scoped3A_64, %dma_start3A_314] : memref<20x128xi32, #tpu.memory_space<vmem>> -> memref<1x128xi32, #tpu.memory_space<vmem>>
        %dma_start3A_316 = tpu.memref_squeeze %dma_start3A_315 : memref<1x128xi32, #tpu.memory_space<vmem>> -> memref<128xi32, #tpu.memory_space<vmem>>
        %dma_start3A_317 = arith.constant 0 : i32
        %dma_start3A_318 = arith.constant 0 : i32
        %dma_start3A_319 = tpu.memref_slice %arg8[%dma_start3A_317, %dma_start3A_318] : memref<10240x128xf32, #tpu.memory_space<vmem_shared>> -> memref<10240x128xf32, #tpu.memory_space<vmem_shared>>
        tpu.enqueue_indirect_dma source(%arg12 : memref<128x128xf32, #tpu.memory_space<vmem>>) target(%dma_start3A_319 : memref<10240x128xf32, #tpu.memory_space<vmem_shared>>) offsets(%dma_start3A_316 : memref<128xi32, #tpu.memory_space<vmem>>) semaphore(%run_scoped3A_313 : memref<!tpu.dma_semaphore, #tpu.memory_space<semaphore_mem>>) {add = true}
        %dma_wait3A_320 = arith.constant 0 : i32
        %dma_wait3A_321 = tpu.memref_slice %arg10[%run_scoped3A_64, %dma_wait3A_320] : memref<20x128xi32, #tpu.memory_space<vmem>> -> memref<1x128xi32, #tpu.memory_space<vmem>>
        %dma_wait3A_322 = tpu.memref_squeeze %dma_wait3A_321 : memref<1x128xi32, #tpu.memory_space<vmem>> -> memref<128xi32, #tpu.memory_space<vmem>>
        %dma_wait3A_323 = arith.constant 0 : i32
        %dma_wait3A_324 = arith.constant 0 : i32
        %dma_wait3A_325 = tpu.memref_slice %arg8[%dma_wait3A_323, %dma_wait3A_324] : memref<10240x128xf32, #tpu.memory_space<vmem_shared>> -> memref<10240x128xf32, #tpu.memory_space<vmem_shared>>
        tpu.wait_indirect_dma semaphore(%run_scoped3A_313 : memref<!tpu.dma_semaphore, #tpu.memory_space<semaphore_mem>>) src(%arg12 : memref<128x128xf32, #tpu.memory_space<vmem>>) dst(%dma_wait3A_325 : memref<10240x128xf32, #tpu.memory_space<vmem_shared>>)
        tpu.yield
      }) : () -> ()
      %dma_start3A_65 = arith.constant 4 : i32
      %dma_start3A_66 = arith.constant 0 : i32
      %dma_start3A_67 = tpu.memref_slice %arg9[%dma_start3A_65, %dma_start3A_66] : memref<20x128xi32, #tpu.memory_space<vmem>> -> memref<1x128xi32, #tpu.memory_space<vmem>>
      %dma_start3A_68 = tpu.memref_squeeze %dma_start3A_67 : memref<1x128xi32, #tpu.memory_space<vmem>> -> memref<128xi32, #tpu.memory_space<vmem>>
      %dma_start3A_69 = arith.constant 0 : i32
      %dma_start3A_70 = arith.constant 0 : i32
      %dma_start3A_71 = tpu.memref_slice %arg2[%dma_start3A_69, %dma_start3A_70] : memref<10000x128xf32, #tpu.memory_space<hbm>> -> memref<10000x128xf32, #tpu.memory_space<hbm>>
      tpu.enqueue_indirect_dma source(%dma_start3A_71 : memref<10000x128xf32, #tpu.memory_space<hbm>>) target(%arg12 : memref<128x128xf32, #tpu.memory_space<vmem>>) offsets(%dma_start3A_68 : memref<128xi32, #tpu.memory_space<vmem>>) semaphore(%arg14 : memref<!tpu.dma_semaphore, #tpu.memory_space<semaphore_mem>>)
      %dma_wait3A_72 = arith.constant 3 : i32
      %dma_wait3A_73 = arith.constant 0 : i32
      %dma_wait3A_74 = tpu.memref_slice %arg9[%dma_wait3A_72, %dma_wait3A_73] : memref<20x128xi32, #tpu.memory_space<vmem>> -> memref<1x128xi32, #tpu.memory_space<vmem>>
      %dma_wait3A_75 = tpu.memref_squeeze %dma_wait3A_74 : memref<1x128xi32, #tpu.memory_space<vmem>> -> memref<128xi32, #tpu.memory_space<vmem>>
      %dma_wait3A_76 = arith.constant 0 : i32
      %dma_wait3A_77 = arith.constant 0 : i32
      %dma_wait3A_78 = tpu.memref_slice %arg2[%dma_wait3A_76, %dma_wait3A_77] : memref<10000x128xf32, #tpu.memory_space<hbm>> -> memref<10000x128xf32, #tpu.memory_space<hbm>>
      tpu.wait_indirect_dma semaphore(%arg15 : memref<!tpu.dma_semaphore, #tpu.memory_space<semaphore_mem>>) src(%dma_wait3A_78 : memref<10000x128xf32, #tpu.memory_space<hbm>>) dst(%arg13 : memref<128x128xf32, #tpu.memory_space<vmem>>)
      %run_scoped3A_79 = arith.constant 3 : i32
      "tpu.region"() ({
        %run_scoped3A_313 = tpu.sem_alloc : memref<!tpu.dma_semaphore, #tpu.memory_space<semaphore_mem>>
        %dma_start3A_314 = arith.constant 0 : i32
        %dma_start3A_315 = tpu.memref_slice %arg10[%run_scoped3A_79, %dma_start3A_314] : memref<20x128xi32, #tpu.memory_space<vmem>> -> memref<1x128xi32, #tpu.memory_space<vmem>>
        %dma_start3A_316 = tpu.memref_squeeze %dma_start3A_315 : memref<1x128xi32, #tpu.memory_space<vmem>> -> memref<128xi32, #tpu.memory_space<vmem>>
        %dma_start3A_317 = arith.constant 0 : i32
        %dma_start3A_318 = arith.constant 0 : i32
        %dma_start3A_319 = tpu.memref_slice %arg8[%dma_start3A_317, %dma_start3A_318] : memref<10240x128xf32, #tpu.memory_space<vmem_shared>> -> memref<10240x128xf32, #tpu.memory_space<vmem_shared>>
        tpu.enqueue_indirect_dma source(%arg13 : memref<128x128xf32, #tpu.memory_space<vmem>>) target(%dma_start3A_319 : memref<10240x128xf32, #tpu.memory_space<vmem_shared>>) offsets(%dma_start3A_316 : memref<128xi32, #tpu.memory_space<vmem>>) semaphore(%run_scoped3A_313 : memref<!tpu.dma_semaphore, #tpu.memory_space<semaphore_mem>>) {add = true}
        %dma_wait3A_320 = arith.constant 0 : i32
        %dma_wait3A_321 = tpu.memref_slice %arg10[%run_scoped3A_79, %dma_wait3A_320] : memref<20x128xi32, #tpu.memory_space<vmem>> -> memref<1x128xi32, #tpu.memory_space<vmem>>
        %dma_wait3A_322 = tpu.memref_squeeze %dma_wait3A_321 : memref<1x128xi32, #tpu.memory_space<vmem>> -> memref<128xi32, #tpu.memory_space<vmem>>
        %dma_wait3A_323 = arith.constant 0 : i32
        %dma_wait3A_324 = arith.constant 0 : i32
        %dma_wait3A_325 = tpu.memref_slice %arg8[%dma_wait3A_323, %dma_wait3A_324] : memref<10240x128xf32, #tpu.memory_space<vmem_shared>> -> memref<10240x128xf32, #tpu.memory_space<vmem_shared>>
        tpu.wait_indirect_dma semaphore(%run_scoped3A_313 : memref<!tpu.dma_semaphore, #tpu.memory_space<semaphore_mem>>) src(%arg13 : memref<128x128xf32, #tpu.memory_space<vmem>>) dst(%dma_wait3A_325 : memref<10240x128xf32, #tpu.memory_space<vmem_shared>>)
        tpu.yield
      }) : () -> ()
      %dma_start3A_80 = arith.constant 5 : i32
      %dma_start3A_81 = arith.constant 0 : i32
      %dma_start3A_82 = tpu.memref_slice %arg9[%dma_start3A_80, %dma_start3A_81] : memref<20x128xi32, #tpu.memory_space<vmem>> -> memref<1x128xi32, #tpu.memory_space<vmem>>
      %dma_start3A_83 = tpu.memref_squeeze %dma_start3A_82 : memref<1x128xi32, #tpu.memory_space<vmem>> -> memref<128xi32, #tpu.memory_space<vmem>>
      %dma_start3A_84 = arith.constant 0 : i32
      %dma_start3A_85 = arith.constant 0 : i32
      %dma_start3A_86 = tpu.memref_slice %arg2[%dma_start3A_84, %dma_start3A_85] : memref<10000x128xf32, #tpu.memory_space<hbm>> -> memref<10000x128xf32, #tpu.memory_space<hbm>>
      tpu.enqueue_indirect_dma source(%dma_start3A_86 : memref<10000x128xf32, #tpu.memory_space<hbm>>) target(%arg13 : memref<128x128xf32, #tpu.memory_space<vmem>>) offsets(%dma_start3A_83 : memref<128xi32, #tpu.memory_space<vmem>>) semaphore(%arg15 : memref<!tpu.dma_semaphore, #tpu.memory_space<semaphore_mem>>)
      %dma_wait3A_87 = arith.constant 4 : i32
      %dma_wait3A_88 = arith.constant 0 : i32
      %dma_wait3A_89 = tpu.memref_slice %arg9[%dma_wait3A_87, %dma_wait3A_88] : memref<20x128xi32, #tpu.memory_space<vmem>> -> memref<1x128xi32, #tpu.memory_space<vmem>>
      %dma_wait3A_90 = tpu.memref_squeeze %dma_wait3A_89 : memref<1x128xi32, #tpu.memory_space<vmem>> -> memref<128xi32, #tpu.memory_space<vmem>>
      %dma_wait3A_91 = arith.constant 0 : i32
      %dma_wait3A_92 = arith.constant 0 : i32
      %dma_wait3A_93 = tpu.memref_slice %arg2[%dma_wait3A_91, %dma_wait3A_92] : memref<10000x128xf32, #tpu.memory_space<hbm>> -> memref<10000x128xf32, #tpu.memory_space<hbm>>
      tpu.wait_indirect_dma semaphore(%arg14 : memref<!tpu.dma_semaphore, #tpu.memory_space<semaphore_mem>>) src(%dma_wait3A_93 : memref<10000x128xf32, #tpu.memory_space<hbm>>) dst(%arg12 : memref<128x128xf32, #tpu.memory_space<vmem>>)
      %run_scoped3A_94 = arith.constant 4 : i32
      "tpu.region"() ({
        %run_scoped3A_313 = tpu.sem_alloc : memref<!tpu.dma_semaphore, #tpu.memory_space<semaphore_mem>>
        %dma_start3A_314 = arith.constant 0 : i32
        %dma_start3A_315 = tpu.memref_slice %arg10[%run_scoped3A_94, %dma_start3A_314] : memref<20x128xi32, #tpu.memory_space<vmem>> -> memref<1x128xi32, #tpu.memory_space<vmem>>
        %dma_start3A_316 = tpu.memref_squeeze %dma_start3A_315 : memref<1x128xi32, #tpu.memory_space<vmem>> -> memref<128xi32, #tpu.memory_space<vmem>>
        %dma_start3A_317 = arith.constant 0 : i32
        %dma_start3A_318 = arith.constant 0 : i32
        %dma_start3A_319 = tpu.memref_slice %arg8[%dma_start3A_317, %dma_start3A_318] : memref<10240x128xf32, #tpu.memory_space<vmem_shared>> -> memref<10240x128xf32, #tpu.memory_space<vmem_shared>>
        tpu.enqueue_indirect_dma source(%arg12 : memref<128x128xf32, #tpu.memory_space<vmem>>) target(%dma_start3A_319 : memref<10240x128xf32, #tpu.memory_space<vmem_shared>>) offsets(%dma_start3A_316 : memref<128xi32, #tpu.memory_space<vmem>>) semaphore(%run_scoped3A_313 : memref<!tpu.dma_semaphore, #tpu.memory_space<semaphore_mem>>) {add = true}
        %dma_wait3A_320 = arith.constant 0 : i32
        %dma_wait3A_321 = tpu.memref_slice %arg10[%run_scoped3A_94, %dma_wait3A_320] : memref<20x128xi32, #tpu.memory_space<vmem>> -> memref<1x128xi32, #tpu.memory_space<vmem>>
        %dma_wait3A_322 = tpu.memref_squeeze %dma_wait3A_321 : memref<1x128xi32, #tpu.memory_space<vmem>> -> memref<128xi32, #tpu.memory_space<vmem>>
        %dma_wait3A_323 = arith.constant 0 : i32
        %dma_wait3A_324 = arith.constant 0 : i32
        %dma_wait3A_325 = tpu.memref_slice %arg8[%dma_wait3A_323, %dma_wait3A_324] : memref<10240x128xf32, #tpu.memory_space<vmem_shared>> -> memref<10240x128xf32, #tpu.memory_space<vmem_shared>>
        tpu.wait_indirect_dma semaphore(%run_scoped3A_313 : memref<!tpu.dma_semaphore, #tpu.memory_space<semaphore_mem>>) src(%arg12 : memref<128x128xf32, #tpu.memory_space<vmem>>) dst(%dma_wait3A_325 : memref<10240x128xf32, #tpu.memory_space<vmem_shared>>)
        tpu.yield
      }) : () -> ()
      %dma_start3A_95 = arith.constant 6 : i32
      %dma_start3A_96 = arith.constant 0 : i32
      %dma_start3A_97 = tpu.memref_slice %arg9[%dma_start3A_95, %dma_start3A_96] : memref<20x128xi32, #tpu.memory_space<vmem>> -> memref<1x128xi32, #tpu.memory_space<vmem>>
      %dma_start3A_98 = tpu.memref_squeeze %dma_start3A_97 : memref<1x128xi32, #tpu.memory_space<vmem>> -> memref<128xi32, #tpu.memory_space<vmem>>
      %dma_start3A_99 = arith.constant 0 : i32
      %dma_start3A_100 = arith.constant 0 : i32
      %dma_start3A_101 = tpu.memref_slice %arg2[%dma_start3A_99, %dma_start3A_100] : memref<10000x128xf32, #tpu.memory_space<hbm>> -> memref<10000x128xf32, #tpu.memory_space<hbm>>
      tpu.enqueue_indirect_dma source(%dma_start3A_101 : memref<10000x128xf32, #tpu.memory_space<hbm>>) target(%arg12 : memref<128x128xf32, #tpu.memory_space<vmem>>) offsets(%dma_start3A_98 : memref<128xi32, #tpu.memory_space<vmem>>) semaphore(%arg14 : memref<!tpu.dma_semaphore, #tpu.memory_space<semaphore_mem>>)
      %dma_wait3A_102 = arith.constant 5 : i32
      %dma_wait3A_103 = arith.constant 0 : i32
      %dma_wait3A_104 = tpu.memref_slice %arg9[%dma_wait3A_102, %dma_wait3A_103] : memref<20x128xi32, #tpu.memory_space<vmem>> -> memref<1x128xi32, #tpu.memory_space<vmem>>
      %dma_wait3A_105 = tpu.memref_squeeze %dma_wait3A_104 : memref<1x128xi32, #tpu.memory_space<vmem>> -> memref<128xi32, #tpu.memory_space<vmem>>
      %dma_wait3A_106 = arith.constant 0 : i32
      %dma_wait3A_107 = arith.constant 0 : i32
      %dma_wait3A_108 = tpu.memref_slice %arg2[%dma_wait3A_106, %dma_wait3A_107] : memref<10000x128xf32, #tpu.memory_space<hbm>> -> memref<10000x128xf32, #tpu.memory_space<hbm>>
      tpu.wait_indirect_dma semaphore(%arg15 : memref<!tpu.dma_semaphore, #tpu.memory_space<semaphore_mem>>) src(%dma_wait3A_108 : memref<10000x128xf32, #tpu.memory_space<hbm>>) dst(%arg13 : memref<128x128xf32, #tpu.memory_space<vmem>>)
      %run_scoped3A_109 = arith.constant 5 : i32
      "tpu.region"() ({
        %run_scoped3A_313 = tpu.sem_alloc : memref<!tpu.dma_semaphore, #tpu.memory_space<semaphore_mem>>
        %dma_start3A_314 = arith.constant 0 : i32
        %dma_start3A_315 = tpu.memref_slice %arg10[%run_scoped3A_109, %dma_start3A_314] : memref<20x128xi32, #tpu.memory_space<vmem>> -> memref<1x128xi32, #tpu.memory_space<vmem>>
        %dma_start3A_316 = tpu.memref_squeeze %dma_start3A_315 : memref<1x128xi32, #tpu.memory_space<vmem>> -> memref<128xi32, #tpu.memory_space<vmem>>
        %dma_start3A_317 = arith.constant 0 : i32
        %dma_start3A_318 = arith.constant 0 : i32
        %dma_start3A_319 = tpu.memref_slice %arg8[%dma_start3A_317, %dma_start3A_318] : memref<10240x128xf32, #tpu.memory_space<vmem_shared>> -> memref<10240x128xf32, #tpu.memory_space<vmem_shared>>
        tpu.enqueue_indirect_dma source(%arg13 : memref<128x128xf32, #tpu.memory_space<vmem>>) target(%dma_start3A_319 : memref<10240x128xf32, #tpu.memory_space<vmem_shared>>) offsets(%dma_start3A_316 : memref<128xi32, #tpu.memory_space<vmem>>) semaphore(%run_scoped3A_313 : memref<!tpu.dma_semaphore, #tpu.memory_space<semaphore_mem>>) {add = true}
        %dma_wait3A_320 = arith.constant 0 : i32
        %dma_wait3A_321 = tpu.memref_slice %arg10[%run_scoped3A_109, %dma_wait3A_320] : memref<20x128xi32, #tpu.memory_space<vmem>> -> memref<1x128xi32, #tpu.memory_space<vmem>>
        %dma_wait3A_322 = tpu.memref_squeeze %dma_wait3A_321 : memref<1x128xi32, #tpu.memory_space<vmem>> -> memref<128xi32, #tpu.memory_space<vmem>>
        %dma_wait3A_323 = arith.constant 0 : i32
        %dma_wait3A_324 = arith.constant 0 : i32
        %dma_wait3A_325 = tpu.memref_slice %arg8[%dma_wait3A_323, %dma_wait3A_324] : memref<10240x128xf32, #tpu.memory_space<vmem_shared>> -> memref<10240x128xf32, #tpu.memory_space<vmem_shared>>
        tpu.wait_indirect_dma semaphore(%run_scoped3A_313 : memref<!tpu.dma_semaphore, #tpu.memory_space<semaphore_mem>>) src(%arg13 : memref<128x128xf32, #tpu.memory_space<vmem>>) dst(%dma_wait3A_325 : memref<10240x128xf32, #tpu.memory_space<vmem_shared>>)
        tpu.yield
      }) : () -> ()
      %dma_start3A_110 = arith.constant 7 : i32
      %dma_start3A_111 = arith.constant 0 : i32
      %dma_start3A_112 = tpu.memref_slice %arg9[%dma_start3A_110, %dma_start3A_111] : memref<20x128xi32, #tpu.memory_space<vmem>> -> memref<1x128xi32, #tpu.memory_space<vmem>>
      %dma_start3A_113 = tpu.memref_squeeze %dma_start3A_112 : memref<1x128xi32, #tpu.memory_space<vmem>> -> memref<128xi32, #tpu.memory_space<vmem>>
      %dma_start3A_114 = arith.constant 0 : i32
      %dma_start3A_115 = arith.constant 0 : i32
      %dma_start3A_116 = tpu.memref_slice %arg2[%dma_start3A_114, %dma_start3A_115] : memref<10000x128xf32, #tpu.memory_space<hbm>> -> memref<10000x128xf32, #tpu.memory_space<hbm>>
      tpu.enqueue_indirect_dma source(%dma_start3A_116 : memref<10000x128xf32, #tpu.memory_space<hbm>>) target(%arg13 : memref<128x128xf32, #tpu.memory_space<vmem>>) offsets(%dma_start3A_113 : memref<128xi32, #tpu.memory_space<vmem>>) semaphore(%arg15 : memref<!tpu.dma_semaphore, #tpu.memory_space<semaphore_mem>>)
      %dma_wait3A_117 = arith.constant 6 : i32
      %dma_wait3A_118 = arith.constant 0 : i32
      %dma_wait3A_119 = tpu.memref_slice %arg9[%dma_wait3A_117, %dma_wait3A_118] : memref<20x128xi32, #tpu.memory_space<vmem>> -> memref<1x128xi32, #tpu.memory_space<vmem>>
      %dma_wait3A_120 = tpu.memref_squeeze %dma_wait3A_119 : memref<1x128xi32, #tpu.memory_space<vmem>> -> memref<128xi32, #tpu.memory_space<vmem>>
      %dma_wait3A_121 = arith.constant 0 : i32
      %dma_wait3A_122 = arith.constant 0 : i32
      %dma_wait3A_123 = tpu.memref_slice %arg2[%dma_wait3A_121, %dma_wait3A_122] : memref<10000x128xf32, #tpu.memory_space<hbm>> -> memref<10000x128xf32, #tpu.memory_space<hbm>>
      tpu.wait_indirect_dma semaphore(%arg14 : memref<!tpu.dma_semaphore, #tpu.memory_space<semaphore_mem>>) src(%dma_wait3A_123 : memref<10000x128xf32, #tpu.memory_space<hbm>>) dst(%arg12 : memref<128x128xf32, #tpu.memory_space<vmem>>)
      %run_scoped3A_124 = arith.constant 6 : i32
      "tpu.region"() ({
        %run_scoped3A_313 = tpu.sem_alloc : memref<!tpu.dma_semaphore, #tpu.memory_space<semaphore_mem>>
        %dma_start3A_314 = arith.constant 0 : i32
        %dma_start3A_315 = tpu.memref_slice %arg10[%run_scoped3A_124, %dma_start3A_314] : memref<20x128xi32, #tpu.memory_space<vmem>> -> memref<1x128xi32, #tpu.memory_space<vmem>>
        %dma_start3A_316 = tpu.memref_squeeze %dma_start3A_315 : memref<1x128xi32, #tpu.memory_space<vmem>> -> memref<128xi32, #tpu.memory_space<vmem>>
        %dma_start3A_317 = arith.constant 0 : i32
        %dma_start3A_318 = arith.constant 0 : i32
        %dma_start3A_319 = tpu.memref_slice %arg8[%dma_start3A_317, %dma_start3A_318] : memref<10240x128xf32, #tpu.memory_space<vmem_shared>> -> memref<10240x128xf32, #tpu.memory_space<vmem_shared>>
        tpu.enqueue_indirect_dma source(%arg12 : memref<128x128xf32, #tpu.memory_space<vmem>>) target(%dma_start3A_319 : memref<10240x128xf32, #tpu.memory_space<vmem_shared>>) offsets(%dma_start3A_316 : memref<128xi32, #tpu.memory_space<vmem>>) semaphore(%run_scoped3A_313 : memref<!tpu.dma_semaphore, #tpu.memory_space<semaphore_mem>>) {add = true}
        %dma_wait3A_320 = arith.constant 0 : i32
        %dma_wait3A_321 = tpu.memref_slice %arg10[%run_scoped3A_124, %dma_wait3A_320] : memref<20x128xi32, #tpu.memory_space<vmem>> -> memref<1x128xi32, #tpu.memory_space<vmem>>
        %dma_wait3A_322 = tpu.memref_squeeze %dma_wait3A_321 : memref<1x128xi32, #tpu.memory_space<vmem>> -> memref<128xi32, #tpu.memory_space<vmem>>
        %dma_wait3A_323 = arith.constant 0 : i32
        %dma_wait3A_324 = arith.constant 0 : i32
        %dma_wait3A_325 = tpu.memref_slice %arg8[%dma_wait3A_323, %dma_wait3A_324] : memref<10240x128xf32, #tpu.memory_space<vmem_shared>> -> memref<10240x128xf32, #tpu.memory_space<vmem_shared>>
        tpu.wait_indirect_dma semaphore(%run_scoped3A_313 : memref<!tpu.dma_semaphore, #tpu.memory_space<semaphore_mem>>) src(%arg12 : memref<128x128xf32, #tpu.memory_space<vmem>>) dst(%dma_wait3A_325 : memref<10240x128xf32, #tpu.memory_space<vmem_shared>>)
        tpu.yield
      }) : () -> ()
      %dma_start3A_125 = arith.constant 8 : i32
      %dma_start3A_126 = arith.constant 0 : i32
      %dma_start3A_127 = tpu.memref_slice %arg9[%dma_start3A_125, %dma_start3A_126] : memref<20x128xi32, #tpu.memory_space<vmem>> -> memref<1x128xi32, #tpu.memory_space<vmem>>
      %dma_start3A_128 = tpu.memref_squeeze %dma_start3A_127 : memref<1x128xi32, #tpu.memory_space<vmem>> -> memref<128xi32, #tpu.memory_space<vmem>>
      %dma_start3A_129 = arith.constant 0 : i32
      %dma_start3A_130 = arith.constant 0 : i32
      %dma_start3A_131 = tpu.memref_slice %arg2[%dma_start3A_129, %dma_start3A_130] : memref<10000x128xf32, #tpu.memory_space<hbm>> -> memref<10000x128xf32, #tpu.memory_space<hbm>>
      tpu.enqueue_indirect_dma source(%dma_start3A_131 : memref<10000x128xf32, #tpu.memory_space<hbm>>) target(%arg12 : memref<128x128xf32, #tpu.memory_space<vmem>>) offsets(%dma_start3A_128 : memref<128xi32, #tpu.memory_space<vmem>>) semaphore(%arg14 : memref<!tpu.dma_semaphore, #tpu.memory_space<semaphore_mem>>)
      %dma_wait3A_132 = arith.constant 7 : i32
      %dma_wait3A_133 = arith.constant 0 : i32
      %dma_wait3A_134 = tpu.memref_slice %arg9[%dma_wait3A_132, %dma_wait3A_133] : memref<20x128xi32, #tpu.memory_space<vmem>> -> memref<1x128xi32, #tpu.memory_space<vmem>>
      %dma_wait3A_135 = tpu.memref_squeeze %dma_wait3A_134 : memref<1x128xi32, #tpu.memory_space<vmem>> -> memref<128xi32, #tpu.memory_space<vmem>>
      %dma_wait3A_136 = arith.constant 0 : i32
      %dma_wait3A_137 = arith.constant 0 : i32
      %dma_wait3A_138 = tpu.memref_slice %arg2[%dma_wait3A_136, %dma_wait3A_137] : memref<10000x128xf32, #tpu.memory_space<hbm>> -> memref<10000x128xf32, #tpu.memory_space<hbm>>
      tpu.wait_indirect_dma semaphore(%arg15 : memref<!tpu.dma_semaphore, #tpu.memory_space<semaphore_mem>>) src(%dma_wait3A_138 : memref<10000x128xf32, #tpu.memory_space<hbm>>) dst(%arg13 : memref<128x128xf32, #tpu.memory_space<vmem>>)
      %run_scoped3A_139 = arith.constant 7 : i32
      "tpu.region"() ({
        %run_scoped3A_313 = tpu.sem_alloc : memref<!tpu.dma_semaphore, #tpu.memory_space<semaphore_mem>>
        %dma_start3A_314 = arith.constant 0 : i32
        %dma_start3A_315 = tpu.memref_slice %arg10[%run_scoped3A_139, %dma_start3A_314] : memref<20x128xi32, #tpu.memory_space<vmem>> -> memref<1x128xi32, #tpu.memory_space<vmem>>
        %dma_start3A_316 = tpu.memref_squeeze %dma_start3A_315 : memref<1x128xi32, #tpu.memory_space<vmem>> -> memref<128xi32, #tpu.memory_space<vmem>>
        %dma_start3A_317 = arith.constant 0 : i32
        %dma_start3A_318 = arith.constant 0 : i32
        %dma_start3A_319 = tpu.memref_slice %arg8[%dma_start3A_317, %dma_start3A_318] : memref<10240x128xf32, #tpu.memory_space<vmem_shared>> -> memref<10240x128xf32, #tpu.memory_space<vmem_shared>>
        tpu.enqueue_indirect_dma source(%arg13 : memref<128x128xf32, #tpu.memory_space<vmem>>) target(%dma_start3A_319 : memref<10240x128xf32, #tpu.memory_space<vmem_shared>>) offsets(%dma_start3A_316 : memref<128xi32, #tpu.memory_space<vmem>>) semaphore(%run_scoped3A_313 : memref<!tpu.dma_semaphore, #tpu.memory_space<semaphore_mem>>) {add = true}
        %dma_wait3A_320 = arith.constant 0 : i32
        %dma_wait3A_321 = tpu.memref_slice %arg10[%run_scoped3A_139, %dma_wait3A_320] : memref<20x128xi32, #tpu.memory_space<vmem>> -> memref<1x128xi32, #tpu.memory_space<vmem>>
        %dma_wait3A_322 = tpu.memref_squeeze %dma_wait3A_321 : memref<1x128xi32, #tpu.memory_space<vmem>> -> memref<128xi32, #tpu.memory_space<vmem>>
        %dma_wait3A_323 = arith.constant 0 : i32
        %dma_wait3A_324 = arith.constant 0 : i32
        %dma_wait3A_325 = tpu.memref_slice %arg8[%dma_wait3A_323, %dma_wait3A_324] : memref<10240x128xf32, #tpu.memory_space<vmem_shared>> -> memref<10240x128xf32, #tpu.memory_space<vmem_shared>>
        tpu.wait_indirect_dma semaphore(%run_scoped3A_313 : memref<!tpu.dma_semaphore, #tpu.memory_space<semaphore_mem>>) src(%arg13 : memref<128x128xf32, #tpu.memory_space<vmem>>) dst(%dma_wait3A_325 : memref<10240x128xf32, #tpu.memory_space<vmem_shared>>)
        tpu.yield
      }) : () -> ()
      %dma_start3A_140 = arith.constant 9 : i32
      %dma_start3A_141 = arith.constant 0 : i32
      %dma_start3A_142 = tpu.memref_slice %arg9[%dma_start3A_140, %dma_start3A_141] : memref<20x128xi32, #tpu.memory_space<vmem>> -> memref<1x128xi32, #tpu.memory_space<vmem>>
      %dma_start3A_143 = tpu.memref_squeeze %dma_start3A_142 : memref<1x128xi32, #tpu.memory_space<vmem>> -> memref<128xi32, #tpu.memory_space<vmem>>
      %dma_start3A_144 = arith.constant 0 : i32
      %dma_start3A_145 = arith.constant 0 : i32
      %dma_start3A_146 = tpu.memref_slice %arg2[%dma_start3A_144, %dma_start3A_145] : memref<10000x128xf32, #tpu.memory_space<hbm>> -> memref<10000x128xf32, #tpu.memory_space<hbm>>
      tpu.enqueue_indirect_dma source(%dma_start3A_146 : memref<10000x128xf32, #tpu.memory_space<hbm>>) target(%arg13 : memref<128x128xf32, #tpu.memory_space<vmem>>) offsets(%dma_start3A_143 : memref<128xi32, #tpu.memory_space<vmem>>) semaphore(%arg15 : memref<!tpu.dma_semaphore, #tpu.memory_space<semaphore_mem>>)
      %dma_wait3A_147 = arith.constant 8 : i32
      %dma_wait3A_148 = arith.constant 0 : i32
      %dma_wait3A_149 = tpu.memref_slice %arg9[%dma_wait3A_147, %dma_wait3A_148] : memref<20x128xi32, #tpu.memory_space<vmem>> -> memref<1x128xi32, #tpu.memory_space<vmem>>
      %dma_wait3A_150 = tpu.memref_squeeze %dma_wait3A_149 : memref<1x128xi32, #tpu.memory_space<vmem>> -> memref<128xi32, #tpu.memory_space<vmem>>
      %dma_wait3A_151 = arith.constant 0 : i32
      %dma_wait3A_152 = arith.constant 0 : i32
      %dma_wait3A_153 = tpu.memref_slice %arg2[%dma_wait3A_151, %dma_wait3A_152] : memref<10000x128xf32, #tpu.memory_space<hbm>> -> memref<10000x128xf32, #tpu.memory_space<hbm>>
      tpu.wait_indirect_dma semaphore(%arg14 : memref<!tpu.dma_semaphore, #tpu.memory_space<semaphore_mem>>) src(%dma_wait3A_153 : memref<10000x128xf32, #tpu.memory_space<hbm>>) dst(%arg12 : memref<128x128xf32, #tpu.memory_space<vmem>>)
      %run_scoped3A_154 = arith.constant 8 : i32
      "tpu.region"() ({
        %run_scoped3A_313 = tpu.sem_alloc : memref<!tpu.dma_semaphore, #tpu.memory_space<semaphore_mem>>
        %dma_start3A_314 = arith.constant 0 : i32
        %dma_start3A_315 = tpu.memref_slice %arg10[%run_scoped3A_154, %dma_start3A_314] : memref<20x128xi32, #tpu.memory_space<vmem>> -> memref<1x128xi32, #tpu.memory_space<vmem>>
        %dma_start3A_316 = tpu.memref_squeeze %dma_start3A_315 : memref<1x128xi32, #tpu.memory_space<vmem>> -> memref<128xi32, #tpu.memory_space<vmem>>
        %dma_start3A_317 = arith.constant 0 : i32
        %dma_start3A_318 = arith.constant 0 : i32
        %dma_start3A_319 = tpu.memref_slice %arg8[%dma_start3A_317, %dma_start3A_318] : memref<10240x128xf32, #tpu.memory_space<vmem_shared>> -> memref<10240x128xf32, #tpu.memory_space<vmem_shared>>
        tpu.enqueue_indirect_dma source(%arg12 : memref<128x128xf32, #tpu.memory_space<vmem>>) target(%dma_start3A_319 : memref<10240x128xf32, #tpu.memory_space<vmem_shared>>) offsets(%dma_start3A_316 : memref<128xi32, #tpu.memory_space<vmem>>) semaphore(%run_scoped3A_313 : memref<!tpu.dma_semaphore, #tpu.memory_space<semaphore_mem>>) {add = true}
        %dma_wait3A_320 = arith.constant 0 : i32
        %dma_wait3A_321 = tpu.memref_slice %arg10[%run_scoped3A_154, %dma_wait3A_320] : memref<20x128xi32, #tpu.memory_space<vmem>> -> memref<1x128xi32, #tpu.memory_space<vmem>>
        %dma_wait3A_322 = tpu.memref_squeeze %dma_wait3A_321 : memref<1x128xi32, #tpu.memory_space<vmem>> -> memref<128xi32, #tpu.memory_space<vmem>>
        %dma_wait3A_323 = arith.constant 0 : i32
        %dma_wait3A_324 = arith.constant 0 : i32
        %dma_wait3A_325 = tpu.memref_slice %arg8[%dma_wait3A_323, %dma_wait3A_324] : memref<10240x128xf32, #tpu.memory_space<vmem_shared>> -> memref<10240x128xf32, #tpu.memory_space<vmem_shared>>
        tpu.wait_indirect_dma semaphore(%run_scoped3A_313 : memref<!tpu.dma_semaphore, #tpu.memory_space<semaphore_mem>>) src(%arg12 : memref<128x128xf32, #tpu.memory_space<vmem>>) dst(%dma_wait3A_325 : memref<10240x128xf32, #tpu.memory_space<vmem_shared>>)
        tpu.yield
      }) : () -> ()
      %dma_start3A_155 = arith.constant 10 : i32
      %dma_start3A_156 = arith.constant 0 : i32
      %dma_start3A_157 = tpu.memref_slice %arg9[%dma_start3A_155, %dma_start3A_156] : memref<20x128xi32, #tpu.memory_space<vmem>> -> memref<1x128xi32, #tpu.memory_space<vmem>>
      %dma_start3A_158 = tpu.memref_squeeze %dma_start3A_157 : memref<1x128xi32, #tpu.memory_space<vmem>> -> memref<128xi32, #tpu.memory_space<vmem>>
      %dma_start3A_159 = arith.constant 0 : i32
      %dma_start3A_160 = arith.constant 0 : i32
      %dma_start3A_161 = tpu.memref_slice %arg2[%dma_start3A_159, %dma_start3A_160] : memref<10000x128xf32, #tpu.memory_space<hbm>> -> memref<10000x128xf32, #tpu.memory_space<hbm>>
      tpu.enqueue_indirect_dma source(%dma_start3A_161 : memref<10000x128xf32, #tpu.memory_space<hbm>>) target(%arg12 : memref<128x128xf32, #tpu.memory_space<vmem>>) offsets(%dma_start3A_158 : memref<128xi32, #tpu.memory_space<vmem>>) semaphore(%arg14 : memref<!tpu.dma_semaphore, #tpu.memory_space<semaphore_mem>>)
      %dma_wait3A_162 = arith.constant 9 : i32
      %dma_wait3A_163 = arith.constant 0 : i32
      %dma_wait3A_164 = tpu.memref_slice %arg9[%dma_wait3A_162, %dma_wait3A_163] : memref<20x128xi32, #tpu.memory_space<vmem>> -> memref<1x128xi32, #tpu.memory_space<vmem>>
      %dma_wait3A_165 = tpu.memref_squeeze %dma_wait3A_164 : memref<1x128xi32, #tpu.memory_space<vmem>> -> memref<128xi32, #tpu.memory_space<vmem>>
      %dma_wait3A_166 = arith.constant 0 : i32
      %dma_wait3A_167 = arith.constant 0 : i32
      %dma_wait3A_168 = tpu.memref_slice %arg2[%dma_wait3A_166, %dma_wait3A_167] : memref<10000x128xf32, #tpu.memory_space<hbm>> -> memref<10000x128xf32, #tpu.memory_space<hbm>>
      tpu.wait_indirect_dma semaphore(%arg15 : memref<!tpu.dma_semaphore, #tpu.memory_space<semaphore_mem>>) src(%dma_wait3A_168 : memref<10000x128xf32, #tpu.memory_space<hbm>>) dst(%arg13 : memref<128x128xf32, #tpu.memory_space<vmem>>)
      %run_scoped3A_169 = arith.constant 9 : i32
      "tpu.region"() ({
        %run_scoped3A_313 = tpu.sem_alloc : memref<!tpu.dma_semaphore, #tpu.memory_space<semaphore_mem>>
        %dma_start3A_314 = arith.constant 0 : i32
        %dma_start3A_315 = tpu.memref_slice %arg10[%run_scoped3A_169, %dma_start3A_314] : memref<20x128xi32, #tpu.memory_space<vmem>> -> memref<1x128xi32, #tpu.memory_space<vmem>>
        %dma_start3A_316 = tpu.memref_squeeze %dma_start3A_315 : memref<1x128xi32, #tpu.memory_space<vmem>> -> memref<128xi32, #tpu.memory_space<vmem>>
        %dma_start3A_317 = arith.constant 0 : i32
        %dma_start3A_318 = arith.constant 0 : i32
        %dma_start3A_319 = tpu.memref_slice %arg8[%dma_start3A_317, %dma_start3A_318] : memref<10240x128xf32, #tpu.memory_space<vmem_shared>> -> memref<10240x128xf32, #tpu.memory_space<vmem_shared>>
        tpu.enqueue_indirect_dma source(%arg13 : memref<128x128xf32, #tpu.memory_space<vmem>>) target(%dma_start3A_319 : memref<10240x128xf32, #tpu.memory_space<vmem_shared>>) offsets(%dma_start3A_316 : memref<128xi32, #tpu.memory_space<vmem>>) semaphore(%run_scoped3A_313 : memref<!tpu.dma_semaphore, #tpu.memory_space<semaphore_mem>>) {add = true}
        %dma_wait3A_320 = arith.constant 0 : i32
        %dma_wait3A_321 = tpu.memref_slice %arg10[%run_scoped3A_169, %dma_wait3A_320] : memref<20x128xi32, #tpu.memory_space<vmem>> -> memref<1x128xi32, #tpu.memory_space<vmem>>
        %dma_wait3A_322 = tpu.memref_squeeze %dma_wait3A_321 : memref<1x128xi32, #tpu.memory_space<vmem>> -> memref<128xi32, #tpu.memory_space<vmem>>
        %dma_wait3A_323 = arith.constant 0 : i32
        %dma_wait3A_324 = arith.constant 0 : i32
        %dma_wait3A_325 = tpu.memref_slice %arg8[%dma_wait3A_323, %dma_wait3A_324] : memref<10240x128xf32, #tpu.memory_space<vmem_shared>> -> memref<10240x128xf32, #tpu.memory_space<vmem_shared>>
        tpu.wait_indirect_dma semaphore(%run_scoped3A_313 : memref<!tpu.dma_semaphore, #tpu.memory_space<semaphore_mem>>) src(%arg13 : memref<128x128xf32, #tpu.memory_space<vmem>>) dst(%dma_wait3A_325 : memref<10240x128xf32, #tpu.memory_space<vmem_shared>>)
        tpu.yield
      }) : () -> ()
      %dma_start3A_170 = arith.constant 11 : i32
      %dma_start3A_171 = arith.constant 0 : i32
      %dma_start3A_172 = tpu.memref_slice %arg9[%dma_start3A_170, %dma_start3A_171] : memref<20x128xi32, #tpu.memory_space<vmem>> -> memref<1x128xi32, #tpu.memory_space<vmem>>
      %dma_start3A_173 = tpu.memref_squeeze %dma_start3A_172 : memref<1x128xi32, #tpu.memory_space<vmem>> -> memref<128xi32, #tpu.memory_space<vmem>>
      %dma_start3A_174 = arith.constant 0 : i32
      %dma_start3A_175 = arith.constant 0 : i32
      %dma_start3A_176 = tpu.memref_slice %arg2[%dma_start3A_174, %dma_start3A_175] : memref<10000x128xf32, #tpu.memory_space<hbm>> -> memref<10000x128xf32, #tpu.memory_space<hbm>>
      tpu.enqueue_indirect_dma source(%dma_start3A_176 : memref<10000x128xf32, #tpu.memory_space<hbm>>) target(%arg13 : memref<128x128xf32, #tpu.memory_space<vmem>>) offsets(%dma_start3A_173 : memref<128xi32, #tpu.memory_space<vmem>>) semaphore(%arg15 : memref<!tpu.dma_semaphore, #tpu.memory_space<semaphore_mem>>)
      %dma_wait3A_177 = arith.constant 10 : i32
      %dma_wait3A_178 = arith.constant 0 : i32
      %dma_wait3A_179 = tpu.memref_slice %arg9[%dma_wait3A_177, %dma_wait3A_178] : memref<20x128xi32, #tpu.memory_space<vmem>> -> memref<1x128xi32, #tpu.memory_space<vmem>>
      %dma_wait3A_180 = tpu.memref_squeeze %dma_wait3A_179 : memref<1x128xi32, #tpu.memory_space<vmem>> -> memref<128xi32, #tpu.memory_space<vmem>>
      %dma_wait3A_181 = arith.constant 0 : i32
      %dma_wait3A_182 = arith.constant 0 : i32
      %dma_wait3A_183 = tpu.memref_slice %arg2[%dma_wait3A_181, %dma_wait3A_182] : memref<10000x128xf32, #tpu.memory_space<hbm>> -> memref<10000x128xf32, #tpu.memory_space<hbm>>
      tpu.wait_indirect_dma semaphore(%arg14 : memref<!tpu.dma_semaphore, #tpu.memory_space<semaphore_mem>>) src(%dma_wait3A_183 : memref<10000x128xf32, #tpu.memory_space<hbm>>) dst(%arg12 : memref<128x128xf32, #tpu.memory_space<vmem>>)
      %run_scoped3A_184 = arith.constant 10 : i32
      "tpu.region"() ({
        %run_scoped3A_313 = tpu.sem_alloc : memref<!tpu.dma_semaphore, #tpu.memory_space<semaphore_mem>>
        %dma_start3A_314 = arith.constant 0 : i32
        %dma_start3A_315 = tpu.memref_slice %arg10[%run_scoped3A_184, %dma_start3A_314] : memref<20x128xi32, #tpu.memory_space<vmem>> -> memref<1x128xi32, #tpu.memory_space<vmem>>
        %dma_start3A_316 = tpu.memref_squeeze %dma_start3A_315 : memref<1x128xi32, #tpu.memory_space<vmem>> -> memref<128xi32, #tpu.memory_space<vmem>>
        %dma_start3A_317 = arith.constant 0 : i32
        %dma_start3A_318 = arith.constant 0 : i32
        %dma_start3A_319 = tpu.memref_slice %arg8[%dma_start3A_317, %dma_start3A_318] : memref<10240x128xf32, #tpu.memory_space<vmem_shared>> -> memref<10240x128xf32, #tpu.memory_space<vmem_shared>>
        tpu.enqueue_indirect_dma source(%arg12 : memref<128x128xf32, #tpu.memory_space<vmem>>) target(%dma_start3A_319 : memref<10240x128xf32, #tpu.memory_space<vmem_shared>>) offsets(%dma_start3A_316 : memref<128xi32, #tpu.memory_space<vmem>>) semaphore(%run_scoped3A_313 : memref<!tpu.dma_semaphore, #tpu.memory_space<semaphore_mem>>) {add = true}
        %dma_wait3A_320 = arith.constant 0 : i32
        %dma_wait3A_321 = tpu.memref_slice %arg10[%run_scoped3A_184, %dma_wait3A_320] : memref<20x128xi32, #tpu.memory_space<vmem>> -> memref<1x128xi32, #tpu.memory_space<vmem>>
        %dma_wait3A_322 = tpu.memref_squeeze %dma_wait3A_321 : memref<1x128xi32, #tpu.memory_space<vmem>> -> memref<128xi32, #tpu.memory_space<vmem>>
        %dma_wait3A_323 = arith.constant 0 : i32
        %dma_wait3A_324 = arith.constant 0 : i32
        %dma_wait3A_325 = tpu.memref_slice %arg8[%dma_wait3A_323, %dma_wait3A_324] : memref<10240x128xf32, #tpu.memory_space<vmem_shared>> -> memref<10240x128xf32, #tpu.memory_space<vmem_shared>>
        tpu.wait_indirect_dma semaphore(%run_scoped3A_313 : memref<!tpu.dma_semaphore, #tpu.memory_space<semaphore_mem>>) src(%arg12 : memref<128x128xf32, #tpu.memory_space<vmem>>) dst(%dma_wait3A_325 : memref<10240x128xf32, #tpu.memory_space<vmem_shared>>)
        tpu.yield
      }) : () -> ()
      %dma_start3A_185 = arith.constant 12 : i32
      %dma_start3A_186 = arith.constant 0 : i32
      %dma_start3A_187 = tpu.memref_slice %arg9[%dma_start3A_185, %dma_start3A_186] : memref<20x128xi32, #tpu.memory_space<vmem>> -> memref<1x128xi32, #tpu.memory_space<vmem>>
      %dma_start3A_188 = tpu.memref_squeeze %dma_start3A_187 : memref<1x128xi32, #tpu.memory_space<vmem>> -> memref<128xi32, #tpu.memory_space<vmem>>
      %dma_start3A_189 = arith.constant 0 : i32
      %dma_start3A_190 = arith.constant 0 : i32
      %dma_start3A_191 = tpu.memref_slice %arg2[%dma_start3A_189, %dma_start3A_190] : memref<10000x128xf32, #tpu.memory_space<hbm>> -> memref<10000x128xf32, #tpu.memory_space<hbm>>
      tpu.enqueue_indirect_dma source(%dma_start3A_191 : memref<10000x128xf32, #tpu.memory_space<hbm>>) target(%arg12 : memref<128x128xf32, #tpu.memory_space<vmem>>) offsets(%dma_start3A_188 : memref<128xi32, #tpu.memory_space<vmem>>) semaphore(%arg14 : memref<!tpu.dma_semaphore, #tpu.memory_space<semaphore_mem>>)
      %dma_wait3A_192 = arith.constant 11 : i32
      %dma_wait3A_193 = arith.constant 0 : i32
      %dma_wait3A_194 = tpu.memref_slice %arg9[%dma_wait3A_192, %dma_wait3A_193] : memref<20x128xi32, #tpu.memory_space<vmem>> -> memref<1x128xi32, #tpu.memory_space<vmem>>
      %dma_wait3A_195 = tpu.memref_squeeze %dma_wait3A_194 : memref<1x128xi32, #tpu.memory_space<vmem>> -> memref<128xi32, #tpu.memory_space<vmem>>
      %dma_wait3A_196 = arith.constant 0 : i32
      %dma_wait3A_197 = arith.constant 0 : i32
      %dma_wait3A_198 = tpu.memref_slice %arg2[%dma_wait3A_196, %dma_wait3A_197] : memref<10000x128xf32, #tpu.memory_space<hbm>> -> memref<10000x128xf32, #tpu.memory_space<hbm>>
      tpu.wait_indirect_dma semaphore(%arg15 : memref<!tpu.dma_semaphore, #tpu.memory_space<semaphore_mem>>) src(%dma_wait3A_198 : memref<10000x128xf32, #tpu.memory_space<hbm>>) dst(%arg13 : memref<128x128xf32, #tpu.memory_space<vmem>>)
      %run_scoped3A_199 = arith.constant 11 : i32
      "tpu.region"() ({
        %run_scoped3A_313 = tpu.sem_alloc : memref<!tpu.dma_semaphore, #tpu.memory_space<semaphore_mem>>
        %dma_start3A_314 = arith.constant 0 : i32
        %dma_start3A_315 = tpu.memref_slice %arg10[%run_scoped3A_199, %dma_start3A_314] : memref<20x128xi32, #tpu.memory_space<vmem>> -> memref<1x128xi32, #tpu.memory_space<vmem>>
        %dma_start3A_316 = tpu.memref_squeeze %dma_start3A_315 : memref<1x128xi32, #tpu.memory_space<vmem>> -> memref<128xi32, #tpu.memory_space<vmem>>
        %dma_start3A_317 = arith.constant 0 : i32
        %dma_start3A_318 = arith.constant 0 : i32
        %dma_start3A_319 = tpu.memref_slice %arg8[%dma_start3A_317, %dma_start3A_318] : memref<10240x128xf32, #tpu.memory_space<vmem_shared>> -> memref<10240x128xf32, #tpu.memory_space<vmem_shared>>
        tpu.enqueue_indirect_dma source(%arg13 : memref<128x128xf32, #tpu.memory_space<vmem>>) target(%dma_start3A_319 : memref<10240x128xf32, #tpu.memory_space<vmem_shared>>) offsets(%dma_start3A_316 : memref<128xi32, #tpu.memory_space<vmem>>) semaphore(%run_scoped3A_313 : memref<!tpu.dma_semaphore, #tpu.memory_space<semaphore_mem>>) {add = true}
        %dma_wait3A_320 = arith.constant 0 : i32
        %dma_wait3A_321 = tpu.memref_slice %arg10[%run_scoped3A_199, %dma_wait3A_320] : memref<20x128xi32, #tpu.memory_space<vmem>> -> memref<1x128xi32, #tpu.memory_space<vmem>>
        %dma_wait3A_322 = tpu.memref_squeeze %dma_wait3A_321 : memref<1x128xi32, #tpu.memory_space<vmem>> -> memref<128xi32, #tpu.memory_space<vmem>>
        %dma_wait3A_323 = arith.constant 0 : i32
        %dma_wait3A_324 = arith.constant 0 : i32
        %dma_wait3A_325 = tpu.memref_slice %arg8[%dma_wait3A_323, %dma_wait3A_324] : memref<10240x128xf32, #tpu.memory_space<vmem_shared>> -> memref<10240x128xf32, #tpu.memory_space<vmem_shared>>
        tpu.wait_indirect_dma semaphore(%run_scoped3A_313 : memref<!tpu.dma_semaphore, #tpu.memory_space<semaphore_mem>>) src(%arg13 : memref<128x128xf32, #tpu.memory_space<vmem>>) dst(%dma_wait3A_325 : memref<10240x128xf32, #tpu.memory_space<vmem_shared>>)
        tpu.yield
      }) : () -> ()
      %dma_start3A_200 = arith.constant 13 : i32
      %dma_start3A_201 = arith.constant 0 : i32
      %dma_start3A_202 = tpu.memref_slice %arg9[%dma_start3A_200, %dma_start3A_201] : memref<20x128xi32, #tpu.memory_space<vmem>> -> memref<1x128xi32, #tpu.memory_space<vmem>>
      %dma_start3A_203 = tpu.memref_squeeze %dma_start3A_202 : memref<1x128xi32, #tpu.memory_space<vmem>> -> memref<128xi32, #tpu.memory_space<vmem>>
      %dma_start3A_204 = arith.constant 0 : i32
      %dma_start3A_205 = arith.constant 0 : i32
      %dma_start3A_206 = tpu.memref_slice %arg2[%dma_start3A_204, %dma_start3A_205] : memref<10000x128xf32, #tpu.memory_space<hbm>> -> memref<10000x128xf32, #tpu.memory_space<hbm>>
      tpu.enqueue_indirect_dma source(%dma_start3A_206 : memref<10000x128xf32, #tpu.memory_space<hbm>>) target(%arg13 : memref<128x128xf32, #tpu.memory_space<vmem>>) offsets(%dma_start3A_203 : memref<128xi32, #tpu.memory_space<vmem>>) semaphore(%arg15 : memref<!tpu.dma_semaphore, #tpu.memory_space<semaphore_mem>>)
      %dma_wait3A_207 = arith.constant 12 : i32
      %dma_wait3A_208 = arith.constant 0 : i32
      %dma_wait3A_209 = tpu.memref_slice %arg9[%dma_wait3A_207, %dma_wait3A_208] : memref<20x128xi32, #tpu.memory_space<vmem>> -> memref<1x128xi32, #tpu.memory_space<vmem>>
      %dma_wait3A_210 = tpu.memref_squeeze %dma_wait3A_209 : memref<1x128xi32, #tpu.memory_space<vmem>> -> memref<128xi32, #tpu.memory_space<vmem>>
      %dma_wait3A_211 = arith.constant 0 : i32
      %dma_wait3A_212 = arith.constant 0 : i32
      %dma_wait3A_213 = tpu.memref_slice %arg2[%dma_wait3A_211, %dma_wait3A_212] : memref<10000x128xf32, #tpu.memory_space<hbm>> -> memref<10000x128xf32, #tpu.memory_space<hbm>>
      tpu.wait_indirect_dma semaphore(%arg14 : memref<!tpu.dma_semaphore, #tpu.memory_space<semaphore_mem>>) src(%dma_wait3A_213 : memref<10000x128xf32, #tpu.memory_space<hbm>>) dst(%arg12 : memref<128x128xf32, #tpu.memory_space<vmem>>)
      %run_scoped3A_214 = arith.constant 12 : i32
      "tpu.region"() ({
        %run_scoped3A_313 = tpu.sem_alloc : memref<!tpu.dma_semaphore, #tpu.memory_space<semaphore_mem>>
        %dma_start3A_314 = arith.constant 0 : i32
        %dma_start3A_315 = tpu.memref_slice %arg10[%run_scoped3A_214, %dma_start3A_314] : memref<20x128xi32, #tpu.memory_space<vmem>> -> memref<1x128xi32, #tpu.memory_space<vmem>>
        %dma_start3A_316 = tpu.memref_squeeze %dma_start3A_315 : memref<1x128xi32, #tpu.memory_space<vmem>> -> memref<128xi32, #tpu.memory_space<vmem>>
        %dma_start3A_317 = arith.constant 0 : i32
        %dma_start3A_318 = arith.constant 0 : i32
        %dma_start3A_319 = tpu.memref_slice %arg8[%dma_start3A_317, %dma_start3A_318] : memref<10240x128xf32, #tpu.memory_space<vmem_shared>> -> memref<10240x128xf32, #tpu.memory_space<vmem_shared>>
        tpu.enqueue_indirect_dma source(%arg12 : memref<128x128xf32, #tpu.memory_space<vmem>>) target(%dma_start3A_319 : memref<10240x128xf32, #tpu.memory_space<vmem_shared>>) offsets(%dma_start3A_316 : memref<128xi32, #tpu.memory_space<vmem>>) semaphore(%run_scoped3A_313 : memref<!tpu.dma_semaphore, #tpu.memory_space<semaphore_mem>>) {add = true}
        %dma_wait3A_320 = arith.constant 0 : i32
        %dma_wait3A_321 = tpu.memref_slice %arg10[%run_scoped3A_214, %dma_wait3A_320] : memref<20x128xi32, #tpu.memory_space<vmem>> -> memref<1x128xi32, #tpu.memory_space<vmem>>
        %dma_wait3A_322 = tpu.memref_squeeze %dma_wait3A_321 : memref<1x128xi32, #tpu.memory_space<vmem>> -> memref<128xi32, #tpu.memory_space<vmem>>
        %dma_wait3A_323 = arith.constant 0 : i32
        %dma_wait3A_324 = arith.constant 0 : i32
        %dma_wait3A_325 = tpu.memref_slice %arg8[%dma_wait3A_323, %dma_wait3A_324] : memref<10240x128xf32, #tpu.memory_space<vmem_shared>> -> memref<10240x128xf32, #tpu.memory_space<vmem_shared>>
        tpu.wait_indirect_dma semaphore(%run_scoped3A_313 : memref<!tpu.dma_semaphore, #tpu.memory_space<semaphore_mem>>) src(%arg12 : memref<128x128xf32, #tpu.memory_space<vmem>>) dst(%dma_wait3A_325 : memref<10240x128xf32, #tpu.memory_space<vmem_shared>>)
        tpu.yield
      }) : () -> ()
      %dma_start3A_215 = arith.constant 14 : i32
      %dma_start3A_216 = arith.constant 0 : i32
      %dma_start3A_217 = tpu.memref_slice %arg9[%dma_start3A_215, %dma_start3A_216] : memref<20x128xi32, #tpu.memory_space<vmem>> -> memref<1x128xi32, #tpu.memory_space<vmem>>
      %dma_start3A_218 = tpu.memref_squeeze %dma_start3A_217 : memref<1x128xi32, #tpu.memory_space<vmem>> -> memref<128xi32, #tpu.memory_space<vmem>>
      %dma_start3A_219 = arith.constant 0 : i32
      %dma_start3A_220 = arith.constant 0 : i32
      %dma_start3A_221 = tpu.memref_slice %arg2[%dma_start3A_219, %dma_start3A_220] : memref<10000x128xf32, #tpu.memory_space<hbm>> -> memref<10000x128xf32, #tpu.memory_space<hbm>>
      tpu.enqueue_indirect_dma source(%dma_start3A_221 : memref<10000x128xf32, #tpu.memory_space<hbm>>) target(%arg12 : memref<128x128xf32, #tpu.memory_space<vmem>>) offsets(%dma_start3A_218 : memref<128xi32, #tpu.memory_space<vmem>>) semaphore(%arg14 : memref<!tpu.dma_semaphore, #tpu.memory_space<semaphore_mem>>)
      %dma_wait3A_222 = arith.constant 13 : i32
      %dma_wait3A_223 = arith.constant 0 : i32
      %dma_wait3A_224 = tpu.memref_slice %arg9[%dma_wait3A_222, %dma_wait3A_223] : memref<20x128xi32, #tpu.memory_space<vmem>> -> memref<1x128xi32, #tpu.memory_space<vmem>>
      %dma_wait3A_225 = tpu.memref_squeeze %dma_wait3A_224 : memref<1x128xi32, #tpu.memory_space<vmem>> -> memref<128xi32, #tpu.memory_space<vmem>>
      %dma_wait3A_226 = arith.constant 0 : i32
      %dma_wait3A_227 = arith.constant 0 : i32
      %dma_wait3A_228 = tpu.memref_slice %arg2[%dma_wait3A_226, %dma_wait3A_227] : memref<10000x128xf32, #tpu.memory_space<hbm>> -> memref<10000x128xf32, #tpu.memory_space<hbm>>
      tpu.wait_indirect_dma semaphore(%arg15 : memref<!tpu.dma_semaphore, #tpu.memory_space<semaphore_mem>>) src(%dma_wait3A_228 : memref<10000x128xf32, #tpu.memory_space<hbm>>) dst(%arg13 : memref<128x128xf32, #tpu.memory_space<vmem>>)
      %run_scoped3A_229 = arith.constant 13 : i32
      "tpu.region"() ({
        %run_scoped3A_313 = tpu.sem_alloc : memref<!tpu.dma_semaphore, #tpu.memory_space<semaphore_mem>>
        %dma_start3A_314 = arith.constant 0 : i32
        %dma_start3A_315 = tpu.memref_slice %arg10[%run_scoped3A_229, %dma_start3A_314] : memref<20x128xi32, #tpu.memory_space<vmem>> -> memref<1x128xi32, #tpu.memory_space<vmem>>
        %dma_start3A_316 = tpu.memref_squeeze %dma_start3A_315 : memref<1x128xi32, #tpu.memory_space<vmem>> -> memref<128xi32, #tpu.memory_space<vmem>>
        %dma_start3A_317 = arith.constant 0 : i32
        %dma_start3A_318 = arith.constant 0 : i32
        %dma_start3A_319 = tpu.memref_slice %arg8[%dma_start3A_317, %dma_start3A_318] : memref<10240x128xf32, #tpu.memory_space<vmem_shared>> -> memref<10240x128xf32, #tpu.memory_space<vmem_shared>>
        tpu.enqueue_indirect_dma source(%arg13 : memref<128x128xf32, #tpu.memory_space<vmem>>) target(%dma_start3A_319 : memref<10240x128xf32, #tpu.memory_space<vmem_shared>>) offsets(%dma_start3A_316 : memref<128xi32, #tpu.memory_space<vmem>>) semaphore(%run_scoped3A_313 : memref<!tpu.dma_semaphore, #tpu.memory_space<semaphore_mem>>) {add = true}
        %dma_wait3A_320 = arith.constant 0 : i32
        %dma_wait3A_321 = tpu.memref_slice %arg10[%run_scoped3A_229, %dma_wait3A_320] : memref<20x128xi32, #tpu.memory_space<vmem>> -> memref<1x128xi32, #tpu.memory_space<vmem>>
        %dma_wait3A_322 = tpu.memref_squeeze %dma_wait3A_321 : memref<1x128xi32, #tpu.memory_space<vmem>> -> memref<128xi32, #tpu.memory_space<vmem>>
        %dma_wait3A_323 = arith.constant 0 : i32
        %dma_wait3A_324 = arith.constant 0 : i32
        %dma_wait3A_325 = tpu.memref_slice %arg8[%dma_wait3A_323, %dma_wait3A_324] : memref<10240x128xf32, #tpu.memory_space<vmem_shared>> -> memref<10240x128xf32, #tpu.memory_space<vmem_shared>>
        tpu.wait_indirect_dma semaphore(%run_scoped3A_313 : memref<!tpu.dma_semaphore, #tpu.memory_space<semaphore_mem>>) src(%arg13 : memref<128x128xf32, #tpu.memory_space<vmem>>) dst(%dma_wait3A_325 : memref<10240x128xf32, #tpu.memory_space<vmem_shared>>)
        tpu.yield
      }) : () -> ()
      %dma_start3A_230 = arith.constant 15 : i32
      %dma_start3A_231 = arith.constant 0 : i32
      %dma_start3A_232 = tpu.memref_slice %arg9[%dma_start3A_230, %dma_start3A_231] : memref<20x128xi32, #tpu.memory_space<vmem>> -> memref<1x128xi32, #tpu.memory_space<vmem>>
      %dma_start3A_233 = tpu.memref_squeeze %dma_start3A_232 : memref<1x128xi32, #tpu.memory_space<vmem>> -> memref<128xi32, #tpu.memory_space<vmem>>
      %dma_start3A_234 = arith.constant 0 : i32
      %dma_start3A_235 = arith.constant 0 : i32
      %dma_start3A_236 = tpu.memref_slice %arg2[%dma_start3A_234, %dma_start3A_235] : memref<10000x128xf32, #tpu.memory_space<hbm>> -> memref<10000x128xf32, #tpu.memory_space<hbm>>
      tpu.enqueue_indirect_dma source(%dma_start3A_236 : memref<10000x128xf32, #tpu.memory_space<hbm>>) target(%arg13 : memref<128x128xf32, #tpu.memory_space<vmem>>) offsets(%dma_start3A_233 : memref<128xi32, #tpu.memory_space<vmem>>) semaphore(%arg15 : memref<!tpu.dma_semaphore, #tpu.memory_space<semaphore_mem>>)
      %dma_wait3A_237 = arith.constant 14 : i32
      %dma_wait3A_238 = arith.constant 0 : i32
      %dma_wait3A_239 = tpu.memref_slice %arg9[%dma_wait3A_237, %dma_wait3A_238] : memref<20x128xi32, #tpu.memory_space<vmem>> -> memref<1x128xi32, #tpu.memory_space<vmem>>
      %dma_wait3A_240 = tpu.memref_squeeze %dma_wait3A_239 : memref<1x128xi32, #tpu.memory_space<vmem>> -> memref<128xi32, #tpu.memory_space<vmem>>
      %dma_wait3A_241 = arith.constant 0 : i32
      %dma_wait3A_242 = arith.constant 0 : i32
      %dma_wait3A_243 = tpu.memref_slice %arg2[%dma_wait3A_241, %dma_wait3A_242] : memref<10000x128xf32, #tpu.memory_space<hbm>> -> memref<10000x128xf32, #tpu.memory_space<hbm>>
      tpu.wait_indirect_dma semaphore(%arg14 : memref<!tpu.dma_semaphore, #tpu.memory_space<semaphore_mem>>) src(%dma_wait3A_243 : memref<10000x128xf32, #tpu.memory_space<hbm>>) dst(%arg12 : memref<128x128xf32, #tpu.memory_space<vmem>>)
      %run_scoped3A_244 = arith.constant 14 : i32
      "tpu.region"() ({
        %run_scoped3A_313 = tpu.sem_alloc : memref<!tpu.dma_semaphore, #tpu.memory_space<semaphore_mem>>
        %dma_start3A_314 = arith.constant 0 : i32
        %dma_start3A_315 = tpu.memref_slice %arg10[%run_scoped3A_244, %dma_start3A_314] : memref<20x128xi32, #tpu.memory_space<vmem>> -> memref<1x128xi32, #tpu.memory_space<vmem>>
        %dma_start3A_316 = tpu.memref_squeeze %dma_start3A_315 : memref<1x128xi32, #tpu.memory_space<vmem>> -> memref<128xi32, #tpu.memory_space<vmem>>
        %dma_start3A_317 = arith.constant 0 : i32
        %dma_start3A_318 = arith.constant 0 : i32
        %dma_start3A_319 = tpu.memref_slice %arg8[%dma_start3A_317, %dma_start3A_318] : memref<10240x128xf32, #tpu.memory_space<vmem_shared>> -> memref<10240x128xf32, #tpu.memory_space<vmem_shared>>
        tpu.enqueue_indirect_dma source(%arg12 : memref<128x128xf32, #tpu.memory_space<vmem>>) target(%dma_start3A_319 : memref<10240x128xf32, #tpu.memory_space<vmem_shared>>) offsets(%dma_start3A_316 : memref<128xi32, #tpu.memory_space<vmem>>) semaphore(%run_scoped3A_313 : memref<!tpu.dma_semaphore, #tpu.memory_space<semaphore_mem>>) {add = true}
        %dma_wait3A_320 = arith.constant 0 : i32
        %dma_wait3A_321 = tpu.memref_slice %arg10[%run_scoped3A_244, %dma_wait3A_320] : memref<20x128xi32, #tpu.memory_space<vmem>> -> memref<1x128xi32, #tpu.memory_space<vmem>>
        %dma_wait3A_322 = tpu.memref_squeeze %dma_wait3A_321 : memref<1x128xi32, #tpu.memory_space<vmem>> -> memref<128xi32, #tpu.memory_space<vmem>>
        %dma_wait3A_323 = arith.constant 0 : i32
        %dma_wait3A_324 = arith.constant 0 : i32
        %dma_wait3A_325 = tpu.memref_slice %arg8[%dma_wait3A_323, %dma_wait3A_324] : memref<10240x128xf32, #tpu.memory_space<vmem_shared>> -> memref<10240x128xf32, #tpu.memory_space<vmem_shared>>
        tpu.wait_indirect_dma semaphore(%run_scoped3A_313 : memref<!tpu.dma_semaphore, #tpu.memory_space<semaphore_mem>>) src(%arg12 : memref<128x128xf32, #tpu.memory_space<vmem>>) dst(%dma_wait3A_325 : memref<10240x128xf32, #tpu.memory_space<vmem_shared>>)
        tpu.yield
      }) : () -> ()
      %dma_start3A_245 = arith.constant 16 : i32
      %dma_start3A_246 = arith.constant 0 : i32
      %dma_start3A_247 = tpu.memref_slice %arg9[%dma_start3A_245, %dma_start3A_246] : memref<20x128xi32, #tpu.memory_space<vmem>> -> memref<1x128xi32, #tpu.memory_space<vmem>>
      %dma_start3A_248 = tpu.memref_squeeze %dma_start3A_247 : memref<1x128xi32, #tpu.memory_space<vmem>> -> memref<128xi32, #tpu.memory_space<vmem>>
      %dma_start3A_249 = arith.constant 0 : i32
      %dma_start3A_250 = arith.constant 0 : i32
      %dma_start3A_251 = tpu.memref_slice %arg2[%dma_start3A_249, %dma_start3A_250] : memref<10000x128xf32, #tpu.memory_space<hbm>> -> memref<10000x128xf32, #tpu.memory_space<hbm>>
      tpu.enqueue_indirect_dma source(%dma_start3A_251 : memref<10000x128xf32, #tpu.memory_space<hbm>>) target(%arg12 : memref<128x128xf32, #tpu.memory_space<vmem>>) offsets(%dma_start3A_248 : memref<128xi32, #tpu.memory_space<vmem>>) semaphore(%arg14 : memref<!tpu.dma_semaphore, #tpu.memory_space<semaphore_mem>>)
      %dma_wait3A_252 = arith.constant 15 : i32
      %dma_wait3A_253 = arith.constant 0 : i32
      %dma_wait3A_254 = tpu.memref_slice %arg9[%dma_wait3A_252, %dma_wait3A_253] : memref<20x128xi32, #tpu.memory_space<vmem>> -> memref<1x128xi32, #tpu.memory_space<vmem>>
      %dma_wait3A_255 = tpu.memref_squeeze %dma_wait3A_254 : memref<1x128xi32, #tpu.memory_space<vmem>> -> memref<128xi32, #tpu.memory_space<vmem>>
      %dma_wait3A_256 = arith.constant 0 : i32
      %dma_wait3A_257 = arith.constant 0 : i32
      %dma_wait3A_258 = tpu.memref_slice %arg2[%dma_wait3A_256, %dma_wait3A_257] : memref<10000x128xf32, #tpu.memory_space<hbm>> -> memref<10000x128xf32, #tpu.memory_space<hbm>>
      tpu.wait_indirect_dma semaphore(%arg15 : memref<!tpu.dma_semaphore, #tpu.memory_space<semaphore_mem>>) src(%dma_wait3A_258 : memref<10000x128xf32, #tpu.memory_space<hbm>>) dst(%arg13 : memref<128x128xf32, #tpu.memory_space<vmem>>)
      %run_scoped3A_259 = arith.constant 15 : i32
      "tpu.region"() ({
        %run_scoped3A_313 = tpu.sem_alloc : memref<!tpu.dma_semaphore, #tpu.memory_space<semaphore_mem>>
        %dma_start3A_314 = arith.constant 0 : i32
        %dma_start3A_315 = tpu.memref_slice %arg10[%run_scoped3A_259, %dma_start3A_314] : memref<20x128xi32, #tpu.memory_space<vmem>> -> memref<1x128xi32, #tpu.memory_space<vmem>>
        %dma_start3A_316 = tpu.memref_squeeze %dma_start3A_315 : memref<1x128xi32, #tpu.memory_space<vmem>> -> memref<128xi32, #tpu.memory_space<vmem>>
        %dma_start3A_317 = arith.constant 0 : i32
        %dma_start3A_318 = arith.constant 0 : i32
        %dma_start3A_319 = tpu.memref_slice %arg8[%dma_start3A_317, %dma_start3A_318] : memref<10240x128xf32, #tpu.memory_space<vmem_shared>> -> memref<10240x128xf32, #tpu.memory_space<vmem_shared>>
        tpu.enqueue_indirect_dma source(%arg13 : memref<128x128xf32, #tpu.memory_space<vmem>>) target(%dma_start3A_319 : memref<10240x128xf32, #tpu.memory_space<vmem_shared>>) offsets(%dma_start3A_316 : memref<128xi32, #tpu.memory_space<vmem>>) semaphore(%run_scoped3A_313 : memref<!tpu.dma_semaphore, #tpu.memory_space<semaphore_mem>>) {add = true}
        %dma_wait3A_320 = arith.constant 0 : i32
        %dma_wait3A_321 = tpu.memref_slice %arg10[%run_scoped3A_259, %dma_wait3A_320] : memref<20x128xi32, #tpu.memory_space<vmem>> -> memref<1x128xi32, #tpu.memory_space<vmem>>
        %dma_wait3A_322 = tpu.memref_squeeze %dma_wait3A_321 : memref<1x128xi32, #tpu.memory_space<vmem>> -> memref<128xi32, #tpu.memory_space<vmem>>
        %dma_wait3A_323 = arith.constant 0 : i32
        %dma_wait3A_324 = arith.constant 0 : i32
        %dma_wait3A_325 = tpu.memref_slice %arg8[%dma_wait3A_323, %dma_wait3A_324] : memref<10240x128xf32, #tpu.memory_space<vmem_shared>> -> memref<10240x128xf32, #tpu.memory_space<vmem_shared>>
        tpu.wait_indirect_dma semaphore(%run_scoped3A_313 : memref<!tpu.dma_semaphore, #tpu.memory_space<semaphore_mem>>) src(%arg13 : memref<128x128xf32, #tpu.memory_space<vmem>>) dst(%dma_wait3A_325 : memref<10240x128xf32, #tpu.memory_space<vmem_shared>>)
        tpu.yield
      }) : () -> ()
      %dma_start3A_260 = arith.constant 17 : i32
      %dma_start3A_261 = arith.constant 0 : i32
      %dma_start3A_262 = tpu.memref_slice %arg9[%dma_start3A_260, %dma_start3A_261] : memref<20x128xi32, #tpu.memory_space<vmem>> -> memref<1x128xi32, #tpu.memory_space<vmem>>
      %dma_start3A_263 = tpu.memref_squeeze %dma_start3A_262 : memref<1x128xi32, #tpu.memory_space<vmem>> -> memref<128xi32, #tpu.memory_space<vmem>>
      %dma_start3A_264 = arith.constant 0 : i32
      %dma_start3A_265 = arith.constant 0 : i32
      %dma_start3A_266 = tpu.memref_slice %arg2[%dma_start3A_264, %dma_start3A_265] : memref<10000x128xf32, #tpu.memory_space<hbm>> -> memref<10000x128xf32, #tpu.memory_space<hbm>>
      tpu.enqueue_indirect_dma source(%dma_start3A_266 : memref<10000x128xf32, #tpu.memory_space<hbm>>) target(%arg13 : memref<128x128xf32, #tpu.memory_space<vmem>>) offsets(%dma_start3A_263 : memref<128xi32, #tpu.memory_space<vmem>>) semaphore(%arg15 : memref<!tpu.dma_semaphore, #tpu.memory_space<semaphore_mem>>)
      %dma_wait3A_267 = arith.constant 16 : i32
      %dma_wait3A_268 = arith.constant 0 : i32
      %dma_wait3A_269 = tpu.memref_slice %arg9[%dma_wait3A_267, %dma_wait3A_268] : memref<20x128xi32, #tpu.memory_space<vmem>> -> memref<1x128xi32, #tpu.memory_space<vmem>>
      %dma_wait3A_270 = tpu.memref_squeeze %dma_wait3A_269 : memref<1x128xi32, #tpu.memory_space<vmem>> -> memref<128xi32, #tpu.memory_space<vmem>>
      %dma_wait3A_271 = arith.constant 0 : i32
      %dma_wait3A_272 = arith.constant 0 : i32
      %dma_wait3A_273 = tpu.memref_slice %arg2[%dma_wait3A_271, %dma_wait3A_272] : memref<10000x128xf32, #tpu.memory_space<hbm>> -> memref<10000x128xf32, #tpu.memory_space<hbm>>
      tpu.wait_indirect_dma semaphore(%arg14 : memref<!tpu.dma_semaphore, #tpu.memory_space<semaphore_mem>>) src(%dma_wait3A_273 : memref<10000x128xf32, #tpu.memory_space<hbm>>) dst(%arg12 : memref<128x128xf32, #tpu.memory_space<vmem>>)
      %run_scoped3A_274 = arith.constant 16 : i32
      "tpu.region"() ({
        %run_scoped3A_313 = tpu.sem_alloc : memref<!tpu.dma_semaphore, #tpu.memory_space<semaphore_mem>>
        %dma_start3A_314 = arith.constant 0 : i32
        %dma_start3A_315 = tpu.memref_slice %arg10[%run_scoped3A_274, %dma_start3A_314] : memref<20x128xi32, #tpu.memory_space<vmem>> -> memref<1x128xi32, #tpu.memory_space<vmem>>
        %dma_start3A_316 = tpu.memref_squeeze %dma_start3A_315 : memref<1x128xi32, #tpu.memory_space<vmem>> -> memref<128xi32, #tpu.memory_space<vmem>>
        %dma_start3A_317 = arith.constant 0 : i32
        %dma_start3A_318 = arith.constant 0 : i32
        %dma_start3A_319 = tpu.memref_slice %arg8[%dma_start3A_317, %dma_start3A_318] : memref<10240x128xf32, #tpu.memory_space<vmem_shared>> -> memref<10240x128xf32, #tpu.memory_space<vmem_shared>>
        tpu.enqueue_indirect_dma source(%arg12 : memref<128x128xf32, #tpu.memory_space<vmem>>) target(%dma_start3A_319 : memref<10240x128xf32, #tpu.memory_space<vmem_shared>>) offsets(%dma_start3A_316 : memref<128xi32, #tpu.memory_space<vmem>>) semaphore(%run_scoped3A_313 : memref<!tpu.dma_semaphore, #tpu.memory_space<semaphore_mem>>) {add = true}
        %dma_wait3A_320 = arith.constant 0 : i32
        %dma_wait3A_321 = tpu.memref_slice %arg10[%run_scoped3A_274, %dma_wait3A_320] : memref<20x128xi32, #tpu.memory_space<vmem>> -> memref<1x128xi32, #tpu.memory_space<vmem>>
        %dma_wait3A_322 = tpu.memref_squeeze %dma_wait3A_321 : memref<1x128xi32, #tpu.memory_space<vmem>> -> memref<128xi32, #tpu.memory_space<vmem>>
        %dma_wait3A_323 = arith.constant 0 : i32
        %dma_wait3A_324 = arith.constant 0 : i32
        %dma_wait3A_325 = tpu.memref_slice %arg8[%dma_wait3A_323, %dma_wait3A_324] : memref<10240x128xf32, #tpu.memory_space<vmem_shared>> -> memref<10240x128xf32, #tpu.memory_space<vmem_shared>>
        tpu.wait_indirect_dma semaphore(%run_scoped3A_313 : memref<!tpu.dma_semaphore, #tpu.memory_space<semaphore_mem>>) src(%arg12 : memref<128x128xf32, #tpu.memory_space<vmem>>) dst(%dma_wait3A_325 : memref<10240x128xf32, #tpu.memory_space<vmem_shared>>)
        tpu.yield
      }) : () -> ()
      %dma_start3A_275 = arith.constant 18 : i32
      %dma_start3A_276 = arith.constant 0 : i32
      %dma_start3A_277 = tpu.memref_slice %arg9[%dma_start3A_275, %dma_start3A_276] : memref<20x128xi32, #tpu.memory_space<vmem>> -> memref<1x128xi32, #tpu.memory_space<vmem>>
      %dma_start3A_278 = tpu.memref_squeeze %dma_start3A_277 : memref<1x128xi32, #tpu.memory_space<vmem>> -> memref<128xi32, #tpu.memory_space<vmem>>
      %dma_start3A_279 = arith.constant 0 : i32
      %dma_start3A_280 = arith.constant 0 : i32
      %dma_start3A_281 = tpu.memref_slice %arg2[%dma_start3A_279, %dma_start3A_280] : memref<10000x128xf32, #tpu.memory_space<hbm>> -> memref<10000x128xf32, #tpu.memory_space<hbm>>
      tpu.enqueue_indirect_dma source(%dma_start3A_281 : memref<10000x128xf32, #tpu.memory_space<hbm>>) target(%arg12 : memref<128x128xf32, #tpu.memory_space<vmem>>) offsets(%dma_start3A_278 : memref<128xi32, #tpu.memory_space<vmem>>) semaphore(%arg14 : memref<!tpu.dma_semaphore, #tpu.memory_space<semaphore_mem>>)
      %dma_wait3A_282 = arith.constant 17 : i32
      %dma_wait3A_283 = arith.constant 0 : i32
      %dma_wait3A_284 = tpu.memref_slice %arg9[%dma_wait3A_282, %dma_wait3A_283] : memref<20x128xi32, #tpu.memory_space<vmem>> -> memref<1x128xi32, #tpu.memory_space<vmem>>
      %dma_wait3A_285 = tpu.memref_squeeze %dma_wait3A_284 : memref<1x128xi32, #tpu.memory_space<vmem>> -> memref<128xi32, #tpu.memory_space<vmem>>
      %dma_wait3A_286 = arith.constant 0 : i32
      %dma_wait3A_287 = arith.constant 0 : i32
      %dma_wait3A_288 = tpu.memref_slice %arg2[%dma_wait3A_286, %dma_wait3A_287] : memref<10000x128xf32, #tpu.memory_space<hbm>> -> memref<10000x128xf32, #tpu.memory_space<hbm>>
      tpu.wait_indirect_dma semaphore(%arg15 : memref<!tpu.dma_semaphore, #tpu.memory_space<semaphore_mem>>) src(%dma_wait3A_288 : memref<10000x128xf32, #tpu.memory_space<hbm>>) dst(%arg13 : memref<128x128xf32, #tpu.memory_space<vmem>>)
      %run_scoped3A_289 = arith.constant 17 : i32
      "tpu.region"() ({
        %run_scoped3A_313 = tpu.sem_alloc : memref<!tpu.dma_semaphore, #tpu.memory_space<semaphore_mem>>
        %dma_start3A_314 = arith.constant 0 : i32
        %dma_start3A_315 = tpu.memref_slice %arg10[%run_scoped3A_289, %dma_start3A_314] : memref<20x128xi32, #tpu.memory_space<vmem>> -> memref<1x128xi32, #tpu.memory_space<vmem>>
        %dma_start3A_316 = tpu.memref_squeeze %dma_start3A_315 : memref<1x128xi32, #tpu.memory_space<vmem>> -> memref<128xi32, #tpu.memory_space<vmem>>
        %dma_start3A_317 = arith.constant 0 : i32
        %dma_start3A_318 = arith.constant 0 : i32
        %dma_start3A_319 = tpu.memref_slice %arg8[%dma_start3A_317, %dma_start3A_318] : memref<10240x128xf32, #tpu.memory_space<vmem_shared>> -> memref<10240x128xf32, #tpu.memory_space<vmem_shared>>
        tpu.enqueue_indirect_dma source(%arg13 : memref<128x128xf32, #tpu.memory_space<vmem>>) target(%dma_start3A_319 : memref<10240x128xf32, #tpu.memory_space<vmem_shared>>) offsets(%dma_start3A_316 : memref<128xi32, #tpu.memory_space<vmem>>) semaphore(%run_scoped3A_313 : memref<!tpu.dma_semaphore, #tpu.memory_space<semaphore_mem>>) {add = true}
        %dma_wait3A_320 = arith.constant 0 : i32
        %dma_wait3A_321 = tpu.memref_slice %arg10[%run_scoped3A_289, %dma_wait3A_320] : memref<20x128xi32, #tpu.memory_space<vmem>> -> memref<1x128xi32, #tpu.memory_space<vmem>>
        %dma_wait3A_322 = tpu.memref_squeeze %dma_wait3A_321 : memref<1x128xi32, #tpu.memory_space<vmem>> -> memref<128xi32, #tpu.memory_space<vmem>>
        %dma_wait3A_323 = arith.constant 0 : i32
        %dma_wait3A_324 = arith.constant 0 : i32
        %dma_wait3A_325 = tpu.memref_slice %arg8[%dma_wait3A_323, %dma_wait3A_324] : memref<10240x128xf32, #tpu.memory_space<vmem_shared>> -> memref<10240x128xf32, #tpu.memory_space<vmem_shared>>
        tpu.wait_indirect_dma semaphore(%run_scoped3A_313 : memref<!tpu.dma_semaphore, #tpu.memory_space<semaphore_mem>>) src(%arg13 : memref<128x128xf32, #tpu.memory_space<vmem>>) dst(%dma_wait3A_325 : memref<10240x128xf32, #tpu.memory_space<vmem_shared>>)
        tpu.yield
      }) : () -> ()
      %dma_start3A_290 = arith.constant 19 : i32
      %dma_start3A_291 = arith.constant 0 : i32
      %dma_start3A_292 = tpu.memref_slice %arg9[%dma_start3A_290, %dma_start3A_291] : memref<20x128xi32, #tpu.memory_space<vmem>> -> memref<1x128xi32, #tpu.memory_space<vmem>>
      %dma_start3A_293 = tpu.memref_squeeze %dma_start3A_292 : memref<1x128xi32, #tpu.memory_space<vmem>> -> memref<128xi32, #tpu.memory_space<vmem>>
      %dma_start3A_294 = arith.constant 0 : i32
      %dma_start3A_295 = arith.constant 0 : i32
      %dma_start3A_296 = tpu.memref_slice %arg2[%dma_start3A_294, %dma_start3A_295] : memref<10000x128xf32, #tpu.memory_space<hbm>> -> memref<10000x128xf32, #tpu.memory_space<hbm>>
      tpu.enqueue_indirect_dma source(%dma_start3A_296 : memref<10000x128xf32, #tpu.memory_space<hbm>>) target(%arg13 : memref<128x128xf32, #tpu.memory_space<vmem>>) offsets(%dma_start3A_293 : memref<128xi32, #tpu.memory_space<vmem>>) semaphore(%arg15 : memref<!tpu.dma_semaphore, #tpu.memory_space<semaphore_mem>>)
      %dma_wait3A_297 = arith.constant 18 : i32
      %dma_wait3A_298 = arith.constant 0 : i32
      %dma_wait3A_299 = tpu.memref_slice %arg9[%dma_wait3A_297, %dma_wait3A_298] : memref<20x128xi32, #tpu.memory_space<vmem>> -> memref<1x128xi32, #tpu.memory_space<vmem>>
      %dma_wait3A_300 = tpu.memref_squeeze %dma_wait3A_299 : memref<1x128xi32, #tpu.memory_space<vmem>> -> memref<128xi32, #tpu.memory_space<vmem>>
      %dma_wait3A_301 = arith.constant 0 : i32
      %dma_wait3A_302 = arith.constant 0 : i32
      %dma_wait3A_303 = tpu.memref_slice %arg2[%dma_wait3A_301, %dma_wait3A_302] : memref<10000x128xf32, #tpu.memory_space<hbm>> -> memref<10000x128xf32, #tpu.memory_space<hbm>>
      tpu.wait_indirect_dma semaphore(%arg14 : memref<!tpu.dma_semaphore, #tpu.memory_space<semaphore_mem>>) src(%dma_wait3A_303 : memref<10000x128xf32, #tpu.memory_space<hbm>>) dst(%arg12 : memref<128x128xf32, #tpu.memory_space<vmem>>)
      %run_scoped3A_304 = arith.constant 18 : i32
      "tpu.region"() ({
        %run_scoped3A_313 = tpu.sem_alloc : memref<!tpu.dma_semaphore, #tpu.memory_space<semaphore_mem>>
        %dma_start3A_314 = arith.constant 0 : i32
        %dma_start3A_315 = tpu.memref_slice %arg10[%run_scoped3A_304, %dma_start3A_314] : memref<20x128xi32, #tpu.memory_space<vmem>> -> memref<1x128xi32, #tpu.memory_space<vmem>>
        %dma_start3A_316 = tpu.memref_squeeze %dma_start3A_315 : memref<1x128xi32, #tpu.memory_space<vmem>> -> memref<128xi32, #tpu.memory_space<vmem>>
        %dma_start3A_317 = arith.constant 0 : i32
        %dma_start3A_318 = arith.constant 0 : i32
        %dma_start3A_319 = tpu.memref_slice %arg8[%dma_start3A_317, %dma_start3A_318] : memref<10240x128xf32, #tpu.memory_space<vmem_shared>> -> memref<10240x128xf32, #tpu.memory_space<vmem_shared>>
        tpu.enqueue_indirect_dma source(%arg12 : memref<128x128xf32, #tpu.memory_space<vmem>>) target(%dma_start3A_319 : memref<10240x128xf32, #tpu.memory_space<vmem_shared>>) offsets(%dma_start3A_316 : memref<128xi32, #tpu.memory_space<vmem>>) semaphore(%run_scoped3A_313 : memref<!tpu.dma_semaphore, #tpu.memory_space<semaphore_mem>>) {add = true}
        %dma_wait3A_320 = arith.constant 0 : i32
        %dma_wait3A_321 = tpu.memref_slice %arg10[%run_scoped3A_304, %dma_wait3A_320] : memref<20x128xi32, #tpu.memory_space<vmem>> -> memref<1x128xi32, #tpu.memory_space<vmem>>
        %dma_wait3A_322 = tpu.memref_squeeze %dma_wait3A_321 : memref<1x128xi32, #tpu.memory_space<vmem>> -> memref<128xi32, #tpu.memory_space<vmem>>
        %dma_wait3A_323 = arith.constant 0 : i32
        %dma_wait3A_324 = arith.constant 0 : i32
        %dma_wait3A_325 = tpu.memref_slice %arg8[%dma_wait3A_323, %dma_wait3A_324] : memref<10240x128xf32, #tpu.memory_space<vmem_shared>> -> memref<10240x128xf32, #tpu.memory_space<vmem_shared>>
        tpu.wait_indirect_dma semaphore(%run_scoped3A_313 : memref<!tpu.dma_semaphore, #tpu.memory_space<semaphore_mem>>) src(%arg12 : memref<128x128xf32, #tpu.memory_space<vmem>>) dst(%dma_wait3A_325 : memref<10240x128xf32, #tpu.memory_space<vmem_shared>>)
        tpu.yield
      }) : () -> ()
      %dma_wait3A_305 = arith.constant 19 : i32
      %dma_wait3A_306 = arith.constant 0 : i32
      %dma_wait3A_307 = tpu.memref_slice %arg9[%dma_wait3A_305, %dma_wait3A_306] : memref<20x128xi32, #tpu.memory_space<vmem>> -> memref<1x128xi32, #tpu.memory_space<vmem>>
      %dma_wait3A_308 = tpu.memref_squeeze %dma_wait3A_307 : memref<1x128xi32, #tpu.memory_space<vmem>> -> memref<128xi32, #tpu.memory_space<vmem>>
      %dma_wait3A_309 = arith.constant 0 : i32
      %dma_wait3A_310 = arith.constant 0 : i32
      %dma_wait3A_311 = tpu.memref_slice %arg2[%dma_wait3A_309, %dma_wait3A_310] : memref<10000x128xf32, #tpu.memory_space<hbm>> -> memref<10000x128xf32, #tpu.memory_space<hbm>>
      tpu.wait_indirect_dma semaphore(%arg15 : memref<!tpu.dma_semaphore, #tpu.memory_space<semaphore_mem>>) src(%dma_wait3A_311 : memref<10000x128xf32, #tpu.memory_space<hbm>>) dst(%arg13 : memref<128x128xf32, #tpu.memory_space<vmem>>)
      %run_scoped3A_312 = arith.constant 19 : i32
      "tpu.region"() ({
        %run_scoped3A_313 = tpu.sem_alloc : memref<!tpu.dma_semaphore, #tpu.memory_space<semaphore_mem>>
        %dma_start3A_314 = arith.constant 0 : i32
        %dma_start3A_315 = tpu.memref_slice %arg10[%run_scoped3A_312, %dma_start3A_314] : memref<20x128xi32, #tpu.memory_space<vmem>> -> memref<1x128xi32, #tpu.memory_space<vmem>>
        %dma_start3A_316 = tpu.memref_squeeze %dma_start3A_315 : memref<1x128xi32, #tpu.memory_space<vmem>> -> memref<128xi32, #tpu.memory_space<vmem>>
        %dma_start3A_317 = arith.constant 0 : i32
        %dma_start3A_318 = arith.constant 0 : i32
        %dma_start3A_319 = tpu.memref_slice %arg8[%dma_start3A_317, %dma_start3A_318] : memref<10240x128xf32, #tpu.memory_space<vmem_shared>> -> memref<10240x128xf32, #tpu.memory_space<vmem_shared>>
        tpu.enqueue_indirect_dma source(%arg13 : memref<128x128xf32, #tpu.memory_space<vmem>>) target(%dma_start3A_319 : memref<10240x128xf32, #tpu.memory_space<vmem_shared>>) offsets(%dma_start3A_316 : memref<128xi32, #tpu.memory_space<vmem>>) semaphore(%run_scoped3A_313 : memref<!tpu.dma_semaphore, #tpu.memory_space<semaphore_mem>>) {add = true}
        %dma_wait3A_320 = arith.constant 0 : i32
        %dma_wait3A_321 = tpu.memref_slice %arg10[%run_scoped3A_312, %dma_wait3A_320] : memref<20x128xi32, #tpu.memory_space<vmem>> -> memref<1x128xi32, #tpu.memory_space<vmem>>
        %dma_wait3A_322 = tpu.memref_squeeze %dma_wait3A_321 : memref<1x128xi32, #tpu.memory_space<vmem>> -> memref<128xi32, #tpu.memory_space<vmem>>
        %dma_wait3A_323 = arith.constant 0 : i32
        %dma_wait3A_324 = arith.constant 0 : i32
        %dma_wait3A_325 = tpu.memref_slice %arg8[%dma_wait3A_323, %dma_wait3A_324] : memref<10240x128xf32, #tpu.memory_space<vmem_shared>> -> memref<10240x128xf32, #tpu.memory_space<vmem_shared>>
        tpu.wait_indirect_dma semaphore(%run_scoped3A_313 : memref<!tpu.dma_semaphore, #tpu.memory_space<semaphore_mem>>) src(%arg13 : memref<128x128xf32, #tpu.memory_space<vmem>>) dst(%dma_wait3A_325 : memref<10240x128xf32, #tpu.memory_space<vmem_shared>>)
        tpu.yield
      }) : () -> ()
    }
    %scan3A_11 = arith.constant 4 : i32
    %barrier3A_12 = arith.constant 0 : index
    tpu.barrier barrier_id(%barrier3A_12)
    %lt3A = arith.constant 10 : i32
    %lt3A_13 = arith.cmpi slt, %arg1, %lt3A : i32
    %convert_element_type3A = arith.extui %lt3A_13 : i1 to i32
    %cond3A = arith.constant 0 : i32
    %cond3A_14 = arith.cmpi ne, %convert_element_type3A, %cond3A : i32
    scf.if %cond3A_14 {
      %mul3A_15 = arith.constant 1000 : i32
      %mul3A_16 = arith.muli %arg1, %mul3A_15 : i32
      "tpu.region"() ({
        %run_scoped3A = tpu.sem_alloc : memref<!tpu.dma_semaphore, #tpu.memory_space<semaphore_mem>>
        %dma_start3A = arith.constant 0 : i32
        %dma_start3A_17 = tpu.memref_slice %arg7[%arg0, %mul3A_16, %dma_start3A] : memref<2x10000x128xf32, #tpu.memory_space<hbm>> -> memref<1x1000x128xf32, #tpu.memory_space<hbm>>
        %dma_start3A_18 = tpu.memref_squeeze %dma_start3A_17 : memref<1x1000x128xf32, #tpu.memory_space<hbm>> -> memref<1000x128xf32, #tpu.memory_space<hbm>>
        %dma_start3A_19 = arith.constant 0 : i32
        %dma_start3A_20 = tpu.memref_slice %arg8[%mul3A_16, %dma_start3A_19] : memref<10240x128xf32, #tpu.memory_space<vmem_shared>> -> memref<1000x128xf32, #tpu.memory_space<vmem_shared>>
        tpu.enqueue_dma source(%dma_start3A_20 : memref<1000x128xf32, #tpu.memory_space<vmem_shared>>) target(%dma_start3A_18 : memref<1000x128xf32, #tpu.memory_space<hbm>>) target_semaphore(%run_scoped3A : memref<!tpu.dma_semaphore, #tpu.memory_space<semaphore_mem>>)
        %dma_wait3A = arith.constant 0 : i32
        %dma_wait3A_21 = tpu.memref_slice %arg7[%arg0, %mul3A_16, %dma_wait3A] : memref<2x10000x128xf32, #tpu.memory_space<hbm>> -> memref<1x1000x128xf32, #tpu.memory_space<hbm>>
        %dma_wait3A_22 = tpu.memref_squeeze %dma_wait3A_21 : memref<1x1000x128xf32, #tpu.memory_space<hbm>> -> memref<1000x128xf32, #tpu.memory_space<hbm>>
        %dma_wait3A_23 = arith.constant 0 : i32
        %dma_wait3A_24 = tpu.memref_slice %arg8[%mul3A_16, %dma_wait3A_23] : memref<10240x128xf32, #tpu.memory_space<vmem_shared>> -> memref<1000x128xf32, #tpu.memory_space<vmem_shared>>
        tpu.wait_dma2 semaphore(%run_scoped3A : memref<!tpu.dma_semaphore, #tpu.memory_space<semaphore_mem>>) src(%dma_wait3A_24 : memref<1000x128xf32, #tpu.memory_space<vmem_shared>>) dst(%dma_wait3A_22 : memref<1000x128xf32, #tpu.memory_space<hbm>>)
        tpu.yield
      }) : () -> ()
    } else {
    }
    return
  }
}

#map = affine_map<(d0, d1) -> (0, 0)>
#map1 = affine_map<(d0, d1) -> (0, 0, 0, 0)>
#map2 = affine_map<(d0, d1) -> (0, 0, 0)>
module attributes {stable_mosaic.version = 14 : i64} {
  func.func @_sc_body(%arg0: i32, %arg1: i32, %arg2: memref<10000x128xf32, #tpu.memory_space<hbm>>, %arg3: memref<32x4x20x128xi32, #tpu.memory_space<hbm>>, %arg4: memref<32x4x20x128xi32, #tpu.memory_space<hbm>>, %arg5: memref<128x128xf32, #tpu.memory_space<hbm>>, %arg6: memref<16x5x128xi32, #tpu.memory_space<hbm>>, %arg7: memref<2x10000x128xf32, #tpu.memory_space<hbm>>, %arg8: memref<10240x128xf32, #tpu.memory_space<vmem_shared>>, %arg9: memref<20x128xi32, #tpu.memory_space<vmem>>, %arg10: memref<20x128xi32, #tpu.memory_space<vmem>>, %arg11: memref<5x128xi32, #tpu.memory_space<vmem>>, %arg12: memref<128x128xf32, #tpu.memory_space<vmem>>, %arg13: memref<128x128xf32, #tpu.memory_space<vmem>>, %arg14: memref<!tpu.dma_semaphore, #tpu.memory_space<semaphore_mem>>, %arg15: memref<!tpu.dma_semaphore, #tpu.memory_space<semaphore_mem>>) attributes {dimension_semantics = [#tpu.dimension_semantics<core_parallel>, #tpu.dimension_semantics<subcore_parallel>], iteration_bounds = array<i64: 2, 16>, scalar_prefetch = 0 : i64, scratch_operands = 8 : i64, tpu.core_type = #tpu.core_type<sc_vector_subcore>, window_params = [{transform_indices = #map}, {transform_indices = #map1}, {transform_indices = #map1}, {transform_indices = #map}, {transform_indices = #map2}, {transform_indices = #map2}]} {
    %mul3A = arith.constant 2 : i32
    %mul3A_0 = arith.muli %arg1, %mul3A : i32
    %add3A = arith.addi %mul3A_0, %arg0 : i32
    "tpu.region"() ({
      %run_scoped3A = tpu.sem_alloc : memref<!tpu.dma_semaphore, #tpu.memory_space<semaphore_mem>>
      tpu.enqueue_dma source(%arg5 : memref<128x128xf32, #tpu.memory_space<hbm>>) target(%arg12 : memref<128x128xf32, #tpu.memory_space<vmem>>) target_semaphore(%run_scoped3A : memref<!tpu.dma_semaphore, #tpu.memory_space<semaphore_mem>>)
      tpu.wait_dma2 semaphore(%run_scoped3A : memref<!tpu.dma_semaphore, #tpu.memory_space<semaphore_mem>>) src(%arg5 : memref<128x128xf32, #tpu.memory_space<hbm>>) dst(%arg12 : memref<128x128xf32, #tpu.memory_space<vmem>>)
      tpu.yield
    }) : () -> ()
    "tpu.region"() ({
      %run_scoped3A = tpu.sem_alloc : memref<!tpu.dma_semaphore, #tpu.memory_space<semaphore_mem>>
      %dma_start3A = arith.constant 0 : i32
      %dma_start3A_15 = arith.constant 0 : i32
      %dma_start3A_16 = tpu.memref_slice %arg6[%arg1, %dma_start3A, %dma_start3A_15] : memref<16x5x128xi32, #tpu.memory_space<hbm>> -> memref<1x5x128xi32, #tpu.memory_space<hbm>>
      %dma_start3A_17 = tpu.memref_squeeze %dma_start3A_16 : memref<1x5x128xi32, #tpu.memory_space<hbm>> -> memref<5x128xi32, #tpu.memory_space<hbm>>
      %dma_start3A_18 = arith.constant 0 : i32
      %dma_start3A_19 = arith.constant 0 : i32
      %dma_start3A_20 = tpu.memref_slice %arg6[%arg1, %dma_start3A_18, %dma_start3A_19] : memref<16x5x128xi32, #tpu.memory_space<hbm>> -> memref<1x5x128xi32, #tpu.memory_space<hbm>>
      %dma_start3A_21 = tpu.memref_squeeze %dma_start3A_20 : memref<1x5x128xi32, #tpu.memory_space<hbm>> -> memref<5x128xi32, #tpu.memory_space<hbm>>
      tpu.enqueue_dma source(%dma_start3A_21 : memref<5x128xi32, #tpu.memory_space<hbm>>) target(%arg11 : memref<5x128xi32, #tpu.memory_space<vmem>>) target_semaphore(%run_scoped3A : memref<!tpu.dma_semaphore, #tpu.memory_space<semaphore_mem>>)
      %dma_wait3A = arith.constant 0 : i32
      %dma_wait3A_22 = arith.constant 0 : i32
      %dma_wait3A_23 = tpu.memref_slice %arg6[%arg1, %dma_wait3A, %dma_wait3A_22] : memref<16x5x128xi32, #tpu.memory_space<hbm>> -> memref<1x5x128xi32, #tpu.memory_space<hbm>>
      %dma_wait3A_24 = tpu.memref_squeeze %dma_wait3A_23 : memref<1x5x128xi32, #tpu.memory_space<hbm>> -> memref<5x128xi32, #tpu.memory_space<hbm>>
      %dma_wait3A_25 = arith.constant 0 : i32
      %dma_wait3A_26 = arith.constant 0 : i32
      %dma_wait3A_27 = tpu.memref_slice %arg6[%arg1, %dma_wait3A_25, %dma_wait3A_26] : memref<16x5x128xi32, #tpu.memory_space<hbm>> -> memref<1x5x128xi32, #tpu.memory_space<hbm>>
      %dma_wait3A_28 = tpu.memref_squeeze %dma_wait3A_27 : memref<1x5x128xi32, #tpu.memory_space<hbm>> -> memref<5x128xi32, #tpu.memory_space<hbm>>
      tpu.wait_dma2 semaphore(%run_scoped3A : memref<!tpu.dma_semaphore, #tpu.memory_space<semaphore_mem>>) src(%dma_wait3A_28 : memref<5x128xi32, #tpu.memory_space<hbm>>) dst(%arg11 : memref<5x128xi32, #tpu.memory_space<vmem>>)
      tpu.yield
    }) : () -> ()
    %scan3A = arith.constant 0 : i32
    %scan3A_1 = arith.constant 0 : i32
    %scan3A_2 = arith.constant 5 : i32
    %scan3A_3 = arith.addi %scan3A_1, %scan3A_2 : i32
    %scan3A_4 = arith.constant 1 : i32
    scf.for %scan3A_15 = %scan3A_1 to %scan3A_3 step %scan3A_4  : i32 {
      "tpu.region"() ({
        %run_scoped3A = tpu.sem_alloc : memref<!tpu.dma_semaphore, #tpu.memory_space<semaphore_mem>>
        %dma_start3A = arith.constant 0 : i32
        %dma_start3A_16 = tpu.memref_slice %arg11[%scan3A_15, %dma_start3A] : memref<5x128xi32, #tpu.memory_space<vmem>> -> memref<1x128xi32, #tpu.memory_space<vmem>>
        %dma_start3A_17 = tpu.memref_squeeze %dma_start3A_16 : memref<1x128xi32, #tpu.memory_space<vmem>> -> memref<128xi32, #tpu.memory_space<vmem>>
        %dma_start3A_18 = arith.constant 0 : i32
        %dma_start3A_19 = arith.constant 0 : i32
        %dma_start3A_20 = tpu.memref_slice %arg8[%dma_start3A_18, %dma_start3A_19] : memref<10240x128xf32, #tpu.memory_space<vmem_shared>> -> memref<10240x128xf32, #tpu.memory_space<vmem_shared>>
        tpu.enqueue_indirect_dma source(%arg12 : memref<128x128xf32, #tpu.memory_space<vmem>>) target(%dma_start3A_20 : memref<10240x128xf32, #tpu.memory_space<vmem_shared>>) offsets(%dma_start3A_17 : memref<128xi32, #tpu.memory_space<vmem>>) semaphore(%run_scoped3A : memref<!tpu.dma_semaphore, #tpu.memory_space<semaphore_mem>>)
        %dma_wait3A = arith.constant 0 : i32
        %dma_wait3A_21 = tpu.memref_slice %arg11[%scan3A_15, %dma_wait3A] : memref<5x128xi32, #tpu.memory_space<vmem>> -> memref<1x128xi32, #tpu.memory_space<vmem>>
        %dma_wait3A_22 = tpu.memref_squeeze %dma_wait3A_21 : memref<1x128xi32, #tpu.memory_space<vmem>> -> memref<128xi32, #tpu.memory_space<vmem>>
        %dma_wait3A_23 = arith.constant 0 : i32
        %dma_wait3A_24 = arith.constant 0 : i32
        %dma_wait3A_25 = tpu.memref_slice %arg8[%dma_wait3A_23, %dma_wait3A_24] : memref<10240x128xf32, #tpu.memory_space<vmem_shared>> -> memref<10240x128xf32, #tpu.memory_space<vmem_shared>>
        tpu.wait_indirect_dma semaphore(%run_scoped3A : memref<!tpu.dma_semaphore, #tpu.memory_space<semaphore_mem>>) src(%arg12 : memref<128x128xf32, #tpu.memory_space<vmem>>) dst(%dma_wait3A_25 : memref<10240x128xf32, #tpu.memory_space<vmem_shared>>)
        tpu.yield
      }) : () -> ()
    }
    %scan3A_5 = arith.constant 5 : i32
    %barrier3A = arith.constant 0 : index
    tpu.barrier barrier_id(%barrier3A)
    %scan3A_6 = arith.constant 0 : i32
    %scan3A_7 = arith.constant 0 : i32
    %scan3A_8 = arith.constant 4 : i32
    %scan3A_9 = arith.addi %scan3A_7, %scan3A_8 : i32
    %scan3A_10 = arith.constant 1 : i32
    scf.for %scan3A_15 = %scan3A_7 to %scan3A_9 step %scan3A_10  : i32 {
      "tpu.region"() ({
        %run_scoped3A_313 = tpu.sem_alloc : memref<!tpu.dma_semaphore, #tpu.memory_space<semaphore_mem>>
        %dma_start3A_314 = arith.constant 0 : i32
        %dma_start3A_315 = arith.constant 0 : i32
        %dma_start3A_316 = tpu.memref_slice %arg3[%add3A, %scan3A_15, %dma_start3A_314, %dma_start3A_315] : memref<32x4x20x128xi32, #tpu.memory_space<hbm>> -> memref<1x1x20x128xi32, #tpu.memory_space<hbm>>
        %dma_start3A_317 = tpu.memref_squeeze %dma_start3A_316 : memref<1x1x20x128xi32, #tpu.memory_space<hbm>> -> memref<20x128xi32, #tpu.memory_space<hbm>>
        %dma_start3A_318 = arith.constant 0 : i32
        %dma_start3A_319 = arith.constant 0 : i32
        %dma_start3A_320 = tpu.memref_slice %arg3[%add3A, %scan3A_15, %dma_start3A_318, %dma_start3A_319] : memref<32x4x20x128xi32, #tpu.memory_space<hbm>> -> memref<1x1x20x128xi32, #tpu.memory_space<hbm>>
        %dma_start3A_321 = tpu.memref_squeeze %dma_start3A_320 : memref<1x1x20x128xi32, #tpu.memory_space<hbm>> -> memref<20x128xi32, #tpu.memory_space<hbm>>
        tpu.enqueue_dma source(%dma_start3A_321 : memref<20x128xi32, #tpu.memory_space<hbm>>) target(%arg9 : memref<20x128xi32, #tpu.memory_space<vmem>>) target_semaphore(%run_scoped3A_313 : memref<!tpu.dma_semaphore, #tpu.memory_space<semaphore_mem>>)
        %dma_wait3A_322 = arith.constant 0 : i32
        %dma_wait3A_323 = arith.constant 0 : i32
        %dma_wait3A_324 = tpu.memref_slice %arg3[%add3A, %scan3A_15, %dma_wait3A_322, %dma_wait3A_323] : memref<32x4x20x128xi32, #tpu.memory_space<hbm>> -> memref<1x1x20x128xi32, #tpu.memory_space<hbm>>
        %dma_wait3A_325 = tpu.memref_squeeze %dma_wait3A_324 : memref<1x1x20x128xi32, #tpu.memory_space<hbm>> -> memref<20x128xi32, #tpu.memory_space<hbm>>
        %dma_wait3A_326 = arith.constant 0 : i32
        %dma_wait3A_327 = arith.constant 0 : i32
        %dma_wait3A_328 = tpu.memref_slice %arg3[%add3A, %scan3A_15, %dma_wait3A_326, %dma_wait3A_327] : memref<32x4x20x128xi32, #tpu.memory_space<hbm>> -> memref<1x1x20x128xi32, #tpu.memory_space<hbm>>
        %dma_wait3A_329 = tpu.memref_squeeze %dma_wait3A_328 : memref<1x1x20x128xi32, #tpu.memory_space<hbm>> -> memref<20x128xi32, #tpu.memory_space<hbm>>
        tpu.wait_dma2 semaphore(%run_scoped3A_313 : memref<!tpu.dma_semaphore, #tpu.memory_space<semaphore_mem>>) src(%dma_wait3A_329 : memref<20x128xi32, #tpu.memory_space<hbm>>) dst(%arg9 : memref<20x128xi32, #tpu.memory_space<vmem>>)
        tpu.yield
      }) : () -> ()
      "tpu.region"() ({
        %run_scoped3A_313 = tpu.sem_alloc : memref<!tpu.dma_semaphore, #tpu.memory_space<semaphore_mem>>
        %dma_start3A_314 = arith.constant 0 : i32
        %dma_start3A_315 = arith.constant 0 : i32
        %dma_start3A_316 = tpu.memref_slice %arg4[%add3A, %scan3A_15, %dma_start3A_314, %dma_start3A_315] : memref<32x4x20x128xi32, #tpu.memory_space<hbm>> -> memref<1x1x20x128xi32, #tpu.memory_space<hbm>>
        %dma_start3A_317 = tpu.memref_squeeze %dma_start3A_316 : memref<1x1x20x128xi32, #tpu.memory_space<hbm>> -> memref<20x128xi32, #tpu.memory_space<hbm>>
        %dma_start3A_318 = arith.constant 0 : i32
        %dma_start3A_319 = arith.constant 0 : i32
        %dma_start3A_320 = tpu.memref_slice %arg4[%add3A, %scan3A_15, %dma_start3A_318, %dma_start3A_319] : memref<32x4x20x128xi32, #tpu.memory_space<hbm>> -> memref<1x1x20x128xi32, #tpu.memory_space<hbm>>
        %dma_start3A_321 = tpu.memref_squeeze %dma_start3A_320 : memref<1x1x20x128xi32, #tpu.memory_space<hbm>> -> memref<20x128xi32, #tpu.memory_space<hbm>>
        tpu.enqueue_dma source(%dma_start3A_321 : memref<20x128xi32, #tpu.memory_space<hbm>>) target(%arg10 : memref<20x128xi32, #tpu.memory_space<vmem>>) target_semaphore(%run_scoped3A_313 : memref<!tpu.dma_semaphore, #tpu.memory_space<semaphore_mem>>)
        %dma_wait3A_322 = arith.constant 0 : i32
        %dma_wait3A_323 = arith.constant 0 : i32
        %dma_wait3A_324 = tpu.memref_slice %arg4[%add3A, %scan3A_15, %dma_wait3A_322, %dma_wait3A_323] : memref<32x4x20x128xi32, #tpu.memory_space<hbm>> -> memref<1x1x20x128xi32, #tpu.memory_space<hbm>>
        %dma_wait3A_325 = tpu.memref_squeeze %dma_wait3A_324 : memref<1x1x20x128xi32, #tpu.memory_space<hbm>> -> memref<20x128xi32, #tpu.memory_space<hbm>>
        %dma_wait3A_326 = arith.constant 0 : i32
        %dma_wait3A_327 = arith.constant 0 : i32
        %dma_wait3A_328 = tpu.memref_slice %arg4[%add3A, %scan3A_15, %dma_wait3A_326, %dma_wait3A_327] : memref<32x4x20x128xi32, #tpu.memory_space<hbm>> -> memref<1x1x20x128xi32, #tpu.memory_space<hbm>>
        %dma_wait3A_329 = tpu.memref_squeeze %dma_wait3A_328 : memref<1x1x20x128xi32, #tpu.memory_space<hbm>> -> memref<20x128xi32, #tpu.memory_space<hbm>>
        tpu.wait_dma2 semaphore(%run_scoped3A_313 : memref<!tpu.dma_semaphore, #tpu.memory_space<semaphore_mem>>) src(%dma_wait3A_329 : memref<20x128xi32, #tpu.memory_space<hbm>>) dst(%arg10 : memref<20x128xi32, #tpu.memory_space<vmem>>)
        tpu.yield
      }) : () -> ()
      %dma_start3A = arith.constant 0 : i32
      %dma_start3A_16 = arith.constant 0 : i32
      %dma_start3A_17 = tpu.memref_slice %arg9[%dma_start3A, %dma_start3A_16] : memref<20x128xi32, #tpu.memory_space<vmem>> -> memref<1x128xi32, #tpu.memory_space<vmem>>
      %dma_start3A_18 = tpu.memref_squeeze %dma_start3A_17 : memref<1x128xi32, #tpu.memory_space<vmem>> -> memref<128xi32, #tpu.memory_space<vmem>>
      %dma_start3A_19 = arith.constant 0 : i32
      %dma_start3A_20 = arith.constant 0 : i32
      %dma_start3A_21 = tpu.memref_slice %arg2[%dma_start3A_19, %dma_start3A_20] : memref<10000x128xf32, #tpu.memory_space<hbm>> -> memref<10000x128xf32, #tpu.memory_space<hbm>>
      tpu.enqueue_indirect_dma source(%dma_start3A_21 : memref<10000x128xf32, #tpu.memory_space<hbm>>) target(%arg12 : memref<128x128xf32, #tpu.memory_space<vmem>>) offsets(%dma_start3A_18 : memref<128xi32, #tpu.memory_space<vmem>>) semaphore(%arg14 : memref<!tpu.dma_semaphore, #tpu.memory_space<semaphore_mem>>)
      %dma_start3A_22 = arith.constant 1 : i32
      %dma_start3A_23 = arith.constant 0 : i32
      %dma_start3A_24 = tpu.memref_slice %arg9[%dma_start3A_22, %dma_start3A_23] : memref<20x128xi32, #tpu.memory_space<vmem>> -> memref<1x128xi32, #tpu.memory_space<vmem>>
      %dma_start3A_25 = tpu.memref_squeeze %dma_start3A_24 : memref<1x128xi32, #tpu.memory_space<vmem>> -> memref<128xi32, #tpu.memory_space<vmem>>
      %dma_start3A_26 = arith.constant 0 : i32
      %dma_start3A_27 = arith.constant 0 : i32
      %dma_start3A_28 = tpu.memref_slice %arg2[%dma_start3A_26, %dma_start3A_27] : memref<10000x128xf32, #tpu.memory_space<hbm>> -> memref<10000x128xf32, #tpu.memory_space<hbm>>
      tpu.enqueue_indirect_dma source(%dma_start3A_28 : memref<10000x128xf32, #tpu.memory_space<hbm>>) target(%arg13 : memref<128x128xf32, #tpu.memory_space<vmem>>) offsets(%dma_start3A_25 : memref<128xi32, #tpu.memory_space<vmem>>) semaphore(%arg15 : memref<!tpu.dma_semaphore, #tpu.memory_space<semaphore_mem>>)
      %dma_wait3A = arith.constant 0 : i32
      %dma_wait3A_29 = arith.constant 0 : i32
      %dma_wait3A_30 = tpu.memref_slice %arg9[%dma_wait3A, %dma_wait3A_29] : memref<20x128xi32, #tpu.memory_space<vmem>> -> memref<1x128xi32, #tpu.memory_space<vmem>>
      %dma_wait3A_31 = tpu.memref_squeeze %dma_wait3A_30 : memref<1x128xi32, #tpu.memory_space<vmem>> -> memref<128xi32, #tpu.memory_space<vmem>>
      %dma_wait3A_32 = arith.constant 0 : i32
      %dma_wait3A_33 = arith.constant 0 : i32
      %dma_wait3A_34 = tpu.memref_slice %arg2[%dma_wait3A_32, %dma_wait3A_33] : memref<10000x128xf32, #tpu.memory_space<hbm>> -> memref<10000x128xf32, #tpu.memory_space<hbm>>
      tpu.wait_indirect_dma semaphore(%arg14 : memref<!tpu.dma_semaphore, #tpu.memory_space<semaphore_mem>>) src(%dma_wait3A_34 : memref<10000x128xf32, #tpu.memory_space<hbm>>) dst(%arg12 : memref<128x128xf32, #tpu.memory_space<vmem>>)
      %run_scoped3A = arith.constant 0 : i32
      "tpu.region"() ({
        %run_scoped3A_313 = tpu.sem_alloc : memref<!tpu.dma_semaphore, #tpu.memory_space<semaphore_mem>>
        %dma_start3A_314 = arith.constant 0 : i32
        %dma_start3A_315 = tpu.memref_slice %arg10[%run_scoped3A, %dma_start3A_314] : memref<20x128xi32, #tpu.memory_space<vmem>> -> memref<1x128xi32, #tpu.memory_space<vmem>>
        %dma_start3A_316 = tpu.memref_squeeze %dma_start3A_315 : memref<1x128xi32, #tpu.memory_space<vmem>> -> memref<128xi32, #tpu.memory_space<vmem>>
        %dma_start3A_317 = arith.constant 0 : i32
        %dma_start3A_318 = arith.constant 0 : i32
        %dma_start3A_319 = tpu.memref_slice %arg8[%dma_start3A_317, %dma_start3A_318] : memref<10240x128xf32, #tpu.memory_space<vmem_shared>> -> memref<10240x128xf32, #tpu.memory_space<vmem_shared>>
        tpu.enqueue_indirect_dma source(%arg12 : memref<128x128xf32, #tpu.memory_space<vmem>>) target(%dma_start3A_319 : memref<10240x128xf32, #tpu.memory_space<vmem_shared>>) offsets(%dma_start3A_316 : memref<128xi32, #tpu.memory_space<vmem>>) semaphore(%run_scoped3A_313 : memref<!tpu.dma_semaphore, #tpu.memory_space<semaphore_mem>>) {add = true}
        %dma_wait3A_320 = arith.constant 0 : i32
        %dma_wait3A_321 = tpu.memref_slice %arg10[%run_scoped3A, %dma_wait3A_320] : memref<20x128xi32, #tpu.memory_space<vmem>> -> memref<1x128xi32, #tpu.memory_space<vmem>>
        %dma_wait3A_322 = tpu.memref_squeeze %dma_wait3A_321 : memref<1x128xi32, #tpu.memory_space<vmem>> -> memref<128xi32, #tpu.memory_space<vmem>>
        %dma_wait3A_323 = arith.constant 0 : i32
        %dma_wait3A_324 = arith.constant 0 : i32
        %dma_wait3A_325 = tpu.memref_slice %arg8[%dma_wait3A_323, %dma_wait3A_324] : memref<10240x128xf32, #tpu.memory_space<vmem_shared>> -> memref<10240x128xf32, #tpu.memory_space<vmem_shared>>
        tpu.wait_indirect_dma semaphore(%run_scoped3A_313 : memref<!tpu.dma_semaphore, #tpu.memory_space<semaphore_mem>>) src(%arg12 : memref<128x128xf32, #tpu.memory_space<vmem>>) dst(%dma_wait3A_325 : memref<10240x128xf32, #tpu.memory_space<vmem_shared>>)
        tpu.yield
      }) : () -> ()
      %dma_start3A_35 = arith.constant 2 : i32
      %dma_start3A_36 = arith.constant 0 : i32
      %dma_start3A_37 = tpu.memref_slice %arg9[%dma_start3A_35, %dma_start3A_36] : memref<20x128xi32, #tpu.memory_space<vmem>> -> memref<1x128xi32, #tpu.memory_space<vmem>>
      %dma_start3A_38 = tpu.memref_squeeze %dma_start3A_37 : memref<1x128xi32, #tpu.memory_space<vmem>> -> memref<128xi32, #tpu.memory_space<vmem>>
      %dma_start3A_39 = arith.constant 0 : i32
      %dma_start3A_40 = arith.constant 0 : i32
      %dma_start3A_41 = tpu.memref_slice %arg2[%dma_start3A_39, %dma_start3A_40] : memref<10000x128xf32, #tpu.memory_space<hbm>> -> memref<10000x128xf32, #tpu.memory_space<hbm>>
      tpu.enqueue_indirect_dma source(%dma_start3A_41 : memref<10000x128xf32, #tpu.memory_space<hbm>>) target(%arg12 : memref<128x128xf32, #tpu.memory_space<vmem>>) offsets(%dma_start3A_38 : memref<128xi32, #tpu.memory_space<vmem>>) semaphore(%arg14 : memref<!tpu.dma_semaphore, #tpu.memory_space<semaphore_mem>>)
      %dma_wait3A_42 = arith.constant 1 : i32
      %dma_wait3A_43 = arith.constant 0 : i32
      %dma_wait3A_44 = tpu.memref_slice %arg9[%dma_wait3A_42, %dma_wait3A_43] : memref<20x128xi32, #tpu.memory_space<vmem>> -> memref<1x128xi32, #tpu.memory_space<vmem>>
      %dma_wait3A_45 = tpu.memref_squeeze %dma_wait3A_44 : memref<1x128xi32, #tpu.memory_space<vmem>> -> memref<128xi32, #tpu.memory_space<vmem>>
      %dma_wait3A_46 = arith.constant 0 : i32
      %dma_wait3A_47 = arith.constant 0 : i32
      %dma_wait3A_48 = tpu.memref_slice %arg2[%dma_wait3A_46, %dma_wait3A_47] : memref<10000x128xf32, #tpu.memory_space<hbm>> -> memref<10000x128xf32, #tpu.memory_space<hbm>>
      tpu.wait_indirect_dma semaphore(%arg15 : memref<!tpu.dma_semaphore, #tpu.memory_space<semaphore_mem>>) src(%dma_wait3A_48 : memref<10000x128xf32, #tpu.memory_space<hbm>>) dst(%arg13 : memref<128x128xf32, #tpu.memory_space<vmem>>)
      %run_scoped3A_49 = arith.constant 1 : i32
      "tpu.region"() ({
        %run_scoped3A_313 = tpu.sem_alloc : memref<!tpu.dma_semaphore, #tpu.memory_space<semaphore_mem>>
        %dma_start3A_314 = arith.constant 0 : i32
        %dma_start3A_315 = tpu.memref_slice %arg10[%run_scoped3A_49, %dma_start3A_314] : memref<20x128xi32, #tpu.memory_space<vmem>> -> memref<1x128xi32, #tpu.memory_space<vmem>>
        %dma_start3A_316 = tpu.memref_squeeze %dma_start3A_315 : memref<1x128xi32, #tpu.memory_space<vmem>> -> memref<128xi32, #tpu.memory_space<vmem>>
        %dma_start3A_317 = arith.constant 0 : i32
        %dma_start3A_318 = arith.constant 0 : i32
        %dma_start3A_319 = tpu.memref_slice %arg8[%dma_start3A_317, %dma_start3A_318] : memref<10240x128xf32, #tpu.memory_space<vmem_shared>> -> memref<10240x128xf32, #tpu.memory_space<vmem_shared>>
        tpu.enqueue_indirect_dma source(%arg13 : memref<128x128xf32, #tpu.memory_space<vmem>>) target(%dma_start3A_319 : memref<10240x128xf32, #tpu.memory_space<vmem_shared>>) offsets(%dma_start3A_316 : memref<128xi32, #tpu.memory_space<vmem>>) semaphore(%run_scoped3A_313 : memref<!tpu.dma_semaphore, #tpu.memory_space<semaphore_mem>>) {add = true}
        %dma_wait3A_320 = arith.constant 0 : i32
        %dma_wait3A_321 = tpu.memref_slice %arg10[%run_scoped3A_49, %dma_wait3A_320] : memref<20x128xi32, #tpu.memory_space<vmem>> -> memref<1x128xi32, #tpu.memory_space<vmem>>
        %dma_wait3A_322 = tpu.memref_squeeze %dma_wait3A_321 : memref<1x128xi32, #tpu.memory_space<vmem>> -> memref<128xi32, #tpu.memory_space<vmem>>
        %dma_wait3A_323 = arith.constant 0 : i32
        %dma_wait3A_324 = arith.constant 0 : i32
        %dma_wait3A_325 = tpu.memref_slice %arg8[%dma_wait3A_323, %dma_wait3A_324] : memref<10240x128xf32, #tpu.memory_space<vmem_shared>> -> memref<10240x128xf32, #tpu.memory_space<vmem_shared>>
        tpu.wait_indirect_dma semaphore(%run_scoped3A_313 : memref<!tpu.dma_semaphore, #tpu.memory_space<semaphore_mem>>) src(%arg13 : memref<128x128xf32, #tpu.memory_space<vmem>>) dst(%dma_wait3A_325 : memref<10240x128xf32, #tpu.memory_space<vmem_shared>>)
        tpu.yield
      }) : () -> ()
      %dma_start3A_50 = arith.constant 3 : i32
      %dma_start3A_51 = arith.constant 0 : i32
      %dma_start3A_52 = tpu.memref_slice %arg9[%dma_start3A_50, %dma_start3A_51] : memref<20x128xi32, #tpu.memory_space<vmem>> -> memref<1x128xi32, #tpu.memory_space<vmem>>
      %dma_start3A_53 = tpu.memref_squeeze %dma_start3A_52 : memref<1x128xi32, #tpu.memory_space<vmem>> -> memref<128xi32, #tpu.memory_space<vmem>>
      %dma_start3A_54 = arith.constant 0 : i32
      %dma_start3A_55 = arith.constant 0 : i32
      %dma_start3A_56 = tpu.memref_slice %arg2[%dma_start3A_54, %dma_start3A_55] : memref<10000x128xf32, #tpu.memory_space<hbm>> -> memref<10000x128xf32, #tpu.memory_space<hbm>>
      tpu.enqueue_indirect_dma source(%dma_start3A_56 : memref<10000x128xf32, #tpu.memory_space<hbm>>) target(%arg13 : memref<128x128xf32, #tpu.memory_space<vmem>>) offsets(%dma_start3A_53 : memref<128xi32, #tpu.memory_space<vmem>>) semaphore(%arg15 : memref<!tpu.dma_semaphore, #tpu.memory_space<semaphore_mem>>)
      %dma_wait3A_57 = arith.constant 2 : i32
      %dma_wait3A_58 = arith.constant 0 : i32
      %dma_wait3A_59 = tpu.memref_slice %arg9[%dma_wait3A_57, %dma_wait3A_58] : memref<20x128xi32, #tpu.memory_space<vmem>> -> memref<1x128xi32, #tpu.memory_space<vmem>>
      %dma_wait3A_60 = tpu.memref_squeeze %dma_wait3A_59 : memref<1x128xi32, #tpu.memory_space<vmem>> -> memref<128xi32, #tpu.memory_space<vmem>>
      %dma_wait3A_61 = arith.constant 0 : i32
      %dma_wait3A_62 = arith.constant 0 : i32
      %dma_wait3A_63 = tpu.memref_slice %arg2[%dma_wait3A_61, %dma_wait3A_62] : memref<10000x128xf32, #tpu.memory_space<hbm>> -> memref<10000x128xf32, #tpu.memory_space<hbm>>
      tpu.wait_indirect_dma semaphore(%arg14 : memref<!tpu.dma_semaphore, #tpu.memory_space<semaphore_mem>>) src(%dma_wait3A_63 : memref<10000x128xf32, #tpu.memory_space<hbm>>) dst(%arg12 : memref<128x128xf32, #tpu.memory_space<vmem>>)
      %run_scoped3A_64 = arith.constant 2 : i32
      "tpu.region"() ({
        %run_scoped3A_313 = tpu.sem_alloc : memref<!tpu.dma_semaphore, #tpu.memory_space<semaphore_mem>>
        %dma_start3A_314 = arith.constant 0 : i32
        %dma_start3A_315 = tpu.memref_slice %arg10[%run_scoped3A_64, %dma_start3A_314] : memref<20x128xi32, #tpu.memory_space<vmem>> -> memref<1x128xi32, #tpu.memory_space<vmem>>
        %dma_start3A_316 = tpu.memref_squeeze %dma_start3A_315 : memref<1x128xi32, #tpu.memory_space<vmem>> -> memref<128xi32, #tpu.memory_space<vmem>>
        %dma_start3A_317 = arith.constant 0 : i32
        %dma_start3A_318 = arith.constant 0 : i32
        %dma_start3A_319 = tpu.memref_slice %arg8[%dma_start3A_317, %dma_start3A_318] : memref<10240x128xf32, #tpu.memory_space<vmem_shared>> -> memref<10240x128xf32, #tpu.memory_space<vmem_shared>>
        tpu.enqueue_indirect_dma source(%arg12 : memref<128x128xf32, #tpu.memory_space<vmem>>) target(%dma_start3A_319 : memref<10240x128xf32, #tpu.memory_space<vmem_shared>>) offsets(%dma_start3A_316 : memref<128xi32, #tpu.memory_space<vmem>>) semaphore(%run_scoped3A_313 : memref<!tpu.dma_semaphore, #tpu.memory_space<semaphore_mem>>) {add = true}
        %dma_wait3A_320 = arith.constant 0 : i32
        %dma_wait3A_321 = tpu.memref_slice %arg10[%run_scoped3A_64, %dma_wait3A_320] : memref<20x128xi32, #tpu.memory_space<vmem>> -> memref<1x128xi32, #tpu.memory_space<vmem>>
        %dma_wait3A_322 = tpu.memref_squeeze %dma_wait3A_321 : memref<1x128xi32, #tpu.memory_space<vmem>> -> memref<128xi32, #tpu.memory_space<vmem>>
        %dma_wait3A_323 = arith.constant 0 : i32
        %dma_wait3A_324 = arith.constant 0 : i32
        %dma_wait3A_325 = tpu.memref_slice %arg8[%dma_wait3A_323, %dma_wait3A_324] : memref<10240x128xf32, #tpu.memory_space<vmem_shared>> -> memref<10240x128xf32, #tpu.memory_space<vmem_shared>>
        tpu.wait_indirect_dma semaphore(%run_scoped3A_313 : memref<!tpu.dma_semaphore, #tpu.memory_space<semaphore_mem>>) src(%arg12 : memref<128x128xf32, #tpu.memory_space<vmem>>) dst(%dma_wait3A_325 : memref<10240x128xf32, #tpu.memory_space<vmem_shared>>)
        tpu.yield
      }) : () -> ()
      %dma_start3A_65 = arith.constant 4 : i32
      %dma_start3A_66 = arith.constant 0 : i32
      %dma_start3A_67 = tpu.memref_slice %arg9[%dma_start3A_65, %dma_start3A_66] : memref<20x128xi32, #tpu.memory_space<vmem>> -> memref<1x128xi32, #tpu.memory_space<vmem>>
      %dma_start3A_68 = tpu.memref_squeeze %dma_start3A_67 : memref<1x128xi32, #tpu.memory_space<vmem>> -> memref<128xi32, #tpu.memory_space<vmem>>
      %dma_start3A_69 = arith.constant 0 : i32
      %dma_start3A_70 = arith.constant 0 : i32
      %dma_start3A_71 = tpu.memref_slice %arg2[%dma_start3A_69, %dma_start3A_70] : memref<10000x128xf32, #tpu.memory_space<hbm>> -> memref<10000x128xf32, #tpu.memory_space<hbm>>
      tpu.enqueue_indirect_dma source(%dma_start3A_71 : memref<10000x128xf32, #tpu.memory_space<hbm>>) target(%arg12 : memref<128x128xf32, #tpu.memory_space<vmem>>) offsets(%dma_start3A_68 : memref<128xi32, #tpu.memory_space<vmem>>) semaphore(%arg14 : memref<!tpu.dma_semaphore, #tpu.memory_space<semaphore_mem>>)
      %dma_wait3A_72 = arith.constant 3 : i32
      %dma_wait3A_73 = arith.constant 0 : i32
      %dma_wait3A_74 = tpu.memref_slice %arg9[%dma_wait3A_72, %dma_wait3A_73] : memref<20x128xi32, #tpu.memory_space<vmem>> -> memref<1x128xi32, #tpu.memory_space<vmem>>
      %dma_wait3A_75 = tpu.memref_squeeze %dma_wait3A_74 : memref<1x128xi32, #tpu.memory_space<vmem>> -> memref<128xi32, #tpu.memory_space<vmem>>
      %dma_wait3A_76 = arith.constant 0 : i32
      %dma_wait3A_77 = arith.constant 0 : i32
      %dma_wait3A_78 = tpu.memref_slice %arg2[%dma_wait3A_76, %dma_wait3A_77] : memref<10000x128xf32, #tpu.memory_space<hbm>> -> memref<10000x128xf32, #tpu.memory_space<hbm>>
      tpu.wait_indirect_dma semaphore(%arg15 : memref<!tpu.dma_semaphore, #tpu.memory_space<semaphore_mem>>) src(%dma_wait3A_78 : memref<10000x128xf32, #tpu.memory_space<hbm>>) dst(%arg13 : memref<128x128xf32, #tpu.memory_space<vmem>>)
      %run_scoped3A_79 = arith.constant 3 : i32
      "tpu.region"() ({
        %run_scoped3A_313 = tpu.sem_alloc : memref<!tpu.dma_semaphore, #tpu.memory_space<semaphore_mem>>
        %dma_start3A_314 = arith.constant 0 : i32
        %dma_start3A_315 = tpu.memref_slice %arg10[%run_scoped3A_79, %dma_start3A_314] : memref<20x128xi32, #tpu.memory_space<vmem>> -> memref<1x128xi32, #tpu.memory_space<vmem>>
        %dma_start3A_316 = tpu.memref_squeeze %dma_start3A_315 : memref<1x128xi32, #tpu.memory_space<vmem>> -> memref<128xi32, #tpu.memory_space<vmem>>
        %dma_start3A_317 = arith.constant 0 : i32
        %dma_start3A_318 = arith.constant 0 : i32
        %dma_start3A_319 = tpu.memref_slice %arg8[%dma_start3A_317, %dma_start3A_318] : memref<10240x128xf32, #tpu.memory_space<vmem_shared>> -> memref<10240x128xf32, #tpu.memory_space<vmem_shared>>
        tpu.enqueue_indirect_dma source(%arg13 : memref<128x128xf32, #tpu.memory_space<vmem>>) target(%dma_start3A_319 : memref<10240x128xf32, #tpu.memory_space<vmem_shared>>) offsets(%dma_start3A_316 : memref<128xi32, #tpu.memory_space<vmem>>) semaphore(%run_scoped3A_313 : memref<!tpu.dma_semaphore, #tpu.memory_space<semaphore_mem>>) {add = true}
        %dma_wait3A_320 = arith.constant 0 : i32
        %dma_wait3A_321 = tpu.memref_slice %arg10[%run_scoped3A_79, %dma_wait3A_320] : memref<20x128xi32, #tpu.memory_space<vmem>> -> memref<1x128xi32, #tpu.memory_space<vmem>>
        %dma_wait3A_322 = tpu.memref_squeeze %dma_wait3A_321 : memref<1x128xi32, #tpu.memory_space<vmem>> -> memref<128xi32, #tpu.memory_space<vmem>>
        %dma_wait3A_323 = arith.constant 0 : i32
        %dma_wait3A_324 = arith.constant 0 : i32
        %dma_wait3A_325 = tpu.memref_slice %arg8[%dma_wait3A_323, %dma_wait3A_324] : memref<10240x128xf32, #tpu.memory_space<vmem_shared>> -> memref<10240x128xf32, #tpu.memory_space<vmem_shared>>
        tpu.wait_indirect_dma semaphore(%run_scoped3A_313 : memref<!tpu.dma_semaphore, #tpu.memory_space<semaphore_mem>>) src(%arg13 : memref<128x128xf32, #tpu.memory_space<vmem>>) dst(%dma_wait3A_325 : memref<10240x128xf32, #tpu.memory_space<vmem_shared>>)
        tpu.yield
      }) : () -> ()
      %dma_start3A_80 = arith.constant 5 : i32
      %dma_start3A_81 = arith.constant 0 : i32
      %dma_start3A_82 = tpu.memref_slice %arg9[%dma_start3A_80, %dma_start3A_81] : memref<20x128xi32, #tpu.memory_space<vmem>> -> memref<1x128xi32, #tpu.memory_space<vmem>>
      %dma_start3A_83 = tpu.memref_squeeze %dma_start3A_82 : memref<1x128xi32, #tpu.memory_space<vmem>> -> memref<128xi32, #tpu.memory_space<vmem>>
      %dma_start3A_84 = arith.constant 0 : i32
      %dma_start3A_85 = arith.constant 0 : i32
      %dma_start3A_86 = tpu.memref_slice %arg2[%dma_start3A_84, %dma_start3A_85] : memref<10000x128xf32, #tpu.memory_space<hbm>> -> memref<10000x128xf32, #tpu.memory_space<hbm>>
      tpu.enqueue_indirect_dma source(%dma_start3A_86 : memref<10000x128xf32, #tpu.memory_space<hbm>>) target(%arg13 : memref<128x128xf32, #tpu.memory_space<vmem>>) offsets(%dma_start3A_83 : memref<128xi32, #tpu.memory_space<vmem>>) semaphore(%arg15 : memref<!tpu.dma_semaphore, #tpu.memory_space<semaphore_mem>>)
      %dma_wait3A_87 = arith.constant 4 : i32
      %dma_wait3A_88 = arith.constant 0 : i32
      %dma_wait3A_89 = tpu.memref_slice %arg9[%dma_wait3A_87, %dma_wait3A_88] : memref<20x128xi32, #tpu.memory_space<vmem>> -> memref<1x128xi32, #tpu.memory_space<vmem>>
      %dma_wait3A_90 = tpu.memref_squeeze %dma_wait3A_89 : memref<1x128xi32, #tpu.memory_space<vmem>> -> memref<128xi32, #tpu.memory_space<vmem>>
      %dma_wait3A_91 = arith.constant 0 : i32
      %dma_wait3A_92 = arith.constant 0 : i32
      %dma_wait3A_93 = tpu.memref_slice %arg2[%dma_wait3A_91, %dma_wait3A_92] : memref<10000x128xf32, #tpu.memory_space<hbm>> -> memref<10000x128xf32, #tpu.memory_space<hbm>>
      tpu.wait_indirect_dma semaphore(%arg14 : memref<!tpu.dma_semaphore, #tpu.memory_space<semaphore_mem>>) src(%dma_wait3A_93 : memref<10000x128xf32, #tpu.memory_space<hbm>>) dst(%arg12 : memref<128x128xf32, #tpu.memory_space<vmem>>)
      %run_scoped3A_94 = arith.constant 4 : i32
      "tpu.region"() ({
        %run_scoped3A_313 = tpu.sem_alloc : memref<!tpu.dma_semaphore, #tpu.memory_space<semaphore_mem>>
        %dma_start3A_314 = arith.constant 0 : i32
        %dma_start3A_315 = tpu.memref_slice %arg10[%run_scoped3A_94, %dma_start3A_314] : memref<20x128xi32, #tpu.memory_space<vmem>> -> memref<1x128xi32, #tpu.memory_space<vmem>>
        %dma_start3A_316 = tpu.memref_squeeze %dma_start3A_315 : memref<1x128xi32, #tpu.memory_space<vmem>> -> memref<128xi32, #tpu.memory_space<vmem>>
        %dma_start3A_317 = arith.constant 0 : i32
        %dma_start3A_318 = arith.constant 0 : i32
        %dma_start3A_319 = tpu.memref_slice %arg8[%dma_start3A_317, %dma_start3A_318] : memref<10240x128xf32, #tpu.memory_space<vmem_shared>> -> memref<10240x128xf32, #tpu.memory_space<vmem_shared>>
        tpu.enqueue_indirect_dma source(%arg12 : memref<128x128xf32, #tpu.memory_space<vmem>>) target(%dma_start3A_319 : memref<10240x128xf32, #tpu.memory_space<vmem_shared>>) offsets(%dma_start3A_316 : memref<128xi32, #tpu.memory_space<vmem>>) semaphore(%run_scoped3A_313 : memref<!tpu.dma_semaphore, #tpu.memory_space<semaphore_mem>>) {add = true}
        %dma_wait3A_320 = arith.constant 0 : i32
        %dma_wait3A_321 = tpu.memref_slice %arg10[%run_scoped3A_94, %dma_wait3A_320] : memref<20x128xi32, #tpu.memory_space<vmem>> -> memref<1x128xi32, #tpu.memory_space<vmem>>
        %dma_wait3A_322 = tpu.memref_squeeze %dma_wait3A_321 : memref<1x128xi32, #tpu.memory_space<vmem>> -> memref<128xi32, #tpu.memory_space<vmem>>
        %dma_wait3A_323 = arith.constant 0 : i32
        %dma_wait3A_324 = arith.constant 0 : i32
        %dma_wait3A_325 = tpu.memref_slice %arg8[%dma_wait3A_323, %dma_wait3A_324] : memref<10240x128xf32, #tpu.memory_space<vmem_shared>> -> memref<10240x128xf32, #tpu.memory_space<vmem_shared>>
        tpu.wait_indirect_dma semaphore(%run_scoped3A_313 : memref<!tpu.dma_semaphore, #tpu.memory_space<semaphore_mem>>) src(%arg12 : memref<128x128xf32, #tpu.memory_space<vmem>>) dst(%dma_wait3A_325 : memref<10240x128xf32, #tpu.memory_space<vmem_shared>>)
        tpu.yield
      }) : () -> ()
      %dma_start3A_95 = arith.constant 6 : i32
      %dma_start3A_96 = arith.constant 0 : i32
      %dma_start3A_97 = tpu.memref_slice %arg9[%dma_start3A_95, %dma_start3A_96] : memref<20x128xi32, #tpu.memory_space<vmem>> -> memref<1x128xi32, #tpu.memory_space<vmem>>
      %dma_start3A_98 = tpu.memref_squeeze %dma_start3A_97 : memref<1x128xi32, #tpu.memory_space<vmem>> -> memref<128xi32, #tpu.memory_space<vmem>>
      %dma_start3A_99 = arith.constant 0 : i32
      %dma_start3A_100 = arith.constant 0 : i32
      %dma_start3A_101 = tpu.memref_slice %arg2[%dma_start3A_99, %dma_start3A_100] : memref<10000x128xf32, #tpu.memory_space<hbm>> -> memref<10000x128xf32, #tpu.memory_space<hbm>>
      tpu.enqueue_indirect_dma source(%dma_start3A_101 : memref<10000x128xf32, #tpu.memory_space<hbm>>) target(%arg12 : memref<128x128xf32, #tpu.memory_space<vmem>>) offsets(%dma_start3A_98 : memref<128xi32, #tpu.memory_space<vmem>>) semaphore(%arg14 : memref<!tpu.dma_semaphore, #tpu.memory_space<semaphore_mem>>)
      %dma_wait3A_102 = arith.constant 5 : i32
      %dma_wait3A_103 = arith.constant 0 : i32
      %dma_wait3A_104 = tpu.memref_slice %arg9[%dma_wait3A_102, %dma_wait3A_103] : memref<20x128xi32, #tpu.memory_space<vmem>> -> memref<1x128xi32, #tpu.memory_space<vmem>>
      %dma_wait3A_105 = tpu.memref_squeeze %dma_wait3A_104 : memref<1x128xi32, #tpu.memory_space<vmem>> -> memref<128xi32, #tpu.memory_space<vmem>>
      %dma_wait3A_106 = arith.constant 0 : i32
      %dma_wait3A_107 = arith.constant 0 : i32
      %dma_wait3A_108 = tpu.memref_slice %arg2[%dma_wait3A_106, %dma_wait3A_107] : memref<10000x128xf32, #tpu.memory_space<hbm>> -> memref<10000x128xf32, #tpu.memory_space<hbm>>
      tpu.wait_indirect_dma semaphore(%arg15 : memref<!tpu.dma_semaphore, #tpu.memory_space<semaphore_mem>>) src(%dma_wait3A_108 : memref<10000x128xf32, #tpu.memory_space<hbm>>) dst(%arg13 : memref<128x128xf32, #tpu.memory_space<vmem>>)
      %run_scoped3A_109 = arith.constant 5 : i32
      "tpu.region"() ({
        %run_scoped3A_313 = tpu.sem_alloc : memref<!tpu.dma_semaphore, #tpu.memory_space<semaphore_mem>>
        %dma_start3A_314 = arith.constant 0 : i32
        %dma_start3A_315 = tpu.memref_slice %arg10[%run_scoped3A_109, %dma_start3A_314] : memref<20x128xi32, #tpu.memory_space<vmem>> -> memref<1x128xi32, #tpu.memory_space<vmem>>
        %dma_start3A_316 = tpu.memref_squeeze %dma_start3A_315 : memref<1x128xi32, #tpu.memory_space<vmem>> -> memref<128xi32, #tpu.memory_space<vmem>>
        %dma_start3A_317 = arith.constant 0 : i32
        %dma_start3A_318 = arith.constant 0 : i32
        %dma_start3A_319 = tpu.memref_slice %arg8[%dma_start3A_317, %dma_start3A_318] : memref<10240x128xf32, #tpu.memory_space<vmem_shared>> -> memref<10240x128xf32, #tpu.memory_space<vmem_shared>>
        tpu.enqueue_indirect_dma source(%arg13 : memref<128x128xf32, #tpu.memory_space<vmem>>) target(%dma_start3A_319 : memref<10240x128xf32, #tpu.memory_space<vmem_shared>>) offsets(%dma_start3A_316 : memref<128xi32, #tpu.memory_space<vmem>>) semaphore(%run_scoped3A_313 : memref<!tpu.dma_semaphore, #tpu.memory_space<semaphore_mem>>) {add = true}
        %dma_wait3A_320 = arith.constant 0 : i32
        %dma_wait3A_321 = tpu.memref_slice %arg10[%run_scoped3A_109, %dma_wait3A_320] : memref<20x128xi32, #tpu.memory_space<vmem>> -> memref<1x128xi32, #tpu.memory_space<vmem>>
        %dma_wait3A_322 = tpu.memref_squeeze %dma_wait3A_321 : memref<1x128xi32, #tpu.memory_space<vmem>> -> memref<128xi32, #tpu.memory_space<vmem>>
        %dma_wait3A_323 = arith.constant 0 : i32
        %dma_wait3A_324 = arith.constant 0 : i32
        %dma_wait3A_325 = tpu.memref_slice %arg8[%dma_wait3A_323, %dma_wait3A_324] : memref<10240x128xf32, #tpu.memory_space<vmem_shared>> -> memref<10240x128xf32, #tpu.memory_space<vmem_shared>>
        tpu.wait_indirect_dma semaphore(%run_scoped3A_313 : memref<!tpu.dma_semaphore, #tpu.memory_space<semaphore_mem>>) src(%arg13 : memref<128x128xf32, #tpu.memory_space<vmem>>) dst(%dma_wait3A_325 : memref<10240x128xf32, #tpu.memory_space<vmem_shared>>)
        tpu.yield
      }) : () -> ()
      %dma_start3A_110 = arith.constant 7 : i32
      %dma_start3A_111 = arith.constant 0 : i32
      %dma_start3A_112 = tpu.memref_slice %arg9[%dma_start3A_110, %dma_start3A_111] : memref<20x128xi32, #tpu.memory_space<vmem>> -> memref<1x128xi32, #tpu.memory_space<vmem>>
      %dma_start3A_113 = tpu.memref_squeeze %dma_start3A_112 : memref<1x128xi32, #tpu.memory_space<vmem>> -> memref<128xi32, #tpu.memory_space<vmem>>
      %dma_start3A_114 = arith.constant 0 : i32
      %dma_start3A_115 = arith.constant 0 : i32
      %dma_start3A_116 = tpu.memref_slice %arg2[%dma_start3A_114, %dma_start3A_115] : memref<10000x128xf32, #tpu.memory_space<hbm>> -> memref<10000x128xf32, #tpu.memory_space<hbm>>
      tpu.enqueue_indirect_dma source(%dma_start3A_116 : memref<10000x128xf32, #tpu.memory_space<hbm>>) target(%arg13 : memref<128x128xf32, #tpu.memory_space<vmem>>) offsets(%dma_start3A_113 : memref<128xi32, #tpu.memory_space<vmem>>) semaphore(%arg15 : memref<!tpu.dma_semaphore, #tpu.memory_space<semaphore_mem>>)
      %dma_wait3A_117 = arith.constant 6 : i32
      %dma_wait3A_118 = arith.constant 0 : i32
      %dma_wait3A_119 = tpu.memref_slice %arg9[%dma_wait3A_117, %dma_wait3A_118] : memref<20x128xi32, #tpu.memory_space<vmem>> -> memref<1x128xi32, #tpu.memory_space<vmem>>
      %dma_wait3A_120 = tpu.memref_squeeze %dma_wait3A_119 : memref<1x128xi32, #tpu.memory_space<vmem>> -> memref<128xi32, #tpu.memory_space<vmem>>
      %dma_wait3A_121 = arith.constant 0 : i32
      %dma_wait3A_122 = arith.constant 0 : i32
      %dma_wait3A_123 = tpu.memref_slice %arg2[%dma_wait3A_121, %dma_wait3A_122] : memref<10000x128xf32, #tpu.memory_space<hbm>> -> memref<10000x128xf32, #tpu.memory_space<hbm>>
      tpu.wait_indirect_dma semaphore(%arg14 : memref<!tpu.dma_semaphore, #tpu.memory_space<semaphore_mem>>) src(%dma_wait3A_123 : memref<10000x128xf32, #tpu.memory_space<hbm>>) dst(%arg12 : memref<128x128xf32, #tpu.memory_space<vmem>>)
      %run_scoped3A_124 = arith.constant 6 : i32
      "tpu.region"() ({
        %run_scoped3A_313 = tpu.sem_alloc : memref<!tpu.dma_semaphore, #tpu.memory_space<semaphore_mem>>
        %dma_start3A_314 = arith.constant 0 : i32
        %dma_start3A_315 = tpu.memref_slice %arg10[%run_scoped3A_124, %dma_start3A_314] : memref<20x128xi32, #tpu.memory_space<vmem>> -> memref<1x128xi32, #tpu.memory_space<vmem>>
        %dma_start3A_316 = tpu.memref_squeeze %dma_start3A_315 : memref<1x128xi32, #tpu.memory_space<vmem>> -> memref<128xi32, #tpu.memory_space<vmem>>
        %dma_start3A_317 = arith.constant 0 : i32
        %dma_start3A_318 = arith.constant 0 : i32
        %dma_start3A_319 = tpu.memref_slice %arg8[%dma_start3A_317, %dma_start3A_318] : memref<10240x128xf32, #tpu.memory_space<vmem_shared>> -> memref<10240x128xf32, #tpu.memory_space<vmem_shared>>
        tpu.enqueue_indirect_dma source(%arg12 : memref<128x128xf32, #tpu.memory_space<vmem>>) target(%dma_start3A_319 : memref<10240x128xf32, #tpu.memory_space<vmem_shared>>) offsets(%dma_start3A_316 : memref<128xi32, #tpu.memory_space<vmem>>) semaphore(%run_scoped3A_313 : memref<!tpu.dma_semaphore, #tpu.memory_space<semaphore_mem>>) {add = true}
        %dma_wait3A_320 = arith.constant 0 : i32
        %dma_wait3A_321 = tpu.memref_slice %arg10[%run_scoped3A_124, %dma_wait3A_320] : memref<20x128xi32, #tpu.memory_space<vmem>> -> memref<1x128xi32, #tpu.memory_space<vmem>>
        %dma_wait3A_322 = tpu.memref_squeeze %dma_wait3A_321 : memref<1x128xi32, #tpu.memory_space<vmem>> -> memref<128xi32, #tpu.memory_space<vmem>>
        %dma_wait3A_323 = arith.constant 0 : i32
        %dma_wait3A_324 = arith.constant 0 : i32
        %dma_wait3A_325 = tpu.memref_slice %arg8[%dma_wait3A_323, %dma_wait3A_324] : memref<10240x128xf32, #tpu.memory_space<vmem_shared>> -> memref<10240x128xf32, #tpu.memory_space<vmem_shared>>
        tpu.wait_indirect_dma semaphore(%run_scoped3A_313 : memref<!tpu.dma_semaphore, #tpu.memory_space<semaphore_mem>>) src(%arg12 : memref<128x128xf32, #tpu.memory_space<vmem>>) dst(%dma_wait3A_325 : memref<10240x128xf32, #tpu.memory_space<vmem_shared>>)
        tpu.yield
      }) : () -> ()
      %dma_start3A_125 = arith.constant 8 : i32
      %dma_start3A_126 = arith.constant 0 : i32
      %dma_start3A_127 = tpu.memref_slice %arg9[%dma_start3A_125, %dma_start3A_126] : memref<20x128xi32, #tpu.memory_space<vmem>> -> memref<1x128xi32, #tpu.memory_space<vmem>>
      %dma_start3A_128 = tpu.memref_squeeze %dma_start3A_127 : memref<1x128xi32, #tpu.memory_space<vmem>> -> memref<128xi32, #tpu.memory_space<vmem>>
      %dma_start3A_129 = arith.constant 0 : i32
      %dma_start3A_130 = arith.constant 0 : i32
      %dma_start3A_131 = tpu.memref_slice %arg2[%dma_start3A_129, %dma_start3A_130] : memref<10000x128xf32, #tpu.memory_space<hbm>> -> memref<10000x128xf32, #tpu.memory_space<hbm>>
      tpu.enqueue_indirect_dma source(%dma_start3A_131 : memref<10000x128xf32, #tpu.memory_space<hbm>>) target(%arg12 : memref<128x128xf32, #tpu.memory_space<vmem>>) offsets(%dma_start3A_128 : memref<128xi32, #tpu.memory_space<vmem>>) semaphore(%arg14 : memref<!tpu.dma_semaphore, #tpu.memory_space<semaphore_mem>>)
      %dma_wait3A_132 = arith.constant 7 : i32
      %dma_wait3A_133 = arith.constant 0 : i32
      %dma_wait3A_134 = tpu.memref_slice %arg9[%dma_wait3A_132, %dma_wait3A_133] : memref<20x128xi32, #tpu.memory_space<vmem>> -> memref<1x128xi32, #tpu.memory_space<vmem>>
      %dma_wait3A_135 = tpu.memref_squeeze %dma_wait3A_134 : memref<1x128xi32, #tpu.memory_space<vmem>> -> memref<128xi32, #tpu.memory_space<vmem>>
      %dma_wait3A_136 = arith.constant 0 : i32
      %dma_wait3A_137 = arith.constant 0 : i32
      %dma_wait3A_138 = tpu.memref_slice %arg2[%dma_wait3A_136, %dma_wait3A_137] : memref<10000x128xf32, #tpu.memory_space<hbm>> -> memref<10000x128xf32, #tpu.memory_space<hbm>>
      tpu.wait_indirect_dma semaphore(%arg15 : memref<!tpu.dma_semaphore, #tpu.memory_space<semaphore_mem>>) src(%dma_wait3A_138 : memref<10000x128xf32, #tpu.memory_space<hbm>>) dst(%arg13 : memref<128x128xf32, #tpu.memory_space<vmem>>)
      %run_scoped3A_139 = arith.constant 7 : i32
      "tpu.region"() ({
        %run_scoped3A_313 = tpu.sem_alloc : memref<!tpu.dma_semaphore, #tpu.memory_space<semaphore_mem>>
        %dma_start3A_314 = arith.constant 0 : i32
        %dma_start3A_315 = tpu.memref_slice %arg10[%run_scoped3A_139, %dma_start3A_314] : memref<20x128xi32, #tpu.memory_space<vmem>> -> memref<1x128xi32, #tpu.memory_space<vmem>>
        %dma_start3A_316 = tpu.memref_squeeze %dma_start3A_315 : memref<1x128xi32, #tpu.memory_space<vmem>> -> memref<128xi32, #tpu.memory_space<vmem>>
        %dma_start3A_317 = arith.constant 0 : i32
        %dma_start3A_318 = arith.constant 0 : i32
        %dma_start3A_319 = tpu.memref_slice %arg8[%dma_start3A_317, %dma_start3A_318] : memref<10240x128xf32, #tpu.memory_space<vmem_shared>> -> memref<10240x128xf32, #tpu.memory_space<vmem_shared>>
        tpu.enqueue_indirect_dma source(%arg13 : memref<128x128xf32, #tpu.memory_space<vmem>>) target(%dma_start3A_319 : memref<10240x128xf32, #tpu.memory_space<vmem_shared>>) offsets(%dma_start3A_316 : memref<128xi32, #tpu.memory_space<vmem>>) semaphore(%run_scoped3A_313 : memref<!tpu.dma_semaphore, #tpu.memory_space<semaphore_mem>>) {add = true}
        %dma_wait3A_320 = arith.constant 0 : i32
        %dma_wait3A_321 = tpu.memref_slice %arg10[%run_scoped3A_139, %dma_wait3A_320] : memref<20x128xi32, #tpu.memory_space<vmem>> -> memref<1x128xi32, #tpu.memory_space<vmem>>
        %dma_wait3A_322 = tpu.memref_squeeze %dma_wait3A_321 : memref<1x128xi32, #tpu.memory_space<vmem>> -> memref<128xi32, #tpu.memory_space<vmem>>
        %dma_wait3A_323 = arith.constant 0 : i32
        %dma_wait3A_324 = arith.constant 0 : i32
        %dma_wait3A_325 = tpu.memref_slice %arg8[%dma_wait3A_323, %dma_wait3A_324] : memref<10240x128xf32, #tpu.memory_space<vmem_shared>> -> memref<10240x128xf32, #tpu.memory_space<vmem_shared>>
        tpu.wait_indirect_dma semaphore(%run_scoped3A_313 : memref<!tpu.dma_semaphore, #tpu.memory_space<semaphore_mem>>) src(%arg13 : memref<128x128xf32, #tpu.memory_space<vmem>>) dst(%dma_wait3A_325 : memref<10240x128xf32, #tpu.memory_space<vmem_shared>>)
        tpu.yield
      }) : () -> ()
      %dma_start3A_140 = arith.constant 9 : i32
      %dma_start3A_141 = arith.constant 0 : i32
      %dma_start3A_142 = tpu.memref_slice %arg9[%dma_start3A_140, %dma_start3A_141] : memref<20x128xi32, #tpu.memory_space<vmem>> -> memref<1x128xi32, #tpu.memory_space<vmem>>
      %dma_start3A_143 = tpu.memref_squeeze %dma_start3A_142 : memref<1x128xi32, #tpu.memory_space<vmem>> -> memref<128xi32, #tpu.memory_space<vmem>>
      %dma_start3A_144 = arith.constant 0 : i32
      %dma_start3A_145 = arith.constant 0 : i32
      %dma_start3A_146 = tpu.memref_slice %arg2[%dma_start3A_144, %dma_start3A_145] : memref<10000x128xf32, #tpu.memory_space<hbm>> -> memref<10000x128xf32, #tpu.memory_space<hbm>>
      tpu.enqueue_indirect_dma source(%dma_start3A_146 : memref<10000x128xf32, #tpu.memory_space<hbm>>) target(%arg13 : memref<128x128xf32, #tpu.memory_space<vmem>>) offsets(%dma_start3A_143 : memref<128xi32, #tpu.memory_space<vmem>>) semaphore(%arg15 : memref<!tpu.dma_semaphore, #tpu.memory_space<semaphore_mem>>)
      %dma_wait3A_147 = arith.constant 8 : i32
      %dma_wait3A_148 = arith.constant 0 : i32
      %dma_wait3A_149 = tpu.memref_slice %arg9[%dma_wait3A_147, %dma_wait3A_148] : memref<20x128xi32, #tpu.memory_space<vmem>> -> memref<1x128xi32, #tpu.memory_space<vmem>>
      %dma_wait3A_150 = tpu.memref_squeeze %dma_wait3A_149 : memref<1x128xi32, #tpu.memory_space<vmem>> -> memref<128xi32, #tpu.memory_space<vmem>>
      %dma_wait3A_151 = arith.constant 0 : i32
      %dma_wait3A_152 = arith.constant 0 : i32
      %dma_wait3A_153 = tpu.memref_slice %arg2[%dma_wait3A_151, %dma_wait3A_152] : memref<10000x128xf32, #tpu.memory_space<hbm>> -> memref<10000x128xf32, #tpu.memory_space<hbm>>
      tpu.wait_indirect_dma semaphore(%arg14 : memref<!tpu.dma_semaphore, #tpu.memory_space<semaphore_mem>>) src(%dma_wait3A_153 : memref<10000x128xf32, #tpu.memory_space<hbm>>) dst(%arg12 : memref<128x128xf32, #tpu.memory_space<vmem>>)
      %run_scoped3A_154 = arith.constant 8 : i32
      "tpu.region"() ({
        %run_scoped3A_313 = tpu.sem_alloc : memref<!tpu.dma_semaphore, #tpu.memory_space<semaphore_mem>>
        %dma_start3A_314 = arith.constant 0 : i32
        %dma_start3A_315 = tpu.memref_slice %arg10[%run_scoped3A_154, %dma_start3A_314] : memref<20x128xi32, #tpu.memory_space<vmem>> -> memref<1x128xi32, #tpu.memory_space<vmem>>
        %dma_start3A_316 = tpu.memref_squeeze %dma_start3A_315 : memref<1x128xi32, #tpu.memory_space<vmem>> -> memref<128xi32, #tpu.memory_space<vmem>>
        %dma_start3A_317 = arith.constant 0 : i32
        %dma_start3A_318 = arith.constant 0 : i32
        %dma_start3A_319 = tpu.memref_slice %arg8[%dma_start3A_317, %dma_start3A_318] : memref<10240x128xf32, #tpu.memory_space<vmem_shared>> -> memref<10240x128xf32, #tpu.memory_space<vmem_shared>>
        tpu.enqueue_indirect_dma source(%arg12 : memref<128x128xf32, #tpu.memory_space<vmem>>) target(%dma_start3A_319 : memref<10240x128xf32, #tpu.memory_space<vmem_shared>>) offsets(%dma_start3A_316 : memref<128xi32, #tpu.memory_space<vmem>>) semaphore(%run_scoped3A_313 : memref<!tpu.dma_semaphore, #tpu.memory_space<semaphore_mem>>) {add = true}
        %dma_wait3A_320 = arith.constant 0 : i32
        %dma_wait3A_321 = tpu.memref_slice %arg10[%run_scoped3A_154, %dma_wait3A_320] : memref<20x128xi32, #tpu.memory_space<vmem>> -> memref<1x128xi32, #tpu.memory_space<vmem>>
        %dma_wait3A_322 = tpu.memref_squeeze %dma_wait3A_321 : memref<1x128xi32, #tpu.memory_space<vmem>> -> memref<128xi32, #tpu.memory_space<vmem>>
        %dma_wait3A_323 = arith.constant 0 : i32
        %dma_wait3A_324 = arith.constant 0 : i32
        %dma_wait3A_325 = tpu.memref_slice %arg8[%dma_wait3A_323, %dma_wait3A_324] : memref<10240x128xf32, #tpu.memory_space<vmem_shared>> -> memref<10240x128xf32, #tpu.memory_space<vmem_shared>>
        tpu.wait_indirect_dma semaphore(%run_scoped3A_313 : memref<!tpu.dma_semaphore, #tpu.memory_space<semaphore_mem>>) src(%arg12 : memref<128x128xf32, #tpu.memory_space<vmem>>) dst(%dma_wait3A_325 : memref<10240x128xf32, #tpu.memory_space<vmem_shared>>)
        tpu.yield
      }) : () -> ()
      %dma_start3A_155 = arith.constant 10 : i32
      %dma_start3A_156 = arith.constant 0 : i32
      %dma_start3A_157 = tpu.memref_slice %arg9[%dma_start3A_155, %dma_start3A_156] : memref<20x128xi32, #tpu.memory_space<vmem>> -> memref<1x128xi32, #tpu.memory_space<vmem>>
      %dma_start3A_158 = tpu.memref_squeeze %dma_start3A_157 : memref<1x128xi32, #tpu.memory_space<vmem>> -> memref<128xi32, #tpu.memory_space<vmem>>
      %dma_start3A_159 = arith.constant 0 : i32
      %dma_start3A_160 = arith.constant 0 : i32
      %dma_start3A_161 = tpu.memref_slice %arg2[%dma_start3A_159, %dma_start3A_160] : memref<10000x128xf32, #tpu.memory_space<hbm>> -> memref<10000x128xf32, #tpu.memory_space<hbm>>
      tpu.enqueue_indirect_dma source(%dma_start3A_161 : memref<10000x128xf32, #tpu.memory_space<hbm>>) target(%arg12 : memref<128x128xf32, #tpu.memory_space<vmem>>) offsets(%dma_start3A_158 : memref<128xi32, #tpu.memory_space<vmem>>) semaphore(%arg14 : memref<!tpu.dma_semaphore, #tpu.memory_space<semaphore_mem>>)
      %dma_wait3A_162 = arith.constant 9 : i32
      %dma_wait3A_163 = arith.constant 0 : i32
      %dma_wait3A_164 = tpu.memref_slice %arg9[%dma_wait3A_162, %dma_wait3A_163] : memref<20x128xi32, #tpu.memory_space<vmem>> -> memref<1x128xi32, #tpu.memory_space<vmem>>
      %dma_wait3A_165 = tpu.memref_squeeze %dma_wait3A_164 : memref<1x128xi32, #tpu.memory_space<vmem>> -> memref<128xi32, #tpu.memory_space<vmem>>
      %dma_wait3A_166 = arith.constant 0 : i32
      %dma_wait3A_167 = arith.constant 0 : i32
      %dma_wait3A_168 = tpu.memref_slice %arg2[%dma_wait3A_166, %dma_wait3A_167] : memref<10000x128xf32, #tpu.memory_space<hbm>> -> memref<10000x128xf32, #tpu.memory_space<hbm>>
      tpu.wait_indirect_dma semaphore(%arg15 : memref<!tpu.dma_semaphore, #tpu.memory_space<semaphore_mem>>) src(%dma_wait3A_168 : memref<10000x128xf32, #tpu.memory_space<hbm>>) dst(%arg13 : memref<128x128xf32, #tpu.memory_space<vmem>>)
      %run_scoped3A_169 = arith.constant 9 : i32
      "tpu.region"() ({
        %run_scoped3A_313 = tpu.sem_alloc : memref<!tpu.dma_semaphore, #tpu.memory_space<semaphore_mem>>
        %dma_start3A_314 = arith.constant 0 : i32
        %dma_start3A_315 = tpu.memref_slice %arg10[%run_scoped3A_169, %dma_start3A_314] : memref<20x128xi32, #tpu.memory_space<vmem>> -> memref<1x128xi32, #tpu.memory_space<vmem>>
        %dma_start3A_316 = tpu.memref_squeeze %dma_start3A_315 : memref<1x128xi32, #tpu.memory_space<vmem>> -> memref<128xi32, #tpu.memory_space<vmem>>
        %dma_start3A_317 = arith.constant 0 : i32
        %dma_start3A_318 = arith.constant 0 : i32
        %dma_start3A_319 = tpu.memref_slice %arg8[%dma_start3A_317, %dma_start3A_318] : memref<10240x128xf32, #tpu.memory_space<vmem_shared>> -> memref<10240x128xf32, #tpu.memory_space<vmem_shared>>
        tpu.enqueue_indirect_dma source(%arg13 : memref<128x128xf32, #tpu.memory_space<vmem>>) target(%dma_start3A_319 : memref<10240x128xf32, #tpu.memory_space<vmem_shared>>) offsets(%dma_start3A_316 : memref<128xi32, #tpu.memory_space<vmem>>) semaphore(%run_scoped3A_313 : memref<!tpu.dma_semaphore, #tpu.memory_space<semaphore_mem>>) {add = true}
        %dma_wait3A_320 = arith.constant 0 : i32
        %dma_wait3A_321 = tpu.memref_slice %arg10[%run_scoped3A_169, %dma_wait3A_320] : memref<20x128xi32, #tpu.memory_space<vmem>> -> memref<1x128xi32, #tpu.memory_space<vmem>>
        %dma_wait3A_322 = tpu.memref_squeeze %dma_wait3A_321 : memref<1x128xi32, #tpu.memory_space<vmem>> -> memref<128xi32, #tpu.memory_space<vmem>>
        %dma_wait3A_323 = arith.constant 0 : i32
        %dma_wait3A_324 = arith.constant 0 : i32
        %dma_wait3A_325 = tpu.memref_slice %arg8[%dma_wait3A_323, %dma_wait3A_324] : memref<10240x128xf32, #tpu.memory_space<vmem_shared>> -> memref<10240x128xf32, #tpu.memory_space<vmem_shared>>
        tpu.wait_indirect_dma semaphore(%run_scoped3A_313 : memref<!tpu.dma_semaphore, #tpu.memory_space<semaphore_mem>>) src(%arg13 : memref<128x128xf32, #tpu.memory_space<vmem>>) dst(%dma_wait3A_325 : memref<10240x128xf32, #tpu.memory_space<vmem_shared>>)
        tpu.yield
      }) : () -> ()
      %dma_start3A_170 = arith.constant 11 : i32
      %dma_start3A_171 = arith.constant 0 : i32
      %dma_start3A_172 = tpu.memref_slice %arg9[%dma_start3A_170, %dma_start3A_171] : memref<20x128xi32, #tpu.memory_space<vmem>> -> memref<1x128xi32, #tpu.memory_space<vmem>>
      %dma_start3A_173 = tpu.memref_squeeze %dma_start3A_172 : memref<1x128xi32, #tpu.memory_space<vmem>> -> memref<128xi32, #tpu.memory_space<vmem>>
      %dma_start3A_174 = arith.constant 0 : i32
      %dma_start3A_175 = arith.constant 0 : i32
      %dma_start3A_176 = tpu.memref_slice %arg2[%dma_start3A_174, %dma_start3A_175] : memref<10000x128xf32, #tpu.memory_space<hbm>> -> memref<10000x128xf32, #tpu.memory_space<hbm>>
      tpu.enqueue_indirect_dma source(%dma_start3A_176 : memref<10000x128xf32, #tpu.memory_space<hbm>>) target(%arg13 : memref<128x128xf32, #tpu.memory_space<vmem>>) offsets(%dma_start3A_173 : memref<128xi32, #tpu.memory_space<vmem>>) semaphore(%arg15 : memref<!tpu.dma_semaphore, #tpu.memory_space<semaphore_mem>>)
      %dma_wait3A_177 = arith.constant 10 : i32
      %dma_wait3A_178 = arith.constant 0 : i32
      %dma_wait3A_179 = tpu.memref_slice %arg9[%dma_wait3A_177, %dma_wait3A_178] : memref<20x128xi32, #tpu.memory_space<vmem>> -> memref<1x128xi32, #tpu.memory_space<vmem>>
      %dma_wait3A_180 = tpu.memref_squeeze %dma_wait3A_179 : memref<1x128xi32, #tpu.memory_space<vmem>> -> memref<128xi32, #tpu.memory_space<vmem>>
      %dma_wait3A_181 = arith.constant 0 : i32
      %dma_wait3A_182 = arith.constant 0 : i32
      %dma_wait3A_183 = tpu.memref_slice %arg2[%dma_wait3A_181, %dma_wait3A_182] : memref<10000x128xf32, #tpu.memory_space<hbm>> -> memref<10000x128xf32, #tpu.memory_space<hbm>>
      tpu.wait_indirect_dma semaphore(%arg14 : memref<!tpu.dma_semaphore, #tpu.memory_space<semaphore_mem>>) src(%dma_wait3A_183 : memref<10000x128xf32, #tpu.memory_space<hbm>>) dst(%arg12 : memref<128x128xf32, #tpu.memory_space<vmem>>)
      %run_scoped3A_184 = arith.constant 10 : i32
      "tpu.region"() ({
        %run_scoped3A_313 = tpu.sem_alloc : memref<!tpu.dma_semaphore, #tpu.memory_space<semaphore_mem>>
        %dma_start3A_314 = arith.constant 0 : i32
        %dma_start3A_315 = tpu.memref_slice %arg10[%run_scoped3A_184, %dma_start3A_314] : memref<20x128xi32, #tpu.memory_space<vmem>> -> memref<1x128xi32, #tpu.memory_space<vmem>>
        %dma_start3A_316 = tpu.memref_squeeze %dma_start3A_315 : memref<1x128xi32, #tpu.memory_space<vmem>> -> memref<128xi32, #tpu.memory_space<vmem>>
        %dma_start3A_317 = arith.constant 0 : i32
        %dma_start3A_318 = arith.constant 0 : i32
        %dma_start3A_319 = tpu.memref_slice %arg8[%dma_start3A_317, %dma_start3A_318] : memref<10240x128xf32, #tpu.memory_space<vmem_shared>> -> memref<10240x128xf32, #tpu.memory_space<vmem_shared>>
        tpu.enqueue_indirect_dma source(%arg12 : memref<128x128xf32, #tpu.memory_space<vmem>>) target(%dma_start3A_319 : memref<10240x128xf32, #tpu.memory_space<vmem_shared>>) offsets(%dma_start3A_316 : memref<128xi32, #tpu.memory_space<vmem>>) semaphore(%run_scoped3A_313 : memref<!tpu.dma_semaphore, #tpu.memory_space<semaphore_mem>>) {add = true}
        %dma_wait3A_320 = arith.constant 0 : i32
        %dma_wait3A_321 = tpu.memref_slice %arg10[%run_scoped3A_184, %dma_wait3A_320] : memref<20x128xi32, #tpu.memory_space<vmem>> -> memref<1x128xi32, #tpu.memory_space<vmem>>
        %dma_wait3A_322 = tpu.memref_squeeze %dma_wait3A_321 : memref<1x128xi32, #tpu.memory_space<vmem>> -> memref<128xi32, #tpu.memory_space<vmem>>
        %dma_wait3A_323 = arith.constant 0 : i32
        %dma_wait3A_324 = arith.constant 0 : i32
        %dma_wait3A_325 = tpu.memref_slice %arg8[%dma_wait3A_323, %dma_wait3A_324] : memref<10240x128xf32, #tpu.memory_space<vmem_shared>> -> memref<10240x128xf32, #tpu.memory_space<vmem_shared>>
        tpu.wait_indirect_dma semaphore(%run_scoped3A_313 : memref<!tpu.dma_semaphore, #tpu.memory_space<semaphore_mem>>) src(%arg12 : memref<128x128xf32, #tpu.memory_space<vmem>>) dst(%dma_wait3A_325 : memref<10240x128xf32, #tpu.memory_space<vmem_shared>>)
        tpu.yield
      }) : () -> ()
      %dma_start3A_185 = arith.constant 12 : i32
      %dma_start3A_186 = arith.constant 0 : i32
      %dma_start3A_187 = tpu.memref_slice %arg9[%dma_start3A_185, %dma_start3A_186] : memref<20x128xi32, #tpu.memory_space<vmem>> -> memref<1x128xi32, #tpu.memory_space<vmem>>
      %dma_start3A_188 = tpu.memref_squeeze %dma_start3A_187 : memref<1x128xi32, #tpu.memory_space<vmem>> -> memref<128xi32, #tpu.memory_space<vmem>>
      %dma_start3A_189 = arith.constant 0 : i32
      %dma_start3A_190 = arith.constant 0 : i32
      %dma_start3A_191 = tpu.memref_slice %arg2[%dma_start3A_189, %dma_start3A_190] : memref<10000x128xf32, #tpu.memory_space<hbm>> -> memref<10000x128xf32, #tpu.memory_space<hbm>>
      tpu.enqueue_indirect_dma source(%dma_start3A_191 : memref<10000x128xf32, #tpu.memory_space<hbm>>) target(%arg12 : memref<128x128xf32, #tpu.memory_space<vmem>>) offsets(%dma_start3A_188 : memref<128xi32, #tpu.memory_space<vmem>>) semaphore(%arg14 : memref<!tpu.dma_semaphore, #tpu.memory_space<semaphore_mem>>)
      %dma_wait3A_192 = arith.constant 11 : i32
      %dma_wait3A_193 = arith.constant 0 : i32
      %dma_wait3A_194 = tpu.memref_slice %arg9[%dma_wait3A_192, %dma_wait3A_193] : memref<20x128xi32, #tpu.memory_space<vmem>> -> memref<1x128xi32, #tpu.memory_space<vmem>>
      %dma_wait3A_195 = tpu.memref_squeeze %dma_wait3A_194 : memref<1x128xi32, #tpu.memory_space<vmem>> -> memref<128xi32, #tpu.memory_space<vmem>>
      %dma_wait3A_196 = arith.constant 0 : i32
      %dma_wait3A_197 = arith.constant 0 : i32
      %dma_wait3A_198 = tpu.memref_slice %arg2[%dma_wait3A_196, %dma_wait3A_197] : memref<10000x128xf32, #tpu.memory_space<hbm>> -> memref<10000x128xf32, #tpu.memory_space<hbm>>
      tpu.wait_indirect_dma semaphore(%arg15 : memref<!tpu.dma_semaphore, #tpu.memory_space<semaphore_mem>>) src(%dma_wait3A_198 : memref<10000x128xf32, #tpu.memory_space<hbm>>) dst(%arg13 : memref<128x128xf32, #tpu.memory_space<vmem>>)
      %run_scoped3A_199 = arith.constant 11 : i32
      "tpu.region"() ({
        %run_scoped3A_313 = tpu.sem_alloc : memref<!tpu.dma_semaphore, #tpu.memory_space<semaphore_mem>>
        %dma_start3A_314 = arith.constant 0 : i32
        %dma_start3A_315 = tpu.memref_slice %arg10[%run_scoped3A_199, %dma_start3A_314] : memref<20x128xi32, #tpu.memory_space<vmem>> -> memref<1x128xi32, #tpu.memory_space<vmem>>
        %dma_start3A_316 = tpu.memref_squeeze %dma_start3A_315 : memref<1x128xi32, #tpu.memory_space<vmem>> -> memref<128xi32, #tpu.memory_space<vmem>>
        %dma_start3A_317 = arith.constant 0 : i32
        %dma_start3A_318 = arith.constant 0 : i32
        %dma_start3A_319 = tpu.memref_slice %arg8[%dma_start3A_317, %dma_start3A_318] : memref<10240x128xf32, #tpu.memory_space<vmem_shared>> -> memref<10240x128xf32, #tpu.memory_space<vmem_shared>>
        tpu.enqueue_indirect_dma source(%arg13 : memref<128x128xf32, #tpu.memory_space<vmem>>) target(%dma_start3A_319 : memref<10240x128xf32, #tpu.memory_space<vmem_shared>>) offsets(%dma_start3A_316 : memref<128xi32, #tpu.memory_space<vmem>>) semaphore(%run_scoped3A_313 : memref<!tpu.dma_semaphore, #tpu.memory_space<semaphore_mem>>) {add = true}
        %dma_wait3A_320 = arith.constant 0 : i32
        %dma_wait3A_321 = tpu.memref_slice %arg10[%run_scoped3A_199, %dma_wait3A_320] : memref<20x128xi32, #tpu.memory_space<vmem>> -> memref<1x128xi32, #tpu.memory_space<vmem>>
        %dma_wait3A_322 = tpu.memref_squeeze %dma_wait3A_321 : memref<1x128xi32, #tpu.memory_space<vmem>> -> memref<128xi32, #tpu.memory_space<vmem>>
        %dma_wait3A_323 = arith.constant 0 : i32
        %dma_wait3A_324 = arith.constant 0 : i32
        %dma_wait3A_325 = tpu.memref_slice %arg8[%dma_wait3A_323, %dma_wait3A_324] : memref<10240x128xf32, #tpu.memory_space<vmem_shared>> -> memref<10240x128xf32, #tpu.memory_space<vmem_shared>>
        tpu.wait_indirect_dma semaphore(%run_scoped3A_313 : memref<!tpu.dma_semaphore, #tpu.memory_space<semaphore_mem>>) src(%arg13 : memref<128x128xf32, #tpu.memory_space<vmem>>) dst(%dma_wait3A_325 : memref<10240x128xf32, #tpu.memory_space<vmem_shared>>)
        tpu.yield
      }) : () -> ()
      %dma_start3A_200 = arith.constant 13 : i32
      %dma_start3A_201 = arith.constant 0 : i32
      %dma_start3A_202 = tpu.memref_slice %arg9[%dma_start3A_200, %dma_start3A_201] : memref<20x128xi32, #tpu.memory_space<vmem>> -> memref<1x128xi32, #tpu.memory_space<vmem>>
      %dma_start3A_203 = tpu.memref_squeeze %dma_start3A_202 : memref<1x128xi32, #tpu.memory_space<vmem>> -> memref<128xi32, #tpu.memory_space<vmem>>
      %dma_start3A_204 = arith.constant 0 : i32
      %dma_start3A_205 = arith.constant 0 : i32
      %dma_start3A_206 = tpu.memref_slice %arg2[%dma_start3A_204, %dma_start3A_205] : memref<10000x128xf32, #tpu.memory_space<hbm>> -> memref<10000x128xf32, #tpu.memory_space<hbm>>
      tpu.enqueue_indirect_dma source(%dma_start3A_206 : memref<10000x128xf32, #tpu.memory_space<hbm>>) target(%arg13 : memref<128x128xf32, #tpu.memory_space<vmem>>) offsets(%dma_start3A_203 : memref<128xi32, #tpu.memory_space<vmem>>) semaphore(%arg15 : memref<!tpu.dma_semaphore, #tpu.memory_space<semaphore_mem>>)
      %dma_wait3A_207 = arith.constant 12 : i32
      %dma_wait3A_208 = arith.constant 0 : i32
      %dma_wait3A_209 = tpu.memref_slice %arg9[%dma_wait3A_207, %dma_wait3A_208] : memref<20x128xi32, #tpu.memory_space<vmem>> -> memref<1x128xi32, #tpu.memory_space<vmem>>
      %dma_wait3A_210 = tpu.memref_squeeze %dma_wait3A_209 : memref<1x128xi32, #tpu.memory_space<vmem>> -> memref<128xi32, #tpu.memory_space<vmem>>
      %dma_wait3A_211 = arith.constant 0 : i32
      %dma_wait3A_212 = arith.constant 0 : i32
      %dma_wait3A_213 = tpu.memref_slice %arg2[%dma_wait3A_211, %dma_wait3A_212] : memref<10000x128xf32, #tpu.memory_space<hbm>> -> memref<10000x128xf32, #tpu.memory_space<hbm>>
      tpu.wait_indirect_dma semaphore(%arg14 : memref<!tpu.dma_semaphore, #tpu.memory_space<semaphore_mem>>) src(%dma_wait3A_213 : memref<10000x128xf32, #tpu.memory_space<hbm>>) dst(%arg12 : memref<128x128xf32, #tpu.memory_space<vmem>>)
      %run_scoped3A_214 = arith.constant 12 : i32
      "tpu.region"() ({
        %run_scoped3A_313 = tpu.sem_alloc : memref<!tpu.dma_semaphore, #tpu.memory_space<semaphore_mem>>
        %dma_start3A_314 = arith.constant 0 : i32
        %dma_start3A_315 = tpu.memref_slice %arg10[%run_scoped3A_214, %dma_start3A_314] : memref<20x128xi32, #tpu.memory_space<vmem>> -> memref<1x128xi32, #tpu.memory_space<vmem>>
        %dma_start3A_316 = tpu.memref_squeeze %dma_start3A_315 : memref<1x128xi32, #tpu.memory_space<vmem>> -> memref<128xi32, #tpu.memory_space<vmem>>
        %dma_start3A_317 = arith.constant 0 : i32
        %dma_start3A_318 = arith.constant 0 : i32
        %dma_start3A_319 = tpu.memref_slice %arg8[%dma_start3A_317, %dma_start3A_318] : memref<10240x128xf32, #tpu.memory_space<vmem_shared>> -> memref<10240x128xf32, #tpu.memory_space<vmem_shared>>
        tpu.enqueue_indirect_dma source(%arg12 : memref<128x128xf32, #tpu.memory_space<vmem>>) target(%dma_start3A_319 : memref<10240x128xf32, #tpu.memory_space<vmem_shared>>) offsets(%dma_start3A_316 : memref<128xi32, #tpu.memory_space<vmem>>) semaphore(%run_scoped3A_313 : memref<!tpu.dma_semaphore, #tpu.memory_space<semaphore_mem>>) {add = true}
        %dma_wait3A_320 = arith.constant 0 : i32
        %dma_wait3A_321 = tpu.memref_slice %arg10[%run_scoped3A_214, %dma_wait3A_320] : memref<20x128xi32, #tpu.memory_space<vmem>> -> memref<1x128xi32, #tpu.memory_space<vmem>>
        %dma_wait3A_322 = tpu.memref_squeeze %dma_wait3A_321 : memref<1x128xi32, #tpu.memory_space<vmem>> -> memref<128xi32, #tpu.memory_space<vmem>>
        %dma_wait3A_323 = arith.constant 0 : i32
        %dma_wait3A_324 = arith.constant 0 : i32
        %dma_wait3A_325 = tpu.memref_slice %arg8[%dma_wait3A_323, %dma_wait3A_324] : memref<10240x128xf32, #tpu.memory_space<vmem_shared>> -> memref<10240x128xf32, #tpu.memory_space<vmem_shared>>
        tpu.wait_indirect_dma semaphore(%run_scoped3A_313 : memref<!tpu.dma_semaphore, #tpu.memory_space<semaphore_mem>>) src(%arg12 : memref<128x128xf32, #tpu.memory_space<vmem>>) dst(%dma_wait3A_325 : memref<10240x128xf32, #tpu.memory_space<vmem_shared>>)
        tpu.yield
      }) : () -> ()
      %dma_start3A_215 = arith.constant 14 : i32
      %dma_start3A_216 = arith.constant 0 : i32
      %dma_start3A_217 = tpu.memref_slice %arg9[%dma_start3A_215, %dma_start3A_216] : memref<20x128xi32, #tpu.memory_space<vmem>> -> memref<1x128xi32, #tpu.memory_space<vmem>>
      %dma_start3A_218 = tpu.memref_squeeze %dma_start3A_217 : memref<1x128xi32, #tpu.memory_space<vmem>> -> memref<128xi32, #tpu.memory_space<vmem>>
      %dma_start3A_219 = arith.constant 0 : i32
      %dma_start3A_220 = arith.constant 0 : i32
      %dma_start3A_221 = tpu.memref_slice %arg2[%dma_start3A_219, %dma_start3A_220] : memref<10000x128xf32, #tpu.memory_space<hbm>> -> memref<10000x128xf32, #tpu.memory_space<hbm>>
      tpu.enqueue_indirect_dma source(%dma_start3A_221 : memref<10000x128xf32, #tpu.memory_space<hbm>>) target(%arg12 : memref<128x128xf32, #tpu.memory_space<vmem>>) offsets(%dma_start3A_218 : memref<128xi32, #tpu.memory_space<vmem>>) semaphore(%arg14 : memref<!tpu.dma_semaphore, #tpu.memory_space<semaphore_mem>>)
      %dma_wait3A_222 = arith.constant 13 : i32
      %dma_wait3A_223 = arith.constant 0 : i32
      %dma_wait3A_224 = tpu.memref_slice %arg9[%dma_wait3A_222, %dma_wait3A_223] : memref<20x128xi32, #tpu.memory_space<vmem>> -> memref<1x128xi32, #tpu.memory_space<vmem>>
      %dma_wait3A_225 = tpu.memref_squeeze %dma_wait3A_224 : memref<1x128xi32, #tpu.memory_space<vmem>> -> memref<128xi32, #tpu.memory_space<vmem>>
      %dma_wait3A_226 = arith.constant 0 : i32
      %dma_wait3A_227 = arith.constant 0 : i32
      %dma_wait3A_228 = tpu.memref_slice %arg2[%dma_wait3A_226, %dma_wait3A_227] : memref<10000x128xf32, #tpu.memory_space<hbm>> -> memref<10000x128xf32, #tpu.memory_space<hbm>>
      tpu.wait_indirect_dma semaphore(%arg15 : memref<!tpu.dma_semaphore, #tpu.memory_space<semaphore_mem>>) src(%dma_wait3A_228 : memref<10000x128xf32, #tpu.memory_space<hbm>>) dst(%arg13 : memref<128x128xf32, #tpu.memory_space<vmem>>)
      %run_scoped3A_229 = arith.constant 13 : i32
      "tpu.region"() ({
        %run_scoped3A_313 = tpu.sem_alloc : memref<!tpu.dma_semaphore, #tpu.memory_space<semaphore_mem>>
        %dma_start3A_314 = arith.constant 0 : i32
        %dma_start3A_315 = tpu.memref_slice %arg10[%run_scoped3A_229, %dma_start3A_314] : memref<20x128xi32, #tpu.memory_space<vmem>> -> memref<1x128xi32, #tpu.memory_space<vmem>>
        %dma_start3A_316 = tpu.memref_squeeze %dma_start3A_315 : memref<1x128xi32, #tpu.memory_space<vmem>> -> memref<128xi32, #tpu.memory_space<vmem>>
        %dma_start3A_317 = arith.constant 0 : i32
        %dma_start3A_318 = arith.constant 0 : i32
        %dma_start3A_319 = tpu.memref_slice %arg8[%dma_start3A_317, %dma_start3A_318] : memref<10240x128xf32, #tpu.memory_space<vmem_shared>> -> memref<10240x128xf32, #tpu.memory_space<vmem_shared>>
        tpu.enqueue_indirect_dma source(%arg13 : memref<128x128xf32, #tpu.memory_space<vmem>>) target(%dma_start3A_319 : memref<10240x128xf32, #tpu.memory_space<vmem_shared>>) offsets(%dma_start3A_316 : memref<128xi32, #tpu.memory_space<vmem>>) semaphore(%run_scoped3A_313 : memref<!tpu.dma_semaphore, #tpu.memory_space<semaphore_mem>>) {add = true}
        %dma_wait3A_320 = arith.constant 0 : i32
        %dma_wait3A_321 = tpu.memref_slice %arg10[%run_scoped3A_229, %dma_wait3A_320] : memref<20x128xi32, #tpu.memory_space<vmem>> -> memref<1x128xi32, #tpu.memory_space<vmem>>
        %dma_wait3A_322 = tpu.memref_squeeze %dma_wait3A_321 : memref<1x128xi32, #tpu.memory_space<vmem>> -> memref<128xi32, #tpu.memory_space<vmem>>
        %dma_wait3A_323 = arith.constant 0 : i32
        %dma_wait3A_324 = arith.constant 0 : i32
        %dma_wait3A_325 = tpu.memref_slice %arg8[%dma_wait3A_323, %dma_wait3A_324] : memref<10240x128xf32, #tpu.memory_space<vmem_shared>> -> memref<10240x128xf32, #tpu.memory_space<vmem_shared>>
        tpu.wait_indirect_dma semaphore(%run_scoped3A_313 : memref<!tpu.dma_semaphore, #tpu.memory_space<semaphore_mem>>) src(%arg13 : memref<128x128xf32, #tpu.memory_space<vmem>>) dst(%dma_wait3A_325 : memref<10240x128xf32, #tpu.memory_space<vmem_shared>>)
        tpu.yield
      }) : () -> ()
      %dma_start3A_230 = arith.constant 15 : i32
      %dma_start3A_231 = arith.constant 0 : i32
      %dma_start3A_232 = tpu.memref_slice %arg9[%dma_start3A_230, %dma_start3A_231] : memref<20x128xi32, #tpu.memory_space<vmem>> -> memref<1x128xi32, #tpu.memory_space<vmem>>
      %dma_start3A_233 = tpu.memref_squeeze %dma_start3A_232 : memref<1x128xi32, #tpu.memory_space<vmem>> -> memref<128xi32, #tpu.memory_space<vmem>>
      %dma_start3A_234 = arith.constant 0 : i32
      %dma_start3A_235 = arith.constant 0 : i32
      %dma_start3A_236 = tpu.memref_slice %arg2[%dma_start3A_234, %dma_start3A_235] : memref<10000x128xf32, #tpu.memory_space<hbm>> -> memref<10000x128xf32, #tpu.memory_space<hbm>>
      tpu.enqueue_indirect_dma source(%dma_start3A_236 : memref<10000x128xf32, #tpu.memory_space<hbm>>) target(%arg13 : memref<128x128xf32, #tpu.memory_space<vmem>>) offsets(%dma_start3A_233 : memref<128xi32, #tpu.memory_space<vmem>>) semaphore(%arg15 : memref<!tpu.dma_semaphore, #tpu.memory_space<semaphore_mem>>)
      %dma_wait3A_237 = arith.constant 14 : i32
      %dma_wait3A_238 = arith.constant 0 : i32
      %dma_wait3A_239 = tpu.memref_slice %arg9[%dma_wait3A_237, %dma_wait3A_238] : memref<20x128xi32, #tpu.memory_space<vmem>> -> memref<1x128xi32, #tpu.memory_space<vmem>>
      %dma_wait3A_240 = tpu.memref_squeeze %dma_wait3A_239 : memref<1x128xi32, #tpu.memory_space<vmem>> -> memref<128xi32, #tpu.memory_space<vmem>>
      %dma_wait3A_241 = arith.constant 0 : i32
      %dma_wait3A_242 = arith.constant 0 : i32
      %dma_wait3A_243 = tpu.memref_slice %arg2[%dma_wait3A_241, %dma_wait3A_242] : memref<10000x128xf32, #tpu.memory_space<hbm>> -> memref<10000x128xf32, #tpu.memory_space<hbm>>
      tpu.wait_indirect_dma semaphore(%arg14 : memref<!tpu.dma_semaphore, #tpu.memory_space<semaphore_mem>>) src(%dma_wait3A_243 : memref<10000x128xf32, #tpu.memory_space<hbm>>) dst(%arg12 : memref<128x128xf32, #tpu.memory_space<vmem>>)
      %run_scoped3A_244 = arith.constant 14 : i32
      "tpu.region"() ({
        %run_scoped3A_313 = tpu.sem_alloc : memref<!tpu.dma_semaphore, #tpu.memory_space<semaphore_mem>>
        %dma_start3A_314 = arith.constant 0 : i32
        %dma_start3A_315 = tpu.memref_slice %arg10[%run_scoped3A_244, %dma_start3A_314] : memref<20x128xi32, #tpu.memory_space<vmem>> -> memref<1x128xi32, #tpu.memory_space<vmem>>
        %dma_start3A_316 = tpu.memref_squeeze %dma_start3A_315 : memref<1x128xi32, #tpu.memory_space<vmem>> -> memref<128xi32, #tpu.memory_space<vmem>>
        %dma_start3A_317 = arith.constant 0 : i32
        %dma_start3A_318 = arith.constant 0 : i32
        %dma_start3A_319 = tpu.memref_slice %arg8[%dma_start3A_317, %dma_start3A_318] : memref<10240x128xf32, #tpu.memory_space<vmem_shared>> -> memref<10240x128xf32, #tpu.memory_space<vmem_shared>>
        tpu.enqueue_indirect_dma source(%arg12 : memref<128x128xf32, #tpu.memory_space<vmem>>) target(%dma_start3A_319 : memref<10240x128xf32, #tpu.memory_space<vmem_shared>>) offsets(%dma_start3A_316 : memref<128xi32, #tpu.memory_space<vmem>>) semaphore(%run_scoped3A_313 : memref<!tpu.dma_semaphore, #tpu.memory_space<semaphore_mem>>) {add = true}
        %dma_wait3A_320 = arith.constant 0 : i32
        %dma_wait3A_321 = tpu.memref_slice %arg10[%run_scoped3A_244, %dma_wait3A_320] : memref<20x128xi32, #tpu.memory_space<vmem>> -> memref<1x128xi32, #tpu.memory_space<vmem>>
        %dma_wait3A_322 = tpu.memref_squeeze %dma_wait3A_321 : memref<1x128xi32, #tpu.memory_space<vmem>> -> memref<128xi32, #tpu.memory_space<vmem>>
        %dma_wait3A_323 = arith.constant 0 : i32
        %dma_wait3A_324 = arith.constant 0 : i32
        %dma_wait3A_325 = tpu.memref_slice %arg8[%dma_wait3A_323, %dma_wait3A_324] : memref<10240x128xf32, #tpu.memory_space<vmem_shared>> -> memref<10240x128xf32, #tpu.memory_space<vmem_shared>>
        tpu.wait_indirect_dma semaphore(%run_scoped3A_313 : memref<!tpu.dma_semaphore, #tpu.memory_space<semaphore_mem>>) src(%arg12 : memref<128x128xf32, #tpu.memory_space<vmem>>) dst(%dma_wait3A_325 : memref<10240x128xf32, #tpu.memory_space<vmem_shared>>)
        tpu.yield
      }) : () -> ()
      %dma_start3A_245 = arith.constant 16 : i32
      %dma_start3A_246 = arith.constant 0 : i32
      %dma_start3A_247 = tpu.memref_slice %arg9[%dma_start3A_245, %dma_start3A_246] : memref<20x128xi32, #tpu.memory_space<vmem>> -> memref<1x128xi32, #tpu.memory_space<vmem>>
      %dma_start3A_248 = tpu.memref_squeeze %dma_start3A_247 : memref<1x128xi32, #tpu.memory_space<vmem>> -> memref<128xi32, #tpu.memory_space<vmem>>
      %dma_start3A_249 = arith.constant 0 : i32
      %dma_start3A_250 = arith.constant 0 : i32
      %dma_start3A_251 = tpu.memref_slice %arg2[%dma_start3A_249, %dma_start3A_250] : memref<10000x128xf32, #tpu.memory_space<hbm>> -> memref<10000x128xf32, #tpu.memory_space<hbm>>
      tpu.enqueue_indirect_dma source(%dma_start3A_251 : memref<10000x128xf32, #tpu.memory_space<hbm>>) target(%arg12 : memref<128x128xf32, #tpu.memory_space<vmem>>) offsets(%dma_start3A_248 : memref<128xi32, #tpu.memory_space<vmem>>) semaphore(%arg14 : memref<!tpu.dma_semaphore, #tpu.memory_space<semaphore_mem>>)
      %dma_wait3A_252 = arith.constant 15 : i32
      %dma_wait3A_253 = arith.constant 0 : i32
      %dma_wait3A_254 = tpu.memref_slice %arg9[%dma_wait3A_252, %dma_wait3A_253] : memref<20x128xi32, #tpu.memory_space<vmem>> -> memref<1x128xi32, #tpu.memory_space<vmem>>
      %dma_wait3A_255 = tpu.memref_squeeze %dma_wait3A_254 : memref<1x128xi32, #tpu.memory_space<vmem>> -> memref<128xi32, #tpu.memory_space<vmem>>
      %dma_wait3A_256 = arith.constant 0 : i32
      %dma_wait3A_257 = arith.constant 0 : i32
      %dma_wait3A_258 = tpu.memref_slice %arg2[%dma_wait3A_256, %dma_wait3A_257] : memref<10000x128xf32, #tpu.memory_space<hbm>> -> memref<10000x128xf32, #tpu.memory_space<hbm>>
      tpu.wait_indirect_dma semaphore(%arg15 : memref<!tpu.dma_semaphore, #tpu.memory_space<semaphore_mem>>) src(%dma_wait3A_258 : memref<10000x128xf32, #tpu.memory_space<hbm>>) dst(%arg13 : memref<128x128xf32, #tpu.memory_space<vmem>>)
      %run_scoped3A_259 = arith.constant 15 : i32
      "tpu.region"() ({
        %run_scoped3A_313 = tpu.sem_alloc : memref<!tpu.dma_semaphore, #tpu.memory_space<semaphore_mem>>
        %dma_start3A_314 = arith.constant 0 : i32
        %dma_start3A_315 = tpu.memref_slice %arg10[%run_scoped3A_259, %dma_start3A_314] : memref<20x128xi32, #tpu.memory_space<vmem>> -> memref<1x128xi32, #tpu.memory_space<vmem>>
        %dma_start3A_316 = tpu.memref_squeeze %dma_start3A_315 : memref<1x128xi32, #tpu.memory_space<vmem>> -> memref<128xi32, #tpu.memory_space<vmem>>
        %dma_start3A_317 = arith.constant 0 : i32
        %dma_start3A_318 = arith.constant 0 : i32
        %dma_start3A_319 = tpu.memref_slice %arg8[%dma_start3A_317, %dma_start3A_318] : memref<10240x128xf32, #tpu.memory_space<vmem_shared>> -> memref<10240x128xf32, #tpu.memory_space<vmem_shared>>
        tpu.enqueue_indirect_dma source(%arg13 : memref<128x128xf32, #tpu.memory_space<vmem>>) target(%dma_start3A_319 : memref<10240x128xf32, #tpu.memory_space<vmem_shared>>) offsets(%dma_start3A_316 : memref<128xi32, #tpu.memory_space<vmem>>) semaphore(%run_scoped3A_313 : memref<!tpu.dma_semaphore, #tpu.memory_space<semaphore_mem>>) {add = true}
        %dma_wait3A_320 = arith.constant 0 : i32
        %dma_wait3A_321 = tpu.memref_slice %arg10[%run_scoped3A_259, %dma_wait3A_320] : memref<20x128xi32, #tpu.memory_space<vmem>> -> memref<1x128xi32, #tpu.memory_space<vmem>>
        %dma_wait3A_322 = tpu.memref_squeeze %dma_wait3A_321 : memref<1x128xi32, #tpu.memory_space<vmem>> -> memref<128xi32, #tpu.memory_space<vmem>>
        %dma_wait3A_323 = arith.constant 0 : i32
        %dma_wait3A_324 = arith.constant 0 : i32
        %dma_wait3A_325 = tpu.memref_slice %arg8[%dma_wait3A_323, %dma_wait3A_324] : memref<10240x128xf32, #tpu.memory_space<vmem_shared>> -> memref<10240x128xf32, #tpu.memory_space<vmem_shared>>
        tpu.wait_indirect_dma semaphore(%run_scoped3A_313 : memref<!tpu.dma_semaphore, #tpu.memory_space<semaphore_mem>>) src(%arg13 : memref<128x128xf32, #tpu.memory_space<vmem>>) dst(%dma_wait3A_325 : memref<10240x128xf32, #tpu.memory_space<vmem_shared>>)
        tpu.yield
      }) : () -> ()
      %dma_start3A_260 = arith.constant 17 : i32
      %dma_start3A_261 = arith.constant 0 : i32
      %dma_start3A_262 = tpu.memref_slice %arg9[%dma_start3A_260, %dma_start3A_261] : memref<20x128xi32, #tpu.memory_space<vmem>> -> memref<1x128xi32, #tpu.memory_space<vmem>>
      %dma_start3A_263 = tpu.memref_squeeze %dma_start3A_262 : memref<1x128xi32, #tpu.memory_space<vmem>> -> memref<128xi32, #tpu.memory_space<vmem>>
      %dma_start3A_264 = arith.constant 0 : i32
      %dma_start3A_265 = arith.constant 0 : i32
      %dma_start3A_266 = tpu.memref_slice %arg2[%dma_start3A_264, %dma_start3A_265] : memref<10000x128xf32, #tpu.memory_space<hbm>> -> memref<10000x128xf32, #tpu.memory_space<hbm>>
      tpu.enqueue_indirect_dma source(%dma_start3A_266 : memref<10000x128xf32, #tpu.memory_space<hbm>>) target(%arg13 : memref<128x128xf32, #tpu.memory_space<vmem>>) offsets(%dma_start3A_263 : memref<128xi32, #tpu.memory_space<vmem>>) semaphore(%arg15 : memref<!tpu.dma_semaphore, #tpu.memory_space<semaphore_mem>>)
      %dma_wait3A_267 = arith.constant 16 : i32
      %dma_wait3A_268 = arith.constant 0 : i32
      %dma_wait3A_269 = tpu.memref_slice %arg9[%dma_wait3A_267, %dma_wait3A_268] : memref<20x128xi32, #tpu.memory_space<vmem>> -> memref<1x128xi32, #tpu.memory_space<vmem>>
      %dma_wait3A_270 = tpu.memref_squeeze %dma_wait3A_269 : memref<1x128xi32, #tpu.memory_space<vmem>> -> memref<128xi32, #tpu.memory_space<vmem>>
      %dma_wait3A_271 = arith.constant 0 : i32
      %dma_wait3A_272 = arith.constant 0 : i32
      %dma_wait3A_273 = tpu.memref_slice %arg2[%dma_wait3A_271, %dma_wait3A_272] : memref<10000x128xf32, #tpu.memory_space<hbm>> -> memref<10000x128xf32, #tpu.memory_space<hbm>>
      tpu.wait_indirect_dma semaphore(%arg14 : memref<!tpu.dma_semaphore, #tpu.memory_space<semaphore_mem>>) src(%dma_wait3A_273 : memref<10000x128xf32, #tpu.memory_space<hbm>>) dst(%arg12 : memref<128x128xf32, #tpu.memory_space<vmem>>)
      %run_scoped3A_274 = arith.constant 16 : i32
      "tpu.region"() ({
        %run_scoped3A_313 = tpu.sem_alloc : memref<!tpu.dma_semaphore, #tpu.memory_space<semaphore_mem>>
        %dma_start3A_314 = arith.constant 0 : i32
        %dma_start3A_315 = tpu.memref_slice %arg10[%run_scoped3A_274, %dma_start3A_314] : memref<20x128xi32, #tpu.memory_space<vmem>> -> memref<1x128xi32, #tpu.memory_space<vmem>>
        %dma_start3A_316 = tpu.memref_squeeze %dma_start3A_315 : memref<1x128xi32, #tpu.memory_space<vmem>> -> memref<128xi32, #tpu.memory_space<vmem>>
        %dma_start3A_317 = arith.constant 0 : i32
        %dma_start3A_318 = arith.constant 0 : i32
        %dma_start3A_319 = tpu.memref_slice %arg8[%dma_start3A_317, %dma_start3A_318] : memref<10240x128xf32, #tpu.memory_space<vmem_shared>> -> memref<10240x128xf32, #tpu.memory_space<vmem_shared>>
        tpu.enqueue_indirect_dma source(%arg12 : memref<128x128xf32, #tpu.memory_space<vmem>>) target(%dma_start3A_319 : memref<10240x128xf32, #tpu.memory_space<vmem_shared>>) offsets(%dma_start3A_316 : memref<128xi32, #tpu.memory_space<vmem>>) semaphore(%run_scoped3A_313 : memref<!tpu.dma_semaphore, #tpu.memory_space<semaphore_mem>>) {add = true}
        %dma_wait3A_320 = arith.constant 0 : i32
        %dma_wait3A_321 = tpu.memref_slice %arg10[%run_scoped3A_274, %dma_wait3A_320] : memref<20x128xi32, #tpu.memory_space<vmem>> -> memref<1x128xi32, #tpu.memory_space<vmem>>
        %dma_wait3A_322 = tpu.memref_squeeze %dma_wait3A_321 : memref<1x128xi32, #tpu.memory_space<vmem>> -> memref<128xi32, #tpu.memory_space<vmem>>
        %dma_wait3A_323 = arith.constant 0 : i32
        %dma_wait3A_324 = arith.constant 0 : i32
        %dma_wait3A_325 = tpu.memref_slice %arg8[%dma_wait3A_323, %dma_wait3A_324] : memref<10240x128xf32, #tpu.memory_space<vmem_shared>> -> memref<10240x128xf32, #tpu.memory_space<vmem_shared>>
        tpu.wait_indirect_dma semaphore(%run_scoped3A_313 : memref<!tpu.dma_semaphore, #tpu.memory_space<semaphore_mem>>) src(%arg12 : memref<128x128xf32, #tpu.memory_space<vmem>>) dst(%dma_wait3A_325 : memref<10240x128xf32, #tpu.memory_space<vmem_shared>>)
        tpu.yield
      }) : () -> ()
      %dma_start3A_275 = arith.constant 18 : i32
      %dma_start3A_276 = arith.constant 0 : i32
      %dma_start3A_277 = tpu.memref_slice %arg9[%dma_start3A_275, %dma_start3A_276] : memref<20x128xi32, #tpu.memory_space<vmem>> -> memref<1x128xi32, #tpu.memory_space<vmem>>
      %dma_start3A_278 = tpu.memref_squeeze %dma_start3A_277 : memref<1x128xi32, #tpu.memory_space<vmem>> -> memref<128xi32, #tpu.memory_space<vmem>>
      %dma_start3A_279 = arith.constant 0 : i32
      %dma_start3A_280 = arith.constant 0 : i32
      %dma_start3A_281 = tpu.memref_slice %arg2[%dma_start3A_279, %dma_start3A_280] : memref<10000x128xf32, #tpu.memory_space<hbm>> -> memref<10000x128xf32, #tpu.memory_space<hbm>>
      tpu.enqueue_indirect_dma source(%dma_start3A_281 : memref<10000x128xf32, #tpu.memory_space<hbm>>) target(%arg12 : memref<128x128xf32, #tpu.memory_space<vmem>>) offsets(%dma_start3A_278 : memref<128xi32, #tpu.memory_space<vmem>>) semaphore(%arg14 : memref<!tpu.dma_semaphore, #tpu.memory_space<semaphore_mem>>)
      %dma_wait3A_282 = arith.constant 17 : i32
      %dma_wait3A_283 = arith.constant 0 : i32
      %dma_wait3A_284 = tpu.memref_slice %arg9[%dma_wait3A_282, %dma_wait3A_283] : memref<20x128xi32, #tpu.memory_space<vmem>> -> memref<1x128xi32, #tpu.memory_space<vmem>>
      %dma_wait3A_285 = tpu.memref_squeeze %dma_wait3A_284 : memref<1x128xi32, #tpu.memory_space<vmem>> -> memref<128xi32, #tpu.memory_space<vmem>>
      %dma_wait3A_286 = arith.constant 0 : i32
      %dma_wait3A_287 = arith.constant 0 : i32
      %dma_wait3A_288 = tpu.memref_slice %arg2[%dma_wait3A_286, %dma_wait3A_287] : memref<10000x128xf32, #tpu.memory_space<hbm>> -> memref<10000x128xf32, #tpu.memory_space<hbm>>
      tpu.wait_indirect_dma semaphore(%arg15 : memref<!tpu.dma_semaphore, #tpu.memory_space<semaphore_mem>>) src(%dma_wait3A_288 : memref<10000x128xf32, #tpu.memory_space<hbm>>) dst(%arg13 : memref<128x128xf32, #tpu.memory_space<vmem>>)
      %run_scoped3A_289 = arith.constant 17 : i32
      "tpu.region"() ({
        %run_scoped3A_313 = tpu.sem_alloc : memref<!tpu.dma_semaphore, #tpu.memory_space<semaphore_mem>>
        %dma_start3A_314 = arith.constant 0 : i32
        %dma_start3A_315 = tpu.memref_slice %arg10[%run_scoped3A_289, %dma_start3A_314] : memref<20x128xi32, #tpu.memory_space<vmem>> -> memref<1x128xi32, #tpu.memory_space<vmem>>
        %dma_start3A_316 = tpu.memref_squeeze %dma_start3A_315 : memref<1x128xi32, #tpu.memory_space<vmem>> -> memref<128xi32, #tpu.memory_space<vmem>>
        %dma_start3A_317 = arith.constant 0 : i32
        %dma_start3A_318 = arith.constant 0 : i32
        %dma_start3A_319 = tpu.memref_slice %arg8[%dma_start3A_317, %dma_start3A_318] : memref<10240x128xf32, #tpu.memory_space<vmem_shared>> -> memref<10240x128xf32, #tpu.memory_space<vmem_shared>>
        tpu.enqueue_indirect_dma source(%arg13 : memref<128x128xf32, #tpu.memory_space<vmem>>) target(%dma_start3A_319 : memref<10240x128xf32, #tpu.memory_space<vmem_shared>>) offsets(%dma_start3A_316 : memref<128xi32, #tpu.memory_space<vmem>>) semaphore(%run_scoped3A_313 : memref<!tpu.dma_semaphore, #tpu.memory_space<semaphore_mem>>) {add = true}
        %dma_wait3A_320 = arith.constant 0 : i32
        %dma_wait3A_321 = tpu.memref_slice %arg10[%run_scoped3A_289, %dma_wait3A_320] : memref<20x128xi32, #tpu.memory_space<vmem>> -> memref<1x128xi32, #tpu.memory_space<vmem>>
        %dma_wait3A_322 = tpu.memref_squeeze %dma_wait3A_321 : memref<1x128xi32, #tpu.memory_space<vmem>> -> memref<128xi32, #tpu.memory_space<vmem>>
        %dma_wait3A_323 = arith.constant 0 : i32
        %dma_wait3A_324 = arith.constant 0 : i32
        %dma_wait3A_325 = tpu.memref_slice %arg8[%dma_wait3A_323, %dma_wait3A_324] : memref<10240x128xf32, #tpu.memory_space<vmem_shared>> -> memref<10240x128xf32, #tpu.memory_space<vmem_shared>>
        tpu.wait_indirect_dma semaphore(%run_scoped3A_313 : memref<!tpu.dma_semaphore, #tpu.memory_space<semaphore_mem>>) src(%arg13 : memref<128x128xf32, #tpu.memory_space<vmem>>) dst(%dma_wait3A_325 : memref<10240x128xf32, #tpu.memory_space<vmem_shared>>)
        tpu.yield
      }) : () -> ()
      %dma_start3A_290 = arith.constant 19 : i32
      %dma_start3A_291 = arith.constant 0 : i32
      %dma_start3A_292 = tpu.memref_slice %arg9[%dma_start3A_290, %dma_start3A_291] : memref<20x128xi32, #tpu.memory_space<vmem>> -> memref<1x128xi32, #tpu.memory_space<vmem>>
      %dma_start3A_293 = tpu.memref_squeeze %dma_start3A_292 : memref<1x128xi32, #tpu.memory_space<vmem>> -> memref<128xi32, #tpu.memory_space<vmem>>
      %dma_start3A_294 = arith.constant 0 : i32
      %dma_start3A_295 = arith.constant 0 : i32
      %dma_start3A_296 = tpu.memref_slice %arg2[%dma_start3A_294, %dma_start3A_295] : memref<10000x128xf32, #tpu.memory_space<hbm>> -> memref<10000x128xf32, #tpu.memory_space<hbm>>
      tpu.enqueue_indirect_dma source(%dma_start3A_296 : memref<10000x128xf32, #tpu.memory_space<hbm>>) target(%arg13 : memref<128x128xf32, #tpu.memory_space<vmem>>) offsets(%dma_start3A_293 : memref<128xi32, #tpu.memory_space<vmem>>) semaphore(%arg15 : memref<!tpu.dma_semaphore, #tpu.memory_space<semaphore_mem>>)
      %dma_wait3A_297 = arith.constant 18 : i32
      %dma_wait3A_298 = arith.constant 0 : i32
      %dma_wait3A_299 = tpu.memref_slice %arg9[%dma_wait3A_297, %dma_wait3A_298] : memref<20x128xi32, #tpu.memory_space<vmem>> -> memref<1x128xi32, #tpu.memory_space<vmem>>
      %dma_wait3A_300 = tpu.memref_squeeze %dma_wait3A_299 : memref<1x128xi32, #tpu.memory_space<vmem>> -> memref<128xi32, #tpu.memory_space<vmem>>
      %dma_wait3A_301 = arith.constant 0 : i32
      %dma_wait3A_302 = arith.constant 0 : i32
      %dma_wait3A_303 = tpu.memref_slice %arg2[%dma_wait3A_301, %dma_wait3A_302] : memref<10000x128xf32, #tpu.memory_space<hbm>> -> memref<10000x128xf32, #tpu.memory_space<hbm>>
      tpu.wait_indirect_dma semaphore(%arg14 : memref<!tpu.dma_semaphore, #tpu.memory_space<semaphore_mem>>) src(%dma_wait3A_303 : memref<10000x128xf32, #tpu.memory_space<hbm>>) dst(%arg12 : memref<128x128xf32, #tpu.memory_space<vmem>>)
      %run_scoped3A_304 = arith.constant 18 : i32
      "tpu.region"() ({
        %run_scoped3A_313 = tpu.sem_alloc : memref<!tpu.dma_semaphore, #tpu.memory_space<semaphore_mem>>
        %dma_start3A_314 = arith.constant 0 : i32
        %dma_start3A_315 = tpu.memref_slice %arg10[%run_scoped3A_304, %dma_start3A_314] : memref<20x128xi32, #tpu.memory_space<vmem>> -> memref<1x128xi32, #tpu.memory_space<vmem>>
        %dma_start3A_316 = tpu.memref_squeeze %dma_start3A_315 : memref<1x128xi32, #tpu.memory_space<vmem>> -> memref<128xi32, #tpu.memory_space<vmem>>
        %dma_start3A_317 = arith.constant 0 : i32
        %dma_start3A_318 = arith.constant 0 : i32
        %dma_start3A_319 = tpu.memref_slice %arg8[%dma_start3A_317, %dma_start3A_318] : memref<10240x128xf32, #tpu.memory_space<vmem_shared>> -> memref<10240x128xf32, #tpu.memory_space<vmem_shared>>
        tpu.enqueue_indirect_dma source(%arg12 : memref<128x128xf32, #tpu.memory_space<vmem>>) target(%dma_start3A_319 : memref<10240x128xf32, #tpu.memory_space<vmem_shared>>) offsets(%dma_start3A_316 : memref<128xi32, #tpu.memory_space<vmem>>) semaphore(%run_scoped3A_313 : memref<!tpu.dma_semaphore, #tpu.memory_space<semaphore_mem>>) {add = true}
        %dma_wait3A_320 = arith.constant 0 : i32
        %dma_wait3A_321 = tpu.memref_slice %arg10[%run_scoped3A_304, %dma_wait3A_320] : memref<20x128xi32, #tpu.memory_space<vmem>> -> memref<1x128xi32, #tpu.memory_space<vmem>>
        %dma_wait3A_322 = tpu.memref_squeeze %dma_wait3A_321 : memref<1x128xi32, #tpu.memory_space<vmem>> -> memref<128xi32, #tpu.memory_space<vmem>>
        %dma_wait3A_323 = arith.constant 0 : i32
        %dma_wait3A_324 = arith.constant 0 : i32
        %dma_wait3A_325 = tpu.memref_slice %arg8[%dma_wait3A_323, %dma_wait3A_324] : memref<10240x128xf32, #tpu.memory_space<vmem_shared>> -> memref<10240x128xf32, #tpu.memory_space<vmem_shared>>
        tpu.wait_indirect_dma semaphore(%run_scoped3A_313 : memref<!tpu.dma_semaphore, #tpu.memory_space<semaphore_mem>>) src(%arg12 : memref<128x128xf32, #tpu.memory_space<vmem>>) dst(%dma_wait3A_325 : memref<10240x128xf32, #tpu.memory_space<vmem_shared>>)
        tpu.yield
      }) : () -> ()
      %dma_wait3A_305 = arith.constant 19 : i32
      %dma_wait3A_306 = arith.constant 0 : i32
      %dma_wait3A_307 = tpu.memref_slice %arg9[%dma_wait3A_305, %dma_wait3A_306] : memref<20x128xi32, #tpu.memory_space<vmem>> -> memref<1x128xi32, #tpu.memory_space<vmem>>
      %dma_wait3A_308 = tpu.memref_squeeze %dma_wait3A_307 : memref<1x128xi32, #tpu.memory_space<vmem>> -> memref<128xi32, #tpu.memory_space<vmem>>
      %dma_wait3A_309 = arith.constant 0 : i32
      %dma_wait3A_310 = arith.constant 0 : i32
      %dma_wait3A_311 = tpu.memref_slice %arg2[%dma_wait3A_309, %dma_wait3A_310] : memref<10000x128xf32, #tpu.memory_space<hbm>> -> memref<10000x128xf32, #tpu.memory_space<hbm>>
      tpu.wait_indirect_dma semaphore(%arg15 : memref<!tpu.dma_semaphore, #tpu.memory_space<semaphore_mem>>) src(%dma_wait3A_311 : memref<10000x128xf32, #tpu.memory_space<hbm>>) dst(%arg13 : memref<128x128xf32, #tpu.memory_space<vmem>>)
      %run_scoped3A_312 = arith.constant 19 : i32
      "tpu.region"() ({
        %run_scoped3A_313 = tpu.sem_alloc : memref<!tpu.dma_semaphore, #tpu.memory_space<semaphore_mem>>
        %dma_start3A_314 = arith.constant 0 : i32
        %dma_start3A_315 = tpu.memref_slice %arg10[%run_scoped3A_312, %dma_start3A_314] : memref<20x128xi32, #tpu.memory_space<vmem>> -> memref<1x128xi32, #tpu.memory_space<vmem>>
        %dma_start3A_316 = tpu.memref_squeeze %dma_start3A_315 : memref<1x128xi32, #tpu.memory_space<vmem>> -> memref<128xi32, #tpu.memory_space<vmem>>
        %dma_start3A_317 = arith.constant 0 : i32
        %dma_start3A_318 = arith.constant 0 : i32
        %dma_start3A_319 = tpu.memref_slice %arg8[%dma_start3A_317, %dma_start3A_318] : memref<10240x128xf32, #tpu.memory_space<vmem_shared>> -> memref<10240x128xf32, #tpu.memory_space<vmem_shared>>
        tpu.enqueue_indirect_dma source(%arg13 : memref<128x128xf32, #tpu.memory_space<vmem>>) target(%dma_start3A_319 : memref<10240x128xf32, #tpu.memory_space<vmem_shared>>) offsets(%dma_start3A_316 : memref<128xi32, #tpu.memory_space<vmem>>) semaphore(%run_scoped3A_313 : memref<!tpu.dma_semaphore, #tpu.memory_space<semaphore_mem>>) {add = true}
        %dma_wait3A_320 = arith.constant 0 : i32
        %dma_wait3A_321 = tpu.memref_slice %arg10[%run_scoped3A_312, %dma_wait3A_320] : memref<20x128xi32, #tpu.memory_space<vmem>> -> memref<1x128xi32, #tpu.memory_space<vmem>>
        %dma_wait3A_322 = tpu.memref_squeeze %dma_wait3A_321 : memref<1x128xi32, #tpu.memory_space<vmem>> -> memref<128xi32, #tpu.memory_space<vmem>>
        %dma_wait3A_323 = arith.constant 0 : i32
        %dma_wait3A_324 = arith.constant 0 : i32
        %dma_wait3A_325 = tpu.memref_slice %arg8[%dma_wait3A_323, %dma_wait3A_324] : memref<10240x128xf32, #tpu.memory_space<vmem_shared>> -> memref<10240x128xf32, #tpu.memory_space<vmem_shared>>
        tpu.wait_indirect_dma semaphore(%run_scoped3A_313 : memref<!tpu.dma_semaphore, #tpu.memory_space<semaphore_mem>>) src(%arg13 : memref<128x128xf32, #tpu.memory_space<vmem>>) dst(%dma_wait3A_325 : memref<10240x128xf32, #tpu.memory_space<vmem_shared>>)
        tpu.yield
      }) : () -> ()
    }
    %scan3A_11 = arith.constant 4 : i32
    %barrier3A_12 = arith.constant 0 : index
    tpu.barrier barrier_id(%barrier3A_12)
    %lt3A = arith.constant 10 : i32
    %lt3A_13 = arith.cmpi slt, %arg1, %lt3A : i32
    %convert_element_type3A = arith.extui %lt3A_13 : i1 to i32
    %cond3A = arith.constant 0 : i32
    %cond3A_14 = arith.cmpi ne, %convert_element_type3A, %cond3A : i32
    scf.if %cond3A_14 {
      %mul3A_15 = arith.constant 1000 : i32
      %mul3A_16 = arith.muli %arg1, %mul3A_15 : i32
      "tpu.region"() ({
        %run_scoped3A = tpu.sem_alloc : memref<!tpu.dma_semaphore, #tpu.memory_space<semaphore_mem>>
        %dma_start3A = arith.constant 0 : i32
        %dma_start3A_17 = tpu.memref_slice %arg7[%arg0, %mul3A_16, %dma_start3A] : memref<2x10000x128xf32, #tpu.memory_space<hbm>> -> memref<1x1000x128xf32, #tpu.memory_space<hbm>>
        %dma_start3A_18 = tpu.memref_squeeze %dma_start3A_17 : memref<1x1000x128xf32, #tpu.memory_space<hbm>> -> memref<1000x128xf32, #tpu.memory_space<hbm>>
        %dma_start3A_19 = arith.constant 0 : i32
        %dma_start3A_20 = tpu.memref_slice %arg8[%mul3A_16, %dma_start3A_19] : memref<10240x128xf32, #tpu.memory_space<vmem_shared>> -> memref<1000x128xf32, #tpu.memory_space<vmem_shared>>
        tpu.enqueue_dma source(%dma_start3A_20 : memref<1000x128xf32, #tpu.memory_space<vmem_shared>>) target(%dma_start3A_18 : memref<1000x128xf32, #tpu.memory_space<hbm>>) target_semaphore(%run_scoped3A : memref<!tpu.dma_semaphore, #tpu.memory_space<semaphore_mem>>)
        %dma_wait3A = arith.constant 0 : i32
        %dma_wait3A_21 = tpu.memref_slice %arg7[%arg0, %mul3A_16, %dma_wait3A] : memref<2x10000x128xf32, #tpu.memory_space<hbm>> -> memref<1x1000x128xf32, #tpu.memory_space<hbm>>
        %dma_wait3A_22 = tpu.memref_squeeze %dma_wait3A_21 : memref<1x1000x128xf32, #tpu.memory_space<hbm>> -> memref<1000x128xf32, #tpu.memory_space<hbm>>
        %dma_wait3A_23 = arith.constant 0 : i32
        %dma_wait3A_24 = tpu.memref_slice %arg8[%mul3A_16, %dma_wait3A_23] : memref<10240x128xf32, #tpu.memory_space<vmem_shared>> -> memref<1000x128xf32, #tpu.memory_space<vmem_shared>>
        tpu.wait_dma2 semaphore(%run_scoped3A : memref<!tpu.dma_semaphore, #tpu.memory_space<semaphore_mem>>) src(%dma_wait3A_24 : memref<1000x128xf32, #tpu.memory_space<vmem_shared>>) dst(%dma_wait3A_22 : memref<1000x128xf32, #tpu.memory_space<hbm>>)
        tpu.yield
      }) : () -> ()
    } else {
    }
    return
  }
}

#map = affine_map<(d0, d1) -> (0, 0)>
#map1 = affine_map<(d0, d1) -> (0, 0, 0, 0)>
#map2 = affine_map<(d0, d1) -> (0, 0, 0)>
module attributes {stable_mosaic.version = 14 : i64} {
  func.func @_sc_body(%arg0: i32, %arg1: i32, %arg2: memref<10000x128xf32, #tpu.memory_space<hbm>>, %arg3: memref<32x4x20x128xi32, #tpu.memory_space<hbm>>, %arg4: memref<32x4x20x128xi32, #tpu.memory_space<hbm>>, %arg5: memref<128x128xf32, #tpu.memory_space<hbm>>, %arg6: memref<16x5x128xi32, #tpu.memory_space<hbm>>, %arg7: memref<2x10000x128xf32, #tpu.memory_space<hbm>>, %arg8: memref<10240x128xf32, #tpu.memory_space<vmem_shared>>, %arg9: memref<20x128xi32, #tpu.memory_space<vmem>>, %arg10: memref<20x128xi32, #tpu.memory_space<vmem>>, %arg11: memref<5x128xi32, #tpu.memory_space<vmem>>, %arg12: memref<128x128xf32, #tpu.memory_space<vmem>>, %arg13: memref<128x128xf32, #tpu.memory_space<vmem>>, %arg14: memref<!tpu.dma_semaphore, #tpu.memory_space<semaphore_mem>>, %arg15: memref<!tpu.dma_semaphore, #tpu.memory_space<semaphore_mem>>) attributes {dimension_semantics = [#tpu.dimension_semantics<core_parallel>, #tpu.dimension_semantics<subcore_parallel>], iteration_bounds = array<i64: 2, 16>, scalar_prefetch = 0 : i64, scratch_operands = 8 : i64, tpu.core_type = #tpu.core_type<sc_vector_subcore>, window_params = [{transform_indices = #map}, {transform_indices = #map1}, {transform_indices = #map1}, {transform_indices = #map}, {transform_indices = #map2}, {transform_indices = #map2}]} {
    %mul3A = arith.constant 2 : i32
    %mul3A_0 = arith.muli %arg1, %mul3A : i32
    %add3A = arith.addi %mul3A_0, %arg0 : i32
    "tpu.region"() ({
      %run_scoped3A = tpu.sem_alloc : memref<!tpu.dma_semaphore, #tpu.memory_space<semaphore_mem>>
      tpu.enqueue_dma source(%arg5 : memref<128x128xf32, #tpu.memory_space<hbm>>) target(%arg12 : memref<128x128xf32, #tpu.memory_space<vmem>>) target_semaphore(%run_scoped3A : memref<!tpu.dma_semaphore, #tpu.memory_space<semaphore_mem>>)
      tpu.wait_dma2 semaphore(%run_scoped3A : memref<!tpu.dma_semaphore, #tpu.memory_space<semaphore_mem>>) src(%arg5 : memref<128x128xf32, #tpu.memory_space<hbm>>) dst(%arg12 : memref<128x128xf32, #tpu.memory_space<vmem>>)
      tpu.yield
    }) : () -> ()
    "tpu.region"() ({
      %run_scoped3A = tpu.sem_alloc : memref<!tpu.dma_semaphore, #tpu.memory_space<semaphore_mem>>
      %dma_start3A = arith.constant 0 : i32
      %dma_start3A_15 = arith.constant 0 : i32
      %dma_start3A_16 = tpu.memref_slice %arg6[%arg1, %dma_start3A, %dma_start3A_15] : memref<16x5x128xi32, #tpu.memory_space<hbm>> -> memref<1x5x128xi32, #tpu.memory_space<hbm>>
      %dma_start3A_17 = tpu.memref_squeeze %dma_start3A_16 : memref<1x5x128xi32, #tpu.memory_space<hbm>> -> memref<5x128xi32, #tpu.memory_space<hbm>>
      %dma_start3A_18 = arith.constant 0 : i32
      %dma_start3A_19 = arith.constant 0 : i32
      %dma_start3A_20 = tpu.memref_slice %arg6[%arg1, %dma_start3A_18, %dma_start3A_19] : memref<16x5x128xi32, #tpu.memory_space<hbm>> -> memref<1x5x128xi32, #tpu.memory_space<hbm>>
      %dma_start3A_21 = tpu.memref_squeeze %dma_start3A_20 : memref<1x5x128xi32, #tpu.memory_space<hbm>> -> memref<5x128xi32, #tpu.memory_space<hbm>>
      tpu.enqueue_dma source(%dma_start3A_21 : memref<5x128xi32, #tpu.memory_space<hbm>>) target(%arg11 : memref<5x128xi32, #tpu.memory_space<vmem>>) target_semaphore(%run_scoped3A : memref<!tpu.dma_semaphore, #tpu.memory_space<semaphore_mem>>)
      %dma_wait3A = arith.constant 0 : i32
      %dma_wait3A_22 = arith.constant 0 : i32
      %dma_wait3A_23 = tpu.memref_slice %arg6[%arg1, %dma_wait3A, %dma_wait3A_22] : memref<16x5x128xi32, #tpu.memory_space<hbm>> -> memref<1x5x128xi32, #tpu.memory_space<hbm>>
      %dma_wait3A_24 = tpu.memref_squeeze %dma_wait3A_23 : memref<1x5x128xi32, #tpu.memory_space<hbm>> -> memref<5x128xi32, #tpu.memory_space<hbm>>
      %dma_wait3A_25 = arith.constant 0 : i32
      %dma_wait3A_26 = arith.constant 0 : i32
      %dma_wait3A_27 = tpu.memref_slice %arg6[%arg1, %dma_wait3A_25, %dma_wait3A_26] : memref<16x5x128xi32, #tpu.memory_space<hbm>> -> memref<1x5x128xi32, #tpu.memory_space<hbm>>
      %dma_wait3A_28 = tpu.memref_squeeze %dma_wait3A_27 : memref<1x5x128xi32, #tpu.memory_space<hbm>> -> memref<5x128xi32, #tpu.memory_space<hbm>>
      tpu.wait_dma2 semaphore(%run_scoped3A : memref<!tpu.dma_semaphore, #tpu.memory_space<semaphore_mem>>) src(%dma_wait3A_28 : memref<5x128xi32, #tpu.memory_space<hbm>>) dst(%arg11 : memref<5x128xi32, #tpu.memory_space<vmem>>)
      tpu.yield
    }) : () -> ()
    %scan3A = arith.constant 0 : i32
    %scan3A_1 = arith.constant 0 : i32
    %scan3A_2 = arith.constant 5 : i32
    %scan3A_3 = arith.addi %scan3A_1, %scan3A_2 : i32
    %scan3A_4 = arith.constant 1 : i32
    scf.for %scan3A_15 = %scan3A_1 to %scan3A_3 step %scan3A_4  : i32 {
      "tpu.region"() ({
        %run_scoped3A = tpu.sem_alloc : memref<!tpu.dma_semaphore, #tpu.memory_space<semaphore_mem>>
        %dma_start3A = arith.constant 0 : i32
        %dma_start3A_16 = tpu.memref_slice %arg11[%scan3A_15, %dma_start3A] : memref<5x128xi32, #tpu.memory_space<vmem>> -> memref<1x128xi32, #tpu.memory_space<vmem>>
        %dma_start3A_17 = tpu.memref_squeeze %dma_start3A_16 : memref<1x128xi32, #tpu.memory_space<vmem>> -> memref<128xi32, #tpu.memory_space<vmem>>
        %dma_start3A_18 = arith.constant 0 : i32
        %dma_start3A_19 = arith.constant 0 : i32
        %dma_start3A_20 = tpu.memref_slice %arg8[%dma_start3A_18, %dma_start3A_19] : memref<10240x128xf32, #tpu.memory_space<vmem_shared>> -> memref<10240x128xf32, #tpu.memory_space<vmem_shared>>
        tpu.enqueue_indirect_dma source(%arg12 : memref<128x128xf32, #tpu.memory_space<vmem>>) target(%dma_start3A_20 : memref<10240x128xf32, #tpu.memory_space<vmem_shared>>) offsets(%dma_start3A_17 : memref<128xi32, #tpu.memory_space<vmem>>) semaphore(%run_scoped3A : memref<!tpu.dma_semaphore, #tpu.memory_space<semaphore_mem>>)
        %dma_wait3A = arith.constant 0 : i32
        %dma_wait3A_21 = tpu.memref_slice %arg11[%scan3A_15, %dma_wait3A] : memref<5x128xi32, #tpu.memory_space<vmem>> -> memref<1x128xi32, #tpu.memory_space<vmem>>
        %dma_wait3A_22 = tpu.memref_squeeze %dma_wait3A_21 : memref<1x128xi32, #tpu.memory_space<vmem>> -> memref<128xi32, #tpu.memory_space<vmem>>
        %dma_wait3A_23 = arith.constant 0 : i32
        %dma_wait3A_24 = arith.constant 0 : i32
        %dma_wait3A_25 = tpu.memref_slice %arg8[%dma_wait3A_23, %dma_wait3A_24] : memref<10240x128xf32, #tpu.memory_space<vmem_shared>> -> memref<10240x128xf32, #tpu.memory_space<vmem_shared>>
        tpu.wait_indirect_dma semaphore(%run_scoped3A : memref<!tpu.dma_semaphore, #tpu.memory_space<semaphore_mem>>) src(%arg12 : memref<128x128xf32, #tpu.memory_space<vmem>>) dst(%dma_wait3A_25 : memref<10240x128xf32, #tpu.memory_space<vmem_shared>>)
        tpu.yield
      }) : () -> ()
    }
    %scan3A_5 = arith.constant 5 : i32
    %barrier3A = arith.constant 0 : index
    tpu.barrier barrier_id(%barrier3A)
    %scan3A_6 = arith.constant 0 : i32
    %scan3A_7 = arith.constant 0 : i32
    %scan3A_8 = arith.constant 4 : i32
    %scan3A_9 = arith.addi %scan3A_7, %scan3A_8 : i32
    %scan3A_10 = arith.constant 1 : i32
    scf.for %scan3A_15 = %scan3A_7 to %scan3A_9 step %scan3A_10  : i32 {
      "tpu.region"() ({
        %run_scoped3A_313 = tpu.sem_alloc : memref<!tpu.dma_semaphore, #tpu.memory_space<semaphore_mem>>
        %dma_start3A_314 = arith.constant 0 : i32
        %dma_start3A_315 = arith.constant 0 : i32
        %dma_start3A_316 = tpu.memref_slice %arg3[%add3A, %scan3A_15, %dma_start3A_314, %dma_start3A_315] : memref<32x4x20x128xi32, #tpu.memory_space<hbm>> -> memref<1x1x20x128xi32, #tpu.memory_space<hbm>>
        %dma_start3A_317 = tpu.memref_squeeze %dma_start3A_316 : memref<1x1x20x128xi32, #tpu.memory_space<hbm>> -> memref<20x128xi32, #tpu.memory_space<hbm>>
        %dma_start3A_318 = arith.constant 0 : i32
        %dma_start3A_319 = arith.constant 0 : i32
        %dma_start3A_320 = tpu.memref_slice %arg3[%add3A, %scan3A_15, %dma_start3A_318, %dma_start3A_319] : memref<32x4x20x128xi32, #tpu.memory_space<hbm>> -> memref<1x1x20x128xi32, #tpu.memory_space<hbm>>
        %dma_start3A_321 = tpu.memref_squeeze %dma_start3A_320 : memref<1x1x20x128xi32, #tpu.memory_space<hbm>> -> memref<20x128xi32, #tpu.memory_space<hbm>>
        tpu.enqueue_dma source(%dma_start3A_321 : memref<20x128xi32, #tpu.memory_space<hbm>>) target(%arg9 : memref<20x128xi32, #tpu.memory_space<vmem>>) target_semaphore(%run_scoped3A_313 : memref<!tpu.dma_semaphore, #tpu.memory_space<semaphore_mem>>)
        %dma_wait3A_322 = arith.constant 0 : i32
        %dma_wait3A_323 = arith.constant 0 : i32
        %dma_wait3A_324 = tpu.memref_slice %arg3[%add3A, %scan3A_15, %dma_wait3A_322, %dma_wait3A_323] : memref<32x4x20x128xi32, #tpu.memory_space<hbm>> -> memref<1x1x20x128xi32, #tpu.memory_space<hbm>>
        %dma_wait3A_325 = tpu.memref_squeeze %dma_wait3A_324 : memref<1x1x20x128xi32, #tpu.memory_space<hbm>> -> memref<20x128xi32, #tpu.memory_space<hbm>>
        %dma_wait3A_326 = arith.constant 0 : i32
        %dma_wait3A_327 = arith.constant 0 : i32
        %dma_wait3A_328 = tpu.memref_slice %arg3[%add3A, %scan3A_15, %dma_wait3A_326, %dma_wait3A_327] : memref<32x4x20x128xi32, #tpu.memory_space<hbm>> -> memref<1x1x20x128xi32, #tpu.memory_space<hbm>>
        %dma_wait3A_329 = tpu.memref_squeeze %dma_wait3A_328 : memref<1x1x20x128xi32, #tpu.memory_space<hbm>> -> memref<20x128xi32, #tpu.memory_space<hbm>>
        tpu.wait_dma2 semaphore(%run_scoped3A_313 : memref<!tpu.dma_semaphore, #tpu.memory_space<semaphore_mem>>) src(%dma_wait3A_329 : memref<20x128xi32, #tpu.memory_space<hbm>>) dst(%arg9 : memref<20x128xi32, #tpu.memory_space<vmem>>)
        tpu.yield
      }) : () -> ()
      "tpu.region"() ({
        %run_scoped3A_313 = tpu.sem_alloc : memref<!tpu.dma_semaphore, #tpu.memory_space<semaphore_mem>>
        %dma_start3A_314 = arith.constant 0 : i32
        %dma_start3A_315 = arith.constant 0 : i32
        %dma_start3A_316 = tpu.memref_slice %arg4[%add3A, %scan3A_15, %dma_start3A_314, %dma_start3A_315] : memref<32x4x20x128xi32, #tpu.memory_space<hbm>> -> memref<1x1x20x128xi32, #tpu.memory_space<hbm>>
        %dma_start3A_317 = tpu.memref_squeeze %dma_start3A_316 : memref<1x1x20x128xi32, #tpu.memory_space<hbm>> -> memref<20x128xi32, #tpu.memory_space<hbm>>
        %dma_start3A_318 = arith.constant 0 : i32
        %dma_start3A_319 = arith.constant 0 : i32
        %dma_start3A_320 = tpu.memref_slice %arg4[%add3A, %scan3A_15, %dma_start3A_318, %dma_start3A_319] : memref<32x4x20x128xi32, #tpu.memory_space<hbm>> -> memref<1x1x20x128xi32, #tpu.memory_space<hbm>>
        %dma_start3A_321 = tpu.memref_squeeze %dma_start3A_320 : memref<1x1x20x128xi32, #tpu.memory_space<hbm>> -> memref<20x128xi32, #tpu.memory_space<hbm>>
        tpu.enqueue_dma source(%dma_start3A_321 : memref<20x128xi32, #tpu.memory_space<hbm>>) target(%arg10 : memref<20x128xi32, #tpu.memory_space<vmem>>) target_semaphore(%run_scoped3A_313 : memref<!tpu.dma_semaphore, #tpu.memory_space<semaphore_mem>>)
        %dma_wait3A_322 = arith.constant 0 : i32
        %dma_wait3A_323 = arith.constant 0 : i32
        %dma_wait3A_324 = tpu.memref_slice %arg4[%add3A, %scan3A_15, %dma_wait3A_322, %dma_wait3A_323] : memref<32x4x20x128xi32, #tpu.memory_space<hbm>> -> memref<1x1x20x128xi32, #tpu.memory_space<hbm>>
        %dma_wait3A_325 = tpu.memref_squeeze %dma_wait3A_324 : memref<1x1x20x128xi32, #tpu.memory_space<hbm>> -> memref<20x128xi32, #tpu.memory_space<hbm>>
        %dma_wait3A_326 = arith.constant 0 : i32
        %dma_wait3A_327 = arith.constant 0 : i32
        %dma_wait3A_328 = tpu.memref_slice %arg4[%add3A, %scan3A_15, %dma_wait3A_326, %dma_wait3A_327] : memref<32x4x20x128xi32, #tpu.memory_space<hbm>> -> memref<1x1x20x128xi32, #tpu.memory_space<hbm>>
        %dma_wait3A_329 = tpu.memref_squeeze %dma_wait3A_328 : memref<1x1x20x128xi32, #tpu.memory_space<hbm>> -> memref<20x128xi32, #tpu.memory_space<hbm>>
        tpu.wait_dma2 semaphore(%run_scoped3A_313 : memref<!tpu.dma_semaphore, #tpu.memory_space<semaphore_mem>>) src(%dma_wait3A_329 : memref<20x128xi32, #tpu.memory_space<hbm>>) dst(%arg10 : memref<20x128xi32, #tpu.memory_space<vmem>>)
        tpu.yield
      }) : () -> ()
      %dma_start3A = arith.constant 0 : i32
      %dma_start3A_16 = arith.constant 0 : i32
      %dma_start3A_17 = tpu.memref_slice %arg9[%dma_start3A, %dma_start3A_16] : memref<20x128xi32, #tpu.memory_space<vmem>> -> memref<1x128xi32, #tpu.memory_space<vmem>>
      %dma_start3A_18 = tpu.memref_squeeze %dma_start3A_17 : memref<1x128xi32, #tpu.memory_space<vmem>> -> memref<128xi32, #tpu.memory_space<vmem>>
      %dma_start3A_19 = arith.constant 0 : i32
      %dma_start3A_20 = arith.constant 0 : i32
      %dma_start3A_21 = tpu.memref_slice %arg2[%dma_start3A_19, %dma_start3A_20] : memref<10000x128xf32, #tpu.memory_space<hbm>> -> memref<10000x128xf32, #tpu.memory_space<hbm>>
      tpu.enqueue_indirect_dma source(%dma_start3A_21 : memref<10000x128xf32, #tpu.memory_space<hbm>>) target(%arg12 : memref<128x128xf32, #tpu.memory_space<vmem>>) offsets(%dma_start3A_18 : memref<128xi32, #tpu.memory_space<vmem>>) semaphore(%arg14 : memref<!tpu.dma_semaphore, #tpu.memory_space<semaphore_mem>>)
      %dma_start3A_22 = arith.constant 1 : i32
      %dma_start3A_23 = arith.constant 0 : i32
      %dma_start3A_24 = tpu.memref_slice %arg9[%dma_start3A_22, %dma_start3A_23] : memref<20x128xi32, #tpu.memory_space<vmem>> -> memref<1x128xi32, #tpu.memory_space<vmem>>
      %dma_start3A_25 = tpu.memref_squeeze %dma_start3A_24 : memref<1x128xi32, #tpu.memory_space<vmem>> -> memref<128xi32, #tpu.memory_space<vmem>>
      %dma_start3A_26 = arith.constant 0 : i32
      %dma_start3A_27 = arith.constant 0 : i32
      %dma_start3A_28 = tpu.memref_slice %arg2[%dma_start3A_26, %dma_start3A_27] : memref<10000x128xf32, #tpu.memory_space<hbm>> -> memref<10000x128xf32, #tpu.memory_space<hbm>>
      tpu.enqueue_indirect_dma source(%dma_start3A_28 : memref<10000x128xf32, #tpu.memory_space<hbm>>) target(%arg13 : memref<128x128xf32, #tpu.memory_space<vmem>>) offsets(%dma_start3A_25 : memref<128xi32, #tpu.memory_space<vmem>>) semaphore(%arg15 : memref<!tpu.dma_semaphore, #tpu.memory_space<semaphore_mem>>)
      %dma_wait3A = arith.constant 0 : i32
      %dma_wait3A_29 = arith.constant 0 : i32
      %dma_wait3A_30 = tpu.memref_slice %arg9[%dma_wait3A, %dma_wait3A_29] : memref<20x128xi32, #tpu.memory_space<vmem>> -> memref<1x128xi32, #tpu.memory_space<vmem>>
      %dma_wait3A_31 = tpu.memref_squeeze %dma_wait3A_30 : memref<1x128xi32, #tpu.memory_space<vmem>> -> memref<128xi32, #tpu.memory_space<vmem>>
      %dma_wait3A_32 = arith.constant 0 : i32
      %dma_wait3A_33 = arith.constant 0 : i32
      %dma_wait3A_34 = tpu.memref_slice %arg2[%dma_wait3A_32, %dma_wait3A_33] : memref<10000x128xf32, #tpu.memory_space<hbm>> -> memref<10000x128xf32, #tpu.memory_space<hbm>>
      tpu.wait_indirect_dma semaphore(%arg14 : memref<!tpu.dma_semaphore, #tpu.memory_space<semaphore_mem>>) src(%dma_wait3A_34 : memref<10000x128xf32, #tpu.memory_space<hbm>>) dst(%arg12 : memref<128x128xf32, #tpu.memory_space<vmem>>)
      %run_scoped3A = arith.constant 0 : i32
      "tpu.region"() ({
        %run_scoped3A_313 = tpu.sem_alloc : memref<!tpu.dma_semaphore, #tpu.memory_space<semaphore_mem>>
        %dma_start3A_314 = arith.constant 0 : i32
        %dma_start3A_315 = tpu.memref_slice %arg10[%run_scoped3A, %dma_start3A_314] : memref<20x128xi32, #tpu.memory_space<vmem>> -> memref<1x128xi32, #tpu.memory_space<vmem>>
        %dma_start3A_316 = tpu.memref_squeeze %dma_start3A_315 : memref<1x128xi32, #tpu.memory_space<vmem>> -> memref<128xi32, #tpu.memory_space<vmem>>
        %dma_start3A_317 = arith.constant 0 : i32
        %dma_start3A_318 = arith.constant 0 : i32
        %dma_start3A_319 = tpu.memref_slice %arg8[%dma_start3A_317, %dma_start3A_318] : memref<10240x128xf32, #tpu.memory_space<vmem_shared>> -> memref<10240x128xf32, #tpu.memory_space<vmem_shared>>
        tpu.enqueue_indirect_dma source(%arg12 : memref<128x128xf32, #tpu.memory_space<vmem>>) target(%dma_start3A_319 : memref<10240x128xf32, #tpu.memory_space<vmem_shared>>) offsets(%dma_start3A_316 : memref<128xi32, #tpu.memory_space<vmem>>) semaphore(%run_scoped3A_313 : memref<!tpu.dma_semaphore, #tpu.memory_space<semaphore_mem>>) {add = true}
        %dma_wait3A_320 = arith.constant 0 : i32
        %dma_wait3A_321 = tpu.memref_slice %arg10[%run_scoped3A, %dma_wait3A_320] : memref<20x128xi32, #tpu.memory_space<vmem>> -> memref<1x128xi32, #tpu.memory_space<vmem>>
        %dma_wait3A_322 = tpu.memref_squeeze %dma_wait3A_321 : memref<1x128xi32, #tpu.memory_space<vmem>> -> memref<128xi32, #tpu.memory_space<vmem>>
        %dma_wait3A_323 = arith.constant 0 : i32
        %dma_wait3A_324 = arith.constant 0 : i32
        %dma_wait3A_325 = tpu.memref_slice %arg8[%dma_wait3A_323, %dma_wait3A_324] : memref<10240x128xf32, #tpu.memory_space<vmem_shared>> -> memref<10240x128xf32, #tpu.memory_space<vmem_shared>>
        tpu.wait_indirect_dma semaphore(%run_scoped3A_313 : memref<!tpu.dma_semaphore, #tpu.memory_space<semaphore_mem>>) src(%arg12 : memref<128x128xf32, #tpu.memory_space<vmem>>) dst(%dma_wait3A_325 : memref<10240x128xf32, #tpu.memory_space<vmem_shared>>)
        tpu.yield
      }) : () -> ()
      %dma_start3A_35 = arith.constant 2 : i32
      %dma_start3A_36 = arith.constant 0 : i32
      %dma_start3A_37 = tpu.memref_slice %arg9[%dma_start3A_35, %dma_start3A_36] : memref<20x128xi32, #tpu.memory_space<vmem>> -> memref<1x128xi32, #tpu.memory_space<vmem>>
      %dma_start3A_38 = tpu.memref_squeeze %dma_start3A_37 : memref<1x128xi32, #tpu.memory_space<vmem>> -> memref<128xi32, #tpu.memory_space<vmem>>
      %dma_start3A_39 = arith.constant 0 : i32
      %dma_start3A_40 = arith.constant 0 : i32
      %dma_start3A_41 = tpu.memref_slice %arg2[%dma_start3A_39, %dma_start3A_40] : memref<10000x128xf32, #tpu.memory_space<hbm>> -> memref<10000x128xf32, #tpu.memory_space<hbm>>
      tpu.enqueue_indirect_dma source(%dma_start3A_41 : memref<10000x128xf32, #tpu.memory_space<hbm>>) target(%arg12 : memref<128x128xf32, #tpu.memory_space<vmem>>) offsets(%dma_start3A_38 : memref<128xi32, #tpu.memory_space<vmem>>) semaphore(%arg14 : memref<!tpu.dma_semaphore, #tpu.memory_space<semaphore_mem>>)
      %dma_wait3A_42 = arith.constant 1 : i32
      %dma_wait3A_43 = arith.constant 0 : i32
      %dma_wait3A_44 = tpu.memref_slice %arg9[%dma_wait3A_42, %dma_wait3A_43] : memref<20x128xi32, #tpu.memory_space<vmem>> -> memref<1x128xi32, #tpu.memory_space<vmem>>
      %dma_wait3A_45 = tpu.memref_squeeze %dma_wait3A_44 : memref<1x128xi32, #tpu.memory_space<vmem>> -> memref<128xi32, #tpu.memory_space<vmem>>
      %dma_wait3A_46 = arith.constant 0 : i32
      %dma_wait3A_47 = arith.constant 0 : i32
      %dma_wait3A_48 = tpu.memref_slice %arg2[%dma_wait3A_46, %dma_wait3A_47] : memref<10000x128xf32, #tpu.memory_space<hbm>> -> memref<10000x128xf32, #tpu.memory_space<hbm>>
      tpu.wait_indirect_dma semaphore(%arg15 : memref<!tpu.dma_semaphore, #tpu.memory_space<semaphore_mem>>) src(%dma_wait3A_48 : memref<10000x128xf32, #tpu.memory_space<hbm>>) dst(%arg13 : memref<128x128xf32, #tpu.memory_space<vmem>>)
      %run_scoped3A_49 = arith.constant 1 : i32
      "tpu.region"() ({
        %run_scoped3A_313 = tpu.sem_alloc : memref<!tpu.dma_semaphore, #tpu.memory_space<semaphore_mem>>
        %dma_start3A_314 = arith.constant 0 : i32
        %dma_start3A_315 = tpu.memref_slice %arg10[%run_scoped3A_49, %dma_start3A_314] : memref<20x128xi32, #tpu.memory_space<vmem>> -> memref<1x128xi32, #tpu.memory_space<vmem>>
        %dma_start3A_316 = tpu.memref_squeeze %dma_start3A_315 : memref<1x128xi32, #tpu.memory_space<vmem>> -> memref<128xi32, #tpu.memory_space<vmem>>
        %dma_start3A_317 = arith.constant 0 : i32
        %dma_start3A_318 = arith.constant 0 : i32
        %dma_start3A_319 = tpu.memref_slice %arg8[%dma_start3A_317, %dma_start3A_318] : memref<10240x128xf32, #tpu.memory_space<vmem_shared>> -> memref<10240x128xf32, #tpu.memory_space<vmem_shared>>
        tpu.enqueue_indirect_dma source(%arg13 : memref<128x128xf32, #tpu.memory_space<vmem>>) target(%dma_start3A_319 : memref<10240x128xf32, #tpu.memory_space<vmem_shared>>) offsets(%dma_start3A_316 : memref<128xi32, #tpu.memory_space<vmem>>) semaphore(%run_scoped3A_313 : memref<!tpu.dma_semaphore, #tpu.memory_space<semaphore_mem>>) {add = true}
        %dma_wait3A_320 = arith.constant 0 : i32
        %dma_wait3A_321 = tpu.memref_slice %arg10[%run_scoped3A_49, %dma_wait3A_320] : memref<20x128xi32, #tpu.memory_space<vmem>> -> memref<1x128xi32, #tpu.memory_space<vmem>>
        %dma_wait3A_322 = tpu.memref_squeeze %dma_wait3A_321 : memref<1x128xi32, #tpu.memory_space<vmem>> -> memref<128xi32, #tpu.memory_space<vmem>>
        %dma_wait3A_323 = arith.constant 0 : i32
        %dma_wait3A_324 = arith.constant 0 : i32
        %dma_wait3A_325 = tpu.memref_slice %arg8[%dma_wait3A_323, %dma_wait3A_324] : memref<10240x128xf32, #tpu.memory_space<vmem_shared>> -> memref<10240x128xf32, #tpu.memory_space<vmem_shared>>
        tpu.wait_indirect_dma semaphore(%run_scoped3A_313 : memref<!tpu.dma_semaphore, #tpu.memory_space<semaphore_mem>>) src(%arg13 : memref<128x128xf32, #tpu.memory_space<vmem>>) dst(%dma_wait3A_325 : memref<10240x128xf32, #tpu.memory_space<vmem_shared>>)
        tpu.yield
      }) : () -> ()
      %dma_start3A_50 = arith.constant 3 : i32
      %dma_start3A_51 = arith.constant 0 : i32
      %dma_start3A_52 = tpu.memref_slice %arg9[%dma_start3A_50, %dma_start3A_51] : memref<20x128xi32, #tpu.memory_space<vmem>> -> memref<1x128xi32, #tpu.memory_space<vmem>>
      %dma_start3A_53 = tpu.memref_squeeze %dma_start3A_52 : memref<1x128xi32, #tpu.memory_space<vmem>> -> memref<128xi32, #tpu.memory_space<vmem>>
      %dma_start3A_54 = arith.constant 0 : i32
      %dma_start3A_55 = arith.constant 0 : i32
      %dma_start3A_56 = tpu.memref_slice %arg2[%dma_start3A_54, %dma_start3A_55] : memref<10000x128xf32, #tpu.memory_space<hbm>> -> memref<10000x128xf32, #tpu.memory_space<hbm>>
      tpu.enqueue_indirect_dma source(%dma_start3A_56 : memref<10000x128xf32, #tpu.memory_space<hbm>>) target(%arg13 : memref<128x128xf32, #tpu.memory_space<vmem>>) offsets(%dma_start3A_53 : memref<128xi32, #tpu.memory_space<vmem>>) semaphore(%arg15 : memref<!tpu.dma_semaphore, #tpu.memory_space<semaphore_mem>>)
      %dma_wait3A_57 = arith.constant 2 : i32
      %dma_wait3A_58 = arith.constant 0 : i32
      %dma_wait3A_59 = tpu.memref_slice %arg9[%dma_wait3A_57, %dma_wait3A_58] : memref<20x128xi32, #tpu.memory_space<vmem>> -> memref<1x128xi32, #tpu.memory_space<vmem>>
      %dma_wait3A_60 = tpu.memref_squeeze %dma_wait3A_59 : memref<1x128xi32, #tpu.memory_space<vmem>> -> memref<128xi32, #tpu.memory_space<vmem>>
      %dma_wait3A_61 = arith.constant 0 : i32
      %dma_wait3A_62 = arith.constant 0 : i32
      %dma_wait3A_63 = tpu.memref_slice %arg2[%dma_wait3A_61, %dma_wait3A_62] : memref<10000x128xf32, #tpu.memory_space<hbm>> -> memref<10000x128xf32, #tpu.memory_space<hbm>>
      tpu.wait_indirect_dma semaphore(%arg14 : memref<!tpu.dma_semaphore, #tpu.memory_space<semaphore_mem>>) src(%dma_wait3A_63 : memref<10000x128xf32, #tpu.memory_space<hbm>>) dst(%arg12 : memref<128x128xf32, #tpu.memory_space<vmem>>)
      %run_scoped3A_64 = arith.constant 2 : i32
      "tpu.region"() ({
        %run_scoped3A_313 = tpu.sem_alloc : memref<!tpu.dma_semaphore, #tpu.memory_space<semaphore_mem>>
        %dma_start3A_314 = arith.constant 0 : i32
        %dma_start3A_315 = tpu.memref_slice %arg10[%run_scoped3A_64, %dma_start3A_314] : memref<20x128xi32, #tpu.memory_space<vmem>> -> memref<1x128xi32, #tpu.memory_space<vmem>>
        %dma_start3A_316 = tpu.memref_squeeze %dma_start3A_315 : memref<1x128xi32, #tpu.memory_space<vmem>> -> memref<128xi32, #tpu.memory_space<vmem>>
        %dma_start3A_317 = arith.constant 0 : i32
        %dma_start3A_318 = arith.constant 0 : i32
        %dma_start3A_319 = tpu.memref_slice %arg8[%dma_start3A_317, %dma_start3A_318] : memref<10240x128xf32, #tpu.memory_space<vmem_shared>> -> memref<10240x128xf32, #tpu.memory_space<vmem_shared>>
        tpu.enqueue_indirect_dma source(%arg12 : memref<128x128xf32, #tpu.memory_space<vmem>>) target(%dma_start3A_319 : memref<10240x128xf32, #tpu.memory_space<vmem_shared>>) offsets(%dma_start3A_316 : memref<128xi32, #tpu.memory_space<vmem>>) semaphore(%run_scoped3A_313 : memref<!tpu.dma_semaphore, #tpu.memory_space<semaphore_mem>>) {add = true}
        %dma_wait3A_320 = arith.constant 0 : i32
        %dma_wait3A_321 = tpu.memref_slice %arg10[%run_scoped3A_64, %dma_wait3A_320] : memref<20x128xi32, #tpu.memory_space<vmem>> -> memref<1x128xi32, #tpu.memory_space<vmem>>
        %dma_wait3A_322 = tpu.memref_squeeze %dma_wait3A_321 : memref<1x128xi32, #tpu.memory_space<vmem>> -> memref<128xi32, #tpu.memory_space<vmem>>
        %dma_wait3A_323 = arith.constant 0 : i32
        %dma_wait3A_324 = arith.constant 0 : i32
        %dma_wait3A_325 = tpu.memref_slice %arg8[%dma_wait3A_323, %dma_wait3A_324] : memref<10240x128xf32, #tpu.memory_space<vmem_shared>> -> memref<10240x128xf32, #tpu.memory_space<vmem_shared>>
        tpu.wait_indirect_dma semaphore(%run_scoped3A_313 : memref<!tpu.dma_semaphore, #tpu.memory_space<semaphore_mem>>) src(%arg12 : memref<128x128xf32, #tpu.memory_space<vmem>>) dst(%dma_wait3A_325 : memref<10240x128xf32, #tpu.memory_space<vmem_shared>>)
        tpu.yield
      }) : () -> ()
      %dma_start3A_65 = arith.constant 4 : i32
      %dma_start3A_66 = arith.constant 0 : i32
      %dma_start3A_67 = tpu.memref_slice %arg9[%dma_start3A_65, %dma_start3A_66] : memref<20x128xi32, #tpu.memory_space<vmem>> -> memref<1x128xi32, #tpu.memory_space<vmem>>
      %dma_start3A_68 = tpu.memref_squeeze %dma_start3A_67 : memref<1x128xi32, #tpu.memory_space<vmem>> -> memref<128xi32, #tpu.memory_space<vmem>>
      %dma_start3A_69 = arith.constant 0 : i32
      %dma_start3A_70 = arith.constant 0 : i32
      %dma_start3A_71 = tpu.memref_slice %arg2[%dma_start3A_69, %dma_start3A_70] : memref<10000x128xf32, #tpu.memory_space<hbm>> -> memref<10000x128xf32, #tpu.memory_space<hbm>>
      tpu.enqueue_indirect_dma source(%dma_start3A_71 : memref<10000x128xf32, #tpu.memory_space<hbm>>) target(%arg12 : memref<128x128xf32, #tpu.memory_space<vmem>>) offsets(%dma_start3A_68 : memref<128xi32, #tpu.memory_space<vmem>>) semaphore(%arg14 : memref<!tpu.dma_semaphore, #tpu.memory_space<semaphore_mem>>)
      %dma_wait3A_72 = arith.constant 3 : i32
      %dma_wait3A_73 = arith.constant 0 : i32
      %dma_wait3A_74 = tpu.memref_slice %arg9[%dma_wait3A_72, %dma_wait3A_73] : memref<20x128xi32, #tpu.memory_space<vmem>> -> memref<1x128xi32, #tpu.memory_space<vmem>>
      %dma_wait3A_75 = tpu.memref_squeeze %dma_wait3A_74 : memref<1x128xi32, #tpu.memory_space<vmem>> -> memref<128xi32, #tpu.memory_space<vmem>>
      %dma_wait3A_76 = arith.constant 0 : i32
      %dma_wait3A_77 = arith.constant 0 : i32
      %dma_wait3A_78 = tpu.memref_slice %arg2[%dma_wait3A_76, %dma_wait3A_77] : memref<10000x128xf32, #tpu.memory_space<hbm>> -> memref<10000x128xf32, #tpu.memory_space<hbm>>
      tpu.wait_indirect_dma semaphore(%arg15 : memref<!tpu.dma_semaphore, #tpu.memory_space<semaphore_mem>>) src(%dma_wait3A_78 : memref<10000x128xf32, #tpu.memory_space<hbm>>) dst(%arg13 : memref<128x128xf32, #tpu.memory_space<vmem>>)
      %run_scoped3A_79 = arith.constant 3 : i32
      "tpu.region"() ({
        %run_scoped3A_313 = tpu.sem_alloc : memref<!tpu.dma_semaphore, #tpu.memory_space<semaphore_mem>>
        %dma_start3A_314 = arith.constant 0 : i32
        %dma_start3A_315 = tpu.memref_slice %arg10[%run_scoped3A_79, %dma_start3A_314] : memref<20x128xi32, #tpu.memory_space<vmem>> -> memref<1x128xi32, #tpu.memory_space<vmem>>
        %dma_start3A_316 = tpu.memref_squeeze %dma_start3A_315 : memref<1x128xi32, #tpu.memory_space<vmem>> -> memref<128xi32, #tpu.memory_space<vmem>>
        %dma_start3A_317 = arith.constant 0 : i32
        %dma_start3A_318 = arith.constant 0 : i32
        %dma_start3A_319 = tpu.memref_slice %arg8[%dma_start3A_317, %dma_start3A_318] : memref<10240x128xf32, #tpu.memory_space<vmem_shared>> -> memref<10240x128xf32, #tpu.memory_space<vmem_shared>>
        tpu.enqueue_indirect_dma source(%arg13 : memref<128x128xf32, #tpu.memory_space<vmem>>) target(%dma_start3A_319 : memref<10240x128xf32, #tpu.memory_space<vmem_shared>>) offsets(%dma_start3A_316 : memref<128xi32, #tpu.memory_space<vmem>>) semaphore(%run_scoped3A_313 : memref<!tpu.dma_semaphore, #tpu.memory_space<semaphore_mem>>) {add = true}
        %dma_wait3A_320 = arith.constant 0 : i32
        %dma_wait3A_321 = tpu.memref_slice %arg10[%run_scoped3A_79, %dma_wait3A_320] : memref<20x128xi32, #tpu.memory_space<vmem>> -> memref<1x128xi32, #tpu.memory_space<vmem>>
        %dma_wait3A_322 = tpu.memref_squeeze %dma_wait3A_321 : memref<1x128xi32, #tpu.memory_space<vmem>> -> memref<128xi32, #tpu.memory_space<vmem>>
        %dma_wait3A_323 = arith.constant 0 : i32
        %dma_wait3A_324 = arith.constant 0 : i32
        %dma_wait3A_325 = tpu.memref_slice %arg8[%dma_wait3A_323, %dma_wait3A_324] : memref<10240x128xf32, #tpu.memory_space<vmem_shared>> -> memref<10240x128xf32, #tpu.memory_space<vmem_shared>>
        tpu.wait_indirect_dma semaphore(%run_scoped3A_313 : memref<!tpu.dma_semaphore, #tpu.memory_space<semaphore_mem>>) src(%arg13 : memref<128x128xf32, #tpu.memory_space<vmem>>) dst(%dma_wait3A_325 : memref<10240x128xf32, #tpu.memory_space<vmem_shared>>)
        tpu.yield
      }) : () -> ()
      %dma_start3A_80 = arith.constant 5 : i32
      %dma_start3A_81 = arith.constant 0 : i32
      %dma_start3A_82 = tpu.memref_slice %arg9[%dma_start3A_80, %dma_start3A_81] : memref<20x128xi32, #tpu.memory_space<vmem>> -> memref<1x128xi32, #tpu.memory_space<vmem>>
      %dma_start3A_83 = tpu.memref_squeeze %dma_start3A_82 : memref<1x128xi32, #tpu.memory_space<vmem>> -> memref<128xi32, #tpu.memory_space<vmem>>
      %dma_start3A_84 = arith.constant 0 : i32
      %dma_start3A_85 = arith.constant 0 : i32
      %dma_start3A_86 = tpu.memref_slice %arg2[%dma_start3A_84, %dma_start3A_85] : memref<10000x128xf32, #tpu.memory_space<hbm>> -> memref<10000x128xf32, #tpu.memory_space<hbm>>
      tpu.enqueue_indirect_dma source(%dma_start3A_86 : memref<10000x128xf32, #tpu.memory_space<hbm>>) target(%arg13 : memref<128x128xf32, #tpu.memory_space<vmem>>) offsets(%dma_start3A_83 : memref<128xi32, #tpu.memory_space<vmem>>) semaphore(%arg15 : memref<!tpu.dma_semaphore, #tpu.memory_space<semaphore_mem>>)
      %dma_wait3A_87 = arith.constant 4 : i32
      %dma_wait3A_88 = arith.constant 0 : i32
      %dma_wait3A_89 = tpu.memref_slice %arg9[%dma_wait3A_87, %dma_wait3A_88] : memref<20x128xi32, #tpu.memory_space<vmem>> -> memref<1x128xi32, #tpu.memory_space<vmem>>
      %dma_wait3A_90 = tpu.memref_squeeze %dma_wait3A_89 : memref<1x128xi32, #tpu.memory_space<vmem>> -> memref<128xi32, #tpu.memory_space<vmem>>
      %dma_wait3A_91 = arith.constant 0 : i32
      %dma_wait3A_92 = arith.constant 0 : i32
      %dma_wait3A_93 = tpu.memref_slice %arg2[%dma_wait3A_91, %dma_wait3A_92] : memref<10000x128xf32, #tpu.memory_space<hbm>> -> memref<10000x128xf32, #tpu.memory_space<hbm>>
      tpu.wait_indirect_dma semaphore(%arg14 : memref<!tpu.dma_semaphore, #tpu.memory_space<semaphore_mem>>) src(%dma_wait3A_93 : memref<10000x128xf32, #tpu.memory_space<hbm>>) dst(%arg12 : memref<128x128xf32, #tpu.memory_space<vmem>>)
      %run_scoped3A_94 = arith.constant 4 : i32
      "tpu.region"() ({
        %run_scoped3A_313 = tpu.sem_alloc : memref<!tpu.dma_semaphore, #tpu.memory_space<semaphore_mem>>
        %dma_start3A_314 = arith.constant 0 : i32
        %dma_start3A_315 = tpu.memref_slice %arg10[%run_scoped3A_94, %dma_start3A_314] : memref<20x128xi32, #tpu.memory_space<vmem>> -> memref<1x128xi32, #tpu.memory_space<vmem>>
        %dma_start3A_316 = tpu.memref_squeeze %dma_start3A_315 : memref<1x128xi32, #tpu.memory_space<vmem>> -> memref<128xi32, #tpu.memory_space<vmem>>
        %dma_start3A_317 = arith.constant 0 : i32
        %dma_start3A_318 = arith.constant 0 : i32
        %dma_start3A_319 = tpu.memref_slice %arg8[%dma_start3A_317, %dma_start3A_318] : memref<10240x128xf32, #tpu.memory_space<vmem_shared>> -> memref<10240x128xf32, #tpu.memory_space<vmem_shared>>
        tpu.enqueue_indirect_dma source(%arg12 : memref<128x128xf32, #tpu.memory_space<vmem>>) target(%dma_start3A_319 : memref<10240x128xf32, #tpu.memory_space<vmem_shared>>) offsets(%dma_start3A_316 : memref<128xi32, #tpu.memory_space<vmem>>) semaphore(%run_scoped3A_313 : memref<!tpu.dma_semaphore, #tpu.memory_space<semaphore_mem>>) {add = true}
        %dma_wait3A_320 = arith.constant 0 : i32
        %dma_wait3A_321 = tpu.memref_slice %arg10[%run_scoped3A_94, %dma_wait3A_320] : memref<20x128xi32, #tpu.memory_space<vmem>> -> memref<1x128xi32, #tpu.memory_space<vmem>>
        %dma_wait3A_322 = tpu.memref_squeeze %dma_wait3A_321 : memref<1x128xi32, #tpu.memory_space<vmem>> -> memref<128xi32, #tpu.memory_space<vmem>>
        %dma_wait3A_323 = arith.constant 0 : i32
        %dma_wait3A_324 = arith.constant 0 : i32
        %dma_wait3A_325 = tpu.memref_slice %arg8[%dma_wait3A_323, %dma_wait3A_324] : memref<10240x128xf32, #tpu.memory_space<vmem_shared>> -> memref<10240x128xf32, #tpu.memory_space<vmem_shared>>
        tpu.wait_indirect_dma semaphore(%run_scoped3A_313 : memref<!tpu.dma_semaphore, #tpu.memory_space<semaphore_mem>>) src(%arg12 : memref<128x128xf32, #tpu.memory_space<vmem>>) dst(%dma_wait3A_325 : memref<10240x128xf32, #tpu.memory_space<vmem_shared>>)
        tpu.yield
      }) : () -> ()
      %dma_start3A_95 = arith.constant 6 : i32
      %dma_start3A_96 = arith.constant 0 : i32
      %dma_start3A_97 = tpu.memref_slice %arg9[%dma_start3A_95, %dma_start3A_96] : memref<20x128xi32, #tpu.memory_space<vmem>> -> memref<1x128xi32, #tpu.memory_space<vmem>>
      %dma_start3A_98 = tpu.memref_squeeze %dma_start3A_97 : memref<1x128xi32, #tpu.memory_space<vmem>> -> memref<128xi32, #tpu.memory_space<vmem>>
      %dma_start3A_99 = arith.constant 0 : i32
      %dma_start3A_100 = arith.constant 0 : i32
      %dma_start3A_101 = tpu.memref_slice %arg2[%dma_start3A_99, %dma_start3A_100] : memref<10000x128xf32, #tpu.memory_space<hbm>> -> memref<10000x128xf32, #tpu.memory_space<hbm>>
      tpu.enqueue_indirect_dma source(%dma_start3A_101 : memref<10000x128xf32, #tpu.memory_space<hbm>>) target(%arg12 : memref<128x128xf32, #tpu.memory_space<vmem>>) offsets(%dma_start3A_98 : memref<128xi32, #tpu.memory_space<vmem>>) semaphore(%arg14 : memref<!tpu.dma_semaphore, #tpu.memory_space<semaphore_mem>>)
      %dma_wait3A_102 = arith.constant 5 : i32
      %dma_wait3A_103 = arith.constant 0 : i32
      %dma_wait3A_104 = tpu.memref_slice %arg9[%dma_wait3A_102, %dma_wait3A_103] : memref<20x128xi32, #tpu.memory_space<vmem>> -> memref<1x128xi32, #tpu.memory_space<vmem>>
      %dma_wait3A_105 = tpu.memref_squeeze %dma_wait3A_104 : memref<1x128xi32, #tpu.memory_space<vmem>> -> memref<128xi32, #tpu.memory_space<vmem>>
      %dma_wait3A_106 = arith.constant 0 : i32
      %dma_wait3A_107 = arith.constant 0 : i32
      %dma_wait3A_108 = tpu.memref_slice %arg2[%dma_wait3A_106, %dma_wait3A_107] : memref<10000x128xf32, #tpu.memory_space<hbm>> -> memref<10000x128xf32, #tpu.memory_space<hbm>>
      tpu.wait_indirect_dma semaphore(%arg15 : memref<!tpu.dma_semaphore, #tpu.memory_space<semaphore_mem>>) src(%dma_wait3A_108 : memref<10000x128xf32, #tpu.memory_space<hbm>>) dst(%arg13 : memref<128x128xf32, #tpu.memory_space<vmem>>)
      %run_scoped3A_109 = arith.constant 5 : i32
      "tpu.region"() ({
        %run_scoped3A_313 = tpu.sem_alloc : memref<!tpu.dma_semaphore, #tpu.memory_space<semaphore_mem>>
        %dma_start3A_314 = arith.constant 0 : i32
        %dma_start3A_315 = tpu.memref_slice %arg10[%run_scoped3A_109, %dma_start3A_314] : memref<20x128xi32, #tpu.memory_space<vmem>> -> memref<1x128xi32, #tpu.memory_space<vmem>>
        %dma_start3A_316 = tpu.memref_squeeze %dma_start3A_315 : memref<1x128xi32, #tpu.memory_space<vmem>> -> memref<128xi32, #tpu.memory_space<vmem>>
        %dma_start3A_317 = arith.constant 0 : i32
        %dma_start3A_318 = arith.constant 0 : i32
        %dma_start3A_319 = tpu.memref_slice %arg8[%dma_start3A_317, %dma_start3A_318] : memref<10240x128xf32, #tpu.memory_space<vmem_shared>> -> memref<10240x128xf32, #tpu.memory_space<vmem_shared>>
        tpu.enqueue_indirect_dma source(%arg13 : memref<128x128xf32, #tpu.memory_space<vmem>>) target(%dma_start3A_319 : memref<10240x128xf32, #tpu.memory_space<vmem_shared>>) offsets(%dma_start3A_316 : memref<128xi32, #tpu.memory_space<vmem>>) semaphore(%run_scoped3A_313 : memref<!tpu.dma_semaphore, #tpu.memory_space<semaphore_mem>>) {add = true}
        %dma_wait3A_320 = arith.constant 0 : i32
        %dma_wait3A_321 = tpu.memref_slice %arg10[%run_scoped3A_109, %dma_wait3A_320] : memref<20x128xi32, #tpu.memory_space<vmem>> -> memref<1x128xi32, #tpu.memory_space<vmem>>
        %dma_wait3A_322 = tpu.memref_squeeze %dma_wait3A_321 : memref<1x128xi32, #tpu.memory_space<vmem>> -> memref<128xi32, #tpu.memory_space<vmem>>
        %dma_wait3A_323 = arith.constant 0 : i32
        %dma_wait3A_324 = arith.constant 0 : i32
        %dma_wait3A_325 = tpu.memref_slice %arg8[%dma_wait3A_323, %dma_wait3A_324] : memref<10240x128xf32, #tpu.memory_space<vmem_shared>> -> memref<10240x128xf32, #tpu.memory_space<vmem_shared>>
        tpu.wait_indirect_dma semaphore(%run_scoped3A_313 : memref<!tpu.dma_semaphore, #tpu.memory_space<semaphore_mem>>) src(%arg13 : memref<128x128xf32, #tpu.memory_space<vmem>>) dst(%dma_wait3A_325 : memref<10240x128xf32, #tpu.memory_space<vmem_shared>>)
        tpu.yield
      }) : () -> ()
      %dma_start3A_110 = arith.constant 7 : i32
      %dma_start3A_111 = arith.constant 0 : i32
      %dma_start3A_112 = tpu.memref_slice %arg9[%dma_start3A_110, %dma_start3A_111] : memref<20x128xi32, #tpu.memory_space<vmem>> -> memref<1x128xi32, #tpu.memory_space<vmem>>
      %dma_start3A_113 = tpu.memref_squeeze %dma_start3A_112 : memref<1x128xi32, #tpu.memory_space<vmem>> -> memref<128xi32, #tpu.memory_space<vmem>>
      %dma_start3A_114 = arith.constant 0 : i32
      %dma_start3A_115 = arith.constant 0 : i32
      %dma_start3A_116 = tpu.memref_slice %arg2[%dma_start3A_114, %dma_start3A_115] : memref<10000x128xf32, #tpu.memory_space<hbm>> -> memref<10000x128xf32, #tpu.memory_space<hbm>>
      tpu.enqueue_indirect_dma source(%dma_start3A_116 : memref<10000x128xf32, #tpu.memory_space<hbm>>) target(%arg13 : memref<128x128xf32, #tpu.memory_space<vmem>>) offsets(%dma_start3A_113 : memref<128xi32, #tpu.memory_space<vmem>>) semaphore(%arg15 : memref<!tpu.dma_semaphore, #tpu.memory_space<semaphore_mem>>)
      %dma_wait3A_117 = arith.constant 6 : i32
      %dma_wait3A_118 = arith.constant 0 : i32
      %dma_wait3A_119 = tpu.memref_slice %arg9[%dma_wait3A_117, %dma_wait3A_118] : memref<20x128xi32, #tpu.memory_space<vmem>> -> memref<1x128xi32, #tpu.memory_space<vmem>>
      %dma_wait3A_120 = tpu.memref_squeeze %dma_wait3A_119 : memref<1x128xi32, #tpu.memory_space<vmem>> -> memref<128xi32, #tpu.memory_space<vmem>>
      %dma_wait3A_121 = arith.constant 0 : i32
      %dma_wait3A_122 = arith.constant 0 : i32
      %dma_wait3A_123 = tpu.memref_slice %arg2[%dma_wait3A_121, %dma_wait3A_122] : memref<10000x128xf32, #tpu.memory_space<hbm>> -> memref<10000x128xf32, #tpu.memory_space<hbm>>
      tpu.wait_indirect_dma semaphore(%arg14 : memref<!tpu.dma_semaphore, #tpu.memory_space<semaphore_mem>>) src(%dma_wait3A_123 : memref<10000x128xf32, #tpu.memory_space<hbm>>) dst(%arg12 : memref<128x128xf32, #tpu.memory_space<vmem>>)
      %run_scoped3A_124 = arith.constant 6 : i32
      "tpu.region"() ({
        %run_scoped3A_313 = tpu.sem_alloc : memref<!tpu.dma_semaphore, #tpu.memory_space<semaphore_mem>>
        %dma_start3A_314 = arith.constant 0 : i32
        %dma_start3A_315 = tpu.memref_slice %arg10[%run_scoped3A_124, %dma_start3A_314] : memref<20x128xi32, #tpu.memory_space<vmem>> -> memref<1x128xi32, #tpu.memory_space<vmem>>
        %dma_start3A_316 = tpu.memref_squeeze %dma_start3A_315 : memref<1x128xi32, #tpu.memory_space<vmem>> -> memref<128xi32, #tpu.memory_space<vmem>>
        %dma_start3A_317 = arith.constant 0 : i32
        %dma_start3A_318 = arith.constant 0 : i32
        %dma_start3A_319 = tpu.memref_slice %arg8[%dma_start3A_317, %dma_start3A_318] : memref<10240x128xf32, #tpu.memory_space<vmem_shared>> -> memref<10240x128xf32, #tpu.memory_space<vmem_shared>>
        tpu.enqueue_indirect_dma source(%arg12 : memref<128x128xf32, #tpu.memory_space<vmem>>) target(%dma_start3A_319 : memref<10240x128xf32, #tpu.memory_space<vmem_shared>>) offsets(%dma_start3A_316 : memref<128xi32, #tpu.memory_space<vmem>>) semaphore(%run_scoped3A_313 : memref<!tpu.dma_semaphore, #tpu.memory_space<semaphore_mem>>) {add = true}
        %dma_wait3A_320 = arith.constant 0 : i32
        %dma_wait3A_321 = tpu.memref_slice %arg10[%run_scoped3A_124, %dma_wait3A_320] : memref<20x128xi32, #tpu.memory_space<vmem>> -> memref<1x128xi32, #tpu.memory_space<vmem>>
        %dma_wait3A_322 = tpu.memref_squeeze %dma_wait3A_321 : memref<1x128xi32, #tpu.memory_space<vmem>> -> memref<128xi32, #tpu.memory_space<vmem>>
        %dma_wait3A_323 = arith.constant 0 : i32
        %dma_wait3A_324 = arith.constant 0 : i32
        %dma_wait3A_325 = tpu.memref_slice %arg8[%dma_wait3A_323, %dma_wait3A_324] : memref<10240x128xf32, #tpu.memory_space<vmem_shared>> -> memref<10240x128xf32, #tpu.memory_space<vmem_shared>>
        tpu.wait_indirect_dma semaphore(%run_scoped3A_313 : memref<!tpu.dma_semaphore, #tpu.memory_space<semaphore_mem>>) src(%arg12 : memref<128x128xf32, #tpu.memory_space<vmem>>) dst(%dma_wait3A_325 : memref<10240x128xf32, #tpu.memory_space<vmem_shared>>)
        tpu.yield
      }) : () -> ()
      %dma_start3A_125 = arith.constant 8 : i32
      %dma_start3A_126 = arith.constant 0 : i32
      %dma_start3A_127 = tpu.memref_slice %arg9[%dma_start3A_125, %dma_start3A_126] : memref<20x128xi32, #tpu.memory_space<vmem>> -> memref<1x128xi32, #tpu.memory_space<vmem>>
      %dma_start3A_128 = tpu.memref_squeeze %dma_start3A_127 : memref<1x128xi32, #tpu.memory_space<vmem>> -> memref<128xi32, #tpu.memory_space<vmem>>
      %dma_start3A_129 = arith.constant 0 : i32
      %dma_start3A_130 = arith.constant 0 : i32
      %dma_start3A_131 = tpu.memref_slice %arg2[%dma_start3A_129, %dma_start3A_130] : memref<10000x128xf32, #tpu.memory_space<hbm>> -> memref<10000x128xf32, #tpu.memory_space<hbm>>
      tpu.enqueue_indirect_dma source(%dma_start3A_131 : memref<10000x128xf32, #tpu.memory_space<hbm>>) target(%arg12 : memref<128x128xf32, #tpu.memory_space<vmem>>) offsets(%dma_start3A_128 : memref<128xi32, #tpu.memory_space<vmem>>) semaphore(%arg14 : memref<!tpu.dma_semaphore, #tpu.memory_space<semaphore_mem>>)
      %dma_wait3A_132 = arith.constant 7 : i32
      %dma_wait3A_133 = arith.constant 0 : i32
      %dma_wait3A_134 = tpu.memref_slice %arg9[%dma_wait3A_132, %dma_wait3A_133] : memref<20x128xi32, #tpu.memory_space<vmem>> -> memref<1x128xi32, #tpu.memory_space<vmem>>
      %dma_wait3A_135 = tpu.memref_squeeze %dma_wait3A_134 : memref<1x128xi32, #tpu.memory_space<vmem>> -> memref<128xi32, #tpu.memory_space<vmem>>
      %dma_wait3A_136 = arith.constant 0 : i32
      %dma_wait3A_137 = arith.constant 0 : i32
      %dma_wait3A_138 = tpu.memref_slice %arg2[%dma_wait3A_136, %dma_wait3A_137] : memref<10000x128xf32, #tpu.memory_space<hbm>> -> memref<10000x128xf32, #tpu.memory_space<hbm>>
      tpu.wait_indirect_dma semaphore(%arg15 : memref<!tpu.dma_semaphore, #tpu.memory_space<semaphore_mem>>) src(%dma_wait3A_138 : memref<10000x128xf32, #tpu.memory_space<hbm>>) dst(%arg13 : memref<128x128xf32, #tpu.memory_space<vmem>>)
      %run_scoped3A_139 = arith.constant 7 : i32
      "tpu.region"() ({
        %run_scoped3A_313 = tpu.sem_alloc : memref<!tpu.dma_semaphore, #tpu.memory_space<semaphore_mem>>
        %dma_start3A_314 = arith.constant 0 : i32
        %dma_start3A_315 = tpu.memref_slice %arg10[%run_scoped3A_139, %dma_start3A_314] : memref<20x128xi32, #tpu.memory_space<vmem>> -> memref<1x128xi32, #tpu.memory_space<vmem>>
        %dma_start3A_316 = tpu.memref_squeeze %dma_start3A_315 : memref<1x128xi32, #tpu.memory_space<vmem>> -> memref<128xi32, #tpu.memory_space<vmem>>
        %dma_start3A_317 = arith.constant 0 : i32
        %dma_start3A_318 = arith.constant 0 : i32
        %dma_start3A_319 = tpu.memref_slice %arg8[%dma_start3A_317, %dma_start3A_318] : memref<10240x128xf32, #tpu.memory_space<vmem_shared>> -> memref<10240x128xf32, #tpu.memory_space<vmem_shared>>
        tpu.enqueue_indirect_dma source(%arg13 : memref<128x128xf32, #tpu.memory_space<vmem>>) target(%dma_start3A_319 : memref<10240x128xf32, #tpu.memory_space<vmem_shared>>) offsets(%dma_start3A_316 : memref<128xi32, #tpu.memory_space<vmem>>) semaphore(%run_scoped3A_313 : memref<!tpu.dma_semaphore, #tpu.memory_space<semaphore_mem>>) {add = true}
        %dma_wait3A_320 = arith.constant 0 : i32
        %dma_wait3A_321 = tpu.memref_slice %arg10[%run_scoped3A_139, %dma_wait3A_320] : memref<20x128xi32, #tpu.memory_space<vmem>> -> memref<1x128xi32, #tpu.memory_space<vmem>>
        %dma_wait3A_322 = tpu.memref_squeeze %dma_wait3A_321 : memref<1x128xi32, #tpu.memory_space<vmem>> -> memref<128xi32, #tpu.memory_space<vmem>>
        %dma_wait3A_323 = arith.constant 0 : i32
        %dma_wait3A_324 = arith.constant 0 : i32
        %dma_wait3A_325 = tpu.memref_slice %arg8[%dma_wait3A_323, %dma_wait3A_324] : memref<10240x128xf32, #tpu.memory_space<vmem_shared>> -> memref<10240x128xf32, #tpu.memory_space<vmem_shared>>
        tpu.wait_indirect_dma semaphore(%run_scoped3A_313 : memref<!tpu.dma_semaphore, #tpu.memory_space<semaphore_mem>>) src(%arg13 : memref<128x128xf32, #tpu.memory_space<vmem>>) dst(%dma_wait3A_325 : memref<10240x128xf32, #tpu.memory_space<vmem_shared>>)
        tpu.yield
      }) : () -> ()
      %dma_start3A_140 = arith.constant 9 : i32
      %dma_start3A_141 = arith.constant 0 : i32
      %dma_start3A_142 = tpu.memref_slice %arg9[%dma_start3A_140, %dma_start3A_141] : memref<20x128xi32, #tpu.memory_space<vmem>> -> memref<1x128xi32, #tpu.memory_space<vmem>>
      %dma_start3A_143 = tpu.memref_squeeze %dma_start3A_142 : memref<1x128xi32, #tpu.memory_space<vmem>> -> memref<128xi32, #tpu.memory_space<vmem>>
      %dma_start3A_144 = arith.constant 0 : i32
      %dma_start3A_145 = arith.constant 0 : i32
      %dma_start3A_146 = tpu.memref_slice %arg2[%dma_start3A_144, %dma_start3A_145] : memref<10000x128xf32, #tpu.memory_space<hbm>> -> memref<10000x128xf32, #tpu.memory_space<hbm>>
      tpu.enqueue_indirect_dma source(%dma_start3A_146 : memref<10000x128xf32, #tpu.memory_space<hbm>>) target(%arg13 : memref<128x128xf32, #tpu.memory_space<vmem>>) offsets(%dma_start3A_143 : memref<128xi32, #tpu.memory_space<vmem>>) semaphore(%arg15 : memref<!tpu.dma_semaphore, #tpu.memory_space<semaphore_mem>>)
      %dma_wait3A_147 = arith.constant 8 : i32
      %dma_wait3A_148 = arith.constant 0 : i32
      %dma_wait3A_149 = tpu.memref_slice %arg9[%dma_wait3A_147, %dma_wait3A_148] : memref<20x128xi32, #tpu.memory_space<vmem>> -> memref<1x128xi32, #tpu.memory_space<vmem>>
      %dma_wait3A_150 = tpu.memref_squeeze %dma_wait3A_149 : memref<1x128xi32, #tpu.memory_space<vmem>> -> memref<128xi32, #tpu.memory_space<vmem>>
      %dma_wait3A_151 = arith.constant 0 : i32
      %dma_wait3A_152 = arith.constant 0 : i32
      %dma_wait3A_153 = tpu.memref_slice %arg2[%dma_wait3A_151, %dma_wait3A_152] : memref<10000x128xf32, #tpu.memory_space<hbm>> -> memref<10000x128xf32, #tpu.memory_space<hbm>>
      tpu.wait_indirect_dma semaphore(%arg14 : memref<!tpu.dma_semaphore, #tpu.memory_space<semaphore_mem>>) src(%dma_wait3A_153 : memref<10000x128xf32, #tpu.memory_space<hbm>>) dst(%arg12 : memref<128x128xf32, #tpu.memory_space<vmem>>)
      %run_scoped3A_154 = arith.constant 8 : i32
      "tpu.region"() ({
        %run_scoped3A_313 = tpu.sem_alloc : memref<!tpu.dma_semaphore, #tpu.memory_space<semaphore_mem>>
        %dma_start3A_314 = arith.constant 0 : i32
        %dma_start3A_315 = tpu.memref_slice %arg10[%run_scoped3A_154, %dma_start3A_314] : memref<20x128xi32, #tpu.memory_space<vmem>> -> memref<1x128xi32, #tpu.memory_space<vmem>>
        %dma_start3A_316 = tpu.memref_squeeze %dma_start3A_315 : memref<1x128xi32, #tpu.memory_space<vmem>> -> memref<128xi32, #tpu.memory_space<vmem>>
        %dma_start3A_317 = arith.constant 0 : i32
        %dma_start3A_318 = arith.constant 0 : i32
        %dma_start3A_319 = tpu.memref_slice %arg8[%dma_start3A_317, %dma_start3A_318] : memref<10240x128xf32, #tpu.memory_space<vmem_shared>> -> memref<10240x128xf32, #tpu.memory_space<vmem_shared>>
        tpu.enqueue_indirect_dma source(%arg12 : memref<128x128xf32, #tpu.memory_space<vmem>>) target(%dma_start3A_319 : memref<10240x128xf32, #tpu.memory_space<vmem_shared>>) offsets(%dma_start3A_316 : memref<128xi32, #tpu.memory_space<vmem>>) semaphore(%run_scoped3A_313 : memref<!tpu.dma_semaphore, #tpu.memory_space<semaphore_mem>>) {add = true}
        %dma_wait3A_320 = arith.constant 0 : i32
        %dma_wait3A_321 = tpu.memref_slice %arg10[%run_scoped3A_154, %dma_wait3A_320] : memref<20x128xi32, #tpu.memory_space<vmem>> -> memref<1x128xi32, #tpu.memory_space<vmem>>
        %dma_wait3A_322 = tpu.memref_squeeze %dma_wait3A_321 : memref<1x128xi32, #tpu.memory_space<vmem>> -> memref<128xi32, #tpu.memory_space<vmem>>
        %dma_wait3A_323 = arith.constant 0 : i32
        %dma_wait3A_324 = arith.constant 0 : i32
        %dma_wait3A_325 = tpu.memref_slice %arg8[%dma_wait3A_323, %dma_wait3A_324] : memref<10240x128xf32, #tpu.memory_space<vmem_shared>> -> memref<10240x128xf32, #tpu.memory_space<vmem_shared>>
        tpu.wait_indirect_dma semaphore(%run_scoped3A_313 : memref<!tpu.dma_semaphore, #tpu.memory_space<semaphore_mem>>) src(%arg12 : memref<128x128xf32, #tpu.memory_space<vmem>>) dst(%dma_wait3A_325 : memref<10240x128xf32, #tpu.memory_space<vmem_shared>>)
        tpu.yield
      }) : () -> ()
      %dma_start3A_155 = arith.constant 10 : i32
      %dma_start3A_156 = arith.constant 0 : i32
      %dma_start3A_157 = tpu.memref_slice %arg9[%dma_start3A_155, %dma_start3A_156] : memref<20x128xi32, #tpu.memory_space<vmem>> -> memref<1x128xi32, #tpu.memory_space<vmem>>
      %dma_start3A_158 = tpu.memref_squeeze %dma_start3A_157 : memref<1x128xi32, #tpu.memory_space<vmem>> -> memref<128xi32, #tpu.memory_space<vmem>>
      %dma_start3A_159 = arith.constant 0 : i32
      %dma_start3A_160 = arith.constant 0 : i32
      %dma_start3A_161 = tpu.memref_slice %arg2[%dma_start3A_159, %dma_start3A_160] : memref<10000x128xf32, #tpu.memory_space<hbm>> -> memref<10000x128xf32, #tpu.memory_space<hbm>>
      tpu.enqueue_indirect_dma source(%dma_start3A_161 : memref<10000x128xf32, #tpu.memory_space<hbm>>) target(%arg12 : memref<128x128xf32, #tpu.memory_space<vmem>>) offsets(%dma_start3A_158 : memref<128xi32, #tpu.memory_space<vmem>>) semaphore(%arg14 : memref<!tpu.dma_semaphore, #tpu.memory_space<semaphore_mem>>)
      %dma_wait3A_162 = arith.constant 9 : i32
      %dma_wait3A_163 = arith.constant 0 : i32
      %dma_wait3A_164 = tpu.memref_slice %arg9[%dma_wait3A_162, %dma_wait3A_163] : memref<20x128xi32, #tpu.memory_space<vmem>> -> memref<1x128xi32, #tpu.memory_space<vmem>>
      %dma_wait3A_165 = tpu.memref_squeeze %dma_wait3A_164 : memref<1x128xi32, #tpu.memory_space<vmem>> -> memref<128xi32, #tpu.memory_space<vmem>>
      %dma_wait3A_166 = arith.constant 0 : i32
      %dma_wait3A_167 = arith.constant 0 : i32
      %dma_wait3A_168 = tpu.memref_slice %arg2[%dma_wait3A_166, %dma_wait3A_167] : memref<10000x128xf32, #tpu.memory_space<hbm>> -> memref<10000x128xf32, #tpu.memory_space<hbm>>
      tpu.wait_indirect_dma semaphore(%arg15 : memref<!tpu.dma_semaphore, #tpu.memory_space<semaphore_mem>>) src(%dma_wait3A_168 : memref<10000x128xf32, #tpu.memory_space<hbm>>) dst(%arg13 : memref<128x128xf32, #tpu.memory_space<vmem>>)
      %run_scoped3A_169 = arith.constant 9 : i32
      "tpu.region"() ({
        %run_scoped3A_313 = tpu.sem_alloc : memref<!tpu.dma_semaphore, #tpu.memory_space<semaphore_mem>>
        %dma_start3A_314 = arith.constant 0 : i32
        %dma_start3A_315 = tpu.memref_slice %arg10[%run_scoped3A_169, %dma_start3A_314] : memref<20x128xi32, #tpu.memory_space<vmem>> -> memref<1x128xi32, #tpu.memory_space<vmem>>
        %dma_start3A_316 = tpu.memref_squeeze %dma_start3A_315 : memref<1x128xi32, #tpu.memory_space<vmem>> -> memref<128xi32, #tpu.memory_space<vmem>>
        %dma_start3A_317 = arith.constant 0 : i32
        %dma_start3A_318 = arith.constant 0 : i32
        %dma_start3A_319 = tpu.memref_slice %arg8[%dma_start3A_317, %dma_start3A_318] : memref<10240x128xf32, #tpu.memory_space<vmem_shared>> -> memref<10240x128xf32, #tpu.memory_space<vmem_shared>>
        tpu.enqueue_indirect_dma source(%arg13 : memref<128x128xf32, #tpu.memory_space<vmem>>) target(%dma_start3A_319 : memref<10240x128xf32, #tpu.memory_space<vmem_shared>>) offsets(%dma_start3A_316 : memref<128xi32, #tpu.memory_space<vmem>>) semaphore(%run_scoped3A_313 : memref<!tpu.dma_semaphore, #tpu.memory_space<semaphore_mem>>) {add = true}
        %dma_wait3A_320 = arith.constant 0 : i32
        %dma_wait3A_321 = tpu.memref_slice %arg10[%run_scoped3A_169, %dma_wait3A_320] : memref<20x128xi32, #tpu.memory_space<vmem>> -> memref<1x128xi32, #tpu.memory_space<vmem>>
        %dma_wait3A_322 = tpu.memref_squeeze %dma_wait3A_321 : memref<1x128xi32, #tpu.memory_space<vmem>> -> memref<128xi32, #tpu.memory_space<vmem>>
        %dma_wait3A_323 = arith.constant 0 : i32
        %dma_wait3A_324 = arith.constant 0 : i32
        %dma_wait3A_325 = tpu.memref_slice %arg8[%dma_wait3A_323, %dma_wait3A_324] : memref<10240x128xf32, #tpu.memory_space<vmem_shared>> -> memref<10240x128xf32, #tpu.memory_space<vmem_shared>>
        tpu.wait_indirect_dma semaphore(%run_scoped3A_313 : memref<!tpu.dma_semaphore, #tpu.memory_space<semaphore_mem>>) src(%arg13 : memref<128x128xf32, #tpu.memory_space<vmem>>) dst(%dma_wait3A_325 : memref<10240x128xf32, #tpu.memory_space<vmem_shared>>)
        tpu.yield
      }) : () -> ()
      %dma_start3A_170 = arith.constant 11 : i32
      %dma_start3A_171 = arith.constant 0 : i32
      %dma_start3A_172 = tpu.memref_slice %arg9[%dma_start3A_170, %dma_start3A_171] : memref<20x128xi32, #tpu.memory_space<vmem>> -> memref<1x128xi32, #tpu.memory_space<vmem>>
      %dma_start3A_173 = tpu.memref_squeeze %dma_start3A_172 : memref<1x128xi32, #tpu.memory_space<vmem>> -> memref<128xi32, #tpu.memory_space<vmem>>
      %dma_start3A_174 = arith.constant 0 : i32
      %dma_start3A_175 = arith.constant 0 : i32
      %dma_start3A_176 = tpu.memref_slice %arg2[%dma_start3A_174, %dma_start3A_175] : memref<10000x128xf32, #tpu.memory_space<hbm>> -> memref<10000x128xf32, #tpu.memory_space<hbm>>
      tpu.enqueue_indirect_dma source(%dma_start3A_176 : memref<10000x128xf32, #tpu.memory_space<hbm>>) target(%arg13 : memref<128x128xf32, #tpu.memory_space<vmem>>) offsets(%dma_start3A_173 : memref<128xi32, #tpu.memory_space<vmem>>) semaphore(%arg15 : memref<!tpu.dma_semaphore, #tpu.memory_space<semaphore_mem>>)
      %dma_wait3A_177 = arith.constant 10 : i32
      %dma_wait3A_178 = arith.constant 0 : i32
      %dma_wait3A_179 = tpu.memref_slice %arg9[%dma_wait3A_177, %dma_wait3A_178] : memref<20x128xi32, #tpu.memory_space<vmem>> -> memref<1x128xi32, #tpu.memory_space<vmem>>
      %dma_wait3A_180 = tpu.memref_squeeze %dma_wait3A_179 : memref<1x128xi32, #tpu.memory_space<vmem>> -> memref<128xi32, #tpu.memory_space<vmem>>
      %dma_wait3A_181 = arith.constant 0 : i32
      %dma_wait3A_182 = arith.constant 0 : i32
      %dma_wait3A_183 = tpu.memref_slice %arg2[%dma_wait3A_181, %dma_wait3A_182] : memref<10000x128xf32, #tpu.memory_space<hbm>> -> memref<10000x128xf32, #tpu.memory_space<hbm>>
      tpu.wait_indirect_dma semaphore(%arg14 : memref<!tpu.dma_semaphore, #tpu.memory_space<semaphore_mem>>) src(%dma_wait3A_183 : memref<10000x128xf32, #tpu.memory_space<hbm>>) dst(%arg12 : memref<128x128xf32, #tpu.memory_space<vmem>>)
      %run_scoped3A_184 = arith.constant 10 : i32
      "tpu.region"() ({
        %run_scoped3A_313 = tpu.sem_alloc : memref<!tpu.dma_semaphore, #tpu.memory_space<semaphore_mem>>
        %dma_start3A_314 = arith.constant 0 : i32
        %dma_start3A_315 = tpu.memref_slice %arg10[%run_scoped3A_184, %dma_start3A_314] : memref<20x128xi32, #tpu.memory_space<vmem>> -> memref<1x128xi32, #tpu.memory_space<vmem>>
        %dma_start3A_316 = tpu.memref_squeeze %dma_start3A_315 : memref<1x128xi32, #tpu.memory_space<vmem>> -> memref<128xi32, #tpu.memory_space<vmem>>
        %dma_start3A_317 = arith.constant 0 : i32
        %dma_start3A_318 = arith.constant 0 : i32
        %dma_start3A_319 = tpu.memref_slice %arg8[%dma_start3A_317, %dma_start3A_318] : memref<10240x128xf32, #tpu.memory_space<vmem_shared>> -> memref<10240x128xf32, #tpu.memory_space<vmem_shared>>
        tpu.enqueue_indirect_dma source(%arg12 : memref<128x128xf32, #tpu.memory_space<vmem>>) target(%dma_start3A_319 : memref<10240x128xf32, #tpu.memory_space<vmem_shared>>) offsets(%dma_start3A_316 : memref<128xi32, #tpu.memory_space<vmem>>) semaphore(%run_scoped3A_313 : memref<!tpu.dma_semaphore, #tpu.memory_space<semaphore_mem>>) {add = true}
        %dma_wait3A_320 = arith.constant 0 : i32
        %dma_wait3A_321 = tpu.memref_slice %arg10[%run_scoped3A_184, %dma_wait3A_320] : memref<20x128xi32, #tpu.memory_space<vmem>> -> memref<1x128xi32, #tpu.memory_space<vmem>>
        %dma_wait3A_322 = tpu.memref_squeeze %dma_wait3A_321 : memref<1x128xi32, #tpu.memory_space<vmem>> -> memref<128xi32, #tpu.memory_space<vmem>>
        %dma_wait3A_323 = arith.constant 0 : i32
        %dma_wait3A_324 = arith.constant 0 : i32
        %dma_wait3A_325 = tpu.memref_slice %arg8[%dma_wait3A_323, %dma_wait3A_324] : memref<10240x128xf32, #tpu.memory_space<vmem_shared>> -> memref<10240x128xf32, #tpu.memory_space<vmem_shared>>
        tpu.wait_indirect_dma semaphore(%run_scoped3A_313 : memref<!tpu.dma_semaphore, #tpu.memory_space<semaphore_mem>>) src(%arg12 : memref<128x128xf32, #tpu.memory_space<vmem>>) dst(%dma_wait3A_325 : memref<10240x128xf32, #tpu.memory_space<vmem_shared>>)
        tpu.yield
      }) : () -> ()
      %dma_start3A_185 = arith.constant 12 : i32
      %dma_start3A_186 = arith.constant 0 : i32
      %dma_start3A_187 = tpu.memref_slice %arg9[%dma_start3A_185, %dma_start3A_186] : memref<20x128xi32, #tpu.memory_space<vmem>> -> memref<1x128xi32, #tpu.memory_space<vmem>>
      %dma_start3A_188 = tpu.memref_squeeze %dma_start3A_187 : memref<1x128xi32, #tpu.memory_space<vmem>> -> memref<128xi32, #tpu.memory_space<vmem>>
      %dma_start3A_189 = arith.constant 0 : i32
      %dma_start3A_190 = arith.constant 0 : i32
      %dma_start3A_191 = tpu.memref_slice %arg2[%dma_start3A_189, %dma_start3A_190] : memref<10000x128xf32, #tpu.memory_space<hbm>> -> memref<10000x128xf32, #tpu.memory_space<hbm>>
      tpu.enqueue_indirect_dma source(%dma_start3A_191 : memref<10000x128xf32, #tpu.memory_space<hbm>>) target(%arg12 : memref<128x128xf32, #tpu.memory_space<vmem>>) offsets(%dma_start3A_188 : memref<128xi32, #tpu.memory_space<vmem>>) semaphore(%arg14 : memref<!tpu.dma_semaphore, #tpu.memory_space<semaphore_mem>>)
      %dma_wait3A_192 = arith.constant 11 : i32
      %dma_wait3A_193 = arith.constant 0 : i32
      %dma_wait3A_194 = tpu.memref_slice %arg9[%dma_wait3A_192, %dma_wait3A_193] : memref<20x128xi32, #tpu.memory_space<vmem>> -> memref<1x128xi32, #tpu.memory_space<vmem>>
      %dma_wait3A_195 = tpu.memref_squeeze %dma_wait3A_194 : memref<1x128xi32, #tpu.memory_space<vmem>> -> memref<128xi32, #tpu.memory_space<vmem>>
      %dma_wait3A_196 = arith.constant 0 : i32
      %dma_wait3A_197 = arith.constant 0 : i32
      %dma_wait3A_198 = tpu.memref_slice %arg2[%dma_wait3A_196, %dma_wait3A_197] : memref<10000x128xf32, #tpu.memory_space<hbm>> -> memref<10000x128xf32, #tpu.memory_space<hbm>>
      tpu.wait_indirect_dma semaphore(%arg15 : memref<!tpu.dma_semaphore, #tpu.memory_space<semaphore_mem>>) src(%dma_wait3A_198 : memref<10000x128xf32, #tpu.memory_space<hbm>>) dst(%arg13 : memref<128x128xf32, #tpu.memory_space<vmem>>)
      %run_scoped3A_199 = arith.constant 11 : i32
      "tpu.region"() ({
        %run_scoped3A_313 = tpu.sem_alloc : memref<!tpu.dma_semaphore, #tpu.memory_space<semaphore_mem>>
        %dma_start3A_314 = arith.constant 0 : i32
        %dma_start3A_315 = tpu.memref_slice %arg10[%run_scoped3A_199, %dma_start3A_314] : memref<20x128xi32, #tpu.memory_space<vmem>> -> memref<1x128xi32, #tpu.memory_space<vmem>>
        %dma_start3A_316 = tpu.memref_squeeze %dma_start3A_315 : memref<1x128xi32, #tpu.memory_space<vmem>> -> memref<128xi32, #tpu.memory_space<vmem>>
        %dma_start3A_317 = arith.constant 0 : i32
        %dma_start3A_318 = arith.constant 0 : i32
        %dma_start3A_319 = tpu.memref_slice %arg8[%dma_start3A_317, %dma_start3A_318] : memref<10240x128xf32, #tpu.memory_space<vmem_shared>> -> memref<10240x128xf32, #tpu.memory_space<vmem_shared>>
        tpu.enqueue_indirect_dma source(%arg13 : memref<128x128xf32, #tpu.memory_space<vmem>>) target(%dma_start3A_319 : memref<10240x128xf32, #tpu.memory_space<vmem_shared>>) offsets(%dma_start3A_316 : memref<128xi32, #tpu.memory_space<vmem>>) semaphore(%run_scoped3A_313 : memref<!tpu.dma_semaphore, #tpu.memory_space<semaphore_mem>>) {add = true}
        %dma_wait3A_320 = arith.constant 0 : i32
        %dma_wait3A_321 = tpu.memref_slice %arg10[%run_scoped3A_199, %dma_wait3A_320] : memref<20x128xi32, #tpu.memory_space<vmem>> -> memref<1x128xi32, #tpu.memory_space<vmem>>
        %dma_wait3A_322 = tpu.memref_squeeze %dma_wait3A_321 : memref<1x128xi32, #tpu.memory_space<vmem>> -> memref<128xi32, #tpu.memory_space<vmem>>
        %dma_wait3A_323 = arith.constant 0 : i32
        %dma_wait3A_324 = arith.constant 0 : i32
        %dma_wait3A_325 = tpu.memref_slice %arg8[%dma_wait3A_323, %dma_wait3A_324] : memref<10240x128xf32, #tpu.memory_space<vmem_shared>> -> memref<10240x128xf32, #tpu.memory_space<vmem_shared>>
        tpu.wait_indirect_dma semaphore(%run_scoped3A_313 : memref<!tpu.dma_semaphore, #tpu.memory_space<semaphore_mem>>) src(%arg13 : memref<128x128xf32, #tpu.memory_space<vmem>>) dst(%dma_wait3A_325 : memref<10240x128xf32, #tpu.memory_space<vmem_shared>>)
        tpu.yield
      }) : () -> ()
      %dma_start3A_200 = arith.constant 13 : i32
      %dma_start3A_201 = arith.constant 0 : i32
      %dma_start3A_202 = tpu.memref_slice %arg9[%dma_start3A_200, %dma_start3A_201] : memref<20x128xi32, #tpu.memory_space<vmem>> -> memref<1x128xi32, #tpu.memory_space<vmem>>
      %dma_start3A_203 = tpu.memref_squeeze %dma_start3A_202 : memref<1x128xi32, #tpu.memory_space<vmem>> -> memref<128xi32, #tpu.memory_space<vmem>>
      %dma_start3A_204 = arith.constant 0 : i32
      %dma_start3A_205 = arith.constant 0 : i32
      %dma_start3A_206 = tpu.memref_slice %arg2[%dma_start3A_204, %dma_start3A_205] : memref<10000x128xf32, #tpu.memory_space<hbm>> -> memref<10000x128xf32, #tpu.memory_space<hbm>>
      tpu.enqueue_indirect_dma source(%dma_start3A_206 : memref<10000x128xf32, #tpu.memory_space<hbm>>) target(%arg13 : memref<128x128xf32, #tpu.memory_space<vmem>>) offsets(%dma_start3A_203 : memref<128xi32, #tpu.memory_space<vmem>>) semaphore(%arg15 : memref<!tpu.dma_semaphore, #tpu.memory_space<semaphore_mem>>)
      %dma_wait3A_207 = arith.constant 12 : i32
      %dma_wait3A_208 = arith.constant 0 : i32
      %dma_wait3A_209 = tpu.memref_slice %arg9[%dma_wait3A_207, %dma_wait3A_208] : memref<20x128xi32, #tpu.memory_space<vmem>> -> memref<1x128xi32, #tpu.memory_space<vmem>>
      %dma_wait3A_210 = tpu.memref_squeeze %dma_wait3A_209 : memref<1x128xi32, #tpu.memory_space<vmem>> -> memref<128xi32, #tpu.memory_space<vmem>>
      %dma_wait3A_211 = arith.constant 0 : i32
      %dma_wait3A_212 = arith.constant 0 : i32
      %dma_wait3A_213 = tpu.memref_slice %arg2[%dma_wait3A_211, %dma_wait3A_212] : memref<10000x128xf32, #tpu.memory_space<hbm>> -> memref<10000x128xf32, #tpu.memory_space<hbm>>
      tpu.wait_indirect_dma semaphore(%arg14 : memref<!tpu.dma_semaphore, #tpu.memory_space<semaphore_mem>>) src(%dma_wait3A_213 : memref<10000x128xf32, #tpu.memory_space<hbm>>) dst(%arg12 : memref<128x128xf32, #tpu.memory_space<vmem>>)
      %run_scoped3A_214 = arith.constant 12 : i32
      "tpu.region"() ({
        %run_scoped3A_313 = tpu.sem_alloc : memref<!tpu.dma_semaphore, #tpu.memory_space<semaphore_mem>>
        %dma_start3A_314 = arith.constant 0 : i32
        %dma_start3A_315 = tpu.memref_slice %arg10[%run_scoped3A_214, %dma_start3A_314] : memref<20x128xi32, #tpu.memory_space<vmem>> -> memref<1x128xi32, #tpu.memory_space<vmem>>
        %dma_start3A_316 = tpu.memref_squeeze %dma_start3A_315 : memref<1x128xi32, #tpu.memory_space<vmem>> -> memref<128xi32, #tpu.memory_space<vmem>>
        %dma_start3A_317 = arith.constant 0 : i32
        %dma_start3A_318 = arith.constant 0 : i32
        %dma_start3A_319 = tpu.memref_slice %arg8[%dma_start3A_317, %dma_start3A_318] : memref<10240x128xf32, #tpu.memory_space<vmem_shared>> -> memref<10240x128xf32, #tpu.memory_space<vmem_shared>>
        tpu.enqueue_indirect_dma source(%arg12 : memref<128x128xf32, #tpu.memory_space<vmem>>) target(%dma_start3A_319 : memref<10240x128xf32, #tpu.memory_space<vmem_shared>>) offsets(%dma_start3A_316 : memref<128xi32, #tpu.memory_space<vmem>>) semaphore(%run_scoped3A_313 : memref<!tpu.dma_semaphore, #tpu.memory_space<semaphore_mem>>) {add = true}
        %dma_wait3A_320 = arith.constant 0 : i32
        %dma_wait3A_321 = tpu.memref_slice %arg10[%run_scoped3A_214, %dma_wait3A_320] : memref<20x128xi32, #tpu.memory_space<vmem>> -> memref<1x128xi32, #tpu.memory_space<vmem>>
        %dma_wait3A_322 = tpu.memref_squeeze %dma_wait3A_321 : memref<1x128xi32, #tpu.memory_space<vmem>> -> memref<128xi32, #tpu.memory_space<vmem>>
        %dma_wait3A_323 = arith.constant 0 : i32
        %dma_wait3A_324 = arith.constant 0 : i32
        %dma_wait3A_325 = tpu.memref_slice %arg8[%dma_wait3A_323, %dma_wait3A_324] : memref<10240x128xf32, #tpu.memory_space<vmem_shared>> -> memref<10240x128xf32, #tpu.memory_space<vmem_shared>>
        tpu.wait_indirect_dma semaphore(%run_scoped3A_313 : memref<!tpu.dma_semaphore, #tpu.memory_space<semaphore_mem>>) src(%arg12 : memref<128x128xf32, #tpu.memory_space<vmem>>) dst(%dma_wait3A_325 : memref<10240x128xf32, #tpu.memory_space<vmem_shared>>)
        tpu.yield
      }) : () -> ()
      %dma_start3A_215 = arith.constant 14 : i32
      %dma_start3A_216 = arith.constant 0 : i32
      %dma_start3A_217 = tpu.memref_slice %arg9[%dma_start3A_215, %dma_start3A_216] : memref<20x128xi32, #tpu.memory_space<vmem>> -> memref<1x128xi32, #tpu.memory_space<vmem>>
      %dma_start3A_218 = tpu.memref_squeeze %dma_start3A_217 : memref<1x128xi32, #tpu.memory_space<vmem>> -> memref<128xi32, #tpu.memory_space<vmem>>
      %dma_start3A_219 = arith.constant 0 : i32
      %dma_start3A_220 = arith.constant 0 : i32
      %dma_start3A_221 = tpu.memref_slice %arg2[%dma_start3A_219, %dma_start3A_220] : memref<10000x128xf32, #tpu.memory_space<hbm>> -> memref<10000x128xf32, #tpu.memory_space<hbm>>
      tpu.enqueue_indirect_dma source(%dma_start3A_221 : memref<10000x128xf32, #tpu.memory_space<hbm>>) target(%arg12 : memref<128x128xf32, #tpu.memory_space<vmem>>) offsets(%dma_start3A_218 : memref<128xi32, #tpu.memory_space<vmem>>) semaphore(%arg14 : memref<!tpu.dma_semaphore, #tpu.memory_space<semaphore_mem>>)
      %dma_wait3A_222 = arith.constant 13 : i32
      %dma_wait3A_223 = arith.constant 0 : i32
      %dma_wait3A_224 = tpu.memref_slice %arg9[%dma_wait3A_222, %dma_wait3A_223] : memref<20x128xi32, #tpu.memory_space<vmem>> -> memref<1x128xi32, #tpu.memory_space<vmem>>
      %dma_wait3A_225 = tpu.memref_squeeze %dma_wait3A_224 : memref<1x128xi32, #tpu.memory_space<vmem>> -> memref<128xi32, #tpu.memory_space<vmem>>
      %dma_wait3A_226 = arith.constant 0 : i32
      %dma_wait3A_227 = arith.constant 0 : i32
      %dma_wait3A_228 = tpu.memref_slice %arg2[%dma_wait3A_226, %dma_wait3A_227] : memref<10000x128xf32, #tpu.memory_space<hbm>> -> memref<10000x128xf32, #tpu.memory_space<hbm>>
      tpu.wait_indirect_dma semaphore(%arg15 : memref<!tpu.dma_semaphore, #tpu.memory_space<semaphore_mem>>) src(%dma_wait3A_228 : memref<10000x128xf32, #tpu.memory_space<hbm>>) dst(%arg13 : memref<128x128xf32, #tpu.memory_space<vmem>>)
      %run_scoped3A_229 = arith.constant 13 : i32
      "tpu.region"() ({
        %run_scoped3A_313 = tpu.sem_alloc : memref<!tpu.dma_semaphore, #tpu.memory_space<semaphore_mem>>
        %dma_start3A_314 = arith.constant 0 : i32
        %dma_start3A_315 = tpu.memref_slice %arg10[%run_scoped3A_229, %dma_start3A_314] : memref<20x128xi32, #tpu.memory_space<vmem>> -> memref<1x128xi32, #tpu.memory_space<vmem>>
        %dma_start3A_316 = tpu.memref_squeeze %dma_start3A_315 : memref<1x128xi32, #tpu.memory_space<vmem>> -> memref<128xi32, #tpu.memory_space<vmem>>
        %dma_start3A_317 = arith.constant 0 : i32
        %dma_start3A_318 = arith.constant 0 : i32
        %dma_start3A_319 = tpu.memref_slice %arg8[%dma_start3A_317, %dma_start3A_318] : memref<10240x128xf32, #tpu.memory_space<vmem_shared>> -> memref<10240x128xf32, #tpu.memory_space<vmem_shared>>
        tpu.enqueue_indirect_dma source(%arg13 : memref<128x128xf32, #tpu.memory_space<vmem>>) target(%dma_start3A_319 : memref<10240x128xf32, #tpu.memory_space<vmem_shared>>) offsets(%dma_start3A_316 : memref<128xi32, #tpu.memory_space<vmem>>) semaphore(%run_scoped3A_313 : memref<!tpu.dma_semaphore, #tpu.memory_space<semaphore_mem>>) {add = true}
        %dma_wait3A_320 = arith.constant 0 : i32
        %dma_wait3A_321 = tpu.memref_slice %arg10[%run_scoped3A_229, %dma_wait3A_320] : memref<20x128xi32, #tpu.memory_space<vmem>> -> memref<1x128xi32, #tpu.memory_space<vmem>>
        %dma_wait3A_322 = tpu.memref_squeeze %dma_wait3A_321 : memref<1x128xi32, #tpu.memory_space<vmem>> -> memref<128xi32, #tpu.memory_space<vmem>>
        %dma_wait3A_323 = arith.constant 0 : i32
        %dma_wait3A_324 = arith.constant 0 : i32
        %dma_wait3A_325 = tpu.memref_slice %arg8[%dma_wait3A_323, %dma_wait3A_324] : memref<10240x128xf32, #tpu.memory_space<vmem_shared>> -> memref<10240x128xf32, #tpu.memory_space<vmem_shared>>
        tpu.wait_indirect_dma semaphore(%run_scoped3A_313 : memref<!tpu.dma_semaphore, #tpu.memory_space<semaphore_mem>>) src(%arg13 : memref<128x128xf32, #tpu.memory_space<vmem>>) dst(%dma_wait3A_325 : memref<10240x128xf32, #tpu.memory_space<vmem_shared>>)
        tpu.yield
      }) : () -> ()
      %dma_start3A_230 = arith.constant 15 : i32
      %dma_start3A_231 = arith.constant 0 : i32
      %dma_start3A_232 = tpu.memref_slice %arg9[%dma_start3A_230, %dma_start3A_231] : memref<20x128xi32, #tpu.memory_space<vmem>> -> memref<1x128xi32, #tpu.memory_space<vmem>>
      %dma_start3A_233 = tpu.memref_squeeze %dma_start3A_232 : memref<1x128xi32, #tpu.memory_space<vmem>> -> memref<128xi32, #tpu.memory_space<vmem>>
      %dma_start3A_234 = arith.constant 0 : i32
      %dma_start3A_235 = arith.constant 0 : i32
      %dma_start3A_236 = tpu.memref_slice %arg2[%dma_start3A_234, %dma_start3A_235] : memref<10000x128xf32, #tpu.memory_space<hbm>> -> memref<10000x128xf32, #tpu.memory_space<hbm>>
      tpu.enqueue_indirect_dma source(%dma_start3A_236 : memref<10000x128xf32, #tpu.memory_space<hbm>>) target(%arg13 : memref<128x128xf32, #tpu.memory_space<vmem>>) offsets(%dma_start3A_233 : memref<128xi32, #tpu.memory_space<vmem>>) semaphore(%arg15 : memref<!tpu.dma_semaphore, #tpu.memory_space<semaphore_mem>>)
      %dma_wait3A_237 = arith.constant 14 : i32
      %dma_wait3A_238 = arith.constant 0 : i32
      %dma_wait3A_239 = tpu.memref_slice %arg9[%dma_wait3A_237, %dma_wait3A_238] : memref<20x128xi32, #tpu.memory_space<vmem>> -> memref<1x128xi32, #tpu.memory_space<vmem>>
      %dma_wait3A_240 = tpu.memref_squeeze %dma_wait3A_239 : memref<1x128xi32, #tpu.memory_space<vmem>> -> memref<128xi32, #tpu.memory_space<vmem>>
      %dma_wait3A_241 = arith.constant 0 : i32
      %dma_wait3A_242 = arith.constant 0 : i32
      %dma_wait3A_243 = tpu.memref_slice %arg2[%dma_wait3A_241, %dma_wait3A_242] : memref<10000x128xf32, #tpu.memory_space<hbm>> -> memref<10000x128xf32, #tpu.memory_space<hbm>>
      tpu.wait_indirect_dma semaphore(%arg14 : memref<!tpu.dma_semaphore, #tpu.memory_space<semaphore_mem>>) src(%dma_wait3A_243 : memref<10000x128xf32, #tpu.memory_space<hbm>>) dst(%arg12 : memref<128x128xf32, #tpu.memory_space<vmem>>)
      %run_scoped3A_244 = arith.constant 14 : i32
      "tpu.region"() ({
        %run_scoped3A_313 = tpu.sem_alloc : memref<!tpu.dma_semaphore, #tpu.memory_space<semaphore_mem>>
        %dma_start3A_314 = arith.constant 0 : i32
        %dma_start3A_315 = tpu.memref_slice %arg10[%run_scoped3A_244, %dma_start3A_314] : memref<20x128xi32, #tpu.memory_space<vmem>> -> memref<1x128xi32, #tpu.memory_space<vmem>>
        %dma_start3A_316 = tpu.memref_squeeze %dma_start3A_315 : memref<1x128xi32, #tpu.memory_space<vmem>> -> memref<128xi32, #tpu.memory_space<vmem>>
        %dma_start3A_317 = arith.constant 0 : i32
        %dma_start3A_318 = arith.constant 0 : i32
        %dma_start3A_319 = tpu.memref_slice %arg8[%dma_start3A_317, %dma_start3A_318] : memref<10240x128xf32, #tpu.memory_space<vmem_shared>> -> memref<10240x128xf32, #tpu.memory_space<vmem_shared>>
        tpu.enqueue_indirect_dma source(%arg12 : memref<128x128xf32, #tpu.memory_space<vmem>>) target(%dma_start3A_319 : memref<10240x128xf32, #tpu.memory_space<vmem_shared>>) offsets(%dma_start3A_316 : memref<128xi32, #tpu.memory_space<vmem>>) semaphore(%run_scoped3A_313 : memref<!tpu.dma_semaphore, #tpu.memory_space<semaphore_mem>>) {add = true}
        %dma_wait3A_320 = arith.constant 0 : i32
        %dma_wait3A_321 = tpu.memref_slice %arg10[%run_scoped3A_244, %dma_wait3A_320] : memref<20x128xi32, #tpu.memory_space<vmem>> -> memref<1x128xi32, #tpu.memory_space<vmem>>
        %dma_wait3A_322 = tpu.memref_squeeze %dma_wait3A_321 : memref<1x128xi32, #tpu.memory_space<vmem>> -> memref<128xi32, #tpu.memory_space<vmem>>
        %dma_wait3A_323 = arith.constant 0 : i32
        %dma_wait3A_324 = arith.constant 0 : i32
        %dma_wait3A_325 = tpu.memref_slice %arg8[%dma_wait3A_323, %dma_wait3A_324] : memref<10240x128xf32, #tpu.memory_space<vmem_shared>> -> memref<10240x128xf32, #tpu.memory_space<vmem_shared>>
        tpu.wait_indirect_dma semaphore(%run_scoped3A_313 : memref<!tpu.dma_semaphore, #tpu.memory_space<semaphore_mem>>) src(%arg12 : memref<128x128xf32, #tpu.memory_space<vmem>>) dst(%dma_wait3A_325 : memref<10240x128xf32, #tpu.memory_space<vmem_shared>>)
        tpu.yield
      }) : () -> ()
      %dma_start3A_245 = arith.constant 16 : i32
      %dma_start3A_246 = arith.constant 0 : i32
      %dma_start3A_247 = tpu.memref_slice %arg9[%dma_start3A_245, %dma_start3A_246] : memref<20x128xi32, #tpu.memory_space<vmem>> -> memref<1x128xi32, #tpu.memory_space<vmem>>
      %dma_start3A_248 = tpu.memref_squeeze %dma_start3A_247 : memref<1x128xi32, #tpu.memory_space<vmem>> -> memref<128xi32, #tpu.memory_space<vmem>>
      %dma_start3A_249 = arith.constant 0 : i32
      %dma_start3A_250 = arith.constant 0 : i32
      %dma_start3A_251 = tpu.memref_slice %arg2[%dma_start3A_249, %dma_start3A_250] : memref<10000x128xf32, #tpu.memory_space<hbm>> -> memref<10000x128xf32, #tpu.memory_space<hbm>>
      tpu.enqueue_indirect_dma source(%dma_start3A_251 : memref<10000x128xf32, #tpu.memory_space<hbm>>) target(%arg12 : memref<128x128xf32, #tpu.memory_space<vmem>>) offsets(%dma_start3A_248 : memref<128xi32, #tpu.memory_space<vmem>>) semaphore(%arg14 : memref<!tpu.dma_semaphore, #tpu.memory_space<semaphore_mem>>)
      %dma_wait3A_252 = arith.constant 15 : i32
      %dma_wait3A_253 = arith.constant 0 : i32
      %dma_wait3A_254 = tpu.memref_slice %arg9[%dma_wait3A_252, %dma_wait3A_253] : memref<20x128xi32, #tpu.memory_space<vmem>> -> memref<1x128xi32, #tpu.memory_space<vmem>>
      %dma_wait3A_255 = tpu.memref_squeeze %dma_wait3A_254 : memref<1x128xi32, #tpu.memory_space<vmem>> -> memref<128xi32, #tpu.memory_space<vmem>>
      %dma_wait3A_256 = arith.constant 0 : i32
      %dma_wait3A_257 = arith.constant 0 : i32
      %dma_wait3A_258 = tpu.memref_slice %arg2[%dma_wait3A_256, %dma_wait3A_257] : memref<10000x128xf32, #tpu.memory_space<hbm>> -> memref<10000x128xf32, #tpu.memory_space<hbm>>
      tpu.wait_indirect_dma semaphore(%arg15 : memref<!tpu.dma_semaphore, #tpu.memory_space<semaphore_mem>>) src(%dma_wait3A_258 : memref<10000x128xf32, #tpu.memory_space<hbm>>) dst(%arg13 : memref<128x128xf32, #tpu.memory_space<vmem>>)
      %run_scoped3A_259 = arith.constant 15 : i32
      "tpu.region"() ({
        %run_scoped3A_313 = tpu.sem_alloc : memref<!tpu.dma_semaphore, #tpu.memory_space<semaphore_mem>>
        %dma_start3A_314 = arith.constant 0 : i32
        %dma_start3A_315 = tpu.memref_slice %arg10[%run_scoped3A_259, %dma_start3A_314] : memref<20x128xi32, #tpu.memory_space<vmem>> -> memref<1x128xi32, #tpu.memory_space<vmem>>
        %dma_start3A_316 = tpu.memref_squeeze %dma_start3A_315 : memref<1x128xi32, #tpu.memory_space<vmem>> -> memref<128xi32, #tpu.memory_space<vmem>>
        %dma_start3A_317 = arith.constant 0 : i32
        %dma_start3A_318 = arith.constant 0 : i32
        %dma_start3A_319 = tpu.memref_slice %arg8[%dma_start3A_317, %dma_start3A_318] : memref<10240x128xf32, #tpu.memory_space<vmem_shared>> -> memref<10240x128xf32, #tpu.memory_space<vmem_shared>>
        tpu.enqueue_indirect_dma source(%arg13 : memref<128x128xf32, #tpu.memory_space<vmem>>) target(%dma_start3A_319 : memref<10240x128xf32, #tpu.memory_space<vmem_shared>>) offsets(%dma_start3A_316 : memref<128xi32, #tpu.memory_space<vmem>>) semaphore(%run_scoped3A_313 : memref<!tpu.dma_semaphore, #tpu.memory_space<semaphore_mem>>) {add = true}
        %dma_wait3A_320 = arith.constant 0 : i32
        %dma_wait3A_321 = tpu.memref_slice %arg10[%run_scoped3A_259, %dma_wait3A_320] : memref<20x128xi32, #tpu.memory_space<vmem>> -> memref<1x128xi32, #tpu.memory_space<vmem>>
        %dma_wait3A_322 = tpu.memref_squeeze %dma_wait3A_321 : memref<1x128xi32, #tpu.memory_space<vmem>> -> memref<128xi32, #tpu.memory_space<vmem>>
        %dma_wait3A_323 = arith.constant 0 : i32
        %dma_wait3A_324 = arith.constant 0 : i32
        %dma_wait3A_325 = tpu.memref_slice %arg8[%dma_wait3A_323, %dma_wait3A_324] : memref<10240x128xf32, #tpu.memory_space<vmem_shared>> -> memref<10240x128xf32, #tpu.memory_space<vmem_shared>>
        tpu.wait_indirect_dma semaphore(%run_scoped3A_313 : memref<!tpu.dma_semaphore, #tpu.memory_space<semaphore_mem>>) src(%arg13 : memref<128x128xf32, #tpu.memory_space<vmem>>) dst(%dma_wait3A_325 : memref<10240x128xf32, #tpu.memory_space<vmem_shared>>)
        tpu.yield
      }) : () -> ()
      %dma_start3A_260 = arith.constant 17 : i32
      %dma_start3A_261 = arith.constant 0 : i32
      %dma_start3A_262 = tpu.memref_slice %arg9[%dma_start3A_260, %dma_start3A_261] : memref<20x128xi32, #tpu.memory_space<vmem>> -> memref<1x128xi32, #tpu.memory_space<vmem>>
      %dma_start3A_263 = tpu.memref_squeeze %dma_start3A_262 : memref<1x128xi32, #tpu.memory_space<vmem>> -> memref<128xi32, #tpu.memory_space<vmem>>
      %dma_start3A_264 = arith.constant 0 : i32
      %dma_start3A_265 = arith.constant 0 : i32
      %dma_start3A_266 = tpu.memref_slice %arg2[%dma_start3A_264, %dma_start3A_265] : memref<10000x128xf32, #tpu.memory_space<hbm>> -> memref<10000x128xf32, #tpu.memory_space<hbm>>
      tpu.enqueue_indirect_dma source(%dma_start3A_266 : memref<10000x128xf32, #tpu.memory_space<hbm>>) target(%arg13 : memref<128x128xf32, #tpu.memory_space<vmem>>) offsets(%dma_start3A_263 : memref<128xi32, #tpu.memory_space<vmem>>) semaphore(%arg15 : memref<!tpu.dma_semaphore, #tpu.memory_space<semaphore_mem>>)
      %dma_wait3A_267 = arith.constant 16 : i32
      %dma_wait3A_268 = arith.constant 0 : i32
      %dma_wait3A_269 = tpu.memref_slice %arg9[%dma_wait3A_267, %dma_wait3A_268] : memref<20x128xi32, #tpu.memory_space<vmem>> -> memref<1x128xi32, #tpu.memory_space<vmem>>
      %dma_wait3A_270 = tpu.memref_squeeze %dma_wait3A_269 : memref<1x128xi32, #tpu.memory_space<vmem>> -> memref<128xi32, #tpu.memory_space<vmem>>
      %dma_wait3A_271 = arith.constant 0 : i32
      %dma_wait3A_272 = arith.constant 0 : i32
      %dma_wait3A_273 = tpu.memref_slice %arg2[%dma_wait3A_271, %dma_wait3A_272] : memref<10000x128xf32, #tpu.memory_space<hbm>> -> memref<10000x128xf32, #tpu.memory_space<hbm>>
      tpu.wait_indirect_dma semaphore(%arg14 : memref<!tpu.dma_semaphore, #tpu.memory_space<semaphore_mem>>) src(%dma_wait3A_273 : memref<10000x128xf32, #tpu.memory_space<hbm>>) dst(%arg12 : memref<128x128xf32, #tpu.memory_space<vmem>>)
      %run_scoped3A_274 = arith.constant 16 : i32
      "tpu.region"() ({
        %run_scoped3A_313 = tpu.sem_alloc : memref<!tpu.dma_semaphore, #tpu.memory_space<semaphore_mem>>
        %dma_start3A_314 = arith.constant 0 : i32
        %dma_start3A_315 = tpu.memref_slice %arg10[%run_scoped3A_274, %dma_start3A_314] : memref<20x128xi32, #tpu.memory_space<vmem>> -> memref<1x128xi32, #tpu.memory_space<vmem>>
        %dma_start3A_316 = tpu.memref_squeeze %dma_start3A_315 : memref<1x128xi32, #tpu.memory_space<vmem>> -> memref<128xi32, #tpu.memory_space<vmem>>
        %dma_start3A_317 = arith.constant 0 : i32
        %dma_start3A_318 = arith.constant 0 : i32
        %dma_start3A_319 = tpu.memref_slice %arg8[%dma_start3A_317, %dma_start3A_318] : memref<10240x128xf32, #tpu.memory_space<vmem_shared>> -> memref<10240x128xf32, #tpu.memory_space<vmem_shared>>
        tpu.enqueue_indirect_dma source(%arg12 : memref<128x128xf32, #tpu.memory_space<vmem>>) target(%dma_start3A_319 : memref<10240x128xf32, #tpu.memory_space<vmem_shared>>) offsets(%dma_start3A_316 : memref<128xi32, #tpu.memory_space<vmem>>) semaphore(%run_scoped3A_313 : memref<!tpu.dma_semaphore, #tpu.memory_space<semaphore_mem>>) {add = true}
        %dma_wait3A_320 = arith.constant 0 : i32
        %dma_wait3A_321 = tpu.memref_slice %arg10[%run_scoped3A_274, %dma_wait3A_320] : memref<20x128xi32, #tpu.memory_space<vmem>> -> memref<1x128xi32, #tpu.memory_space<vmem>>
        %dma_wait3A_322 = tpu.memref_squeeze %dma_wait3A_321 : memref<1x128xi32, #tpu.memory_space<vmem>> -> memref<128xi32, #tpu.memory_space<vmem>>
        %dma_wait3A_323 = arith.constant 0 : i32
        %dma_wait3A_324 = arith.constant 0 : i32
        %dma_wait3A_325 = tpu.memref_slice %arg8[%dma_wait3A_323, %dma_wait3A_324] : memref<10240x128xf32, #tpu.memory_space<vmem_shared>> -> memref<10240x128xf32, #tpu.memory_space<vmem_shared>>
        tpu.wait_indirect_dma semaphore(%run_scoped3A_313 : memref<!tpu.dma_semaphore, #tpu.memory_space<semaphore_mem>>) src(%arg12 : memref<128x128xf32, #tpu.memory_space<vmem>>) dst(%dma_wait3A_325 : memref<10240x128xf32, #tpu.memory_space<vmem_shared>>)
        tpu.yield
      }) : () -> ()
      %dma_start3A_275 = arith.constant 18 : i32
      %dma_start3A_276 = arith.constant 0 : i32
      %dma_start3A_277 = tpu.memref_slice %arg9[%dma_start3A_275, %dma_start3A_276] : memref<20x128xi32, #tpu.memory_space<vmem>> -> memref<1x128xi32, #tpu.memory_space<vmem>>
      %dma_start3A_278 = tpu.memref_squeeze %dma_start3A_277 : memref<1x128xi32, #tpu.memory_space<vmem>> -> memref<128xi32, #tpu.memory_space<vmem>>
      %dma_start3A_279 = arith.constant 0 : i32
      %dma_start3A_280 = arith.constant 0 : i32
      %dma_start3A_281 = tpu.memref_slice %arg2[%dma_start3A_279, %dma_start3A_280] : memref<10000x128xf32, #tpu.memory_space<hbm>> -> memref<10000x128xf32, #tpu.memory_space<hbm>>
      tpu.enqueue_indirect_dma source(%dma_start3A_281 : memref<10000x128xf32, #tpu.memory_space<hbm>>) target(%arg12 : memref<128x128xf32, #tpu.memory_space<vmem>>) offsets(%dma_start3A_278 : memref<128xi32, #tpu.memory_space<vmem>>) semaphore(%arg14 : memref<!tpu.dma_semaphore, #tpu.memory_space<semaphore_mem>>)
      %dma_wait3A_282 = arith.constant 17 : i32
      %dma_wait3A_283 = arith.constant 0 : i32
      %dma_wait3A_284 = tpu.memref_slice %arg9[%dma_wait3A_282, %dma_wait3A_283] : memref<20x128xi32, #tpu.memory_space<vmem>> -> memref<1x128xi32, #tpu.memory_space<vmem>>
      %dma_wait3A_285 = tpu.memref_squeeze %dma_wait3A_284 : memref<1x128xi32, #tpu.memory_space<vmem>> -> memref<128xi32, #tpu.memory_space<vmem>>
      %dma_wait3A_286 = arith.constant 0 : i32
      %dma_wait3A_287 = arith.constant 0 : i32
      %dma_wait3A_288 = tpu.memref_slice %arg2[%dma_wait3A_286, %dma_wait3A_287] : memref<10000x128xf32, #tpu.memory_space<hbm>> -> memref<10000x128xf32, #tpu.memory_space<hbm>>
      tpu.wait_indirect_dma semaphore(%arg15 : memref<!tpu.dma_semaphore, #tpu.memory_space<semaphore_mem>>) src(%dma_wait3A_288 : memref<10000x128xf32, #tpu.memory_space<hbm>>) dst(%arg13 : memref<128x128xf32, #tpu.memory_space<vmem>>)
      %run_scoped3A_289 = arith.constant 17 : i32
      "tpu.region"() ({
        %run_scoped3A_313 = tpu.sem_alloc : memref<!tpu.dma_semaphore, #tpu.memory_space<semaphore_mem>>
        %dma_start3A_314 = arith.constant 0 : i32
        %dma_start3A_315 = tpu.memref_slice %arg10[%run_scoped3A_289, %dma_start3A_314] : memref<20x128xi32, #tpu.memory_space<vmem>> -> memref<1x128xi32, #tpu.memory_space<vmem>>
        %dma_start3A_316 = tpu.memref_squeeze %dma_start3A_315 : memref<1x128xi32, #tpu.memory_space<vmem>> -> memref<128xi32, #tpu.memory_space<vmem>>
        %dma_start3A_317 = arith.constant 0 : i32
        %dma_start3A_318 = arith.constant 0 : i32
        %dma_start3A_319 = tpu.memref_slice %arg8[%dma_start3A_317, %dma_start3A_318] : memref<10240x128xf32, #tpu.memory_space<vmem_shared>> -> memref<10240x128xf32, #tpu.memory_space<vmem_shared>>
        tpu.enqueue_indirect_dma source(%arg13 : memref<128x128xf32, #tpu.memory_space<vmem>>) target(%dma_start3A_319 : memref<10240x128xf32, #tpu.memory_space<vmem_shared>>) offsets(%dma_start3A_316 : memref<128xi32, #tpu.memory_space<vmem>>) semaphore(%run_scoped3A_313 : memref<!tpu.dma_semaphore, #tpu.memory_space<semaphore_mem>>) {add = true}
        %dma_wait3A_320 = arith.constant 0 : i32
        %dma_wait3A_321 = tpu.memref_slice %arg10[%run_scoped3A_289, %dma_wait3A_320] : memref<20x128xi32, #tpu.memory_space<vmem>> -> memref<1x128xi32, #tpu.memory_space<vmem>>
        %dma_wait3A_322 = tpu.memref_squeeze %dma_wait3A_321 : memref<1x128xi32, #tpu.memory_space<vmem>> -> memref<128xi32, #tpu.memory_space<vmem>>
        %dma_wait3A_323 = arith.constant 0 : i32
        %dma_wait3A_324 = arith.constant 0 : i32
        %dma_wait3A_325 = tpu.memref_slice %arg8[%dma_wait3A_323, %dma_wait3A_324] : memref<10240x128xf32, #tpu.memory_space<vmem_shared>> -> memref<10240x128xf32, #tpu.memory_space<vmem_shared>>
        tpu.wait_indirect_dma semaphore(%run_scoped3A_313 : memref<!tpu.dma_semaphore, #tpu.memory_space<semaphore_mem>>) src(%arg13 : memref<128x128xf32, #tpu.memory_space<vmem>>) dst(%dma_wait3A_325 : memref<10240x128xf32, #tpu.memory_space<vmem_shared>>)
        tpu.yield
      }) : () -> ()
      %dma_start3A_290 = arith.constant 19 : i32
      %dma_start3A_291 = arith.constant 0 : i32
      %dma_start3A_292 = tpu.memref_slice %arg9[%dma_start3A_290, %dma_start3A_291] : memref<20x128xi32, #tpu.memory_space<vmem>> -> memref<1x128xi32, #tpu.memory_space<vmem>>
      %dma_start3A_293 = tpu.memref_squeeze %dma_start3A_292 : memref<1x128xi32, #tpu.memory_space<vmem>> -> memref<128xi32, #tpu.memory_space<vmem>>
      %dma_start3A_294 = arith.constant 0 : i32
      %dma_start3A_295 = arith.constant 0 : i32
      %dma_start3A_296 = tpu.memref_slice %arg2[%dma_start3A_294, %dma_start3A_295] : memref<10000x128xf32, #tpu.memory_space<hbm>> -> memref<10000x128xf32, #tpu.memory_space<hbm>>
      tpu.enqueue_indirect_dma source(%dma_start3A_296 : memref<10000x128xf32, #tpu.memory_space<hbm>>) target(%arg13 : memref<128x128xf32, #tpu.memory_space<vmem>>) offsets(%dma_start3A_293 : memref<128xi32, #tpu.memory_space<vmem>>) semaphore(%arg15 : memref<!tpu.dma_semaphore, #tpu.memory_space<semaphore_mem>>)
      %dma_wait3A_297 = arith.constant 18 : i32
      %dma_wait3A_298 = arith.constant 0 : i32
      %dma_wait3A_299 = tpu.memref_slice %arg9[%dma_wait3A_297, %dma_wait3A_298] : memref<20x128xi32, #tpu.memory_space<vmem>> -> memref<1x128xi32, #tpu.memory_space<vmem>>
      %dma_wait3A_300 = tpu.memref_squeeze %dma_wait3A_299 : memref<1x128xi32, #tpu.memory_space<vmem>> -> memref<128xi32, #tpu.memory_space<vmem>>
      %dma_wait3A_301 = arith.constant 0 : i32
      %dma_wait3A_302 = arith.constant 0 : i32
      %dma_wait3A_303 = tpu.memref_slice %arg2[%dma_wait3A_301, %dma_wait3A_302] : memref<10000x128xf32, #tpu.memory_space<hbm>> -> memref<10000x128xf32, #tpu.memory_space<hbm>>
      tpu.wait_indirect_dma semaphore(%arg14 : memref<!tpu.dma_semaphore, #tpu.memory_space<semaphore_mem>>) src(%dma_wait3A_303 : memref<10000x128xf32, #tpu.memory_space<hbm>>) dst(%arg12 : memref<128x128xf32, #tpu.memory_space<vmem>>)
      %run_scoped3A_304 = arith.constant 18 : i32
      "tpu.region"() ({
        %run_scoped3A_313 = tpu.sem_alloc : memref<!tpu.dma_semaphore, #tpu.memory_space<semaphore_mem>>
        %dma_start3A_314 = arith.constant 0 : i32
        %dma_start3A_315 = tpu.memref_slice %arg10[%run_scoped3A_304, %dma_start3A_314] : memref<20x128xi32, #tpu.memory_space<vmem>> -> memref<1x128xi32, #tpu.memory_space<vmem>>
        %dma_start3A_316 = tpu.memref_squeeze %dma_start3A_315 : memref<1x128xi32, #tpu.memory_space<vmem>> -> memref<128xi32, #tpu.memory_space<vmem>>
        %dma_start3A_317 = arith.constant 0 : i32
        %dma_start3A_318 = arith.constant 0 : i32
        %dma_start3A_319 = tpu.memref_slice %arg8[%dma_start3A_317, %dma_start3A_318] : memref<10240x128xf32, #tpu.memory_space<vmem_shared>> -> memref<10240x128xf32, #tpu.memory_space<vmem_shared>>
        tpu.enqueue_indirect_dma source(%arg12 : memref<128x128xf32, #tpu.memory_space<vmem>>) target(%dma_start3A_319 : memref<10240x128xf32, #tpu.memory_space<vmem_shared>>) offsets(%dma_start3A_316 : memref<128xi32, #tpu.memory_space<vmem>>) semaphore(%run_scoped3A_313 : memref<!tpu.dma_semaphore, #tpu.memory_space<semaphore_mem>>) {add = true}
        %dma_wait3A_320 = arith.constant 0 : i32
        %dma_wait3A_321 = tpu.memref_slice %arg10[%run_scoped3A_304, %dma_wait3A_320] : memref<20x128xi32, #tpu.memory_space<vmem>> -> memref<1x128xi32, #tpu.memory_space<vmem>>
        %dma_wait3A_322 = tpu.memref_squeeze %dma_wait3A_321 : memref<1x128xi32, #tpu.memory_space<vmem>> -> memref<128xi32, #tpu.memory_space<vmem>>
        %dma_wait3A_323 = arith.constant 0 : i32
        %dma_wait3A_324 = arith.constant 0 : i32
        %dma_wait3A_325 = tpu.memref_slice %arg8[%dma_wait3A_323, %dma_wait3A_324] : memref<10240x128xf32, #tpu.memory_space<vmem_shared>> -> memref<10240x128xf32, #tpu.memory_space<vmem_shared>>
        tpu.wait_indirect_dma semaphore(%run_scoped3A_313 : memref<!tpu.dma_semaphore, #tpu.memory_space<semaphore_mem>>) src(%arg12 : memref<128x128xf32, #tpu.memory_space<vmem>>) dst(%dma_wait3A_325 : memref<10240x128xf32, #tpu.memory_space<vmem_shared>>)
        tpu.yield
      }) : () -> ()
      %dma_wait3A_305 = arith.constant 19 : i32
      %dma_wait3A_306 = arith.constant 0 : i32
      %dma_wait3A_307 = tpu.memref_slice %arg9[%dma_wait3A_305, %dma_wait3A_306] : memref<20x128xi32, #tpu.memory_space<vmem>> -> memref<1x128xi32, #tpu.memory_space<vmem>>
      %dma_wait3A_308 = tpu.memref_squeeze %dma_wait3A_307 : memref<1x128xi32, #tpu.memory_space<vmem>> -> memref<128xi32, #tpu.memory_space<vmem>>
      %dma_wait3A_309 = arith.constant 0 : i32
      %dma_wait3A_310 = arith.constant 0 : i32
      %dma_wait3A_311 = tpu.memref_slice %arg2[%dma_wait3A_309, %dma_wait3A_310] : memref<10000x128xf32, #tpu.memory_space<hbm>> -> memref<10000x128xf32, #tpu.memory_space<hbm>>
      tpu.wait_indirect_dma semaphore(%arg15 : memref<!tpu.dma_semaphore, #tpu.memory_space<semaphore_mem>>) src(%dma_wait3A_311 : memref<10000x128xf32, #tpu.memory_space<hbm>>) dst(%arg13 : memref<128x128xf32, #tpu.memory_space<vmem>>)
      %run_scoped3A_312 = arith.constant 19 : i32
      "tpu.region"() ({
        %run_scoped3A_313 = tpu.sem_alloc : memref<!tpu.dma_semaphore, #tpu.memory_space<semaphore_mem>>
        %dma_start3A_314 = arith.constant 0 : i32
        %dma_start3A_315 = tpu.memref_slice %arg10[%run_scoped3A_312, %dma_start3A_314] : memref<20x128xi32, #tpu.memory_space<vmem>> -> memref<1x128xi32, #tpu.memory_space<vmem>>
        %dma_start3A_316 = tpu.memref_squeeze %dma_start3A_315 : memref<1x128xi32, #tpu.memory_space<vmem>> -> memref<128xi32, #tpu.memory_space<vmem>>
        %dma_start3A_317 = arith.constant 0 : i32
        %dma_start3A_318 = arith.constant 0 : i32
        %dma_start3A_319 = tpu.memref_slice %arg8[%dma_start3A_317, %dma_start3A_318] : memref<10240x128xf32, #tpu.memory_space<vmem_shared>> -> memref<10240x128xf32, #tpu.memory_space<vmem_shared>>
        tpu.enqueue_indirect_dma source(%arg13 : memref<128x128xf32, #tpu.memory_space<vmem>>) target(%dma_start3A_319 : memref<10240x128xf32, #tpu.memory_space<vmem_shared>>) offsets(%dma_start3A_316 : memref<128xi32, #tpu.memory_space<vmem>>) semaphore(%run_scoped3A_313 : memref<!tpu.dma_semaphore, #tpu.memory_space<semaphore_mem>>) {add = true}
        %dma_wait3A_320 = arith.constant 0 : i32
        %dma_wait3A_321 = tpu.memref_slice %arg10[%run_scoped3A_312, %dma_wait3A_320] : memref<20x128xi32, #tpu.memory_space<vmem>> -> memref<1x128xi32, #tpu.memory_space<vmem>>
        %dma_wait3A_322 = tpu.memref_squeeze %dma_wait3A_321 : memref<1x128xi32, #tpu.memory_space<vmem>> -> memref<128xi32, #tpu.memory_space<vmem>>
        %dma_wait3A_323 = arith.constant 0 : i32
        %dma_wait3A_324 = arith.constant 0 : i32
        %dma_wait3A_325 = tpu.memref_slice %arg8[%dma_wait3A_323, %dma_wait3A_324] : memref<10240x128xf32, #tpu.memory_space<vmem_shared>> -> memref<10240x128xf32, #tpu.memory_space<vmem_shared>>
        tpu.wait_indirect_dma semaphore(%run_scoped3A_313 : memref<!tpu.dma_semaphore, #tpu.memory_space<semaphore_mem>>) src(%arg13 : memref<128x128xf32, #tpu.memory_space<vmem>>) dst(%dma_wait3A_325 : memref<10240x128xf32, #tpu.memory_space<vmem_shared>>)
        tpu.yield
      }) : () -> ()
    }
    %scan3A_11 = arith.constant 4 : i32
    %barrier3A_12 = arith.constant 0 : index
    tpu.barrier barrier_id(%barrier3A_12)
    %lt3A = arith.constant 10 : i32
    %lt3A_13 = arith.cmpi slt, %arg1, %lt3A : i32
    %convert_element_type3A = arith.extui %lt3A_13 : i1 to i32
    %cond3A = arith.constant 0 : i32
    %cond3A_14 = arith.cmpi ne, %convert_element_type3A, %cond3A : i32
    scf.if %cond3A_14 {
      %mul3A_15 = arith.constant 1000 : i32
      %mul3A_16 = arith.muli %arg1, %mul3A_15 : i32
      "tpu.region"() ({
        %run_scoped3A = tpu.sem_alloc : memref<!tpu.dma_semaphore, #tpu.memory_space<semaphore_mem>>
        %dma_start3A = arith.constant 0 : i32
        %dma_start3A_17 = tpu.memref_slice %arg7[%arg0, %mul3A_16, %dma_start3A] : memref<2x10000x128xf32, #tpu.memory_space<hbm>> -> memref<1x1000x128xf32, #tpu.memory_space<hbm>>
        %dma_start3A_18 = tpu.memref_squeeze %dma_start3A_17 : memref<1x1000x128xf32, #tpu.memory_space<hbm>> -> memref<1000x128xf32, #tpu.memory_space<hbm>>
        %dma_start3A_19 = arith.constant 0 : i32
        %dma_start3A_20 = tpu.memref_slice %arg8[%mul3A_16, %dma_start3A_19] : memref<10240x128xf32, #tpu.memory_space<vmem_shared>> -> memref<1000x128xf32, #tpu.memory_space<vmem_shared>>
        tpu.enqueue_dma source(%dma_start3A_20 : memref<1000x128xf32, #tpu.memory_space<vmem_shared>>) target(%dma_start3A_18 : memref<1000x128xf32, #tpu.memory_space<hbm>>) target_semaphore(%run_scoped3A : memref<!tpu.dma_semaphore, #tpu.memory_space<semaphore_mem>>)
        %dma_wait3A = arith.constant 0 : i32
        %dma_wait3A_21 = tpu.memref_slice %arg7[%arg0, %mul3A_16, %dma_wait3A] : memref<2x10000x128xf32, #tpu.memory_space<hbm>> -> memref<1x1000x128xf32, #tpu.memory_space<hbm>>
        %dma_wait3A_22 = tpu.memref_squeeze %dma_wait3A_21 : memref<1x1000x128xf32, #tpu.memory_space<hbm>> -> memref<1000x128xf32, #tpu.memory_space<hbm>>
        %dma_wait3A_23 = arith.constant 0 : i32
        %dma_wait3A_24 = tpu.memref_slice %arg8[%mul3A_16, %dma_wait3A_23] : memref<10240x128xf32, #tpu.memory_space<vmem_shared>> -> memref<1000x128xf32, #tpu.memory_space<vmem_shared>>
        tpu.wait_dma2 semaphore(%run_scoped3A : memref<!tpu.dma_semaphore, #tpu.memory_space<semaphore_mem>>) src(%dma_wait3A_24 : memref<1000x128xf32, #tpu.memory_space<vmem_shared>>) dst(%dma_wait3A_22 : memref<1000x128xf32, #tpu.memory_space<hbm>>)
        tpu.yield
      }) : () -> ()
    } else {
    }
    return
  }
}

module attributes {stable_mosaic.version = 14 : i64} {
  func.func @_tc_body(%arg0: i32, %arg1: memref<1000x128xf32, #tpu.memory_space<vmem>>, %arg2: memref<1000x128xf32, #tpu.memory_space<vmem>>, %arg3: memref<1000x1xf32, #tpu.memory_space<vmem>>, %arg4: memref<1000x1xf32, #tpu.memory_space<vmem>>, %arg5: memref<1000x128xf32, #tpu.memory_space<vmem>>, %arg6: memref<128x128xf32, #tpu.memory_space<vmem>>, %arg7: memref<128x128xf32, #tpu.memory_space<vmem>>, %arg8: memref<1x128xf32, #tpu.memory_space<vmem>>, %arg9: memref<1000x128xf32, #tpu.memory_space<vmem>>) attributes {dimension_semantics = [#tpu.dimension_semantics<arbitrary>], iteration_bounds = array<i64: 10>, scalar_prefetch = 0 : i64, scratch_operands = 0 : i64, tpu.core_type = #tpu.core_type<tc>, window_params = [{transform_indices = @transform_0, window_bounds = array<i64: 1000, 128>}, {transform_indices = @transform_1, window_bounds = array<i64: 1000, 128>}, {transform_indices = @transform_2, window_bounds = array<i64: 1000, 1>}, {transform_indices = @transform_3, window_bounds = array<i64: 1000, 1>}, {transform_indices = @transform_4, window_bounds = array<i64: 1000, 128>}, {pipeline_mode = #tpu.pipeline_mode<synchronous>, transform_indices = @transform_5, window_bounds = array<i64: 128, 128>}, {pipeline_mode = #tpu.pipeline_mode<synchronous>, transform_indices = @transform_6, window_bounds = array<i64: 128, 128>}, {pipeline_mode = #tpu.pipeline_mode<synchronous>, transform_indices = @transform_7, window_bounds = array<i64: 1, 128>}, {transform_indices = @transform_8, window_bounds = array<i64: 1000, 128>}]} {
    %get3A = arith.constant 0 : index
    %get3A_0 = arith.constant 0 : index
    %get3A_1 = vector.load %arg3[%get3A, %get3A_0] : memref<1000x1xf32, #tpu.memory_space<vmem>>, vector<1000x1xf32>
    %get3A_2 = arith.constant 0 : index
    %get3A_3 = arith.constant 0 : index
    %get3A_4 = vector.load %arg4[%get3A_2, %get3A_3] : memref<1000x1xf32, #tpu.memory_space<vmem>>, vector<1000x1xf32>
    %add3A = arith.addf %get3A_1, %get3A_4 : vector<1000x1xf32>
    %max3A = arith.constant 1.000000e+00 : f32
    %max3A_5 = vector.broadcast %max3A : f32 to vector<1000x1xf32>
    %max3A_6 = arith.maximumf %add3A, %max3A_5 : vector<1000x1xf32>
    %div3A = arith.constant 1.000000e+00 : f32
    %div3A_7 = vector.broadcast %div3A : f32 to vector<1000x1xf32>
    %div3A_8 = arith.divf %div3A_7, %max3A_6 : vector<1000x1xf32>
    %get3A_9 = arith.constant 0 : index
    %get3A_10 = arith.constant 0 : index
    %get3A_11 = vector.load %arg1[%get3A_9, %get3A_10] : memref<1000x128xf32, #tpu.memory_space<vmem>>, vector<1000x128xf32>
    %get3A_12 = arith.constant 0 : index
    %get3A_13 = arith.constant 0 : index
    %get3A_14 = vector.load %arg2[%get3A_12, %get3A_13] : memref<1000x128xf32, #tpu.memory_space<vmem>>, vector<1000x128xf32>
    %add3A_15 = arith.addf %get3A_11, %get3A_14 : vector<1000x128xf32>
    %mul3A = vector.broadcast %div3A_8 : vector<1000x1xf32> to vector<1000x128xf32>
    %mul3A_16 = arith.mulf %add3A_15, %mul3A : vector<1000x128xf32>
    %get3A_17 = arith.constant 0 : index
    %get3A_18 = arith.constant 0 : index
    %get3A_19 = vector.load %arg6[%get3A_17, %get3A_18] : memref<128x128xf32, #tpu.memory_space<vmem>>, vector<128x128xf32>
    %dot_general3A = arith.constant dense<0.000000e+00> : vector<1000x128xf32>
    %dot_general3A_20 = tpu.matmul %mul3A_16, %get3A_19, %dot_general3A {dimension_numbers = #tpu.dot_dimension_numbers<[1], [0], [0], [1], [0, 0, 1, 1], [], []>, transpose_lhs_hint = false} : vector<1000x128xf32>, vector<128x128xf32>, vector<1000x128xf32> -> vector<1000x128xf32>
    %get3A_21 = arith.constant 0 : index
    %get3A_22 = arith.constant 0 : index
    %get3A_23 = vector.load %arg5[%get3A_21, %get3A_22] : memref<1000x128xf32, #tpu.memory_space<vmem>>, vector<1000x128xf32>
    %get3A_24 = arith.constant 0 : index
    %get3A_25 = arith.constant 0 : index
    %get3A_26 = vector.load %arg7[%get3A_24, %get3A_25] : memref<128x128xf32, #tpu.memory_space<vmem>>, vector<128x128xf32>
    %dot_general3A_27 = arith.constant dense<0.000000e+00> : vector<1000x128xf32>
    %dot_general3A_28 = tpu.matmul %get3A_23, %get3A_26, %dot_general3A_27 {dimension_numbers = #tpu.dot_dimension_numbers<[1], [0], [0], [1], [0, 0, 1, 1], [], []>, transpose_lhs_hint = false} : vector<1000x128xf32>, vector<128x128xf32>, vector<1000x128xf32> -> vector<1000x128xf32>
    %add3A_29 = arith.addf %dot_general3A_20, %dot_general3A_28 : vector<1000x128xf32>
    %get3A_30 = arith.constant 0 : index
    %get3A_31 = arith.constant 0 : index
    %get3A_32 = vector.load %arg8[%get3A_30, %get3A_31] : memref<1x128xf32, #tpu.memory_space<vmem>>, vector<1x128xf32>
    %add3A_33 = vector.broadcast %get3A_32 : vector<1x128xf32> to vector<1000x128xf32>
    %add3A_34 = arith.addf %add3A_29, %add3A_33 : vector<1000x128xf32>
    %tanh3A = math.tanh %add3A_34 : vector<1000x128xf32>
    %swap3A = arith.constant 0 : index
    %swap3A_35 = arith.constant 0 : index
    %swap3A_36 = vector.load %arg9[%swap3A, %swap3A_35] : memref<1000x128xf32, #tpu.memory_space<vmem>>, vector<1000x128xf32>
    tpu.vector_store %arg9[%swap3A, %swap3A_35], %tanh3A {strides = array<i32>} : memref<1000x128xf32, #tpu.memory_space<vmem>>, vector<1000x128xf32>,
    return
  }
  func.func @transform_0(%arg0: i32) -> (i32, i32) {
    %c0_i32 = arith.constant 0 : i32
    %c0_i32_0 = arith.constant 0 : i32
    return %arg0, %c0_i32 : i32, i32
  }
  func.func @transform_1(%arg0: i32) -> (i32, i32) {
    %c0_i32 = arith.constant 0 : i32
    %c0_i32_0 = arith.constant 0 : i32
    return %arg0, %c0_i32 : i32, i32
  }
  func.func @transform_2(%arg0: i32) -> (i32, i32) {
    %c0_i32 = arith.constant 0 : i32
    %c0_i32_0 = arith.constant 0 : i32
    return %arg0, %c0_i32 : i32, i32
  }
  func.func @transform_3(%arg0: i32) -> (i32, i32) {
    %c0_i32 = arith.constant 0 : i32
    %c0_i32_0 = arith.constant 0 : i32
    return %arg0, %c0_i32 : i32, i32
  }
  func.func @transform_4(%arg0: i32) -> (i32, i32) {
    %c0_i32 = arith.constant 0 : i32
    %c0_i32_0 = arith.constant 0 : i32
    return %arg0, %c0_i32 : i32, i32
  }
  func.func @transform_5(%arg0: i32) -> (i32, i32) {
    %c0_i32 = arith.constant 0 : i32
    %c0_i32_0 = arith.constant 0 : i32
    %c0_i32_1 = arith.constant 0 : i32
    return %c0_i32, %c0_i32_0 : i32, i32
  }
  func.func @transform_6(%arg0: i32) -> (i32, i32) {
    %c0_i32 = arith.constant 0 : i32
    %c0_i32_0 = arith.constant 0 : i32
    %c0_i32_1 = arith.constant 0 : i32
    return %c0_i32, %c0_i32_0 : i32, i32
  }
  func.func @transform_7(%arg0: i32) -> (i32, i32) {
    %c0_i32 = arith.constant 0 : i32
    %c0_i32_0 = arith.constant 0 : i32
    %c0_i32_1 = arith.constant 0 : i32
    return %c0_i32, %c0_i32_0 : i32, i32
  }
  func.func @transform_8(%arg0: i32) -> (i32, i32) {
    %c0_i32 = arith.constant 0 : i32
    %c0_i32_0 = arith.constant 0 : i32
    return %arg0, %c0_i32 : i32, i32
  }
}

module attributes {stable_mosaic.version = 14 : i64} {
  func.func @_tc_body(%arg0: i32, %arg1: memref<1000x128xf32, #tpu.memory_space<vmem>>, %arg2: memref<1000x128xf32, #tpu.memory_space<vmem>>, %arg3: memref<1000x1xf32, #tpu.memory_space<vmem>>, %arg4: memref<1000x1xf32, #tpu.memory_space<vmem>>, %arg5: memref<1000x128xf32, #tpu.memory_space<vmem>>, %arg6: memref<128x128xf32, #tpu.memory_space<vmem>>, %arg7: memref<128x128xf32, #tpu.memory_space<vmem>>, %arg8: memref<1x128xf32, #tpu.memory_space<vmem>>, %arg9: memref<1000x128xf32, #tpu.memory_space<vmem>>) attributes {dimension_semantics = [#tpu.dimension_semantics<arbitrary>], iteration_bounds = array<i64: 10>, scalar_prefetch = 0 : i64, scratch_operands = 0 : i64, tpu.core_type = #tpu.core_type<tc>, window_params = [{transform_indices = @transform_0, window_bounds = array<i64: 1000, 128>}, {transform_indices = @transform_1, window_bounds = array<i64: 1000, 128>}, {transform_indices = @transform_2, window_bounds = array<i64: 1000, 1>}, {transform_indices = @transform_3, window_bounds = array<i64: 1000, 1>}, {transform_indices = @transform_4, window_bounds = array<i64: 1000, 128>}, {pipeline_mode = #tpu.pipeline_mode<synchronous>, transform_indices = @transform_5, window_bounds = array<i64: 128, 128>}, {pipeline_mode = #tpu.pipeline_mode<synchronous>, transform_indices = @transform_6, window_bounds = array<i64: 128, 128>}, {pipeline_mode = #tpu.pipeline_mode<synchronous>, transform_indices = @transform_7, window_bounds = array<i64: 1, 128>}, {transform_indices = @transform_8, window_bounds = array<i64: 1000, 128>}]} {
    %get3A = arith.constant 0 : index
    %get3A_0 = arith.constant 0 : index
    %get3A_1 = vector.load %arg3[%get3A, %get3A_0] : memref<1000x1xf32, #tpu.memory_space<vmem>>, vector<1000x1xf32>
    %get3A_2 = arith.constant 0 : index
    %get3A_3 = arith.constant 0 : index
    %get3A_4 = vector.load %arg4[%get3A_2, %get3A_3] : memref<1000x1xf32, #tpu.memory_space<vmem>>, vector<1000x1xf32>
    %add3A = arith.addf %get3A_1, %get3A_4 : vector<1000x1xf32>
    %max3A = arith.constant 1.000000e+00 : f32
    %max3A_5 = vector.broadcast %max3A : f32 to vector<1000x1xf32>
    %max3A_6 = arith.maximumf %add3A, %max3A_5 : vector<1000x1xf32>
    %div3A = arith.constant 1.000000e+00 : f32
    %div3A_7 = vector.broadcast %div3A : f32 to vector<1000x1xf32>
    %div3A_8 = arith.divf %div3A_7, %max3A_6 : vector<1000x1xf32>
    %get3A_9 = arith.constant 0 : index
    %get3A_10 = arith.constant 0 : index
    %get3A_11 = vector.load %arg1[%get3A_9, %get3A_10] : memref<1000x128xf32, #tpu.memory_space<vmem>>, vector<1000x128xf32>
    %get3A_12 = arith.constant 0 : index
    %get3A_13 = arith.constant 0 : index
    %get3A_14 = vector.load %arg2[%get3A_12, %get3A_13] : memref<1000x128xf32, #tpu.memory_space<vmem>>, vector<1000x128xf32>
    %add3A_15 = arith.addf %get3A_11, %get3A_14 : vector<1000x128xf32>
    %mul3A = vector.broadcast %div3A_8 : vector<1000x1xf32> to vector<1000x128xf32>
    %mul3A_16 = arith.mulf %add3A_15, %mul3A : vector<1000x128xf32>
    %get3A_17 = arith.constant 0 : index
    %get3A_18 = arith.constant 0 : index
    %get3A_19 = vector.load %arg6[%get3A_17, %get3A_18] : memref<128x128xf32, #tpu.memory_space<vmem>>, vector<128x128xf32>
    %dot_general3A = arith.constant dense<0.000000e+00> : vector<1000x128xf32>
    %dot_general3A_20 = tpu.matmul %mul3A_16, %get3A_19, %dot_general3A {dimension_numbers = #tpu.dot_dimension_numbers<[1], [0], [0], [1], [0, 0, 1, 1], [], []>, transpose_lhs_hint = false} : vector<1000x128xf32>, vector<128x128xf32>, vector<1000x128xf32> -> vector<1000x128xf32>
    %get3A_21 = arith.constant 0 : index
    %get3A_22 = arith.constant 0 : index
    %get3A_23 = vector.load %arg5[%get3A_21, %get3A_22] : memref<1000x128xf32, #tpu.memory_space<vmem>>, vector<1000x128xf32>
    %get3A_24 = arith.constant 0 : index
    %get3A_25 = arith.constant 0 : index
    %get3A_26 = vector.load %arg7[%get3A_24, %get3A_25] : memref<128x128xf32, #tpu.memory_space<vmem>>, vector<128x128xf32>
    %dot_general3A_27 = arith.constant dense<0.000000e+00> : vector<1000x128xf32>
    %dot_general3A_28 = tpu.matmul %get3A_23, %get3A_26, %dot_general3A_27 {dimension_numbers = #tpu.dot_dimension_numbers<[1], [0], [0], [1], [0, 0, 1, 1], [], []>, transpose_lhs_hint = false} : vector<1000x128xf32>, vector<128x128xf32>, vector<1000x128xf32> -> vector<1000x128xf32>
    %add3A_29 = arith.addf %dot_general3A_20, %dot_general3A_28 : vector<1000x128xf32>
    %get3A_30 = arith.constant 0 : index
    %get3A_31 = arith.constant 0 : index
    %get3A_32 = vector.load %arg8[%get3A_30, %get3A_31] : memref<1x128xf32, #tpu.memory_space<vmem>>, vector<1x128xf32>
    %add3A_33 = vector.broadcast %get3A_32 : vector<1x128xf32> to vector<1000x128xf32>
    %add3A_34 = arith.addf %add3A_29, %add3A_33 : vector<1000x128xf32>
    %swap3A = arith.constant 0 : index
    %swap3A_35 = arith.constant 0 : index
    %swap3A_36 = vector.load %arg9[%swap3A, %swap3A_35] : memref<1000x128xf32, #tpu.memory_space<vmem>>, vector<1000x128xf32>
    tpu.vector_store %arg9[%swap3A, %swap3A_35], %add3A_34 {strides = array<i32>} : memref<1000x128xf32, #tpu.memory_space<vmem>>, vector<1000x128xf32>,
    return
  }
  func.func @transform_0(%arg0: i32) -> (i32, i32) {
    %c0_i32 = arith.constant 0 : i32
    %c0_i32_0 = arith.constant 0 : i32
    return %arg0, %c0_i32 : i32, i32
  }
  func.func @transform_1(%arg0: i32) -> (i32, i32) {
    %c0_i32 = arith.constant 0 : i32
    %c0_i32_0 = arith.constant 0 : i32
    return %arg0, %c0_i32 : i32, i32
  }
  func.func @transform_2(%arg0: i32) -> (i32, i32) {
    %c0_i32 = arith.constant 0 : i32
    %c0_i32_0 = arith.constant 0 : i32
    return %arg0, %c0_i32 : i32, i32
  }
  func.func @transform_3(%arg0: i32) -> (i32, i32) {
    %c0_i32 = arith.constant 0 : i32
    %c0_i32_0 = arith.constant 0 : i32
    return %arg0, %c0_i32 : i32, i32
  }
  func.func @transform_4(%arg0: i32) -> (i32, i32) {
    %c0_i32 = arith.constant 0 : i32
    %c0_i32_0 = arith.constant 0 : i32
    return %arg0, %c0_i32 : i32, i32
  }
  func.func @transform_5(%arg0: i32) -> (i32, i32) {
    %c0_i32 = arith.constant 0 : i32
    %c0_i32_0 = arith.constant 0 : i32
    %c0_i32_1 = arith.constant 0 : i32
    return %c0_i32, %c0_i32_0 : i32, i32
  }
  func.func @transform_6(%arg0: i32) -> (i32, i32) {
    %c0_i32 = arith.constant 0 : i32
    %c0_i32_0 = arith.constant 0 : i32
    %c0_i32_1 = arith.constant 0 : i32
    return %c0_i32, %c0_i32_0 : i32, i32
  }
  func.func @transform_7(%arg0: i32) -> (i32, i32) {
    %c0_i32 = arith.constant 0 : i32
    %c0_i32_0 = arith.constant 0 : i32
    %c0_i32_1 = arith.constant 0 : i32
    return %c0_i32, %c0_i32_0 : i32, i32
  }
  func.func @transform_8(%arg0: i32) -> (i32, i32) {
    %c0_i32 = arith.constant 0 : i32
    %c0_i32_0 = arith.constant 0 : i32
    return %arg0, %c0_i32 : i32, i32
  }
}

</mosaic_0001>

<sc_bundles>
// kernel: kernel.12.cloned.1.call-start
scs
__scs_entry_jumppad:
0x0: {  	(pc) =	sbr.rel $0x88, $3  }
0x1: {  	(tag) =	ssettag $0x0;
	lr =	simm.s32 $0x1  }
0x2: {  	[smem:$0x3F96] =	sst lr;
	_ =	strace $0xD0000000  }
0x3: {  	_ = 	snop  }
0x4: {  	_ = 	snop  }
0x5: {  	_ = 	snop  }
0x6: {  	_ = 	snop  }
0x7: {  	_ = 	snop  }
__scs_overlays_trampoline_lowered:
0x8: {  	[smem:$0x3FA5] =	sst s0  }
0x9: {  	[smem:$0x3FA6] =	sst s1  }
0xa: {  	[smem:$0x3FA7] =	sst s2  }
0xb: {  	[smem:$0x3FA8] =	sst s3  }
0xc: {  	[smem:$0x3FA9] =	sst s4  }
0xd: {  	[smem:$0x3FAA] =	sst s5  }
0xe: {  	[smem:$0x3FAB] =	sst s6  }
0xf: {  	[smem:$0x3FAC] =	sst s7  }
0x10: {  	[smem:$0x3FAD] =	sst s8  }
0x11: {  	[smem:$0x3FAE] =	sst s9;
	s0 =	simm.s32 @!p0 $0x0  }
0x12: {  	s1 =	sld [smem:$0x3F94];
	s0 =	simm.s32 @p0 $0x1  }
0x13: {  	[smem:$0x3FAF] =	sst s0;
	s0 =	simm.s32 @!p1 $0x0  }
0x14: {  	s2 =	sld [smem:$0x3F93];
	s0 =	simm.s32 @p1 $0x1  }
0x15: {  	[smem:$0x3FB0] =	sst s0;
	s0 =	simm.s32 @!p2 $0x0  }
0x16: {  	s3 =	sld [smem:$0x3FDB];
	s0 =	simm.s32 @p2 $0x1  }
0x17: {  	s4 =	simm.s32 $0x1BF5;
	[smem:$0x3FB2] =	sst s0  }
0x18: {  	s0 =	sld [smem:$0x3F95];
	_ =	swait.ge [sflag:s4], $0x0  }
0x19: {  	s7 =	sld [smem:$0x3F96]  }
0x1a: {  	s8 =	sadd.s32 $0xFFFFE003, lr  }
0x1b: {  	s9 =	sadd.s32 $0xFFFFFEF7, lr;
	s5 =	simm.s32 $0xFFFFFFFF;
	p2 =	slt.u32 s8, $0xFFFFF086  }
0x1c: {  	p1 =	slt.u32 s9, $0xF7A;
	s5 =	simm.s32 @!p2 $0x0  }
0x1d: {  	s5 =	simm.s32 @p1 $0x1;
	p0 =	seq.s32 s7, s2  }
0x1e: {  	s7 =	smul.u32 @!p0 $0xF7A, s2;
	p2 =	seq.s32 @!p0 s5, $0x0  }
0x1f: {  	s9 =	smul.u32 $0xF7A, s1;
	s8 =	simm.s32 @!p0 $0x1BF5;
	p2 =	por !p2, p0  }
0x20: {  	[sflag:s8] =	ssyncset.s32 @!p0 $0xFFFFF086;
	s6 =	sadd.s32 @!p0 s3, s7;
	s7 =	simm.s32 @!p0 $0x108  }
0x21: {  	s3 =	sadd.s32 s3, s9;
	s6 =	sadd.s32 @!p0 $0x88, s6;
	s7 =	simm.s32 @p2 $0x1082  }
0x22: {  	[simem:s7], [sflag:s8] =	dma.local @!p0 [hbm:s6], $0xF7A  }
0x23: {  	s9 =	sor.u32 $0xD0000000, s2;
	s6 =	simm.s32 $0x108;
	_ =	swait.ge @!p0 [sflag:s8], $0x0  }
0x24: {  	s3 =	sadd.s32 $0x88, s3;
	s6 =	simm.s32 @!p1 $0x1082;
	[sflag:s4] =	ssyncset.s32 $0xFFFFF086  }
0x25: {  	[simem:s6], [sflag:s4] =	dma.local [hbm:s3], $0xF7A  }
0x26: {  	[smem:$0x3F96] =	sst s1;
	(tag) =	ssettag s2;
	_ =	strace s9  }
0x27: {  	s1 =	sld [smem:$0x3FA6]  }
0x28: {  	s2 =	sld [smem:$0x3FA7]  }
0x29: {  	s4 =	sld [smem:$0x3FA9]  }
0x2a: {  	p0 =	seq.s32 s5, $0x0;
	s5 =	sld [smem:$0x3FAA]  }
0x2b: {  	s6 =	sld [smem:$0x3FAB]  }
0x2c: {  	s7 =	sld [smem:$0x3FAC]  }
0x2d: {  	s3 =	simm.s32 $0x108;
	s8 =	sld [smem:$0x3FAD]  }
0x2e: {  	s3 =	simm.s32 @!p0 $0x1082;
	s9 =	sld [smem:$0x3FAE]  }
0x2f: {  	lr =	sadd.s32 s0, s3;
	s0 =	sld [smem:$0x3FA5]  }
0x30: {  	s3 =	sld [smem:$0x3FA8]  }
0x31: {  	[smem:$0x3FB1] =	sst s10  }
0x32: {  	s10 =	sld [smem:$0x3FAF];
	_ =	sdelay $0x3  }
0x33: {  	p0 =	seq.s32 s10, $0x1;
	s10 =	sld [smem:$0x3FB1];
	_ =	sdelay $0x3  }
0x34: {  	[smem:$0x3FB1] =	sst s10  }
0x35: {  	s10 =	sld [smem:$0x3FB0];
	_ =	sdelay $0x3  }
0x36: {  	p1 =	seq.s32 s10, $0x1;
	s10 =	sld [smem:$0x3FB1];
	_ =	sdelay $0x3  }
0x37: {  	[smem:$0x3FB1] =	sst s10  }
0x38: {  	s10 =	sld [smem:$0x3FB2]  }
0x39: {  	_ = 	snop;
	(pc) =	sbr.ind lr, $3  }
0x3a: {  	_ = 	snop  }
0x3b: {  	_ = 	snop  }
0x3c: {  	p2 =	seq.s32 s10, $0x1;
	s10 =	sld [smem:$0x3FB1]  }
0x3d: {  	_ =	shalt  }
0x3e: {  	_ =	shalt  }
0x3f: {  	_ =	shalt  }
0x40: {  	_ =	shalt  }
0x41: {  	_ =	shalt  }
0x42: {  	_ =	shalt  }
0x43: {  	_ =	shalt  }
0x44: {  	_ =	shalt  }
0x45: {  	_ =	shalt  }
0x46: {  	_ =	shalt  }
0x47: {  	_ =	shalt  }
0x48: {  	_ =	shalt  }
0x49: {  	_ =	shalt  }
0x4a: {  	_ =	shalt  }
0x4b: {  	_ =	shalt  }
0x4c: {  	_ =	shalt  }
0x4d: {  	_ =	shalt  }
0x4e: {  	_ =	shalt  }
0x4f: {  	_ =	shalt  }
0x50: {  	_ =	shalt  }
0x51: {  	_ =	shalt  }
0x52: {  	_ =	shalt  }
0x53: {  	_ =	shalt  }
0x54: {  	_ =	shalt  }
0x55: {  	_ =	shalt  }
0x56: {  	_ =	shalt  }
0x57: {  	_ =	shalt  }
0x58: {  	_ =	shalt  }
0x59: {  	_ =	shalt  }
0x5a: {  	_ =	shalt  }
0x5b: {  	_ =	shalt  }
0x5c: {  	_ =	shalt  }
0x5d: {  	_ =	shalt  }
0x5e: {  	_ =	shalt  }
0x5f: {  	_ =	shalt  }
0x60: {  	_ =	shalt  }
0x61: {  	_ =	shalt  }
0x62: {  	_ =	shalt  }
0x63: {  	_ =	shalt  }
0x64: {  	_ =	shalt  }
0x65: {  	_ =	shalt  }
0x66: {  	_ =	shalt  }
0x67: {  	_ =	shalt  }
0x68: {  	_ =	shalt  }
0x69: {  	_ =	shalt  }
0x6a: {  	_ =	shalt  }
0x6b: {  	_ =	shalt  }
0x6c: {  	_ =	shalt  }
0x6d: {  	_ =	shalt  }
0x6e: {  	_ =	shalt  }
0x6f: {  	_ =	shalt  }
0x70: {  	_ =	shalt  }
0x71: {  	_ =	shalt  }
0x72: {  	_ =	shalt  }
0x73: {  	_ =	shalt  }
0x74: {  	_ =	shalt  }
0x75: {  	_ =	shalt  }
0x76: {  	_ =	shalt  }
0x77: {  	_ =	shalt  }
0x78: {  	_ =	shalt  }
0x79: {  	_ =	shalt  }
0x7a: {  	_ =	shalt  }
0x7b: {  	_ =	shalt  }
0x7c: {  	_ =	shalt  }
0x7d: {  	_ =	shalt  }
0x7e: {  	_ =	shalt  }
0x7f: {  	_ =	shalt  }
0x80: {  	_ =	shalt  }
0x81: {  	_ =	shalt  }
0x82: {  	_ =	shalt  }
0x83: {  	_ =	shalt  }
0x84: {  	_ =	shalt  }
0x85: {  	_ =	shalt  }
0x86: {  	_ =	shalt  }
0x87: {  	_ =	shalt  }
.Lfunc_end0:
.L_simem_size_0:
called_computation.1_lowered:
.L_overlay_start_0:
0x88: {  	s2 =	sld [smem:$0x3FD9]  }
0x89: {  	s3 =	sld [smem:$0x3FFE];
	_ =	sdelay $0x1  }
0x8a: {  	s1 =	srdreg.scid  }
0x8b: {  	s0 =	sand.u32 $0x1, s1  }
0x8c: {  	s17 =	sshll.u32 s0, $0xA;
	s2 =	sadd.s32 s3, s2  }
0x8d: {  	s2 =	sadd.s32 s2, s17  }
0x8e: {  	[smem:$0x3FBD] =	sst s2  }
0x8f: {  	_ = 	snop  }
0x90: {  	s18 =	sld [smem:$0x3FC9];
	(tm) =	ssettm $0x1  }
0x91: {  	s19 =	sld [smem:$0x3FFB];
	_ =	sdelay $0x3  }
0x92: {  	_ =	strace s19  }
0x93: {  	s2 =	sld [smem:$0x3FFC];
	_ =	sdelay $0x3  }
0x94: {  	_ =	strace s2  }
0x95: {  	s2 =	sld [smem:$0x3FFD];
	_ =	sdelay $0x3  }
0x96: {  	_ =	strace s2  }
0x97: {  	_ =	strace $0x8FFFFFFF  }
0x98: {  	s20 =	sld [smem:$0x3FDB];
	_ =	sdelay $0x1  }
0x99: {  	s4 =	simm.s32 $_scs_section_size  }
0x9a: {  	s5 =	simm.s32 $_size__tile_overlayer_lowered;
	s6 =	simm.s32 $_tile_overlayer_lowered  }
0x9b: {  	s7 =	simm.s32 $0x1BFF;
	s21 =	sshll.u32 s6, $0x1;
	s4 =	sadd.s32 s4, s20  }
0x9c: {  	s22 =	simm.s32 $0x0;
	s5 =	sshll.u32 s5, $0x1;
	s6 =	sadd.s32 s21, s4  }
0x9d: {  	[timem:s22], [sflag:s7] =	dma.local [hbm:s6], s5  }
0x9e: {  	_ =	swait.ge [sflag:s7], s5  }
0x9f: {  	s5 =	ssub.s32 $0x0, s5;
	[sflag:s7] =	ssyncset.done $0x0  }
0xa0: {  	[sflag:s7] =	ssyncadd.s32 s5;
	_ =	sdelay $0x1  }
0xa1: {  	s23 =	simm.s32 $0x1B8B  }
0xa2: {  	_ =	swait.ge [sflag:s23], $0x1  }
0xa3: {  	[sflag:s23] =	ssyncset.done $0x0  }
0xa4: {  	[sflag:s23] =	ssyncadd.s32 $0xFFFFFFFF  }
0xa5: {  	s5 =	sld [smem:$0x0]  }
0xa6: {  	s6 =	sand.u32 $0xFFFFFFFE, s1  }
0xa7: {  	p0 =	sne.s32 s1, s6  }
0xa8: {  	s6 =	sshll.u32 @p0 s6, $0xE  }
0xa9: {  	s6 =	sadd.s32 @p0 $0x11B8D, s6;
	s7 =	sshll.u32 @p0 s5, $0x11  }
0xaa: {  	s6 =	sor.u32 @p0 s7, s6  }
0xab: {  	[sflag:s6] =	ssyncadd.remote.s32 @p0 $0x1;
	_ =	sdelay $0x1  }
0xac: {  	s6 =	simm.s32 @p0 $0x1B8D  }
0xad: {  	_ =	swait.eq @p0 [sflag:s6], $0x1  }
0xae: {  	[sflag:s6] =	ssyncadd.s32 @p0 $0xFFFFFFFF  }
0xaf: {  	s7 =	sshll.u32 @!p0 s1, $0xE  }
0xb0: {  	s7 =	sor.u32 @!p0 $0x4000, s7;
	s6 =	simm.s32 @!p0 $0x1B8D  }
0xb1: {  	s5 =	sshll.u32 @!p0 s5, $0x11;
	s7 =	sadd.s32 @!p0 $0x11B8D, s7;
	_ =	swait.eq @!p0 [sflag:s6], $0x1  }
0xb2: {  	s5 =	sor.u32 @!p0 s5, s7;
	[sflag:s6] =	ssyncadd.s32 @!p0 $0xFFFFFFFF  }
0xb3: {  	s25 =	simm.s32 $0x1B8E;
	s24 =	sld [smem:$0x3FFE];
	[sflag:s5] =	ssyncadd.remote.s32 @!p0 $0x1  }
0xb4: {  	s26 =	simm.s32 $execute0_lowered;
	[smem:$0x3FD2] =	sst s25  }
0xb5: {  	s6 =	sshll.u32 s26, $0x1;
	_ =	strace $0x80000049;
	[dreg:$0x1] =	wrdreg $0xFFFFFFFF  }
0xb6: {  	s28 =	simm.s32 $_size_execute0_lowered;
	s4 =	sadd.s32 s4, s6;
	[dreg:$0x0] =	wrdreg $0x0  }
0xb7: {  	s6 =	sshll.u32 s28, $0x1;
	[dreg:$0x2] =	wrdreg s4  }
0xb8: {  	[dreg:$0x3] =	wrdreg s6  }
0xb9: {  	[dreg:$0x4] =	wrdreg $0xC0  }
0xba: {  	_ =	task [dreg:s22], $0x5FFFF  }
0xbb: {  	[dreg:$0x1] =	wrdreg $0xFFFFFFFF  }
0xbc: {  	[dreg:$0x0] =	wrdreg $0x60  }
0xbd: {  	[dreg:$0x2] =	wrdreg s18  }
0xbe: {  	[dreg:$0x3] =	wrdreg s24  }
0xbf: {  	[dreg:$0x4] =	wrdreg $0x0  }
0xc0: {  	[dreg:$0x5] =	wrdreg $0xA  }
0xc1: {  	_ =	task.clear_ibuf [dreg:s22], $0x6FFFF;
	_ =	strace $0x90000049  }
0xc2: {  	s29 =	simm.s32 $0xA;
	_ =	strace $0x8000004B  }
0xc3: {  	_ =	swait.ge [sflag:s29], $0x1  }
0xc4: {  	[sflag:s29] =	ssyncadd.s32 $0xFFFFFFFF  }
0xc5: {  	_ =	strace $0x9000004B  }
0xc6: {  	_ =	sfence  }
0xc7: {  	s30 =	sld [smem:$0x0];
	_ =	sdelay $0x2  }
0xc8: {  	s31 =	sshll.u32 s1, $0xD;
	s1 =	sshrl.u32 s1, $0x2  }
0xc9: {  	s4 =	sand.u32 $0x4000, s31;
	s1 =	sadd.s32 s1, s30  }
0xca: {  	s0 =	sor.u32 s4, s0;
	s1 =	sshll.u32 s1, $0x11  }
0xcb: {  	s0 =	sor.u32 s1, s0  }
0xcc: {  	s0 =	sadd.s32 $0x8F2B, s0  }
0xcd: {  	[sflag:s0] =	ssyncadd.remote.s32 $0x1  }
0xce: {  	_ =	sfence.sel $0xFFFF  }
0xcf: {  	[dreg:$0x0] =	wrdreg $0xFFFFFFFF;
	(pc) =	sbr.abs _section_cstart, $3  }
0xd0: {  	[dreg:$0x1] =	wrdreg $0xFFFFFFFF  }
0xd1: {  	_ =	task.clear_ibuf [dreg:s22], $0x2FFFF;
	_ =	strace $0x9FFFFFFF  }
0xd2: {  	(tm) =	ssettm $0x7FFFFFFF  }
0xd3: {  	_ =	shalt  }
tec
execute0_lowered:
.L_overlay_start_1:
0x0: {  	(tag) =	ssettag $0x1  }
0x1: {  	s1 =	rddreg [dreg:$0x0]  }
0x2: {  	s0 =	srdreg.scid;
	s2 =	rddreg [dreg:$0x1]  }
0x3: {  	s11 =	stileid.u32;
	s3 =	rddreg [dreg:$0x2];
	s4 =	simm.s32 $0x0  }
0x4: {  	s21 =	simm.s32 $0x14080;
	s22 =	simm.s32 $0x14100;
	s24 =	simm.s32 $0x14C80  }
0x5: {  	s25 =	simm.s32 $0x14180;
	[smem:$0x7FF] =	sst s4;
	s8 =	sadd.s32 $0x1C600, s2  }
0x6: {  	s9 =	simm.s32 $0x14D80;
	_ =	strace $0x8000004A;
	[dreg:$0x1c] =	wrdreg s8  }
0x7: {  	s12 =	simm.s32 $0x14280;
	s13 =	simm.s32 $0x14E00;
	[dreg:$0x6] =	wrdreg s21  }
0x8: {  	s14 =	simm.s32 $0x14300;
	s15 =	simm.s32 $0x14E80;
	[dreg:$0x7] =	wrdreg s22  }
0x9: {  	s16 =	simm.s32 $0x14380;
	s17 =	simm.s32 $0x14F00;
	[dreg:$0x8] =	wrdreg s24  }
0xa: {  	s28 =	simm.s32 $0x15280;
	s29 =	simm.s32 $0x14780;
	[dreg:$0x9] =	wrdreg s25  }
0xb: {  	s30 =	simm.s32 $0x15300;
	s31 =	simm.s32 $0x14800;
	[dreg:$0xc] =	wrdreg s9  }
0xc: {  	s0 =	sand.u32 $0x1, s0;
	s5 =	smul.u32 $0x6000, s11;
	[dreg:$0xd] =	wrdreg s12  }
0xd: {  	s7 =	smul.u32 $0x1F400, s11;
	s19 =	sshll.u32 s11, $0x7;
	[dreg:$0xe] =	wrdreg s13  }
0xe: {  	p0 =	sgt.u32 s11, $0x9;
	s6 =	smul.u32 $0x3000, s0;
	[dreg:$0xf] =	wrdreg s14  }
0xf: {  	s18 =	smul.u32 $0x138800, s0;
	s8 =	sadd.s32 s19, s2;
	[dreg:$0x10] =	wrdreg s15  }
0x10: {  	s0 =	ssub.s32 $0x2, s0;
	s9 =	simm.s32 $0x15C00;
	[dreg:$0x11] =	wrdreg s16  }
0x11: {  	s12 =	simm.s32 $0x80;
	[dreg:$0x12] =	wrdreg s17;
	s19 =	simm.s32 $0x14F80  }
0x12: {  	s21 =	simm.s32 $0x15000;
	s22 =	simm.s32 $0x14500;
	s17 =	simm.s32 $0x14000  }
0x13: {  	s24 =	simm.s32 $0x14580;
	s25 =	simm.s32 $0x15100;
	[dreg:$0x14] =	wrdreg s19  }
0x14: {  	s13 =	simm.s32 $0x14880;
	s14 =	simm.s32 $0x15400;
	[dreg:$0x16] =	wrdreg s21  }
0x15: {  	s15 =	simm.s32 $0x14900;
	s16 =	simm.s32 $0x15480;
	[dreg:$0x17] =	wrdreg s22  }
0x16: {  	s23 =	sshrl.u32 s0, $0x1;
	s26 =	sadd.s32 $0x1BE00, s8;
	[dreg:$0x19] =	wrdreg s24  }
0x17: {  	s8 =	simm.s32 $0x14200;
	s19 =	simm.s32 $0x19C00;
	[dreg:$0x1a] =	wrdreg s25  }
0x18: {  	s21 =	simm.s32 $0x2;
	s22 =	simm.s32 $0x15180;
	s24 =	simm.s32 $0x15200  }
0x19: {  	s5 =	sadd.s32 s6, s5;
	s6 =	sadd.s32 s7, s18;
	[dreg:$0x1d] =	wrdreg s26  }
0x1a: {  	s0 =	ssub.s32 s0, s23;
	s7 =	smul.u32 $0x7D000, s11;
	[dreg:$0xb] =	wrdreg s8  }
0x1b: {  	s18 =	simm.s32 $0x14400;
	s23 =	simm.s32 $0x15080;
	s26 =	simm.s32 $0x14600  }
0x1c: {  	s11 =	simm.s32 $0x0;
	s5 =	sshrl.u32 s5, $0x3;
	[dreg:$0x13] =	wrdreg s18  }
0x1d: {  	s6 =	sshrl.u32 s6, $0x3;
	s0 =	smax.u32 s0, $0x1;
	[dreg:$0x18] =	wrdreg s23  }
0x1e: {  	s18 =	simm.s32 $0x14C00;
	[dreg:$0x1b] =	wrdreg s26;
	s5 =	sadd.s32 s5, s2  }
0x1f: {  	s2 =	sadd.s32 s6, s2;
	s6 =	simm.s32 $0x14D00;
	[dreg:$0x1f] =	wrdreg s0  }
0x20: {  	s23 =	simm.s32 $0x14680;
	s20 =	sadd.s32 $0x3E00, s5;
	[dreg:$0xa] =	wrdreg s6  }
0x21: {  	s26 =	simm.s32 $0x14700;
	s5 =	sadd.s32 $0xFE00, s5;
	[dreg:$0x4] =	wrdreg s20  }
0x22: {  	s10 =	sshrl.u32 s7, $0x2;
	s2 =	sadd.s32 $0x1CE00, s2;
	[dreg:$0x5] =	wrdreg s5  }
0x23: {  	s6 =	simm.s32 $0x15580;
	[dreg:$0x1e] =	wrdreg s2;
	s5 =	sadd.s32 s10, s3  }
0x24: {  	s10 =	simm.s32 $0x3;
	s20 =	simm.s32 $0x14480;
	s2 =	simm.s32 $0x15380  }
0x25: {  	[dreg:$0x15] =	wrdreg s20;
	s20 =	simm.s32 $0x1;
	s0 =	sshrl.u32 @!p0 s5, $0x3  }
0x26: {  	s5 =	simm.s32 $0x15500;
	[smem:$0x7FD] =	sst s0;
	s0 =	simm.s32 $0x14980  }
.LBB2_1:
0x27: {  	[smem:$0x7FC] =	sst s11  }
0x28: {  	s7 =	rddreg [dreg:$0x1c]  }
0x29: {  	[tilespmem:s9], [sflag:$0x3] =	stream.linear.gather [hbm4b:s7+s4], $0x4000, $0x38;
	[tilespmem:$0x1DC00] =	vst v63  }
0x2a: {  	_ =	swait.ge [sflag:s10], $0x4000  }
0x2b: {  	[sflag:s10] =	ssyncset.done $0x0  }
0x2c: {  	s8 =	simm.s32 $0x15800;
	s11 =	rddreg [dreg:$0x1d];
	[sflag:s10] =	ssyncadd.s32 $0xFFFFC000  }
0x2d: {  	[tilespmem:s8], [sflag:$0x3] =	stream.linear.gather [hbm4b:s11+s4], $0x280, $0x38;
	[tilespmem:$0x1DC00] =	vst v63  }
0x2e: {  	_ =	swait.ge [sflag:s10], $0x280  }
0x2f: {  	[sflag:s10] =	ssyncset.done $0x0  }
0x30: {  	[sflag:s10] =	ssyncadd.s32 $0xFFFFFD80  }
0x31: {  	[spmem:s3] =	stream.indirect.scatter [tilespmem:s9], [sflag:$0x3], $0x80, s8, s12, $0xb8;
	[tilespmem:$0x1DC00] =	vst v63  }
0x32: {  	_ =	swait.ge [sflag:s10], $0x4000  }
0x33: {  	[sflag:s10] =	ssyncset.done $0x0  }
0x34: {  	s25 =	simm.s32 $0x15880;
	[sflag:s10] =	ssyncadd.s32 $0xFFFFC000  }
0x35: {  	[spmem:s3] =	stream.indirect.scatter [tilespmem:s9], [sflag:$0x3], $0x80, s25, s12, $0xb8;
	[tilespmem:$0x1DC00] =	vst v63  }
0x36: {  	_ =	swait.ge [sflag:s10], $0x4000  }
0x37: {  	[sflag:s10] =	ssyncset.done $0x0  }
0x38: {  	s8 =	simm.s32 $0x15900;
	[sflag:s10] =	ssyncadd.s32 $0xFFFFC000  }
0x39: {  	[spmem:s3] =	stream.indirect.scatter [tilespmem:s9], [sflag:$0x3], $0x80, s8, s12, $0xb8;
	[tilespmem:$0x1DC00] =	vst v63  }
0x3a: {  	_ =	swait.ge [sflag:s10], $0x4000  }
0x3b: {  	[sflag:s10] =	ssyncset.done $0x0  }
0x3c: {  	s11 =	simm.s32 $0x15980;
	[sflag:s10] =	ssyncadd.s32 $0xFFFFC000  }
0x3d: {  	[spmem:s3] =	stream.indirect.scatter [tilespmem:s9], [sflag:$0x3], $0x80, s11, s12, $0xb8;
	[tilespmem:$0x1DC00] =	vst v63  }
0x3e: {  	_ =	swait.ge [sflag:s10], $0x4000  }
0x3f: {  	[sflag:s10] =	ssyncset.done $0x0  }
0x40: {  	s25 =	simm.s32 $0x15A00;
	[sflag:s10] =	ssyncadd.s32 $0xFFFFC000  }
0x41: {  	[spmem:s3] =	stream.indirect.scatter [tilespmem:s9], [sflag:$0x3], $0x80, s25, s12, $0xb8;
	[tilespmem:$0x1DC00] =	vst v63  }
0x42: {  	_ =	swait.ge [sflag:s10], $0x4000  }
0x43: {  	[sflag:s10] =	ssyncset.done $0x0  }
0x44: {  	[sflag:s10] =	ssyncadd.s32 $0xFFFFC000  }
0x45: {  	[bflag:$0x0] =	sbarrier.arrive $0xFFFF  }
0x46: {  	s7 =	rddreg [dreg:$0x5]  }
0x47: {  	s8 =	sadd.s32 $0x0, s7  }
0x48: {  	[tilespmem:s17], [sflag:$0x3] =	stream.linear.gather [hbm4b:s8+s4], $0xA00, $0x38;
	[tilespmem:$0x1DC00] =	vst v63  }
0x49: {  	_ =	swait.ge [sflag:s10], $0xA00  }
0x4a: {  	s11 =	rddreg [dreg:$0x4];
	[sflag:s10] =	ssyncset.done $0x0  }
0x4b: {  	[sflag:s10] =	ssyncadd.s32 $0xFFFFF600;
	s8 =	sadd.s32 $0x0, s11  }
0x4c: {  	[tilespmem:s18], [sflag:$0x3] =	stream.linear.gather [hbm4b:s8+s4], $0xA00, $0x38;
	[tilespmem:$0x1DC00] =	vst v63  }
0x4d: {  	_ =	swait.ge [sflag:s10], $0xA00  }
0x4e: {  	[sflag:s10] =	ssyncset.done $0x0  }
0x4f: {  	[sflag:s10] =	ssyncadd.s32 $0xFFFFF600  }
0x50: {  	[tilespmem:s9], [sflag:$0x1] =	stream.indirect.gather [hbm4b:s1+s12], $0x80, s17, s12, $0xb8;
	[tilespmem:$0x1DC00] =	vst v63  }
0x51: {  	s25 =	rddreg [dreg:$0x6]  }
0x52: {  	[tilespmem:s19], [sflag:$0x2] =	stream.indirect.gather [hbm4b:s1+s12], $0x80, s25, s12, $0xb8;
	[tilespmem:$0x1DC00] =	vst v63  }
0x53: {  	_ =	swait.ge [sflag:s20], $0x4000  }
0x54: {  	[sflag:s20] =	ssyncset.done $0x0  }
0x55: {  	[sflag:s20] =	ssyncadd.s32 $0xFFFFC000  }
0x56: {  	[spmem:s3] =	stream.indirect.scatter.add.f32 [tilespmem:s9], [sflag:$0x3], $0x80, s18, s12, $0xb8;
	[tilespmem:$0x1DC00] =	vst v63  }
0x57: {  	_ =	swait.ge [sflag:s10], $0x4000  }
0x58: {  	[sflag:s10] =	ssyncset.done $0x0  }
0x59: {  	s7 =	rddreg [dreg:$0x7];
	[sflag:s10] =	ssyncadd.s32 $0xFFFFC000  }
0x5a: {  	[tilespmem:s9], [sflag:$0x1] =	stream.indirect.gather [hbm4b:s1+s12], $0x80, s7, s12, $0xb8;
	[tilespmem:$0x1DC00] =	vst v63  }
0x5b: {  	_ =	swait.ge [sflag:s21], $0x4000  }
0x5c: {  	[sflag:s21] =	ssyncset.done $0x0  }
0x5d: {  	s11 =	rddreg [dreg:$0x8];
	[sflag:s21] =	ssyncadd.s32 $0xFFFFC000  }
0x5e: {  	[spmem:s3] =	stream.indirect.scatter.add.f32 [tilespmem:s19], [sflag:$0x3], $0x80, s11, s12, $0xb8;
	[tilespmem:$0x1DC00] =	vst v63  }
0x5f: {  	_ =	swait.ge [sflag:s10], $0x4000  }
0x60: {  	[sflag:s10] =	ssyncset.done $0x0  }
0x61: {  	s25 =	rddreg [dreg:$0x9];
	[sflag:s10] =	ssyncadd.s32 $0xFFFFC000  }
0x62: {  	[tilespmem:s19], [sflag:$0x2] =	stream.indirect.gather [hbm4b:s1+s12], $0x80, s25, s12, $0xb8;
	[tilespmem:$0x1DC00] =	vst v63  }
0x63: {  	_ =	swait.ge [sflag:s20], $0x4000  }
0x64: {  	[sflag:s20] =	ssyncset.done $0x0  }
0x65: {  	s7 =	rddreg [dreg:$0xa];
	[sflag:s20] =	ssyncadd.s32 $0xFFFFC000  }
0x66: {  	[spmem:s3] =	stream.indirect.scatter.add.f32 [tilespmem:s9], [sflag:$0x3], $0x80, s7, s12, $0xb8;
	[tilespmem:$0x1DC00] =	vst v63  }
0x67: {  	_ =	swait.ge [sflag:s10], $0x4000  }
0x68: {  	[sflag:s10] =	ssyncset.done $0x0  }
0x69: {  	s11 =	rddreg [dreg:$0xb];
	[sflag:s10] =	ssyncadd.s32 $0xFFFFC000  }
0x6a: {  	[tilespmem:s9], [sflag:$0x1] =	stream.indirect.gather [hbm4b:s1+s12], $0x80, s11, s12, $0xb8;
	[tilespmem:$0x1DC00] =	vst v63  }
0x6b: {  	_ =	swait.ge [sflag:s21], $0x4000  }
0x6c: {  	[sflag:s21] =	ssyncset.done $0x0  }
0x6d: {  	s25 =	rddreg [dreg:$0xc];
	[sflag:s21] =	ssyncadd.s32 $0xFFFFC000  }
0x6e: {  	[spmem:s3] =	stream.indirect.scatter.add.f32 [tilespmem:s19], [sflag:$0x3], $0x80, s25, s12, $0xb8;
	[tilespmem:$0x1DC00] =	vst v63  }
0x6f: {  	_ =	swait.ge [sflag:s10], $0x4000  }
0x70: {  	[sflag:s10] =	ssyncset.done $0x0  }
0x71: {  	s7 =	rddreg [dreg:$0xd];
	[sflag:s10] =	ssyncadd.s32 $0xFFFFC000  }
0x72: {  	[tilespmem:s19], [sflag:$0x2] =	stream.indirect.gather [hbm4b:s1+s12], $0x80, s7, s12, $0xb8;
	[tilespmem:$0x1DC00] =	vst v63  }
0x73: {  	_ =	swait.ge [sflag:s20], $0x4000  }
0x74: {  	[sflag:s20] =	ssyncset.done $0x0  }
0x75: {  	s11 =	rddreg [dreg:$0xe];
	[sflag:s20] =	ssyncadd.s32 $0xFFFFC000  }
0x76: {  	[spmem:s3] =	stream.indirect.scatter.add.f32 [tilespmem:s9], [sflag:$0x3], $0x80, s11, s12, $0xb8;
	[tilespmem:$0x1DC00] =	vst v63  }
0x77: {  	_ =	swait.ge [sflag:s10], $0x4000  }
0x78: {  	[sflag:s10] =	ssyncset.done $0x0  }
0x79: {  	s25 =	rddreg [dreg:$0xf];
	[sflag:s10] =	ssyncadd.s32 $0xFFFFC000  }
0x7a: {  	[tilespmem:s9], [sflag:$0x1] =	stream.indirect.gather [hbm4b:s1+s12], $0x80, s25, s12, $0xb8;
	[tilespmem:$0x1DC00] =	vst v63  }
0x7b: {  	_ =	swait.ge [sflag:s21], $0x4000  }
0x7c: {  	[sflag:s21] =	ssyncset.done $0x0  }
0x7d: {  	s7 =	rddreg [dreg:$0x10];
	[sflag:s21] =	ssyncadd.s32 $0xFFFFC000  }
0x7e: {  	[spmem:s3] =	stream.indirect.scatter.add.f32 [tilespmem:s19], [sflag:$0x3], $0x80, s7, s12, $0xb8;
	[tilespmem:$0x1DC00] =	vst v63  }
0x7f: {  	_ =	swait.ge [sflag:s10], $0x4000  }
0x80: {  	[sflag:s10] =	ssyncset.done $0x0  }
0x81: {  	s11 =	rddreg [dreg:$0x11];
	[sflag:s10] =	ssyncadd.s32 $0xFFFFC000  }
0x82: {  	[tilespmem:s19], [sflag:$0x2] =	stream.indirect.gather [hbm4b:s1+s12], $0x80, s11, s12, $0xb8;
	[tilespmem:$0x1DC00] =	vst v63  }
0x83: {  	_ =	swait.ge [sflag:s20], $0x4000  }
0x84: {  	[sflag:s20] =	ssyncset.done $0x0  }
0x85: {  	s25 =	rddreg [dreg:$0x12];
	[sflag:s20] =	ssyncadd.s32 $0xFFFFC000  }
0x86: {  	[spmem:s3] =	stream.indirect.scatter.add.f32 [tilespmem:s9], [sflag:$0x3], $0x80, s25, s12, $0xb8;
	[tilespmem:$0x1DC00] =	vst v63  }
0x87: {  	_ =	swait.ge [sflag:s10], $0x4000  }
0x88: {  	[sflag:s10] =	ssyncset.done $0x0  }
0x89: {  	s7 =	rddreg [dreg:$0x13];
	[sflag:s10] =	ssyncadd.s32 $0xFFFFC000  }
0x8a: {  	[tilespmem:s9], [sflag:$0x1] =	stream.indirect.gather [hbm4b:s1+s12], $0x80, s7, s12, $0xb8;
	[tilespmem:$0x1DC00] =	vst v63  }
0x8b: {  	_ =	swait.ge [sflag:s21], $0x4000  }
0x8c: {  	[sflag:s21] =	ssyncset.done $0x0  }
0x8d: {  	s11 =	rddreg [dreg:$0x14];
	[sflag:s21] =	ssyncadd.s32 $0xFFFFC000  }
0x8e: {  	[spmem:s3] =	stream.indirect.scatter.add.f32 [tilespmem:s19], [sflag:$0x3], $0x80, s11, s12, $0xb8;
	[tilespmem:$0x1DC00] =	vst v63  }
0x8f: {  	_ =	swait.ge [sflag:s10], $0x4000  }
0x90: {  	[sflag:s10] =	ssyncset.done $0x0  }
0x91: {  	s25 =	rddreg [dreg:$0x15];
	[sflag:s10] =	ssyncadd.s32 $0xFFFFC000  }
0x92: {  	[tilespmem:s19], [sflag:$0x2] =	stream.indirect.gather [hbm4b:s1+s12], $0x80, s25, s12, $0xb8;
	[tilespmem:$0x1DC00] =	vst v63  }
0x93: {  	_ =	swait.ge [sflag:s20], $0x4000  }
0x94: {  	[sflag:s20] =	ssyncset.done $0x0  }
0x95: {  	s7 =	rddreg [dreg:$0x16];
	[sflag:s20] =	ssyncadd.s32 $0xFFFFC000  }
0x96: {  	[spmem:s3] =	stream.indirect.scatter.add.f32 [tilespmem:s9], [sflag:$0x3], $0x80, s7, s12, $0xb8;
	[tilespmem:$0x1DC00] =	vst v63  }
0x97: {  	_ =	swait.ge [sflag:s10], $0x4000  }
0x98: {  	[sflag:s10] =	ssyncset.done $0x0  }
0x99: {  	s11 =	rddreg [dreg:$0x17];
	[sflag:s10] =	ssyncadd.s32 $0xFFFFC000  }
0x9a: {  	[tilespmem:s9], [sflag:$0x1] =	stream.indirect.gather [hbm4b:s1+s12], $0x80, s11, s12, $0xb8;
	[tilespmem:$0x1DC00] =	vst v63  }
0x9b: {  	_ =	swait.ge [sflag:s21], $0x4000  }
0x9c: {  	[sflag:s21] =	ssyncset.done $0x0  }
0x9d: {  	s25 =	rddreg [dreg:$0x18];
	[sflag:s21] =	ssyncadd.s32 $0xFFFFC000  }
0x9e: {  	[spmem:s3] =	stream.indirect.scatter.add.f32 [tilespmem:s19], [sflag:$0x3], $0x80, s25, s12, $0xb8;
	[tilespmem:$0x1DC00] =	vst v63  }
0x9f: {  	_ =	swait.ge [sflag:s10], $0x4000  }
0xa0: {  	[sflag:s10] =	ssyncset.done $0x0  }
0xa1: {  	s7 =	rddreg [dreg:$0x19];
	[sflag:s10] =	ssyncadd.s32 $0xFFFFC000  }
0xa2: {  	[tilespmem:s19], [sflag:$0x2] =	stream.indirect.gather [hbm4b:s1+s12], $0x80, s7, s12, $0xb8;
	[tilespmem:$0x1DC00] =	vst v63  }
0xa3: {  	_ =	swait.ge [sflag:s20], $0x4000  }
0xa4: {  	[sflag:s20] =	ssyncset.done $0x0  }
0xa5: {  	s11 =	rddreg [dreg:$0x1a];
	[sflag:s20] =	ssyncadd.s32 $0xFFFFC000  }
0xa6: {  	[spmem:s3] =	stream.indirect.scatter.add.f32 [tilespmem:s9], [sflag:$0x3], $0x80, s11, s12, $0xb8;
	[tilespmem:$0x1DC00] =	vst v63  }
0xa7: {  	_ =	swait.ge [sflag:s10], $0x4000  }
0xa8: {  	[sflag:s10] =	ssyncset.done $0x0  }
0xa9: {  	s25 =	rddreg [dreg:$0x1b];
	[sflag:s10] =	ssyncadd.s32 $0xFFFFC000  }
0xaa: {  	[tilespmem:s9], [sflag:$0x1] =	stream.indirect.gather [hbm4b:s1+s12], $0x80, s25, s12, $0xb8;
	[tilespmem:$0x1DC00] =	vst v63  }
0xab: {  	_ =	swait.ge [sflag:s21], $0x4000  }
0xac: {  	[sflag:s21] =	ssyncset.done $0x0  }
0xad: {  	[sflag:s21] =	ssyncadd.s32 $0xFFFFC000  }
0xae: {  	[spmem:s3] =	stream.indirect.scatter.add.f32 [tilespmem:s19], [sflag:$0x3], $0x80, s22, s12, $0xb8;
	[tilespmem:$0x1DC00] =	vst v63  }
0xaf: {  	_ =	swait.ge [sflag:s10], $0x4000  }
0xb0: {  	[sflag:s10] =	ssyncset.done $0x0  }
0xb1: {  	[sflag:s10] =	ssyncadd.s32 $0xFFFFC000  }
0xb2: {  	[tilespmem:s19], [sflag:$0x2] =	stream.indirect.gather [hbm4b:s1+s12], $0x80, s23, s12, $0xb8;
	[tilespmem:$0x1DC00] =	vst v63  }
0xb3: {  	_ =	swait.ge [sflag:s20], $0x4000  }
0xb4: {  	[sflag:s20] =	ssyncset.done $0x0  }
0xb5: {  	[sflag:s20] =	ssyncadd.s32 $0xFFFFC000  }
0xb6: {  	[spmem:s3] =	stream.indirect.scatter.add.f32 [tilespmem:s9], [sflag:$0x3], $0x80, s24, s12, $0xb8;
	[tilespmem:$0x1DC00] =	vst v63  }
0xb7: {  	_ =	swait.ge [sflag:s10], $0x4000  }
0xb8: {  	[sflag:s10] =	ssyncset.done $0x0  }
0xb9: {  	[sflag:s10] =	ssyncadd.s32 $0xFFFFC000  }
0xba: {  	[tilespmem:s9], [sflag:$0x1] =	stream.indirect.gather [hbm4b:s1+s12], $0x80, s26, s12, $0xb8;
	[tilespmem:$0x1DC00] =	vst v63  }
0xbb: {  	_ =	swait.ge [sflag:s21], $0x4000  }
0xbc: {  	[sflag:s21] =	ssyncset.done $0x0  }
0xbd: {  	[sflag:s21] =	ssyncadd.s32 $0xFFFFC000  }
0xbe: {  	[spmem:s3] =	stream.indirect.scatter.add.f32 [tilespmem:s19], [sflag:$0x3], $0x80, s28, s12, $0xb8;
	[tilespmem:$0x1DC00] =	vst v63  }
0xbf: {  	_ =	swait.ge [sflag:s10], $0x4000  }
0xc0: {  	[sflag:s10] =	ssyncset.done $0x0  }
0xc1: {  	[sflag:s10] =	ssyncadd.s32 $0xFFFFC000  }
0xc2: {  	[tilespmem:s19], [sflag:$0x2] =	stream.indirect.gather [hbm4b:s1+s12], $0x80, s29, s12, $0xb8;
	[tilespmem:$0x1DC00] =	vst v63  }
0xc3: {  	_ =	swait.ge [sflag:s20], $0x4000  }
0xc4: {  	[sflag:s20] =	ssyncset.done $0x0  }
0xc5: {  	[sflag:s20] =	ssyncadd.s32 $0xFFFFC000  }
0xc6: {  	[spmem:s3] =	stream.indirect.scatter.add.f32 [tilespmem:s9], [sflag:$0x3], $0x80, s30, s12, $0xb8;
	[tilespmem:$0x1DC00] =	vst v63  }
0xc7: {  	_ =	swait.ge [sflag:s10], $0x4000  }
0xc8: {  	[sflag:s10] =	ssyncset.done $0x0  }
0xc9: {  	[sflag:s10] =	ssyncadd.s32 $0xFFFFC000  }
0xca: {  	[tilespmem:s9], [sflag:$0x1] =	stream.indirect.gather [hbm4b:s1+s12], $0x80, s31, s12, $0xb8;
	[tilespmem:$0x1DC00] =	vst v63  }
0xcb: {  	_ =	swait.ge [sflag:s21], $0x4000  }
0xcc: {  	[sflag:s21] =	ssyncset.done $0x0  }
0xcd: {  	[sflag:s21] =	ssyncadd.s32 $0xFFFFC000  }
0xce: {  	[spmem:s3] =	stream.indirect.scatter.add.f32 [tilespmem:s19], [sflag:$0x3], $0x80, s2, s12, $0xb8;
	[tilespmem:$0x1DC00] =	vst v63  }
0xcf: {  	_ =	swait.ge [sflag:s10], $0x4000  }
0xd0: {  	[sflag:s10] =	ssyncset.done $0x0  }
0xd1: {  	[sflag:s10] =	ssyncadd.s32 $0xFFFFC000  }
0xd2: {  	[tilespmem:s19], [sflag:$0x2] =	stream.indirect.gather [hbm4b:s1+s12], $0x80, s13, s12, $0xb8;
	[tilespmem:$0x1DC00] =	vst v63  }
0xd3: {  	_ =	swait.ge [sflag:s20], $0x4000  }
0xd4: {  	[sflag:s20] =	ssyncset.done $0x0  }
0xd5: {  	[sflag:s20] =	ssyncadd.s32 $0xFFFFC000  }
0xd6: {  	[spmem:s3] =	stream.indirect.scatter.add.f32 [tilespmem:s9], [sflag:$0x3], $0x80, s14, s12, $0xb8;
	[tilespmem:$0x1DC00] =	vst v63  }
0xd7: {  	_ =	swait.ge [sflag:s10], $0x4000  }
0xd8: {  	[sflag:s10] =	ssyncset.done $0x0  }
0xd9: {  	[sflag:s10] =	ssyncadd.s32 $0xFFFFC000  }
0xda: {  	[tilespmem:s9], [sflag:$0x1] =	stream.indirect.gather [hbm4b:s1+s12], $0x80, s15, s12, $0xb8;
	[tilespmem:$0x1DC00] =	vst v63  }
0xdb: {  	_ =	swait.ge [sflag:s21], $0x4000  }
0xdc: {  	[sflag:s21] =	ssyncset.done $0x0  }
0xdd: {  	[sflag:s21] =	ssyncadd.s32 $0xFFFFC000  }
0xde: {  	[spmem:s3] =	stream.indirect.scatter.add.f32 [tilespmem:s19], [sflag:$0x3], $0x80, s16, s12, $0xb8;
	[tilespmem:$0x1DC00] =	vst v63  }
0xdf: {  	_ =	swait.ge [sflag:s10], $0x4000  }
0xe0: {  	[sflag:s10] =	ssyncset.done $0x0  }
0xe1: {  	[sflag:s10] =	ssyncadd.s32 $0xFFFFC000  }
0xe2: {  	[tilespmem:s19], [sflag:$0x2] =	stream.indirect.gather [hbm4b:s1+s12], $0x80, s0, s12, $0xb8;
	[tilespmem:$0x1DC00] =	vst v63  }
0xe3: {  	_ =	swait.ge [sflag:s20], $0x4000  }
0xe4: {  	[sflag:s20] =	ssyncset.done $0x0  }
0xe5: {  	[sflag:s20] =	ssyncadd.s32 $0xFFFFC000  }
0xe6: {  	[spmem:s3] =	stream.indirect.scatter.add.f32 [tilespmem:s9], [sflag:$0x3], $0x80, s5, s12, $0xb8;
	[tilespmem:$0x1DC00] =	vst v63  }
0xe7: {  	_ =	swait.ge [sflag:s10], $0x4000  }
0xe8: {  	[sflag:s10] =	ssyncset.done $0x0  }
0xe9: {  	[sflag:s10] =	ssyncadd.s32 $0xFFFFC000  }
0xea: {  	_ =	swait.ge [sflag:s21], $0x4000  }
0xeb: {  	[sflag:s21] =	ssyncset.done $0x0  }
0xec: {  	[sflag:s21] =	ssyncadd.s32 $0xFFFFC000  }
0xed: {  	[spmem:s3] =	stream.indirect.scatter.add.f32 [tilespmem:s19], [sflag:$0x3], $0x80, s6, s12, $0xb8;
	[tilespmem:$0x1DC00] =	vst v63  }
0xee: {  	s8 =	simm.s32 $0x300;
	_ =	swait.ge [sflag:s10], $0x4000  }
0xef: {  	s11 =	simm.s32 $0x180;
	s25 =	rddreg [dreg:$0x5];
	[sflag:s10] =	ssyncset.done $0x0  }
.LBB2_2:
0xf0: {  	[sflag:s10] =	ssyncadd.s32 $0xFFFFC000;
	s25 =	sadd.s32 s11, s25  }
0xf1: {  	[tilespmem:s17], [sflag:$0x3] =	stream.linear.gather [hbm4b:s25+s4], $0xA00, $0x38;
	[tilespmem:$0x1DC00] =	vst v63  }
0xf2: {  	_ =	swait.ge [sflag:s10], $0xA00  }
0xf3: {  	s25 =	rddreg [dreg:$0x4];
	[sflag:s10] =	ssyncset.done $0x0  }
0xf4: {  	[sflag:s10] =	ssyncadd.s32 $0xFFFFF600;
	s25 =	sadd.s32 s11, s25  }
0xf5: {  	[tilespmem:s18], [sflag:$0x3] =	stream.linear.gather [hbm4b:s25+s4], $0xA00, $0x38;
	[tilespmem:$0x1DC00] =	vst v63  }
0xf6: {  	_ =	swait.ge [sflag:s10], $0xA00  }
0xf7: {  	[sflag:s10] =	ssyncset.done $0x0  }
0xf8: {  	[sflag:s10] =	ssyncadd.s32 $0xFFFFF600  }
0xf9: {  	[tilespmem:s9], [sflag:$0x1] =	stream.indirect.gather [hbm4b:s1+s12], $0x80, s17, s12, $0xb8;
	[tilespmem:$0x1DC00] =	vst v63  }
0xfa: {  	s25 =	rddreg [dreg:$0x6]  }
0xfb: {  	[tilespmem:s19], [sflag:$0x2] =	stream.indirect.gather [hbm4b:s1+s12], $0x80, s25, s12, $0xb8;
	[tilespmem:$0x1DC00] =	vst v63  }
0xfc: {  	_ =	swait.ge [sflag:s20], $0x4000  }
0xfd: {  	[sflag:s20] =	ssyncset.done $0x0  }
0xfe: {  	[sflag:s20] =	ssyncadd.s32 $0xFFFFC000  }
0xff: {  	[spmem:s3] =	stream.indirect.scatter.add.f32 [tilespmem:s9], [sflag:$0x3], $0x80, s18, s12, $0xb8;
	[tilespmem:$0x1DC00] =	vst v63  }
0x100: {  	_ =	swait.ge [sflag:s10], $0x4000  }
0x101: {  	[sflag:s10] =	ssyncset.done $0x0  }
0x102: {  	s25 =	rddreg [dreg:$0x7];
	[sflag:s10] =	ssyncadd.s32 $0xFFFFC000  }
0x103: {  	[tilespmem:s9], [sflag:$0x1] =	stream.indirect.gather [hbm4b:s1+s12], $0x80, s25, s12, $0xb8;
	[tilespmem:$0x1DC00] =	vst v63  }
0x104: {  	_ =	swait.ge [sflag:s21], $0x4000  }
0x105: {  	[sflag:s21] =	ssyncset.done $0x0  }
0x106: {  	s25 =	rddreg [dreg:$0x8];
	[sflag:s21] =	ssyncadd.s32 $0xFFFFC000  }
0x107: {  	[spmem:s3] =	stream.indirect.scatter.add.f32 [tilespmem:s19], [sflag:$0x3], $0x80, s25, s12, $0xb8;
	[tilespmem:$0x1DC00] =	vst v63  }
0x108: {  	_ =	swait.ge [sflag:s10], $0x4000  }
0x109: {  	[sflag:s10] =	ssyncset.done $0x0  }
0x10a: {  	s25 =	rddreg [dreg:$0x9];
	[sflag:s10] =	ssyncadd.s32 $0xFFFFC000  }
0x10b: {  	[tilespmem:s19], [sflag:$0x2] =	stream.indirect.gather [hbm4b:s1+s12], $0x80, s25, s12, $0xb8;
	[tilespmem:$0x1DC00] =	vst v63  }
0x10c: {  	_ =	swait.ge [sflag:s20], $0x4000  }
0x10d: {  	[sflag:s20] =	ssyncset.done $0x0  }
0x10e: {  	s25 =	rddreg [dreg:$0xa];
	[sflag:s20] =	ssyncadd.s32 $0xFFFFC000  }
0x10f: {  	[spmem:s3] =	stream.indirect.scatter.add.f32 [tilespmem:s9], [sflag:$0x3], $0x80, s25, s12, $0xb8;
	[tilespmem:$0x1DC00] =	vst v63  }
0x110: {  	_ =	swait.ge [sflag:s10], $0x4000  }
0x111: {  	[sflag:s10] =	ssyncset.done $0x0  }
0x112: {  	s25 =	rddreg [dreg:$0xb];
	[sflag:s10] =	ssyncadd.s32 $0xFFFFC000  }
0x113: {  	[tilespmem:s9], [sflag:$0x1] =	stream.indirect.gather [hbm4b:s1+s12], $0x80, s25, s12, $0xb8;
	[tilespmem:$0x1DC00] =	vst v63  }
0x114: {  	_ =	swait.ge [sflag:s21], $0x4000  }
0x115: {  	[sflag:s21] =	ssyncset.done $0x0  }
0x116: {  	s25 =	rddreg [dreg:$0xc];
	[sflag:s21] =	ssyncadd.s32 $0xFFFFC000  }
0x117: {  	[spmem:s3] =	stream.indirect.scatter.add.f32 [tilespmem:s19], [sflag:$0x3], $0x80, s25, s12, $0xb8;
	[tilespmem:$0x1DC00] =	vst v63  }
0x118: {  	_ =	swait.ge [sflag:s10], $0x4000  }
0x119: {  	[sflag:s10] =	ssyncset.done $0x0  }
0x11a: {  	s25 =	rddreg [dreg:$0xd];
	[sflag:s10] =	ssyncadd.s32 $0xFFFFC000  }
0x11b: {  	[tilespmem:s19], [sflag:$0x2] =	stream.indirect.gather [hbm4b:s1+s12], $0x80, s25, s12, $0xb8;
	[tilespmem:$0x1DC00] =	vst v63  }
0x11c: {  	_ =	swait.ge [sflag:s20], $0x4000  }
0x11d: {  	[sflag:s20] =	ssyncset.done $0x0  }
0x11e: {  	s25 =	rddreg [dreg:$0xe];
	[sflag:s20] =	ssyncadd.s32 $0xFFFFC000  }
0x11f: {  	[spmem:s3] =	stream.indirect.scatter.add.f32 [tilespmem:s9], [sflag:$0x3], $0x80, s25, s12, $0xb8;
	[tilespmem:$0x1DC00] =	vst v63  }
0x120: {  	_ =	swait.ge [sflag:s10], $0x4000  }
0x121: {  	[sflag:s10] =	ssyncset.done $0x0  }
0x122: {  	s25 =	rddreg [dreg:$0xf];
	[sflag:s10] =	ssyncadd.s32 $0xFFFFC000  }
0x123: {  	[tilespmem:s9], [sflag:$0x1] =	stream.indirect.gather [hbm4b:s1+s12], $0x80, s25, s12, $0xb8;
	[tilespmem:$0x1DC00] =	vst v63  }
0x124: {  	_ =	swait.ge [sflag:s21], $0x4000  }
0x125: {  	[sflag:s21] =	ssyncset.done $0x0  }
0x126: {  	s25 =	rddreg [dreg:$0x10];
	[sflag:s21] =	ssyncadd.s32 $0xFFFFC000  }
0x127: {  	[spmem:s3] =	stream.indirect.scatter.add.f32 [tilespmem:s19], [sflag:$0x3], $0x80, s25, s12, $0xb8;
	[tilespmem:$0x1DC00] =	vst v63  }
0x128: {  	_ =	swait.ge [sflag:s10], $0x4000  }
0x129: {  	[sflag:s10] =	ssyncset.done $0x0  }
0x12a: {  	s25 =	rddreg [dreg:$0x11];
	[sflag:s10] =	ssyncadd.s32 $0xFFFFC000  }
0x12b: {  	[tilespmem:s19], [sflag:$0x2] =	stream.indirect.gather [hbm4b:s1+s12], $0x80, s25, s12, $0xb8;
	[tilespmem:$0x1DC00] =	vst v63  }
0x12c: {  	_ =	swait.ge [sflag:s20], $0x4000  }
0x12d: {  	[sflag:s20] =	ssyncset.done $0x0  }
0x12e: {  	s25 =	rddreg [dreg:$0x12];
	[sflag:s20] =	ssyncadd.s32 $0xFFFFC000  }
0x12f: {  	[spmem:s3] =	stream.indirect.scatter.add.f32 [tilespmem:s9], [sflag:$0x3], $0x80, s25, s12, $0xb8;
	[tilespmem:$0x1DC00] =	vst v63  }
0x130: {  	_ =	swait.ge [sflag:s10], $0x4000  }
0x131: {  	[sflag:s10] =	ssyncset.done $0x0  }
0x132: {  	s25 =	rddreg [dreg:$0x13];
	[sflag:s10] =	ssyncadd.s32 $0xFFFFC000  }
0x133: {  	[tilespmem:s9], [sflag:$0x1] =	stream.indirect.gather [hbm4b:s1+s12], $0x80, s25, s12, $0xb8;
	[tilespmem:$0x1DC00] =	vst v63  }
0x134: {  	_ =	swait.ge [sflag:s21], $0x4000  }
0x135: {  	[sflag:s21] =	ssyncset.done $0x0  }
0x136: {  	s25 =	rddreg [dreg:$0x14];
	[sflag:s21] =	ssyncadd.s32 $0xFFFFC000  }
0x137: {  	[spmem:s3] =	stream.indirect.scatter.add.f32 [tilespmem:s19], [sflag:$0x3], $0x80, s25, s12, $0xb8;
	[tilespmem:$0x1DC00] =	vst v63  }
0x138: {  	_ =	swait.ge [sflag:s10], $0x4000  }
0x139: {  	[sflag:s10] =	ssyncset.done $0x0  }
0x13a: {  	s25 =	rddreg [dreg:$0x15];
	[sflag:s10] =	ssyncadd.s32 $0xFFFFC000  }
0x13b: {  	[tilespmem:s19], [sflag:$0x2] =	stream.indirect.gather [hbm4b:s1+s12], $0x80, s25, s12, $0xb8;
	[tilespmem:$0x1DC00] =	vst v63  }
0x13c: {  	_ =	swait.ge [sflag:s20], $0x4000  }
0x13d: {  	[sflag:s20] =	ssyncset.done $0x0  }
0x13e: {  	s25 =	rddreg [dreg:$0x16];
	[sflag:s20] =	ssyncadd.s32 $0xFFFFC000  }
0x13f: {  	[spmem:s3] =	stream.indirect.scatter.add.f32 [tilespmem:s9], [sflag:$0x3], $0x80, s25, s12, $0xb8;
	[tilespmem:$0x1DC00] =	vst v63  }
0x140: {  	_ =	swait.ge [sflag:s10], $0x4000  }
0x141: {  	[sflag:s10] =	ssyncset.done $0x0  }
0x142: {  	s25 =	rddreg [dreg:$0x17];
	[sflag:s10] =	ssyncadd.s32 $0xFFFFC000  }
0x143: {  	[tilespmem:s9], [sflag:$0x1] =	stream.indirect.gather [hbm4b:s1+s12], $0x80, s25, s12, $0xb8;
	[tilespmem:$0x1DC00] =	vst v63  }
0x144: {  	_ =	swait.ge [sflag:s21], $0x4000  }
0x145: {  	[sflag:s21] =	ssyncset.done $0x0  }
0x146: {  	s25 =	rddreg [dreg:$0x18];
	[sflag:s21] =	ssyncadd.s32 $0xFFFFC000  }
0x147: {  	[spmem:s3] =	stream.indirect.scatter.add.f32 [tilespmem:s19], [sflag:$0x3], $0x80, s25, s12, $0xb8;
	[tilespmem:$0x1DC00] =	vst v63  }
0x148: {  	_ =	swait.ge [sflag:s10], $0x4000  }
0x149: {  	[sflag:s10] =	ssyncset.done $0x0  }
0x14a: {  	s25 =	rddreg [dreg:$0x19];
	[sflag:s10] =	ssyncadd.s32 $0xFFFFC000  }
0x14b: {  	[tilespmem:s19], [sflag:$0x2] =	stream.indirect.gather [hbm4b:s1+s12], $0x80, s25, s12, $0xb8;
	[tilespmem:$0x1DC00] =	vst v63  }
0x14c: {  	_ =	swait.ge [sflag:s20], $0x4000  }
0x14d: {  	[sflag:s20] =	ssyncset.done $0x0  }
0x14e: {  	s25 =	rddreg [dreg:$0x1a];
	[sflag:s20] =	ssyncadd.s32 $0xFFFFC000  }
0x14f: {  	[spmem:s3] =	stream.indirect.scatter.add.f32 [tilespmem:s9], [sflag:$0x3], $0x80, s25, s12, $0xb8;
	[tilespmem:$0x1DC00] =	vst v63  }
0x150: {  	_ =	swait.ge [sflag:s10], $0x4000  }
0x151: {  	[sflag:s10] =	ssyncset.done $0x0  }
0x152: {  	s25 =	rddreg [dreg:$0x1b];
	[sflag:s10] =	ssyncadd.s32 $0xFFFFC000  }
0x153: {  	[tilespmem:s9], [sflag:$0x1] =	stream.indirect.gather [hbm4b:s1+s12], $0x80, s25, s12, $0xb8;
	[tilespmem:$0x1DC00] =	vst v63  }
0x154: {  	_ =	swait.ge [sflag:s21], $0x4000  }
0x155: {  	[sflag:s21] =	ssyncset.done $0x0  }
0x156: {  	[sflag:s21] =	ssyncadd.s32 $0xFFFFC000  }
0x157: {  	[spmem:s3] =	stream.indirect.scatter.add.f32 [tilespmem:s19], [sflag:$0x3], $0x80, s22, s12, $0xb8;
	[tilespmem:$0x1DC00] =	vst v63  }
0x158: {  	_ =	swait.ge [sflag:s10], $0x4000  }
0x159: {  	[sflag:s10] =	ssyncset.done $0x0  }
0x15a: {  	[sflag:s10] =	ssyncadd.s32 $0xFFFFC000  }
0x15b: {  	[tilespmem:s19], [sflag:$0x2] =	stream.indirect.gather [hbm4b:s1+s12], $0x80, s23, s12, $0xb8;
	[tilespmem:$0x1DC00] =	vst v63  }
0x15c: {  	_ =	swait.ge [sflag:s20], $0x4000  }
0x15d: {  	[sflag:s20] =	ssyncset.done $0x0  }
0x15e: {  	[sflag:s20] =	ssyncadd.s32 $0xFFFFC000  }
0x15f: {  	[spmem:s3] =	stream.indirect.scatter.add.f32 [tilespmem:s9], [sflag:$0x3], $0x80, s24, s12, $0xb8;
	[tilespmem:$0x1DC00] =	vst v63  }
0x160: {  	_ =	swait.ge [sflag:s10], $0x4000  }
0x161: {  	[sflag:s10] =	ssyncset.done $0x0  }
0x162: {  	[sflag:s10] =	ssyncadd.s32 $0xFFFFC000  }
0x163: {  	[tilespmem:s9], [sflag:$0x1] =	stream.indirect.gather [hbm4b:s1+s12], $0x80, s26, s12, $0xb8;
	[tilespmem:$0x1DC00] =	vst v63  }
0x164: {  	_ =	swait.ge [sflag:s21], $0x4000  }
0x165: {  	[sflag:s21] =	ssyncset.done $0x0  }
0x166: {  	[sflag:s21] =	ssyncadd.s32 $0xFFFFC000  }
0x167: {  	[spmem:s3] =	stream.indirect.scatter.add.f32 [tilespmem:s19], [sflag:$0x3], $0x80, s28, s12, $0xb8;
	[tilespmem:$0x1DC00] =	vst v63  }
0x168: {  	_ =	swait.ge [sflag:s10], $0x4000  }
0x169: {  	[sflag:s10] =	ssyncset.done $0x0  }
0x16a: {  	[sflag:s10] =	ssyncadd.s32 $0xFFFFC000  }
0x16b: {  	[tilespmem:s19], [sflag:$0x2] =	stream.indirect.gather [hbm4b:s1+s12], $0x80, s29, s12, $0xb8;
	[tilespmem:$0x1DC00] =	vst v63  }
0x16c: {  	_ =	swait.ge [sflag:s20], $0x4000  }
0x16d: {  	[sflag:s20] =	ssyncset.done $0x0  }
0x16e: {  	[sflag:s20] =	ssyncadd.s32 $0xFFFFC000  }
0x16f: {  	[spmem:s3] =	stream.indirect.scatter.add.f32 [tilespmem:s9], [sflag:$0x3], $0x80, s30, s12, $0xb8;
	[tilespmem:$0x1DC00] =	vst v63  }
0x170: {  	_ =	swait.ge [sflag:s10], $0x4000  }
0x171: {  	[sflag:s10] =	ssyncset.done $0x0  }
0x172: {  	[sflag:s10] =	ssyncadd.s32 $0xFFFFC000  }
0x173: {  	[tilespmem:s9], [sflag:$0x1] =	stream.indirect.gather [hbm4b:s1+s12], $0x80, s31, s12, $0xb8;
	[tilespmem:$0x1DC00] =	vst v63  }
0x174: {  	_ =	swait.ge [sflag:s21], $0x4000  }
0x175: {  	[sflag:s21] =	ssyncset.done $0x0  }
0x176: {  	[sflag:s21] =	ssyncadd.s32 $0xFFFFC000  }
0x177: {  	[spmem:s3] =	stream.indirect.scatter.add.f32 [tilespmem:s19], [sflag:$0x3], $0x80, s2, s12, $0xb8;
	[tilespmem:$0x1DC00] =	vst v63  }
0x178: {  	_ =	swait.ge [sflag:s10], $0x4000  }
0x179: {  	[sflag:s10] =	ssyncset.done $0x0  }
0x17a: {  	[sflag:s10] =	ssyncadd.s32 $0xFFFFC000  }
0x17b: {  	[tilespmem:s19], [sflag:$0x2] =	stream.indirect.gather [hbm4b:s1+s12], $0x80, s13, s12, $0xb8;
	[tilespmem:$0x1DC00] =	vst v63  }
0x17c: {  	_ =	swait.ge [sflag:s20], $0x4000  }
0x17d: {  	[sflag:s20] =	ssyncset.done $0x0  }
0x17e: {  	[sflag:s20] =	ssyncadd.s32 $0xFFFFC000  }
0x17f: {  	[spmem:s3] =	stream.indirect.scatter.add.f32 [tilespmem:s9], [sflag:$0x3], $0x80, s14, s12, $0xb8;
	[tilespmem:$0x1DC00] =	vst v63  }
0x180: {  	_ =	swait.ge [sflag:s10], $0x4000  }
0x181: {  	[sflag:s10] =	ssyncset.done $0x0  }
0x182: {  	[sflag:s10] =	ssyncadd.s32 $0xFFFFC000  }
0x183: {  	[tilespmem:s9], [sflag:$0x1] =	stream.indirect.gather [hbm4b:s1+s12], $0x80, s15, s12, $0xb8;
	[tilespmem:$0x1DC00] =	vst v63  }
0x184: {  	_ =	swait.ge [sflag:s21], $0x4000  }
0x185: {  	[sflag:s21] =	ssyncset.done $0x0  }
0x186: {  	[sflag:s21] =	ssyncadd.s32 $0xFFFFC000  }
0x187: {  	[spmem:s3] =	stream.indirect.scatter.add.f32 [tilespmem:s19], [sflag:$0x3], $0x80, s16, s12, $0xb8;
	[tilespmem:$0x1DC00] =	vst v63  }
0x188: {  	_ =	swait.ge [sflag:s10], $0x4000  }
0x189: {  	[sflag:s10] =	ssyncset.done $0x0  }
0x18a: {  	[sflag:s10] =	ssyncadd.s32 $0xFFFFC000  }
0x18b: {  	[tilespmem:s19], [sflag:$0x2] =	stream.indirect.gather [hbm4b:s1+s12], $0x80, s0, s12, $0xb8;
	[tilespmem:$0x1DC00] =	vst v63  }
0x18c: {  	_ =	swait.ge [sflag:s20], $0x4000  }
0x18d: {  	[sflag:s20] =	ssyncset.done $0x0  }
0x18e: {  	[sflag:s20] =	ssyncadd.s32 $0xFFFFC000  }
0x18f: {  	[spmem:s3] =	stream.indirect.scatter.add.f32 [tilespmem:s9], [sflag:$0x3], $0x80, s5, s12, $0xb8;
	[tilespmem:$0x1DC00] =	vst v63  }
0x190: {  	_ =	swait.ge [sflag:s10], $0x4000  }
0x191: {  	[sflag:s10] =	ssyncset.done $0x0  }
0x192: {  	[sflag:s10] =	ssyncadd.s32 $0xFFFFC000  }
0x193: {  	p1 =	sne.s32 s8, $0x480;
	_ =	swait.ge [sflag:s21], $0x4000  }
.Ltmp0:
0x194: {  	[sflag:s21] =	ssyncset.done $0x0;
	(pc) =	sbr.rel @p1 .LBB2_2-.Ltmp0, $4  }
0x195: {  	[sflag:s21] =	ssyncadd.s32 $0xFFFFC000  }
0x196: {  	[spmem:s3] =	stream.indirect.scatter.add.f32 [tilespmem:s19], [sflag:$0x3], $0x80, s6, s12, $0xb8;
	[tilespmem:$0x1DC00] =	vst v63  }
0x197: {  	s7 =	smov.u32 s8;
	s8 =	sadd.s32 $0x180, s8;
	_ =	swait.ge [sflag:s10], $0x4000  }
0x198: {  	s11 =	smov.u32 s7;
	s25 =	rddreg [dreg:$0x5];
	[sflag:s10] =	ssyncset.done $0x0  }
0x199: {  	[sflag:s10] =	ssyncadd.s32 $0xFFFFC000;
	s7 =	sadd.s32 s11, s25  }
0x19a: {  	[tilespmem:s17], [sflag:$0x3] =	stream.linear.gather [hbm4b:s7+s4], $0xA00, $0x38;
	[tilespmem:$0x1DC00] =	vst v63  }
0x19b: {  	_ =	swait.ge [sflag:s10], $0xA00  }
0x19c: {  	s8 =	rddreg [dreg:$0x4];
	[sflag:s10] =	ssyncset.done $0x0  }
0x19d: {  	s7 =	sadd.s32 s11, s8;
	[sflag:s10] =	ssyncadd.s32 $0xFFFFF600  }
0x19e: {  	[tilespmem:s18], [sflag:$0x3] =	stream.linear.gather [hbm4b:s7+s4], $0xA00, $0x38;
	[tilespmem:$0x1DC00] =	vst v63  }
0x19f: {  	_ =	swait.ge [sflag:s10], $0xA00  }
0x1a0: {  	[sflag:s10] =	ssyncset.done $0x0  }
0x1a1: {  	[sflag:s10] =	ssyncadd.s32 $0xFFFFF600  }
0x1a2: {  	[tilespmem:s9], [sflag:$0x1] =	stream.indirect.gather [hbm4b:s1+s12], $0x80, s17, s12, $0xb8;
	[tilespmem:$0x1DC00] =	vst v63  }
0x1a3: {  	s25 =	rddreg [dreg:$0x6]  }
0x1a4: {  	[tilespmem:s19], [sflag:$0x2] =	stream.indirect.gather [hbm4b:s1+s12], $0x80, s25, s12, $0xb8;
	[tilespmem:$0x1DC00] =	vst v63  }
0x1a5: {  	_ =	swait.ge [sflag:s20], $0x4000  }
0x1a6: {  	[sflag:s20] =	ssyncset.done $0x0  }
0x1a7: {  	[sflag:s20] =	ssyncadd.s32 $0xFFFFC000  }
0x1a8: {  	[spmem:s3] =	stream.indirect.scatter.add.f32 [tilespmem:s9], [sflag:$0x3], $0x80, s18, s12, $0xb8;
	[tilespmem:$0x1DC00] =	vst v63  }
0x1a9: {  	_ =	swait.ge [sflag:s10], $0x4000  }
0x1aa: {  	[sflag:s10] =	ssyncset.done $0x0  }
0x1ab: {  	s8 =	rddreg [dreg:$0x7];
	[sflag:s10] =	ssyncadd.s32 $0xFFFFC000  }
0x1ac: {  	[tilespmem:s9], [sflag:$0x1] =	stream.indirect.gather [hbm4b:s1+s12], $0x80, s8, s12, $0xb8;
	[tilespmem:$0x1DC00] =	vst v63  }
0x1ad: {  	_ =	swait.ge [sflag:s21], $0x4000  }
0x1ae: {  	[sflag:s21] =	ssyncset.done $0x0  }
0x1af: {  	s11 =	rddreg [dreg:$0x8];
	[sflag:s21] =	ssyncadd.s32 $0xFFFFC000  }
0x1b0: {  	[spmem:s3] =	stream.indirect.scatter.add.f32 [tilespmem:s19], [sflag:$0x3], $0x80, s11, s12, $0xb8;
	[tilespmem:$0x1DC00] =	vst v63  }
0x1b1: {  	_ =	swait.ge [sflag:s10], $0x4000  }
0x1b2: {  	[sflag:s10] =	ssyncset.done $0x0  }
0x1b3: {  	s25 =	rddreg [dreg:$0x9];
	[sflag:s10] =	ssyncadd.s32 $0xFFFFC000  }
0x1b4: {  	[tilespmem:s19], [sflag:$0x2] =	stream.indirect.gather [hbm4b:s1+s12], $0x80, s25, s12, $0xb8;
	[tilespmem:$0x1DC00] =	vst v63  }
0x1b5: {  	_ =	swait.ge [sflag:s20], $0x4000  }
0x1b6: {  	[sflag:s20] =	ssyncset.done $0x0  }
0x1b7: {  	s8 =	rddreg [dreg:$0xa];
	[sflag:s20] =	ssyncadd.s32 $0xFFFFC000  }
0x1b8: {  	[spmem:s3] =	stream.indirect.scatter.add.f32 [tilespmem:s9], [sflag:$0x3], $0x80, s8, s12, $0xb8;
	[tilespmem:$0x1DC00] =	vst v63  }
0x1b9: {  	_ =	swait.ge [sflag:s10], $0x4000  }
0x1ba: {  	[sflag:s10] =	ssyncset.done $0x0  }
0x1bb: {  	s11 =	rddreg [dreg:$0xb];
	[sflag:s10] =	ssyncadd.s32 $0xFFFFC000  }
0x1bc: {  	[tilespmem:s9], [sflag:$0x1] =	stream.indirect.gather [hbm4b:s1+s12], $0x80, s11, s12, $0xb8;
	[tilespmem:$0x1DC00] =	vst v63  }
0x1bd: {  	_ =	swait.ge [sflag:s21], $0x4000  }
0x1be: {  	[sflag:s21] =	ssyncset.done $0x0  }
0x1bf: {  	s25 =	rddreg [dreg:$0xc];
	[sflag:s21] =	ssyncadd.s32 $0xFFFFC000  }
0x1c0: {  	[spmem:s3] =	stream.indirect.scatter.add.f32 [tilespmem:s19], [sflag:$0x3], $0x80, s25, s12, $0xb8;
	[tilespmem:$0x1DC00] =	vst v63  }
0x1c1: {  	_ =	swait.ge [sflag:s10], $0x4000  }
0x1c2: {  	[sflag:s10] =	ssyncset.done $0x0  }
0x1c3: {  	s8 =	rddreg [dreg:$0xd];
	[sflag:s10] =	ssyncadd.s32 $0xFFFFC000  }
0x1c4: {  	[tilespmem:s19], [sflag:$0x2] =	stream.indirect.gather [hbm4b:s1+s12], $0x80, s8, s12, $0xb8;
	[tilespmem:$0x1DC00] =	vst v63  }
0x1c5: {  	_ =	swait.ge [sflag:s20], $0x4000  }
0x1c6: {  	[sflag:s20] =	ssyncset.done $0x0  }
0x1c7: {  	s11 =	rddreg [dreg:$0xe];
	[sflag:s20] =	ssyncadd.s32 $0xFFFFC000  }
0x1c8: {  	[spmem:s3] =	stream.indirect.scatter.add.f32 [tilespmem:s9], [sflag:$0x3], $0x80, s11, s12, $0xb8;
	[tilespmem:$0x1DC00] =	vst v63  }
0x1c9: {  	_ =	swait.ge [sflag:s10], $0x4000  }
0x1ca: {  	[sflag:s10] =	ssyncset.done $0x0  }
0x1cb: {  	s25 =	rddreg [dreg:$0xf];
	[sflag:s10] =	ssyncadd.s32 $0xFFFFC000  }
0x1cc: {  	[tilespmem:s9], [sflag:$0x1] =	stream.indirect.gather [hbm4b:s1+s12], $0x80, s25, s12, $0xb8;
	[tilespmem:$0x1DC00] =	vst v63  }
0x1cd: {  	_ =	swait.ge [sflag:s21], $0x4000  }
0x1ce: {  	[sflag:s21] =	ssyncset.done $0x0  }
0x1cf: {  	s8 =	rddreg [dreg:$0x10];
	[sflag:s21] =	ssyncadd.s32 $0xFFFFC000  }
0x1d0: {  	[spmem:s3] =	stream.indirect.scatter.add.f32 [tilespmem:s19], [sflag:$0x3], $0x80, s8, s12, $0xb8;
	[tilespmem:$0x1DC00] =	vst v63  }
0x1d1: {  	_ =	swait.ge [sflag:s10], $0x4000  }
0x1d2: {  	[sflag:s10] =	ssyncset.done $0x0  }
0x1d3: {  	s11 =	rddreg [dreg:$0x11];
	[sflag:s10] =	ssyncadd.s32 $0xFFFFC000  }
0x1d4: {  	[tilespmem:s19], [sflag:$0x2] =	stream.indirect.gather [hbm4b:s1+s12], $0x80, s11, s12, $0xb8;
	[tilespmem:$0x1DC00] =	vst v63  }
0x1d5: {  	_ =	swait.ge [sflag:s20], $0x4000  }
0x1d6: {  	[sflag:s20] =	ssyncset.done $0x0  }
0x1d7: {  	s25 =	rddreg [dreg:$0x12];
	[sflag:s20] =	ssyncadd.s32 $0xFFFFC000  }
0x1d8: {  	[spmem:s3] =	stream.indirect.scatter.add.f32 [tilespmem:s9], [sflag:$0x3], $0x80, s25, s12, $0xb8;
	[tilespmem:$0x1DC00] =	vst v63  }
0x1d9: {  	_ =	swait.ge [sflag:s10], $0x4000  }
0x1da: {  	[sflag:s10] =	ssyncset.done $0x0  }
0x1db: {  	s8 =	rddreg [dreg:$0x13];
	[sflag:s10] =	ssyncadd.s32 $0xFFFFC000  }
0x1dc: {  	[tilespmem:s9], [sflag:$0x1] =	stream.indirect.gather [hbm4b:s1+s12], $0x80, s8, s12, $0xb8;
	[tilespmem:$0x1DC00] =	vst v63  }
0x1dd: {  	_ =	swait.ge [sflag:s21], $0x4000  }
0x1de: {  	[sflag:s21] =	ssyncset.done $0x0  }
0x1df: {  	s11 =	rddreg [dreg:$0x14];
	[sflag:s21] =	ssyncadd.s32 $0xFFFFC000  }
0x1e0: {  	[spmem:s3] =	stream.indirect.scatter.add.f32 [tilespmem:s19], [sflag:$0x3], $0x80, s11, s12, $0xb8;
	[tilespmem:$0x1DC00] =	vst v63  }
0x1e1: {  	_ =	swait.ge [sflag:s10], $0x4000  }
0x1e2: {  	[sflag:s10] =	ssyncset.done $0x0  }
0x1e3: {  	s25 =	rddreg [dreg:$0x15];
	[sflag:s10] =	ssyncadd.s32 $0xFFFFC000  }
0x1e4: {  	[tilespmem:s19], [sflag:$0x2] =	stream.indirect.gather [hbm4b:s1+s12], $0x80, s25, s12, $0xb8;
	[tilespmem:$0x1DC00] =	vst v63  }
0x1e5: {  	_ =	swait.ge [sflag:s20], $0x4000  }
0x1e6: {  	[sflag:s20] =	ssyncset.done $0x0  }
0x1e7: {  	s8 =	rddreg [dreg:$0x16];
	[sflag:s20] =	ssyncadd.s32 $0xFFFFC000  }
0x1e8: {  	[spmem:s3] =	stream.indirect.scatter.add.f32 [tilespmem:s9], [sflag:$0x3], $0x80, s8, s12, $0xb8;
	[tilespmem:$0x1DC00] =	vst v63  }
0x1e9: {  	_ =	swait.ge [sflag:s10], $0x4000  }
0x1ea: {  	[sflag:s10] =	ssyncset.done $0x0  }
0x1eb: {  	s11 =	rddreg [dreg:$0x17];
	[sflag:s10] =	ssyncadd.s32 $0xFFFFC000  }
0x1ec: {  	[tilespmem:s9], [sflag:$0x1] =	stream.indirect.gather [hbm4b:s1+s12], $0x80, s11, s12, $0xb8;
	[tilespmem:$0x1DC00] =	vst v63  }
0x1ed: {  	_ =	swait.ge [sflag:s21], $0x4000  }
0x1ee: {  	[sflag:s21] =	ssyncset.done $0x0  }
0x1ef: {  	s25 =	rddreg [dreg:$0x18];
	[sflag:s21] =	ssyncadd.s32 $0xFFFFC000  }
0x1f0: {  	[spmem:s3] =	stream.indirect.scatter.add.f32 [tilespmem:s19], [sflag:$0x3], $0x80, s25, s12, $0xb8;
	[tilespmem:$0x1DC00] =	vst v63  }
0x1f1: {  	_ =	swait.ge [sflag:s10], $0x4000  }
0x1f2: {  	[sflag:s10] =	ssyncset.done $0x0  }
0x1f3: {  	s8 =	rddreg [dreg:$0x19];
	[sflag:s10] =	ssyncadd.s32 $0xFFFFC000  }
0x1f4: {  	[tilespmem:s19], [sflag:$0x2] =	stream.indirect.gather [hbm4b:s1+s12], $0x80, s8, s12, $0xb8;
	[tilespmem:$0x1DC00] =	vst v63  }
0x1f5: {  	_ =	swait.ge [sflag:s20], $0x4000  }
0x1f6: {  	[sflag:s20] =	ssyncset.done $0x0  }
0x1f7: {  	s11 =	rddreg [dreg:$0x1a];
	[sflag:s20] =	ssyncadd.s32 $0xFFFFC000  }
0x1f8: {  	[spmem:s3] =	stream.indirect.scatter.add.f32 [tilespmem:s9], [sflag:$0x3], $0x80, s11, s12, $0xb8;
	[tilespmem:$0x1DC00] =	vst v63  }
0x1f9: {  	_ =	swait.ge [sflag:s10], $0x4000  }
0x1fa: {  	[sflag:s10] =	ssyncset.done $0x0  }
0x1fb: {  	s25 =	rddreg [dreg:$0x1b];
	[sflag:s10] =	ssyncadd.s32 $0xFFFFC000  }
0x1fc: {  	[tilespmem:s9], [sflag:$0x1] =	stream.indirect.gather [hbm4b:s1+s12], $0x80, s25, s12, $0xb8;
	[tilespmem:$0x1DC00] =	vst v63  }
0x1fd: {  	_ =	swait.ge [sflag:s21], $0x4000  }
0x1fe: {  	[sflag:s21] =	ssyncset.done $0x0  }
0x1ff: {  	[sflag:s21] =	ssyncadd.s32 $0xFFFFC000  }
0x200: {  	[spmem:s3] =	stream.indirect.scatter.add.f32 [tilespmem:s19], [sflag:$0x3], $0x80, s22, s12, $0xb8;
	[tilespmem:$0x1DC00] =	vst v63  }
0x201: {  	_ =	swait.ge [sflag:s10], $0x4000  }
0x202: {  	[sflag:s10] =	ssyncset.done $0x0  }
0x203: {  	[sflag:s10] =	ssyncadd.s32 $0xFFFFC000  }
0x204: {  	[tilespmem:s19], [sflag:$0x2] =	stream.indirect.gather [hbm4b:s1+s12], $0x80, s23, s12, $0xb8;
	[tilespmem:$0x1DC00] =	vst v63  }
0x205: {  	_ =	swait.ge [sflag:s20], $0x4000  }
0x206: {  	[sflag:s20] =	ssyncset.done $0x0  }
0x207: {  	[sflag:s20] =	ssyncadd.s32 $0xFFFFC000  }
0x208: {  	[spmem:s3] =	stream.indirect.scatter.add.f32 [tilespmem:s9], [sflag:$0x3], $0x80, s24, s12, $0xb8;
	[tilespmem:$0x1DC00] =	vst v63  }
0x209: {  	_ =	swait.ge [sflag:s10], $0x4000  }
0x20a: {  	[sflag:s10] =	ssyncset.done $0x0  }
0x20b: {  	[sflag:s10] =	ssyncadd.s32 $0xFFFFC000  }
0x20c: {  	[tilespmem:s9], [sflag:$0x1] =	stream.indirect.gather [hbm4b:s1+s12], $0x80, s26, s12, $0xb8;
	[tilespmem:$0x1DC00] =	vst v63  }
0x20d: {  	_ =	swait.ge [sflag:s21], $0x4000  }
0x20e: {  	[sflag:s21] =	ssyncset.done $0x0  }
0x20f: {  	[sflag:s21] =	ssyncadd.s32 $0xFFFFC000  }
0x210: {  	[spmem:s3] =	stream.indirect.scatter.add.f32 [tilespmem:s19], [sflag:$0x3], $0x80, s28, s12, $0xb8;
	[tilespmem:$0x1DC00] =	vst v63  }
0x211: {  	_ =	swait.ge [sflag:s10], $0x4000  }
0x212: {  	[sflag:s10] =	ssyncset.done $0x0  }
0x213: {  	[sflag:s10] =	ssyncadd.s32 $0xFFFFC000  }
0x214: {  	[tilespmem:s19], [sflag:$0x2] =	stream.indirect.gather [hbm4b:s1+s12], $0x80, s29, s12, $0xb8;
	[tilespmem:$0x1DC00] =	vst v63  }
0x215: {  	_ =	swait.ge [sflag:s20], $0x4000  }
0x216: {  	[sflag:s20] =	ssyncset.done $0x0  }
0x217: {  	[sflag:s20] =	ssyncadd.s32 $0xFFFFC000  }
0x218: {  	[spmem:s3] =	stream.indirect.scatter.add.f32 [tilespmem:s9], [sflag:$0x3], $0x80, s30, s12, $0xb8;
	[tilespmem:$0x1DC00] =	vst v63  }
0x219: {  	_ =	swait.ge [sflag:s10], $0x4000  }
0x21a: {  	[sflag:s10] =	ssyncset.done $0x0  }
0x21b: {  	[sflag:s10] =	ssyncadd.s32 $0xFFFFC000  }
0x21c: {  	[tilespmem:s9], [sflag:$0x1] =	stream.indirect.gather [hbm4b:s1+s12], $0x80, s31, s12, $0xb8;
	[tilespmem:$0x1DC00] =	vst v63  }
0x21d: {  	_ =	swait.ge [sflag:s21], $0x4000  }
0x21e: {  	[sflag:s21] =	ssyncset.done $0x0  }
0x21f: {  	[sflag:s21] =	ssyncadd.s32 $0xFFFFC000  }
0x220: {  	[spmem:s3] =	stream.indirect.scatter.add.f32 [tilespmem:s19], [sflag:$0x3], $0x80, s2, s12, $0xb8;
	[tilespmem:$0x1DC00] =	vst v63  }
0x221: {  	_ =	swait.ge [sflag:s10], $0x4000  }
0x222: {  	[sflag:s10] =	ssyncset.done $0x0  }
0x223: {  	[sflag:s10] =	ssyncadd.s32 $0xFFFFC000  }
0x224: {  	[tilespmem:s19], [sflag:$0x2] =	stream.indirect.gather [hbm4b:s1+s12], $0x80, s13, s12, $0xb8;
	[tilespmem:$0x1DC00] =	vst v63  }
0x225: {  	_ =	swait.ge [sflag:s20], $0x4000  }
0x226: {  	[sflag:s20] =	ssyncset.done $0x0  }
0x227: {  	[sflag:s20] =	ssyncadd.s32 $0xFFFFC000  }
0x228: {  	[spmem:s3] =	stream.indirect.scatter.add.f32 [tilespmem:s9], [sflag:$0x3], $0x80, s14, s12, $0xb8;
	[tilespmem:$0x1DC00] =	vst v63  }
0x229: {  	_ =	swait.ge [sflag:s10], $0x4000  }
0x22a: {  	[sflag:s10] =	ssyncset.done $0x0  }
0x22b: {  	[sflag:s10] =	ssyncadd.s32 $0xFFFFC000  }
0x22c: {  	[tilespmem:s9], [sflag:$0x1] =	stream.indirect.gather [hbm4b:s1+s12], $0x80, s15, s12, $0xb8;
	[tilespmem:$0x1DC00] =	vst v63  }
0x22d: {  	_ =	swait.ge [sflag:s21], $0x4000  }
0x22e: {  	[sflag:s21] =	ssyncset.done $0x0  }
0x22f: {  	[sflag:s21] =	ssyncadd.s32 $0xFFFFC000  }
0x230: {  	[spmem:s3] =	stream.indirect.scatter.add.f32 [tilespmem:s19], [sflag:$0x3], $0x80, s16, s12, $0xb8;
	[tilespmem:$0x1DC00] =	vst v63  }
0x231: {  	_ =	swait.ge [sflag:s10], $0x4000  }
0x232: {  	[sflag:s10] =	ssyncset.done $0x0  }
0x233: {  	[sflag:s10] =	ssyncadd.s32 $0xFFFFC000  }
0x234: {  	[tilespmem:s19], [sflag:$0x2] =	stream.indirect.gather [hbm4b:s1+s12], $0x80, s0, s12, $0xb8;
	[tilespmem:$0x1DC00] =	vst v63  }
0x235: {  	_ =	swait.ge [sflag:s20], $0x4000  }
0x236: {  	[sflag:s20] =	ssyncset.done $0x0  }
0x237: {  	[sflag:s20] =	ssyncadd.s32 $0xFFFFC000  }
0x238: {  	[spmem:s3] =	stream.indirect.scatter.add.f32 [tilespmem:s9], [sflag:$0x3], $0x80, s5, s12, $0xb8;
	[tilespmem:$0x1DC00] =	vst v63  }
0x239: {  	_ =	swait.ge [sflag:s10], $0x4000  }
0x23a: {  	[sflag:s10] =	ssyncset.done $0x0  }
0x23b: {  	[sflag:s10] =	ssyncadd.s32 $0xFFFFC000  }
0x23c: {  	_ =	swait.ge [sflag:s21], $0x4000  }
0x23d: {  	[sflag:s21] =	ssyncset.done $0x0  }
0x23e: {  	[sflag:s21] =	ssyncadd.s32 $0xFFFFC000  }
0x23f: {  	[spmem:s3] =	stream.indirect.scatter.add.f32 [tilespmem:s19], [sflag:$0x3], $0x80, s6, s12, $0xb8;
	[tilespmem:$0x1DC00] =	vst v63  }
0x240: {  	_ =	swait.ge [sflag:s10], $0x4000  }
0x241: {  	[sflag:s10] =	ssyncset.done $0x0  }
0x242: {  	[sflag:s10] =	ssyncadd.s32 $0xFFFFC000  }
0x243: {  	[bflag:$0x0] =	sbarrier.arrive $0xFFFF  }
0x244: {  	s7 =	stileid.u32;
	s11 =	sld [smem:$0x7FD]  }
0x245: {  	s7 =	sshll.u32 @!p0 s7, $0x6  }
0x246: {  	s7 =	sor.u32 @!p0 $0x1C03, s7;
	s8 =	rddreg [dreg:$0x1e]  }
0x247: {  	[hbm:s8], [sflag:s7] =	dma.local @!p0 [spmem:s11], $0x3E80  }
0x248: {  	s7 =	simm.s32 @!p0 $0x3  }
0x249: {  	_ =	swait.ge @!p0 [sflag:s7], $0x3E80  }
0x24a: {  	s8 =	sld [smem:$0x7FC];
	_ =	sdelay $0x2  }
0x24b: {  	s25 =	rddreg [dreg:$0x1f];
	s11 =	sadd.s32 $0x1, s8  }
0x24c: {  	p1 =	sne.s32 s11, s25  }
.Ltmp1:
0x24d: {  	_ = 	snop;
	(pc) =	sbr.rel @p1 .LBB2_1-.Ltmp1, $3  }
0x24e: {  	_ =	sdelay $0x1  }
0x24f: {  	[sflag:s7] =	ssyncset.done @!p0 $0x0  }
0x250: {  	[sflag:s7] =	ssyncadd.s32 @!p0 $0xFFFFC180  }
0x251: {  	_ =	sfence.sel $0x180000  }
0x252: {  	[bflag:$0x0] =	sbarrier.arrive $0xFFFF  }
0x253: {  	_ =	strace $0x9000004A  }
0x254: {  	s0 =	stileid.u32;
	[bflag:$0x2] =	sbarrier.arrive $0xFFFF  }
0x255: {  	p0 =	sne.s32 s0, $0x0;
	s0 =	rddreg [dreg:$0x3]  }
0x256: {  	s0 =	sadd.s32 @!p0 $0x100000, s0  }
0x257: {  	[sflag:s0] =	ssyncadd.tile.s32 @!p0 $0x1;
	_ =	shalt  }
.Lfunc_end2:
_tile_overlayer_lowered:
.L_overlay_start_2:
0x258: {  	(tag) =	ssettag $0x2  }
0x259: {  	s0 =	rddreg [dreg:$0x0];
	s2 =	stileid.u32  }
0x25a: {  	s1 =	rddreg [dreg:$0x1];
	p0 =	sne.s32 s2, $0x0  }
0x25b: {  	s3 =	rddreg [dreg:$0x2];
	[bflag:$0x3] =	sbarrier.arrive $0xFFFF;
	s2 =	simm.s32 @!p0 $0x1C03  }
0x25c: {  	[timem:s3], [sflag:s2] =	dma.local @!p0 [hbm:s0], s1  }
0x25d: {  	s0 =	simm.s32 @!p0 $0x3  }
0x25e: {  	_ =	swait.ge @!p0 [sflag:s0], s1  }
0x25f: {  	s1 =	ssub.s32 @!p0 $0x0, s1;
	[sflag:s0] =	ssyncset.done @!p0 $0x0  }
0x260: {  	[sflag:s0] =	ssyncadd.s32 @!p0 s1  }
0x261: {  	[bflag:$0x3] =	sbarrier.arrive $0xFFFF  }
0x262: {  	_ =	shalt  }

// kernel: kernel.15.cloned.1.call-start
scs
__scs_entry_jumppad:
0x0: {  	(pc) =	sbr.rel $0x88, $3  }
0x1: {  	(tag) =	ssettag $0x0;
	lr =	simm.s32 $0x1  }
0x2: {  	[smem:$0x3F96] =	sst lr;
	_ =	strace $0xD0000000  }
0x3: {  	_ = 	snop  }
0x4: {  	_ = 	snop  }
0x5: {  	_ = 	snop  }
0x6: {  	_ = 	snop  }
0x7: {  	_ = 	snop  }
__scs_overlays_trampoline_lowered:
0x8: {  	[smem:$0x3FA5] =	sst s0  }
0x9: {  	[smem:$0x3FA6] =	sst s1  }
0xa: {  	[smem:$0x3FA7] =	sst s2  }
0xb: {  	[smem:$0x3FA8] =	sst s3  }
0xc: {  	[smem:$0x3FA9] =	sst s4  }
0xd: {  	[smem:$0x3FAA] =	sst s5  }
0xe: {  	[smem:$0x3FAB] =	sst s6  }
0xf: {  	[smem:$0x3FAC] =	sst s7  }
0x10: {  	[smem:$0x3FAD] =	sst s8  }
0x11: {  	[smem:$0x3FAE] =	sst s9;
	s0 =	simm.s32 @!p0 $0x0  }
0x12: {  	s1 =	sld [smem:$0x3F94];
	s0 =	simm.s32 @p0 $0x1  }
0x13: {  	[smem:$0x3FAF] =	sst s0;
	s0 =	simm.s32 @!p1 $0x0  }
0x14: {  	s2 =	sld [smem:$0x3F93];
	s0 =	simm.s32 @p1 $0x1  }
0x15: {  	[smem:$0x3FB0] =	sst s0;
	s0 =	simm.s32 @!p2 $0x0  }
0x16: {  	s3 =	sld [smem:$0x3FDB];
	s0 =	simm.s32 @p2 $0x1  }
0x17: {  	s4 =	simm.s32 $0x1BF5;
	[smem:$0x3FB2] =	sst s0  }
0x18: {  	s0 =	sld [smem:$0x3F95];
	_ =	swait.ge [sflag:s4], $0x0  }
0x19: {  	s7 =	sld [smem:$0x3F96]  }
0x1a: {  	s8 =	sadd.s32 $0xFFFFE003, lr  }
0x1b: {  	s9 =	sadd.s32 $0xFFFFFEF7, lr;
	s5 =	simm.s32 $0xFFFFFFFF;
	p2 =	slt.u32 s8, $0xFFFFF086  }
0x1c: {  	p1 =	slt.u32 s9, $0xF7A;
	s5 =	simm.s32 @!p2 $0x0  }
0x1d: {  	s5 =	simm.s32 @p1 $0x1;
	p0 =	seq.s32 s7, s2  }
0x1e: {  	s7 =	smul.u32 @!p0 $0xF7A, s2;
	p2 =	seq.s32 @!p0 s5, $0x0  }
0x1f: {  	s9 =	smul.u32 $0xF7A, s1;
	s8 =	simm.s32 @!p0 $0x1BF5;
	p2 =	por !p2, p0  }
0x20: {  	[sflag:s8] =	ssyncset.s32 @!p0 $0xFFFFF086;
	s6 =	sadd.s32 @!p0 s3, s7;
	s7 =	simm.s32 @!p0 $0x108  }
0x21: {  	s3 =	sadd.s32 s3, s9;
	s6 =	sadd.s32 @!p0 $0x88, s6;
	s7 =	simm.s32 @p2 $0x1082  }
0x22: {  	[simem:s7], [sflag:s8] =	dma.local @!p0 [hbm:s6], $0xF7A  }
0x23: {  	s9 =	sor.u32 $0xD0000000, s2;
	s6 =	simm.s32 $0x108;
	_ =	swait.ge @!p0 [sflag:s8], $0x0  }
0x24: {  	s3 =	sadd.s32 $0x88, s3;
	s6 =	simm.s32 @!p1 $0x1082;
	[sflag:s4] =	ssyncset.s32 $0xFFFFF086  }
0x25: {  	[simem:s6], [sflag:s4] =	dma.local [hbm:s3], $0xF7A  }
0x26: {  	[smem:$0x3F96] =	sst s1;
	(tag) =	ssettag s2;
	_ =	strace s9  }
0x27: {  	s1 =	sld [smem:$0x3FA6]  }
0x28: {  	s2 =	sld [smem:$0x3FA7]  }
0x29: {  	s4 =	sld [smem:$0x3FA9]  }
0x2a: {  	p0 =	seq.s32 s5, $0x0;
	s5 =	sld [smem:$0x3FAA]  }
0x2b: {  	s6 =	sld [smem:$0x3FAB]  }
0x2c: {  	s7 =	sld [smem:$0x3FAC]  }
0x2d: {  	s3 =	simm.s32 $0x108;
	s8 =	sld [smem:$0x3FAD]  }
0x2e: {  	s3 =	simm.s32 @!p0 $0x1082;
	s9 =	sld [smem:$0x3FAE]  }
0x2f: {  	lr =	sadd.s32 s0, s3;
	s0 =	sld [smem:$0x3FA5]  }
0x30: {  	s3 =	sld [smem:$0x3FA8]  }
0x31: {  	[smem:$0x3FB1] =	sst s10  }
0x32: {  	s10 =	sld [smem:$0x3FAF];
	_ =	sdelay $0x3  }
0x33: {  	p0 =	seq.s32 s10, $0x1;
	s10 =	sld [smem:$0x3FB1];
	_ =	sdelay $0x3  }
0x34: {  	[smem:$0x3FB1] =	sst s10  }
0x35: {  	s10 =	sld [smem:$0x3FB0];
	_ =	sdelay $0x3  }
0x36: {  	p1 =	seq.s32 s10, $0x1;
	s10 =	sld [smem:$0x3FB1];
	_ =	sdelay $0x3  }
0x37: {  	[smem:$0x3FB1] =	sst s10  }
0x38: {  	s10 =	sld [smem:$0x3FB2]  }
0x39: {  	_ = 	snop;
	(pc) =	sbr.ind lr, $3  }
0x3a: {  	_ = 	snop  }
0x3b: {  	_ = 	snop  }
0x3c: {  	p2 =	seq.s32 s10, $0x1;
	s10 =	sld [smem:$0x3FB1]  }
0x3d: {  	_ =	shalt  }
0x3e: {  	_ =	shalt  }
0x3f: {  	_ =	shalt  }
0x40: {  	_ =	shalt  }
0x41: {  	_ =	shalt  }
0x42: {  	_ =	shalt  }
0x43: {  	_ =	shalt  }
0x44: {  	_ =	shalt  }
0x45: {  	_ =	shalt  }
0x46: {  	_ =	shalt  }
0x47: {  	_ =	shalt  }
0x48: {  	_ =	shalt  }
0x49: {  	_ =	shalt  }
0x4a: {  	_ =	shalt  }
0x4b: {  	_ =	shalt  }
0x4c: {  	_ =	shalt  }
0x4d: {  	_ =	shalt  }
0x4e: {  	_ =	shalt  }
0x4f: {  	_ =	shalt  }
0x50: {  	_ =	shalt  }
0x51: {  	_ =	shalt  }
0x52: {  	_ =	shalt  }
0x53: {  	_ =	shalt  }
0x54: {  	_ =	shalt  }
0x55: {  	_ =	shalt  }
0x56: {  	_ =	shalt  }
0x57: {  	_ =	shalt  }
0x58: {  	_ =	shalt  }
0x59: {  	_ =	shalt  }
0x5a: {  	_ =	shalt  }
0x5b: {  	_ =	shalt  }
0x5c: {  	_ =	shalt  }
0x5d: {  	_ =	shalt  }
0x5e: {  	_ =	shalt  }
0x5f: {  	_ =	shalt  }
0x60: {  	_ =	shalt  }
0x61: {  	_ =	shalt  }
0x62: {  	_ =	shalt  }
0x63: {  	_ =	shalt  }
0x64: {  	_ =	shalt  }
0x65: {  	_ =	shalt  }
0x66: {  	_ =	shalt  }
0x67: {  	_ =	shalt  }
0x68: {  	_ =	shalt  }
0x69: {  	_ =	shalt  }
0x6a: {  	_ =	shalt  }
0x6b: {  	_ =	shalt  }
0x6c: {  	_ =	shalt  }
0x6d: {  	_ =	shalt  }
0x6e: {  	_ =	shalt  }
0x6f: {  	_ =	shalt  }
0x70: {  	_ =	shalt  }
0x71: {  	_ =	shalt  }
0x72: {  	_ =	shalt  }
0x73: {  	_ =	shalt  }
0x74: {  	_ =	shalt  }
0x75: {  	_ =	shalt  }
0x76: {  	_ =	shalt  }
0x77: {  	_ =	shalt  }
0x78: {  	_ =	shalt  }
0x79: {  	_ =	shalt  }
0x7a: {  	_ =	shalt  }
0x7b: {  	_ =	shalt  }
0x7c: {  	_ =	shalt  }
0x7d: {  	_ =	shalt  }
0x7e: {  	_ =	shalt  }
0x7f: {  	_ =	shalt  }
0x80: {  	_ =	shalt  }
0x81: {  	_ =	shalt  }
0x82: {  	_ =	shalt  }
0x83: {  	_ =	shalt  }
0x84: {  	_ =	shalt  }
0x85: {  	_ =	shalt  }
0x86: {  	_ =	shalt  }
0x87: {  	_ =	shalt  }
.Lfunc_end0:
.L_simem_size_0:
called_computation.2_lowered:
.L_overlay_start_0:
0x88: {  	s2 =	sld [smem:$0x3FD9]  }
0x89: {  	s3 =	sld [smem:$0x3FFE];
	_ =	sdelay $0x1  }
0x8a: {  	s1 =	srdreg.scid  }
0x8b: {  	s0 =	sand.u32 $0x1, s1  }
0x8c: {  	s16 =	sshll.u32 s0, $0xA;
	s2 =	sadd.s32 s3, s2  }
0x8d: {  	s2 =	sadd.s32 s2, s16  }
0x8e: {  	[smem:$0x3FBD] =	sst s2  }
0x8f: {  	_ = 	snop  }
0x90: {  	(tm) =	ssettm $0x1  }
0x91: {  	s17 =	sld [smem:$0x3FFB];
	_ =	sdelay $0x3  }
0x92: {  	_ =	strace s17  }
0x93: {  	s2 =	sld [smem:$0x3FFC];
	_ =	sdelay $0x3  }
0x94: {  	_ =	strace s2  }
0x95: {  	s2 =	sld [smem:$0x3FFD];
	_ =	sdelay $0x3  }
0x96: {  	_ =	strace s2  }
0x97: {  	_ =	strace $0x8FFFFFFF  }
0x98: {  	s18 =	sld [smem:$0x3FDB];
	_ =	sdelay $0x1  }
0x99: {  	s19 =	simm.s32 $_scs_section_size  }
0x9a: {  	s4 =	simm.s32 $_size__tile_overlayer_lowered;
	s5 =	simm.s32 $_tile_overlayer_lowered  }
0x9b: {  	s22 =	simm.s32 $0x1BFF;
	s21 =	sshll.u32 s5, $0x1;
	s2 =	sadd.s32 s19, s18  }
0x9c: {  	s6 =	simm.s32 $0x0;
	s20 =	sshll.u32 s4, $0x1;
	s4 =	sadd.s32 s21, s2  }
0x9d: {  	[timem:s6], [sflag:s22] =	dma.local [hbm:s4], s20  }
0x9e: {  	_ =	swait.ge [sflag:s22], s20  }
0x9f: {  	s3 =	ssub.s32 $0x0, s20;
	[sflag:s22] =	ssyncset.done $0x0  }
0xa0: {  	[sflag:s22] =	ssyncadd.s32 s3;
	_ =	sdelay $0x1  }
0xa1: {  	s23 =	simm.s32 $0x1B8B  }
0xa2: {  	_ =	swait.ge [sflag:s23], $0x1  }
0xa3: {  	[sflag:s23] =	ssyncset.done $0x0  }
0xa4: {  	s25 =	simm.s32 $0x1B8E;
	s24 =	sld [smem:$0x3FFE];
	[sflag:s23] =	ssyncadd.s32 $0xFFFFFFFF  }
0xa5: {  	s26 =	simm.s32 $execute0_lowered;
	[smem:$0x3FD2] =	sst s25  }
0xa6: {  	s4 =	sshll.u32 s26, $0x1;
	_ =	strace $0x8000004C;
	[dreg:$0x1] =	wrdreg $0xFFFFFFFF  }
0xa7: {  	s28 =	simm.s32 $_size_execute0_lowered;
	s2 =	sadd.s32 s2, s4;
	[dreg:$0x0] =	wrdreg $0x0  }
0xa8: {  	s4 =	sshll.u32 s28, $0x1;
	[dreg:$0x2] =	wrdreg s2  }
0xa9: {  	[dreg:$0x3] =	wrdreg s4  }
0xaa: {  	[dreg:$0x4] =	wrdreg $0xC0  }
0xab: {  	_ =	task [dreg:s6], $0x5FFFF  }
0xac: {  	[dreg:$0x1] =	wrdreg $0xFFFFFFFF  }
0xad: {  	[dreg:$0x0] =	wrdreg $0x60  }
0xae: {  	[dreg:$0x2] =	wrdreg s24  }
0xaf: {  	[dreg:$0x3] =	wrdreg $0x0  }
0xb0: {  	[dreg:$0x4] =	wrdreg $0x9  }
0xb1: {  	_ =	task.clear_ibuf [dreg:s6], $0x5FFFF;
	_ =	strace $0x9000004C  }
0xb2: {  	s29 =	simm.s32 $0x9;
	_ =	strace $0x8000004E  }
0xb3: {  	_ =	swait.ge [sflag:s29], $0x1  }
0xb4: {  	[sflag:s29] =	ssyncadd.s32 $0xFFFFFFFF  }
0xb5: {  	_ =	strace $0x9000004E  }
0xb6: {  	_ =	sfence  }
0xb7: {  	s30 =	sld [smem:$0x0];
	_ =	sdelay $0x2  }
0xb8: {  	s31 =	sshll.u32 s1, $0xD;
	s1 =	sshrl.u32 s1, $0x2  }
0xb9: {  	s3 =	sand.u32 $0x4000, s31;
	s1 =	sadd.s32 s1, s30  }
0xba: {  	s0 =	sor.u32 s3, s0;
	s1 =	sshll.u32 s1, $0x11  }
0xbb: {  	s0 =	sor.u32 s1, s0  }
0xbc: {  	s0 =	sadd.s32 $0x8F2B, s0  }
0xbd: {  	[sflag:s0] =	ssyncadd.remote.s32 $0x1  }
0xbe: {  	_ =	sfence.sel $0xFFFF  }
0xbf: {  	[dreg:$0x0] =	wrdreg $0xFFFFFFFF;
	(pc) =	sbr.abs _section_cstart, $3  }
0xc0: {  	[dreg:$0x1] =	wrdreg $0xFFFFFFFF  }
0xc1: {  	_ =	task.clear_ibuf [dreg:s6], $0x2FFFF;
	_ =	strace $0x9FFFFFFF  }
0xc2: {  	(tm) =	ssettm $0x7FFFFFFF  }
0xc3: {  	_ =	shalt  }
tec
execute0_lowered:
.L_overlay_start_1:
0x0: {  	(tag) =	ssettag $0x1  }
0x1: {  	s0 =	rddreg [dreg:$0x0]  }
0x2: {  	s1 =	srdreg.scid;
	s11 =	stileid.u32  }
0x3: {  	s2 =	rddreg [dreg:$0x1];
	s3 =	simm.s32 $0x0;
	s21 =	simm.s32 $0x14080  }
0x4: {  	s22 =	simm.s32 $0x14100;
	[smem:$0x7FF] =	sst s3;
	s8 =	sadd.s32 $0x1C600, s0  }
0x5: {  	s24 =	simm.s32 $0x14C80;
	_ =	strace $0x8000004D;
	[dreg:$0x1b] =	wrdreg s8  }
0x6: {  	s25 =	simm.s32 $0x14180;
	s9 =	simm.s32 $0x14D80;
	[dreg:$0x5] =	wrdreg s21  }
0x7: {  	s12 =	simm.s32 $0x14280;
	s13 =	simm.s32 $0x14E00;
	[dreg:$0x6] =	wrdreg s22  }
0x8: {  	s14 =	simm.s32 $0x14300;
	s15 =	simm.s32 $0x14E80;
	[dreg:$0x7] =	wrdreg s24  }
0x9: {  	s16 =	simm.s32 $0x14380;
	s17 =	simm.s32 $0x14F00;
	[dreg:$0x8] =	wrdreg s25  }
0xa: {  	s18 =	simm.s32 $0x14400;
	s28 =	simm.s32 $0x15280;
	[dreg:$0xb] =	wrdreg s9  }
0xb: {  	s29 =	simm.s32 $0x14780;
	s30 =	simm.s32 $0x15300;
	[dreg:$0xc] =	wrdreg s12  }
0xc: {  	s31 =	simm.s32 $0x14800;
	s4 =	smul.u32 $0x6000, s11;
	[dreg:$0xd] =	wrdreg s13  }
0xd: {  	s1 =	sand.u32 $0x1, s1;
	s7 =	smul.u32 $0x1F400, s11;
	[dreg:$0xe] =	wrdreg s14  }
0xe: {  	s19 =	sshll.u32 s11, $0x7;
	s5 =	smul.u32 $0x3000, s1;
	[dreg:$0xf] =	wrdreg s15  }
0xf: {  	p0 =	sgt.u32 s11, $0x9;
	s6 =	smul.u32 $0x138800, s1;
	[dreg:$0x10] =	wrdreg s16  }
0x10: {  	s8 =	sadd.s32 s19, s0;
	s1 =	ssub.s32 $0x2, s1;
	[dreg:$0x11] =	wrdreg s17  }
0x11: {  	s9 =	simm.s32 $0x15C00;
	s12 =	simm.s32 $0x80;
	[dreg:$0x12] =	wrdreg s18  }
0x12: {  	s19 =	simm.s32 $0x14F80;
	s21 =	simm.s32 $0x15000;
	s22 =	simm.s32 $0x14500  }
0x13: {  	s17 =	simm.s32 $0x14000;
	s18 =	simm.s32 $0x14C00;
	s24 =	simm.s32 $0x14580  }
0x14: {  	s25 =	simm.s32 $0x15100;
	s13 =	simm.s32 $0x14880;
	[dreg:$0x13] =	wrdreg s19  }
0x15: {  	s14 =	simm.s32 $0x15400;
	s15 =	simm.s32 $0x14900;
	[dreg:$0x15] =	wrdreg s21  }
0x16: {  	s16 =	simm.s32 $0x15480;
	s23 =	sshrl.u32 s1, $0x1;
	[dreg:$0x16] =	wrdreg s22  }
0x17: {  	s26 =	sadd.s32 $0x1BE00, s8;
	s8 =	simm.s32 $0x14200;
	[dreg:$0x18] =	wrdreg s24  }
0x18: {  	s19 =	simm.s32 $0x19C00;
	[dreg:$0x19] =	wrdreg s25;
	s21 =	simm.s32 $0x2  }
0x19: {  	s22 =	simm.s32 $0x15180;
	s24 =	simm.s32 $0x15200;
	s5 =	sadd.s32 s5, s4  }
0x1a: {  	s4 =	sadd.s32 $0x1CE00, s0;
	s6 =	sadd.s32 s7, s6;
	[dreg:$0x1c] =	wrdreg s26  }
0x1b: {  	s1 =	ssub.s32 s1, s23;
	s7 =	smul.u32 $0x7D000, s11;
	[dreg:$0xa] =	wrdreg s8  }
0x1c: {  	s23 =	simm.s32 $0x15080;
	s26 =	simm.s32 $0x14600;
	s11 =	simm.s32 $0x0  }
0x1d: {  	s5 =	sshrl.u32 s5, $0x3;
	s6 =	sshrl.u32 s6, $0x3;
	[dreg:$0x17] =	wrdreg s23  }
0x1e: {  	s1 =	smax.u32 s1, $0x1;
	[dreg:$0x1a] =	wrdreg s26;
	s5 =	sadd.s32 s5, s0  }
0x1f: {  	s0 =	sadd.s32 s6, s0;
	s6 =	simm.s32 $0x14D00;
	[dreg:$0x1e] =	wrdreg s1  }
0x20: {  	s23 =	simm.s32 $0x14680;
	s20 =	sadd.s32 $0x3E00, s5;
	[dreg:$0x9] =	wrdreg s6  }
0x21: {  	s26 =	simm.s32 $0x14700;
	s5 =	sadd.s32 $0xFE00, s5;
	[dreg:$0x3] =	wrdreg s20  }
0x22: {  	s10 =	sshrl.u32 s7, $0x2;
	s0 =	sadd.s32 $0x44000, s0;
	[dreg:$0x4] =	wrdreg s5  }
0x23: {  	s1 =	simm.s32 $0x15380;
	s6 =	simm.s32 $0x15580;
	[dreg:$0x1d] =	wrdreg s0  }
0x24: {  	s5 =	sadd.s32 s10, s2;
	s10 =	simm.s32 $0x3;
	s20 =	simm.s32 $0x14480  }
0x25: {  	[dreg:$0x14] =	wrdreg s20;
	s20 =	simm.s32 $0x1;
	s0 =	sshrl.u32 @!p0 s5, $0x3  }
0x26: {  	s5 =	simm.s32 $0x15500;
	[dreg:$0x1f] =	wrdreg s0;
	s0 =	simm.s32 $0x14980  }
.LBB2_1:
0x27: {  	[smem:$0x7FD] =	sst s11  }
0x28: {  	s7 =	rddreg [dreg:$0x1b]  }
0x29: {  	[tilespmem:s9], [sflag:$0x3] =	stream.linear.gather [hbm4b:s7+s3], $0x4000, $0x38;
	[tilespmem:$0x1DC00] =	vst v63  }
0x2a: {  	_ =	swait.ge [sflag:s10], $0x4000  }
0x2b: {  	[sflag:s10] =	ssyncset.done $0x0  }
0x2c: {  	s8 =	simm.s32 $0x15800;
	s11 =	rddreg [dreg:$0x1c];
	[sflag:s10] =	ssyncadd.s32 $0xFFFFC000  }
0x2d: {  	[tilespmem:s8], [sflag:$0x3] =	stream.linear.gather [hbm4b:s11+s3], $0x280, $0x38;
	[tilespmem:$0x1DC00] =	vst v63  }
0x2e: {  	_ =	swait.ge [sflag:s10], $0x280  }
0x2f: {  	[sflag:s10] =	ssyncset.done $0x0  }
0x30: {  	[sflag:s10] =	ssyncadd.s32 $0xFFFFFD80  }
0x31: {  	[spmem:s2] =	stream.indirect.scatter [tilespmem:s9], [sflag:$0x3], $0x80, s8, s12, $0xb8;
	[tilespmem:$0x1DC00] =	vst v63  }
0x32: {  	_ =	swait.ge [sflag:s10], $0x4000  }
0x33: {  	[sflag:s10] =	ssyncset.done $0x0  }
0x34: {  	s25 =	simm.s32 $0x15880;
	[sflag:s10] =	ssyncadd.s32 $0xFFFFC000  }
0x35: {  	[spmem:s2] =	stream.indirect.scatter [tilespmem:s9], [sflag:$0x3], $0x80, s25, s12, $0xb8;
	[tilespmem:$0x1DC00] =	vst v63  }
0x36: {  	_ =	swait.ge [sflag:s10], $0x4000  }
0x37: {  	[sflag:s10] =	ssyncset.done $0x0  }
0x38: {  	s8 =	simm.s32 $0x15900;
	[sflag:s10] =	ssyncadd.s32 $0xFFFFC000  }
0x39: {  	[spmem:s2] =	stream.indirect.scatter [tilespmem:s9], [sflag:$0x3], $0x80, s8, s12, $0xb8;
	[tilespmem:$0x1DC00] =	vst v63  }
0x3a: {  	_ =	swait.ge [sflag:s10], $0x4000  }
0x3b: {  	[sflag:s10] =	ssyncset.done $0x0  }
0x3c: {  	s11 =	simm.s32 $0x15980;
	[sflag:s10] =	ssyncadd.s32 $0xFFFFC000  }
0x3d: {  	[spmem:s2] =	stream.indirect.scatter [tilespmem:s9], [sflag:$0x3], $0x80, s11, s12, $0xb8;
	[tilespmem:$0x1DC00] =	vst v63  }
0x3e: {  	_ =	swait.ge [sflag:s10], $0x4000  }
0x3f: {  	[sflag:s10] =	ssyncset.done $0x0  }
0x40: {  	s25 =	simm.s32 $0x15A00;
	[sflag:s10] =	ssyncadd.s32 $0xFFFFC000  }
0x41: {  	[spmem:s2] =	stream.indirect.scatter [tilespmem:s9], [sflag:$0x3], $0x80, s25, s12, $0xb8;
	[tilespmem:$0x1DC00] =	vst v63  }
0x42: {  	_ =	swait.ge [sflag:s10], $0x4000  }
0x43: {  	[sflag:s10] =	ssyncset.done $0x0  }
0x44: {  	[sflag:s10] =	ssyncadd.s32 $0xFFFFC000  }
0x45: {  	[bflag:$0x0] =	sbarrier.arrive $0xFFFF  }
0x46: {  	s7 =	rddreg [dreg:$0x4]  }
0x47: {  	s8 =	sadd.s32 $0x0, s7  }
0x48: {  	[tilespmem:s17], [sflag:$0x3] =	stream.linear.gather [hbm4b:s8+s3], $0xA00, $0x38;
	[tilespmem:$0x1DC00] =	vst v63  }
0x49: {  	_ =	swait.ge [sflag:s10], $0xA00  }
0x4a: {  	s11 =	rddreg [dreg:$0x3];
	[sflag:s10] =	ssyncset.done $0x0  }
0x4b: {  	[sflag:s10] =	ssyncadd.s32 $0xFFFFF600;
	s8 =	sadd.s32 $0x0, s11  }
0x4c: {  	[tilespmem:s18], [sflag:$0x3] =	stream.linear.gather [hbm4b:s8+s3], $0xA00, $0x38;
	[tilespmem:$0x1DC00] =	vst v63  }
0x4d: {  	_ =	swait.ge [sflag:s10], $0xA00  }
0x4e: {  	[sflag:s10] =	ssyncset.done $0x0  }
0x4f: {  	[sflag:s10] =	ssyncadd.s32 $0xFFFFF600  }
0x50: {  	[tilespmem:s9], [sflag:$0x1] =	stream.indirect.gather [hbm4b:s4+s12], $0x80, s17, s12, $0xb8;
	[tilespmem:$0x1DC00] =	vst v63  }
0x51: {  	s25 =	rddreg [dreg:$0x5]  }
0x52: {  	[tilespmem:s19], [sflag:$0x2] =	stream.indirect.gather [hbm4b:s4+s12], $0x80, s25, s12, $0xb8;
	[tilespmem:$0x1DC00] =	vst v63  }
0x53: {  	_ =	swait.ge [sflag:s20], $0x4000  }
0x54: {  	[sflag:s20] =	ssyncset.done $0x0  }
0x55: {  	[sflag:s20] =	ssyncadd.s32 $0xFFFFC000  }
0x56: {  	[spmem:s2] =	stream.indirect.scatter.add.f32 [tilespmem:s9], [sflag:$0x3], $0x80, s18, s12, $0xb8;
	[tilespmem:$0x1DC00] =	vst v63  }
0x57: {  	_ =	swait.ge [sflag:s10], $0x4000  }
0x58: {  	[sflag:s10] =	ssyncset.done $0x0  }
0x59: {  	s7 =	rddreg [dreg:$0x6];
	[sflag:s10] =	ssyncadd.s32 $0xFFFFC000  }
0x5a: {  	[tilespmem:s9], [sflag:$0x1] =	stream.indirect.gather [hbm4b:s4+s12], $0x80, s7, s12, $0xb8;
	[tilespmem:$0x1DC00] =	vst v63  }
0x5b: {  	_ =	swait.ge [sflag:s21], $0x4000  }
0x5c: {  	[sflag:s21] =	ssyncset.done $0x0  }
0x5d: {  	s11 =	rddreg [dreg:$0x7];
	[sflag:s21] =	ssyncadd.s32 $0xFFFFC000  }
0x5e: {  	[spmem:s2] =	stream.indirect.scatter.add.f32 [tilespmem:s19], [sflag:$0x3], $0x80, s11, s12, $0xb8;
	[tilespmem:$0x1DC00] =	vst v63  }
0x5f: {  	_ =	swait.ge [sflag:s10], $0x4000  }
0x60: {  	[sflag:s10] =	ssyncset.done $0x0  }
0x61: {  	s25 =	rddreg [dreg:$0x8];
	[sflag:s10] =	ssyncadd.s32 $0xFFFFC000  }
0x62: {  	[tilespmem:s19], [sflag:$0x2] =	stream.indirect.gather [hbm4b:s4+s12], $0x80, s25, s12, $0xb8;
	[tilespmem:$0x1DC00] =	vst v63  }
0x63: {  	_ =	swait.ge [sflag:s20], $0x4000  }
0x64: {  	[sflag:s20] =	ssyncset.done $0x0  }
0x65: {  	s7 =	rddreg [dreg:$0x9];
	[sflag:s20] =	ssyncadd.s32 $0xFFFFC000  }
0x66: {  	[spmem:s2] =	stream.indirect.scatter.add.f32 [tilespmem:s9], [sflag:$0x3], $0x80, s7, s12, $0xb8;
	[tilespmem:$0x1DC00] =	vst v63  }
0x67: {  	_ =	swait.ge [sflag:s10], $0x4000  }
0x68: {  	[sflag:s10] =	ssyncset.done $0x0  }
0x69: {  	s11 =	rddreg [dreg:$0xa];
	[sflag:s10] =	ssyncadd.s32 $0xFFFFC000  }
0x6a: {  	[tilespmem:s9], [sflag:$0x1] =	stream.indirect.gather [hbm4b:s4+s12], $0x80, s11, s12, $0xb8;
	[tilespmem:$0x1DC00] =	vst v63  }
0x6b: {  	_ =	swait.ge [sflag:s21], $0x4000  }
0x6c: {  	[sflag:s21] =	ssyncset.done $0x0  }
0x6d: {  	s25 =	rddreg [dreg:$0xb];
	[sflag:s21] =	ssyncadd.s32 $0xFFFFC000  }
0x6e: {  	[spmem:s2] =	stream.indirect.scatter.add.f32 [tilespmem:s19], [sflag:$0x3], $0x80, s25, s12, $0xb8;
	[tilespmem:$0x1DC00] =	vst v63  }
0x6f: {  	_ =	swait.ge [sflag:s10], $0x4000  }
0x70: {  	[sflag:s10] =	ssyncset.done $0x0  }
0x71: {  	s7 =	rddreg [dreg:$0xc];
	[sflag:s10] =	ssyncadd.s32 $0xFFFFC000  }
0x72: {  	[tilespmem:s19], [sflag:$0x2] =	stream.indirect.gather [hbm4b:s4+s12], $0x80, s7, s12, $0xb8;
	[tilespmem:$0x1DC00] =	vst v63  }
0x73: {  	_ =	swait.ge [sflag:s20], $0x4000  }
0x74: {  	[sflag:s20] =	ssyncset.done $0x0  }
0x75: {  	s11 =	rddreg [dreg:$0xd];
	[sflag:s20] =	ssyncadd.s32 $0xFFFFC000  }
0x76: {  	[spmem:s2] =	stream.indirect.scatter.add.f32 [tilespmem:s9], [sflag:$0x3], $0x80, s11, s12, $0xb8;
	[tilespmem:$0x1DC00] =	vst v63  }
0x77: {  	_ =	swait.ge [sflag:s10], $0x4000  }
0x78: {  	[sflag:s10] =	ssyncset.done $0x0  }
0x79: {  	s25 =	rddreg [dreg:$0xe];
	[sflag:s10] =	ssyncadd.s32 $0xFFFFC000  }
0x7a: {  	[tilespmem:s9], [sflag:$0x1] =	stream.indirect.gather [hbm4b:s4+s12], $0x80, s25, s12, $0xb8;
	[tilespmem:$0x1DC00] =	vst v63  }
0x7b: {  	_ =	swait.ge [sflag:s21], $0x4000  }
0x7c: {  	[sflag:s21] =	ssyncset.done $0x0  }
0x7d: {  	s7 =	rddreg [dreg:$0xf];
	[sflag:s21] =	ssyncadd.s32 $0xFFFFC000  }
0x7e: {  	[spmem:s2] =	stream.indirect.scatter.add.f32 [tilespmem:s19], [sflag:$0x3], $0x80, s7, s12, $0xb8;
	[tilespmem:$0x1DC00] =	vst v63  }
0x7f: {  	_ =	swait.ge [sflag:s10], $0x4000  }
0x80: {  	[sflag:s10] =	ssyncset.done $0x0  }
0x81: {  	s11 =	rddreg [dreg:$0x10];
	[sflag:s10] =	ssyncadd.s32 $0xFFFFC000  }
0x82: {  	[tilespmem:s19], [sflag:$0x2] =	stream.indirect.gather [hbm4b:s4+s12], $0x80, s11, s12, $0xb8;
	[tilespmem:$0x1DC00] =	vst v63  }
0x83: {  	_ =	swait.ge [sflag:s20], $0x4000  }
0x84: {  	[sflag:s20] =	ssyncset.done $0x0  }
0x85: {  	s25 =	rddreg [dreg:$0x11];
	[sflag:s20] =	ssyncadd.s32 $0xFFFFC000  }
0x86: {  	[spmem:s2] =	stream.indirect.scatter.add.f32 [tilespmem:s9], [sflag:$0x3], $0x80, s25, s12, $0xb8;
	[tilespmem:$0x1DC00] =	vst v63  }
0x87: {  	_ =	swait.ge [sflag:s10], $0x4000  }
0x88: {  	[sflag:s10] =	ssyncset.done $0x0  }
0x89: {  	s7 =	rddreg [dreg:$0x12];
	[sflag:s10] =	ssyncadd.s32 $0xFFFFC000  }
0x8a: {  	[tilespmem:s9], [sflag:$0x1] =	stream.indirect.gather [hbm4b:s4+s12], $0x80, s7, s12, $0xb8;
	[tilespmem:$0x1DC00] =	vst v63  }
0x8b: {  	_ =	swait.ge [sflag:s21], $0x4000  }
0x8c: {  	[sflag:s21] =	ssyncset.done $0x0  }
0x8d: {  	s11 =	rddreg [dreg:$0x13];
	[sflag:s21] =	ssyncadd.s32 $0xFFFFC000  }
0x8e: {  	[spmem:s2] =	stream.indirect.scatter.add.f32 [tilespmem:s19], [sflag:$0x3], $0x80, s11, s12, $0xb8;
	[tilespmem:$0x1DC00] =	vst v63  }
0x8f: {  	_ =	swait.ge [sflag:s10], $0x4000  }
0x90: {  	[sflag:s10] =	ssyncset.done $0x0  }
0x91: {  	s25 =	rddreg [dreg:$0x14];
	[sflag:s10] =	ssyncadd.s32 $0xFFFFC000  }
0x92: {  	[tilespmem:s19], [sflag:$0x2] =	stream.indirect.gather [hbm4b:s4+s12], $0x80, s25, s12, $0xb8;
	[tilespmem:$0x1DC00] =	vst v63  }
0x93: {  	_ =	swait.ge [sflag:s20], $0x4000  }
0x94: {  	[sflag:s20] =	ssyncset.done $0x0  }
0x95: {  	s7 =	rddreg [dreg:$0x15];
	[sflag:s20] =	ssyncadd.s32 $0xFFFFC000  }
0x96: {  	[spmem:s2] =	stream.indirect.scatter.add.f32 [tilespmem:s9], [sflag:$0x3], $0x80, s7, s12, $0xb8;
	[tilespmem:$0x1DC00] =	vst v63  }
0x97: {  	_ =	swait.ge [sflag:s10], $0x4000  }
0x98: {  	[sflag:s10] =	ssyncset.done $0x0  }
0x99: {  	s11 =	rddreg [dreg:$0x16];
	[sflag:s10] =	ssyncadd.s32 $0xFFFFC000  }
0x9a: {  	[tilespmem:s9], [sflag:$0x1] =	stream.indirect.gather [hbm4b:s4+s12], $0x80, s11, s12, $0xb8;
	[tilespmem:$0x1DC00] =	vst v63  }
0x9b: {  	_ =	swait.ge [sflag:s21], $0x4000  }
0x9c: {  	[sflag:s21] =	ssyncset.done $0x0  }
0x9d: {  	s25 =	rddreg [dreg:$0x17];
	[sflag:s21] =	ssyncadd.s32 $0xFFFFC000  }
0x9e: {  	[spmem:s2] =	stream.indirect.scatter.add.f32 [tilespmem:s19], [sflag:$0x3], $0x80, s25, s12, $0xb8;
	[tilespmem:$0x1DC00] =	vst v63  }
0x9f: {  	_ =	swait.ge [sflag:s10], $0x4000  }
0xa0: {  	[sflag:s10] =	ssyncset.done $0x0  }
0xa1: {  	s7 =	rddreg [dreg:$0x18];
	[sflag:s10] =	ssyncadd.s32 $0xFFFFC000  }
0xa2: {  	[tilespmem:s19], [sflag:$0x2] =	stream.indirect.gather [hbm4b:s4+s12], $0x80, s7, s12, $0xb8;
	[tilespmem:$0x1DC00] =	vst v63  }
0xa3: {  	_ =	swait.ge [sflag:s20], $0x4000  }
0xa4: {  	[sflag:s20] =	ssyncset.done $0x0  }
0xa5: {  	s11 =	rddreg [dreg:$0x19];
	[sflag:s20] =	ssyncadd.s32 $0xFFFFC000  }
0xa6: {  	[spmem:s2] =	stream.indirect.scatter.add.f32 [tilespmem:s9], [sflag:$0x3], $0x80, s11, s12, $0xb8;
	[tilespmem:$0x1DC00] =	vst v63  }
0xa7: {  	_ =	swait.ge [sflag:s10], $0x4000  }
0xa8: {  	[sflag:s10] =	ssyncset.done $0x0  }
0xa9: {  	s25 =	rddreg [dreg:$0x1a];
	[sflag:s10] =	ssyncadd.s32 $0xFFFFC000  }
0xaa: {  	[tilespmem:s9], [sflag:$0x1] =	stream.indirect.gather [hbm4b:s4+s12], $0x80, s25, s12, $0xb8;
	[tilespmem:$0x1DC00] =	vst v63  }
0xab: {  	_ =	swait.ge [sflag:s21], $0x4000  }
0xac: {  	[sflag:s21] =	ssyncset.done $0x0  }
0xad: {  	[sflag:s21] =	ssyncadd.s32 $0xFFFFC000  }
0xae: {  	[spmem:s2] =	stream.indirect.scatter.add.f32 [tilespmem:s19], [sflag:$0x3], $0x80, s22, s12, $0xb8;
	[tilespmem:$0x1DC00] =	vst v63  }
0xaf: {  	_ =	swait.ge [sflag:s10], $0x4000  }
0xb0: {  	[sflag:s10] =	ssyncset.done $0x0  }
0xb1: {  	[sflag:s10] =	ssyncadd.s32 $0xFFFFC000  }
0xb2: {  	[tilespmem:s19], [sflag:$0x2] =	stream.indirect.gather [hbm4b:s4+s12], $0x80, s23, s12, $0xb8;
	[tilespmem:$0x1DC00] =	vst v63  }
0xb3: {  	_ =	swait.ge [sflag:s20], $0x4000  }
0xb4: {  	[sflag:s20] =	ssyncset.done $0x0  }
0xb5: {  	[sflag:s20] =	ssyncadd.s32 $0xFFFFC000  }
0xb6: {  	[spmem:s2] =	stream.indirect.scatter.add.f32 [tilespmem:s9], [sflag:$0x3], $0x80, s24, s12, $0xb8;
	[tilespmem:$0x1DC00] =	vst v63  }
0xb7: {  	_ =	swait.ge [sflag:s10], $0x4000  }
0xb8: {  	[sflag:s10] =	ssyncset.done $0x0  }
0xb9: {  	[sflag:s10] =	ssyncadd.s32 $0xFFFFC000  }
0xba: {  	[tilespmem:s9], [sflag:$0x1] =	stream.indirect.gather [hbm4b:s4+s12], $0x80, s26, s12, $0xb8;
	[tilespmem:$0x1DC00] =	vst v63  }
0xbb: {  	_ =	swait.ge [sflag:s21], $0x4000  }
0xbc: {  	[sflag:s21] =	ssyncset.done $0x0  }
0xbd: {  	[sflag:s21] =	ssyncadd.s32 $0xFFFFC000  }
0xbe: {  	[spmem:s2] =	stream.indirect.scatter.add.f32 [tilespmem:s19], [sflag:$0x3], $0x80, s28, s12, $0xb8;
	[tilespmem:$0x1DC00] =	vst v63  }
0xbf: {  	_ =	swait.ge [sflag:s10], $0x4000  }
0xc0: {  	[sflag:s10] =	ssyncset.done $0x0  }
0xc1: {  	[sflag:s10] =	ssyncadd.s32 $0xFFFFC000  }
0xc2: {  	[tilespmem:s19], [sflag:$0x2] =	stream.indirect.gather [hbm4b:s4+s12], $0x80, s29, s12, $0xb8;
	[tilespmem:$0x1DC00] =	vst v63  }
0xc3: {  	_ =	swait.ge [sflag:s20], $0x4000  }
0xc4: {  	[sflag:s20] =	ssyncset.done $0x0  }
0xc5: {  	[sflag:s20] =	ssyncadd.s32 $0xFFFFC000  }
0xc6: {  	[spmem:s2] =	stream.indirect.scatter.add.f32 [tilespmem:s9], [sflag:$0x3], $0x80, s30, s12, $0xb8;
	[tilespmem:$0x1DC00] =	vst v63  }
0xc7: {  	_ =	swait.ge [sflag:s10], $0x4000  }
0xc8: {  	[sflag:s10] =	ssyncset.done $0x0  }
0xc9: {  	[sflag:s10] =	ssyncadd.s32 $0xFFFFC000  }
0xca: {  	[tilespmem:s9], [sflag:$0x1] =	stream.indirect.gather [hbm4b:s4+s12], $0x80, s31, s12, $0xb8;
	[tilespmem:$0x1DC00] =	vst v63  }
0xcb: {  	_ =	swait.ge [sflag:s21], $0x4000  }
0xcc: {  	[sflag:s21] =	ssyncset.done $0x0  }
0xcd: {  	[sflag:s21] =	ssyncadd.s32 $0xFFFFC000  }
0xce: {  	[spmem:s2] =	stream.indirect.scatter.add.f32 [tilespmem:s19], [sflag:$0x3], $0x80, s1, s12, $0xb8;
	[tilespmem:$0x1DC00] =	vst v63  }
0xcf: {  	_ =	swait.ge [sflag:s10], $0x4000  }
0xd0: {  	[sflag:s10] =	ssyncset.done $0x0  }
0xd1: {  	[sflag:s10] =	ssyncadd.s32 $0xFFFFC000  }
0xd2: {  	[tilespmem:s19], [sflag:$0x2] =	stream.indirect.gather [hbm4b:s4+s12], $0x80, s13, s12, $0xb8;
	[tilespmem:$0x1DC00] =	vst v63  }
0xd3: {  	_ =	swait.ge [sflag:s20], $0x4000  }
0xd4: {  	[sflag:s20] =	ssyncset.done $0x0  }
0xd5: {  	[sflag:s20] =	ssyncadd.s32 $0xFFFFC000  }
0xd6: {  	[spmem:s2] =	stream.indirect.scatter.add.f32 [tilespmem:s9], [sflag:$0x3], $0x80, s14, s12, $0xb8;
	[tilespmem:$0x1DC00] =	vst v63  }
0xd7: {  	_ =	swait.ge [sflag:s10], $0x4000  }
0xd8: {  	[sflag:s10] =	ssyncset.done $0x0  }
0xd9: {  	[sflag:s10] =	ssyncadd.s32 $0xFFFFC000  }
0xda: {  	[tilespmem:s9], [sflag:$0x1] =	stream.indirect.gather [hbm4b:s4+s12], $0x80, s15, s12, $0xb8;
	[tilespmem:$0x1DC00] =	vst v63  }
0xdb: {  	_ =	swait.ge [sflag:s21], $0x4000  }
0xdc: {  	[sflag:s21] =	ssyncset.done $0x0  }
0xdd: {  	[sflag:s21] =	ssyncadd.s32 $0xFFFFC000  }
0xde: {  	[spmem:s2] =	stream.indirect.scatter.add.f32 [tilespmem:s19], [sflag:$0x3], $0x80, s16, s12, $0xb8;
	[tilespmem:$0x1DC00] =	vst v63  }
0xdf: {  	_ =	swait.ge [sflag:s10], $0x4000  }
0xe0: {  	[sflag:s10] =	ssyncset.done $0x0  }
0xe1: {  	[sflag:s10] =	ssyncadd.s32 $0xFFFFC000  }
0xe2: {  	[tilespmem:s19], [sflag:$0x2] =	stream.indirect.gather [hbm4b:s4+s12], $0x80, s0, s12, $0xb8;
	[tilespmem:$0x1DC00] =	vst v63  }
0xe3: {  	_ =	swait.ge [sflag:s20], $0x4000  }
0xe4: {  	[sflag:s20] =	ssyncset.done $0x0  }
0xe5: {  	[sflag:s20] =	ssyncadd.s32 $0xFFFFC000  }
0xe6: {  	[spmem:s2] =	stream.indirect.scatter.add.f32 [tilespmem:s9], [sflag:$0x3], $0x80, s5, s12, $0xb8;
	[tilespmem:$0x1DC00] =	vst v63  }
0xe7: {  	_ =	swait.ge [sflag:s10], $0x4000  }
0xe8: {  	[sflag:s10] =	ssyncset.done $0x0  }
0xe9: {  	[sflag:s10] =	ssyncadd.s32 $0xFFFFC000  }
0xea: {  	_ =	swait.ge [sflag:s21], $0x4000  }
0xeb: {  	[sflag:s21] =	ssyncset.done $0x0  }
0xec: {  	[sflag:s21] =	ssyncadd.s32 $0xFFFFC000  }
0xed: {  	[spmem:s2] =	stream.indirect.scatter.add.f32 [tilespmem:s19], [sflag:$0x3], $0x80, s6, s12, $0xb8;
	[tilespmem:$0x1DC00] =	vst v63  }
0xee: {  	s8 =	simm.s32 $0x300;
	_ =	swait.ge [sflag:s10], $0x4000  }
0xef: {  	s11 =	simm.s32 $0x180;
	s25 =	rddreg [dreg:$0x4];
	[sflag:s10] =	ssyncset.done $0x0  }
.LBB2_2:
0xf0: {  	[sflag:s10] =	ssyncadd.s32 $0xFFFFC000;
	s25 =	sadd.s32 s11, s25  }
0xf1: {  	[tilespmem:s17], [sflag:$0x3] =	stream.linear.gather [hbm4b:s25+s3], $0xA00, $0x38;
	[tilespmem:$0x1DC00] =	vst v63  }
0xf2: {  	_ =	swait.ge [sflag:s10], $0xA00  }
0xf3: {  	s25 =	rddreg [dreg:$0x3];
	[sflag:s10] =	ssyncset.done $0x0  }
0xf4: {  	[sflag:s10] =	ssyncadd.s32 $0xFFFFF600;
	s25 =	sadd.s32 s11, s25  }
0xf5: {  	[tilespmem:s18], [sflag:$0x3] =	stream.linear.gather [hbm4b:s25+s3], $0xA00, $0x38;
	[tilespmem:$0x1DC00] =	vst v63  }
0xf6: {  	_ =	swait.ge [sflag:s10], $0xA00  }
0xf7: {  	[sflag:s10] =	ssyncset.done $0x0  }
0xf8: {  	[sflag:s10] =	ssyncadd.s32 $0xFFFFF600  }
0xf9: {  	[tilespmem:s9], [sflag:$0x1] =	stream.indirect.gather [hbm4b:s4+s12], $0x80, s17, s12, $0xb8;
	[tilespmem:$0x1DC00] =	vst v63  }
0xfa: {  	s25 =	rddreg [dreg:$0x5]  }
0xfb: {  	[tilespmem:s19], [sflag:$0x2] =	stream.indirect.gather [hbm4b:s4+s12], $0x80, s25, s12, $0xb8;
	[tilespmem:$0x1DC00] =	vst v63  }
0xfc: {  	_ =	swait.ge [sflag:s20], $0x4000  }
0xfd: {  	[sflag:s20] =	ssyncset.done $0x0  }
0xfe: {  	[sflag:s20] =	ssyncadd.s32 $0xFFFFC000  }
0xff: {  	[spmem:s2] =	stream.indirect.scatter.add.f32 [tilespmem:s9], [sflag:$0x3], $0x80, s18, s12, $0xb8;
	[tilespmem:$0x1DC00] =	vst v63  }
0x100: {  	_ =	swait.ge [sflag:s10], $0x4000  }
0x101: {  	[sflag:s10] =	ssyncset.done $0x0  }
0x102: {  	s25 =	rddreg [dreg:$0x6];
	[sflag:s10] =	ssyncadd.s32 $0xFFFFC000  }
0x103: {  	[tilespmem:s9], [sflag:$0x1] =	stream.indirect.gather [hbm4b:s4+s12], $0x80, s25, s12, $0xb8;
	[tilespmem:$0x1DC00] =	vst v63  }
0x104: {  	_ =	swait.ge [sflag:s21], $0x4000  }
0x105: {  	[sflag:s21] =	ssyncset.done $0x0  }
0x106: {  	s25 =	rddreg [dreg:$0x7];
	[sflag:s21] =	ssyncadd.s32 $0xFFFFC000  }
0x107: {  	[spmem:s2] =	stream.indirect.scatter.add.f32 [tilespmem:s19], [sflag:$0x3], $0x80, s25, s12, $0xb8;
	[tilespmem:$0x1DC00] =	vst v63  }
0x108: {  	_ =	swait.ge [sflag:s10], $0x4000  }
0x109: {  	[sflag:s10] =	ssyncset.done $0x0  }
0x10a: {  	s25 =	rddreg [dreg:$0x8];
	[sflag:s10] =	ssyncadd.s32 $0xFFFFC000  }
0x10b: {  	[tilespmem:s19], [sflag:$0x2] =	stream.indirect.gather [hbm4b:s4+s12], $0x80, s25, s12, $0xb8;
	[tilespmem:$0x1DC00] =	vst v63  }
0x10c: {  	_ =	swait.ge [sflag:s20], $0x4000  }
0x10d: {  	[sflag:s20] =	ssyncset.done $0x0  }
0x10e: {  	s25 =	rddreg [dreg:$0x9];
	[sflag:s20] =	ssyncadd.s32 $0xFFFFC000  }
0x10f: {  	[spmem:s2] =	stream.indirect.scatter.add.f32 [tilespmem:s9], [sflag:$0x3], $0x80, s25, s12, $0xb8;
	[tilespmem:$0x1DC00] =	vst v63  }
0x110: {  	_ =	swait.ge [sflag:s10], $0x4000  }
0x111: {  	[sflag:s10] =	ssyncset.done $0x0  }
0x112: {  	s25 =	rddreg [dreg:$0xa];
	[sflag:s10] =	ssyncadd.s32 $0xFFFFC000  }
0x113: {  	[tilespmem:s9], [sflag:$0x1] =	stream.indirect.gather [hbm4b:s4+s12], $0x80, s25, s12, $0xb8;
	[tilespmem:$0x1DC00] =	vst v63  }
0x114: {  	_ =	swait.ge [sflag:s21], $0x4000  }
0x115: {  	[sflag:s21] =	ssyncset.done $0x0  }
0x116: {  	s25 =	rddreg [dreg:$0xb];
	[sflag:s21] =	ssyncadd.s32 $0xFFFFC000  }
0x117: {  	[spmem:s2] =	stream.indirect.scatter.add.f32 [tilespmem:s19], [sflag:$0x3], $0x80, s25, s12, $0xb8;
	[tilespmem:$0x1DC00] =	vst v63  }
0x118: {  	_ =	swait.ge [sflag:s10], $0x4000  }
0x119: {  	[sflag:s10] =	ssyncset.done $0x0  }
0x11a: {  	s25 =	rddreg [dreg:$0xc];
	[sflag:s10] =	ssyncadd.s32 $0xFFFFC000  }
0x11b: {  	[tilespmem:s19], [sflag:$0x2] =	stream.indirect.gather [hbm4b:s4+s12], $0x80, s25, s12, $0xb8;
	[tilespmem:$0x1DC00] =	vst v63  }
0x11c: {  	_ =	swait.ge [sflag:s20], $0x4000  }
0x11d: {  	[sflag:s20] =	ssyncset.done $0x0  }
0x11e: {  	s25 =	rddreg [dreg:$0xd];
	[sflag:s20] =	ssyncadd.s32 $0xFFFFC000  }
0x11f: {  	[spmem:s2] =	stream.indirect.scatter.add.f32 [tilespmem:s9], [sflag:$0x3], $0x80, s25, s12, $0xb8;
	[tilespmem:$0x1DC00] =	vst v63  }
0x120: {  	_ =	swait.ge [sflag:s10], $0x4000  }
0x121: {  	[sflag:s10] =	ssyncset.done $0x0  }
0x122: {  	s25 =	rddreg [dreg:$0xe];
	[sflag:s10] =	ssyncadd.s32 $0xFFFFC000  }
0x123: {  	[tilespmem:s9], [sflag:$0x1] =	stream.indirect.gather [hbm4b:s4+s12], $0x80, s25, s12, $0xb8;
	[tilespmem:$0x1DC00] =	vst v63  }
0x124: {  	_ =	swait.ge [sflag:s21], $0x4000  }
0x125: {  	[sflag:s21] =	ssyncset.done $0x0  }
0x126: {  	s25 =	rddreg [dreg:$0xf];
	[sflag:s21] =	ssyncadd.s32 $0xFFFFC000  }
0x127: {  	[spmem:s2] =	stream.indirect.scatter.add.f32 [tilespmem:s19], [sflag:$0x3], $0x80, s25, s12, $0xb8;
	[tilespmem:$0x1DC00] =	vst v63  }
0x128: {  	_ =	swait.ge [sflag:s10], $0x4000  }
0x129: {  	[sflag:s10] =	ssyncset.done $0x0  }
0x12a: {  	s25 =	rddreg [dreg:$0x10];
	[sflag:s10] =	ssyncadd.s32 $0xFFFFC000  }
0x12b: {  	[tilespmem:s19], [sflag:$0x2] =	stream.indirect.gather [hbm4b:s4+s12], $0x80, s25, s12, $0xb8;
	[tilespmem:$0x1DC00] =	vst v63  }
0x12c: {  	_ =	swait.ge [sflag:s20], $0x4000  }
0x12d: {  	[sflag:s20] =	ssyncset.done $0x0  }
0x12e: {  	s25 =	rddreg [dreg:$0x11];
	[sflag:s20] =	ssyncadd.s32 $0xFFFFC000  }
0x12f: {  	[spmem:s2] =	stream.indirect.scatter.add.f32 [tilespmem:s9], [sflag:$0x3], $0x80, s25, s12, $0xb8;
	[tilespmem:$0x1DC00] =	vst v63  }
0x130: {  	_ =	swait.ge [sflag:s10], $0x4000  }
0x131: {  	[sflag:s10] =	ssyncset.done $0x0  }
0x132: {  	s25 =	rddreg [dreg:$0x12];
	[sflag:s10] =	ssyncadd.s32 $0xFFFFC000  }
0x133: {  	[tilespmem:s9], [sflag:$0x1] =	stream.indirect.gather [hbm4b:s4+s12], $0x80, s25, s12, $0xb8;
	[tilespmem:$0x1DC00] =	vst v63  }
0x134: {  	_ =	swait.ge [sflag:s21], $0x4000  }
0x135: {  	[sflag:s21] =	ssyncset.done $0x0  }
0x136: {  	s25 =	rddreg [dreg:$0x13];
	[sflag:s21] =	ssyncadd.s32 $0xFFFFC000  }
0x137: {  	[spmem:s2] =	stream.indirect.scatter.add.f32 [tilespmem:s19], [sflag:$0x3], $0x80, s25, s12, $0xb8;
	[tilespmem:$0x1DC00] =	vst v63  }
0x138: {  	_ =	swait.ge [sflag:s10], $0x4000  }
0x139: {  	[sflag:s10] =	ssyncset.done $0x0  }
0x13a: {  	s25 =	rddreg [dreg:$0x14];
	[sflag:s10] =	ssyncadd.s32 $0xFFFFC000  }
0x13b: {  	[tilespmem:s19], [sflag:$0x2] =	stream.indirect.gather [hbm4b:s4+s12], $0x80, s25, s12, $0xb8;
	[tilespmem:$0x1DC00] =	vst v63  }
0x13c: {  	_ =	swait.ge [sflag:s20], $0x4000  }
0x13d: {  	[sflag:s20] =	ssyncset.done $0x0  }
0x13e: {  	s25 =	rddreg [dreg:$0x15];
	[sflag:s20] =	ssyncadd.s32 $0xFFFFC000  }
0x13f: {  	[spmem:s2] =	stream.indirect.scatter.add.f32 [tilespmem:s9], [sflag:$0x3], $0x80, s25, s12, $0xb8;
	[tilespmem:$0x1DC00] =	vst v63  }
0x140: {  	_ =	swait.ge [sflag:s10], $0x4000  }
0x141: {  	[sflag:s10] =	ssyncset.done $0x0  }
0x142: {  	s25 =	rddreg [dreg:$0x16];
	[sflag:s10] =	ssyncadd.s32 $0xFFFFC000  }
0x143: {  	[tilespmem:s9], [sflag:$0x1] =	stream.indirect.gather [hbm4b:s4+s12], $0x80, s25, s12, $0xb8;
	[tilespmem:$0x1DC00] =	vst v63  }
0x144: {  	_ =	swait.ge [sflag:s21], $0x4000  }
0x145: {  	[sflag:s21] =	ssyncset.done $0x0  }
0x146: {  	s25 =	rddreg [dreg:$0x17];
	[sflag:s21] =	ssyncadd.s32 $0xFFFFC000  }
0x147: {  	[spmem:s2] =	stream.indirect.scatter.add.f32 [tilespmem:s19], [sflag:$0x3], $0x80, s25, s12, $0xb8;
	[tilespmem:$0x1DC00] =	vst v63  }
0x148: {  	_ =	swait.ge [sflag:s10], $0x4000  }
0x149: {  	[sflag:s10] =	ssyncset.done $0x0  }
0x14a: {  	s25 =	rddreg [dreg:$0x18];
	[sflag:s10] =	ssyncadd.s32 $0xFFFFC000  }
0x14b: {  	[tilespmem:s19], [sflag:$0x2] =	stream.indirect.gather [hbm4b:s4+s12], $0x80, s25, s12, $0xb8;
	[tilespmem:$0x1DC00] =	vst v63  }
0x14c: {  	_ =	swait.ge [sflag:s20], $0x4000  }
0x14d: {  	[sflag:s20] =	ssyncset.done $0x0  }
0x14e: {  	s25 =	rddreg [dreg:$0x19];
	[sflag:s20] =	ssyncadd.s32 $0xFFFFC000  }
0x14f: {  	[spmem:s2] =	stream.indirect.scatter.add.f32 [tilespmem:s9], [sflag:$0x3], $0x80, s25, s12, $0xb8;
	[tilespmem:$0x1DC00] =	vst v63  }
0x150: {  	_ =	swait.ge [sflag:s10], $0x4000  }
0x151: {  	[sflag:s10] =	ssyncset.done $0x0  }
0x152: {  	s25 =	rddreg [dreg:$0x1a];
	[sflag:s10] =	ssyncadd.s32 $0xFFFFC000  }
0x153: {  	[tilespmem:s9], [sflag:$0x1] =	stream.indirect.gather [hbm4b:s4+s12], $0x80, s25, s12, $0xb8;
	[tilespmem:$0x1DC00] =	vst v63  }
0x154: {  	_ =	swait.ge [sflag:s21], $0x4000  }
0x155: {  	[sflag:s21] =	ssyncset.done $0x0  }
0x156: {  	[sflag:s21] =	ssyncadd.s32 $0xFFFFC000  }
0x157: {  	[spmem:s2] =	stream.indirect.scatter.add.f32 [tilespmem:s19], [sflag:$0x3], $0x80, s22, s12, $0xb8;
	[tilespmem:$0x1DC00] =	vst v63  }
0x158: {  	_ =	swait.ge [sflag:s10], $0x4000  }
0x159: {  	[sflag:s10] =	ssyncset.done $0x0  }
0x15a: {  	[sflag:s10] =	ssyncadd.s32 $0xFFFFC000  }
0x15b: {  	[tilespmem:s19], [sflag:$0x2] =	stream.indirect.gather [hbm4b:s4+s12], $0x80, s23, s12, $0xb8;
	[tilespmem:$0x1DC00] =	vst v63  }
0x15c: {  	_ =	swait.ge [sflag:s20], $0x4000  }
0x15d: {  	[sflag:s20] =	ssyncset.done $0x0  }
0x15e: {  	[sflag:s20] =	ssyncadd.s32 $0xFFFFC000  }
0x15f: {  	[spmem:s2] =	stream.indirect.scatter.add.f32 [tilespmem:s9], [sflag:$0x3], $0x80, s24, s12, $0xb8;
	[tilespmem:$0x1DC00] =	vst v63  }
0x160: {  	_ =	swait.ge [sflag:s10], $0x4000  }
0x161: {  	[sflag:s10] =	ssyncset.done $0x0  }
0x162: {  	[sflag:s10] =	ssyncadd.s32 $0xFFFFC000  }
0x163: {  	[tilespmem:s9], [sflag:$0x1] =	stream.indirect.gather [hbm4b:s4+s12], $0x80, s26, s12, $0xb8;
	[tilespmem:$0x1DC00] =	vst v63  }
0x164: {  	_ =	swait.ge [sflag:s21], $0x4000  }
0x165: {  	[sflag:s21] =	ssyncset.done $0x0  }
0x166: {  	[sflag:s21] =	ssyncadd.s32 $0xFFFFC000  }
0x167: {  	[spmem:s2] =	stream.indirect.scatter.add.f32 [tilespmem:s19], [sflag:$0x3], $0x80, s28, s12, $0xb8;
	[tilespmem:$0x1DC00] =	vst v63  }
0x168: {  	_ =	swait.ge [sflag:s10], $0x4000  }
0x169: {  	[sflag:s10] =	ssyncset.done $0x0  }
0x16a: {  	[sflag:s10] =	ssyncadd.s32 $0xFFFFC000  }
0x16b: {  	[tilespmem:s19], [sflag:$0x2] =	stream.indirect.gather [hbm4b:s4+s12], $0x80, s29, s12, $0xb8;
	[tilespmem:$0x1DC00] =	vst v63  }
0x16c: {  	_ =	swait.ge [sflag:s20], $0x4000  }
0x16d: {  	[sflag:s20] =	ssyncset.done $0x0  }
0x16e: {  	[sflag:s20] =	ssyncadd.s32 $0xFFFFC000  }
0x16f: {  	[spmem:s2] =	stream.indirect.scatter.add.f32 [tilespmem:s9], [sflag:$0x3], $0x80, s30, s12, $0xb8;
	[tilespmem:$0x1DC00] =	vst v63  }
0x170: {  	_ =	swait.ge [sflag:s10], $0x4000  }
0x171: {  	[sflag:s10] =	ssyncset.done $0x0  }
0x172: {  	[sflag:s10] =	ssyncadd.s32 $0xFFFFC000  }
0x173: {  	[tilespmem:s9], [sflag:$0x1] =	stream.indirect.gather [hbm4b:s4+s12], $0x80, s31, s12, $0xb8;
	[tilespmem:$0x1DC00] =	vst v63  }
0x174: {  	_ =	swait.ge [sflag:s21], $0x4000  }
0x175: {  	[sflag:s21] =	ssyncset.done $0x0  }
0x176: {  	[sflag:s21] =	ssyncadd.s32 $0xFFFFC000  }
0x177: {  	[spmem:s2] =	stream.indirect.scatter.add.f32 [tilespmem:s19], [sflag:$0x3], $0x80, s1, s12, $0xb8;
	[tilespmem:$0x1DC00] =	vst v63  }
0x178: {  	_ =	swait.ge [sflag:s10], $0x4000  }
0x179: {  	[sflag:s10] =	ssyncset.done $0x0  }
0x17a: {  	[sflag:s10] =	ssyncadd.s32 $0xFFFFC000  }
0x17b: {  	[tilespmem:s19], [sflag:$0x2] =	stream.indirect.gather [hbm4b:s4+s12], $0x80, s13, s12, $0xb8;
	[tilespmem:$0x1DC00] =	vst v63  }
0x17c: {  	_ =	swait.ge [sflag:s20], $0x4000  }
0x17d: {  	[sflag:s20] =	ssyncset.done $0x0  }
0x17e: {  	[sflag:s20] =	ssyncadd.s32 $0xFFFFC000  }
0x17f: {  	[spmem:s2] =	stream.indirect.scatter.add.f32 [tilespmem:s9], [sflag:$0x3], $0x80, s14, s12, $0xb8;
	[tilespmem:$0x1DC00] =	vst v63  }
0x180: {  	_ =	swait.ge [sflag:s10], $0x4000  }
0x181: {  	[sflag:s10] =	ssyncset.done $0x0  }
0x182: {  	[sflag:s10] =	ssyncadd.s32 $0xFFFFC000  }
0x183: {  	[tilespmem:s9], [sflag:$0x1] =	stream.indirect.gather [hbm4b:s4+s12], $0x80, s15, s12, $0xb8;
	[tilespmem:$0x1DC00] =	vst v63  }
0x184: {  	_ =	swait.ge [sflag:s21], $0x4000  }
0x185: {  	[sflag:s21] =	ssyncset.done $0x0  }
0x186: {  	[sflag:s21] =	ssyncadd.s32 $0xFFFFC000  }
0x187: {  	[spmem:s2] =	stream.indirect.scatter.add.f32 [tilespmem:s19], [sflag:$0x3], $0x80, s16, s12, $0xb8;
	[tilespmem:$0x1DC00] =	vst v63  }
0x188: {  	_ =	swait.ge [sflag:s10], $0x4000  }
0x189: {  	[sflag:s10] =	ssyncset.done $0x0  }
0x18a: {  	[sflag:s10] =	ssyncadd.s32 $0xFFFFC000  }
0x18b: {  	[tilespmem:s19], [sflag:$0x2] =	stream.indirect.gather [hbm4b:s4+s12], $0x80, s0, s12, $0xb8;
	[tilespmem:$0x1DC00] =	vst v63  }
0x18c: {  	_ =	swait.ge [sflag:s20], $0x4000  }
0x18d: {  	[sflag:s20] =	ssyncset.done $0x0  }
0x18e: {  	[sflag:s20] =	ssyncadd.s32 $0xFFFFC000  }
0x18f: {  	[spmem:s2] =	stream.indirect.scatter.add.f32 [tilespmem:s9], [sflag:$0x3], $0x80, s5, s12, $0xb8;
	[tilespmem:$0x1DC00] =	vst v63  }
0x190: {  	_ =	swait.ge [sflag:s10], $0x4000  }
0x191: {  	[sflag:s10] =	ssyncset.done $0x0  }
0x192: {  	[sflag:s10] =	ssyncadd.s32 $0xFFFFC000  }
0x193: {  	p1 =	sne.s32 s8, $0x480;
	_ =	swait.ge [sflag:s21], $0x4000  }
.Ltmp0:
0x194: {  	[sflag:s21] =	ssyncset.done $0x0;
	(pc) =	sbr.rel @p1 .LBB2_2-.Ltmp0, $4  }
0x195: {  	[sflag:s21] =	ssyncadd.s32 $0xFFFFC000  }
0x196: {  	[spmem:s2] =	stream.indirect.scatter.add.f32 [tilespmem:s19], [sflag:$0x3], $0x80, s6, s12, $0xb8;
	[tilespmem:$0x1DC00] =	vst v63  }
0x197: {  	s7 =	smov.u32 s8;
	s8 =	sadd.s32 $0x180, s8;
	_ =	swait.ge [sflag:s10], $0x4000  }
0x198: {  	s11 =	smov.u32 s7;
	s25 =	rddreg [dreg:$0x4];
	[sflag:s10] =	ssyncset.done $0x0  }
0x199: {  	[sflag:s10] =	ssyncadd.s32 $0xFFFFC000;
	s7 =	sadd.s32 s11, s25  }
0x19a: {  	[tilespmem:s17], [sflag:$0x3] =	stream.linear.gather [hbm4b:s7+s3], $0xA00, $0x38;
	[tilespmem:$0x1DC00] =	vst v63  }
0x19b: {  	_ =	swait.ge [sflag:s10], $0xA00  }
0x19c: {  	s8 =	rddreg [dreg:$0x3];
	[sflag:s10] =	ssyncset.done $0x0  }
0x19d: {  	s7 =	sadd.s32 s11, s8;
	[sflag:s10] =	ssyncadd.s32 $0xFFFFF600  }
0x19e: {  	[tilespmem:s18], [sflag:$0x3] =	stream.linear.gather [hbm4b:s7+s3], $0xA00, $0x38;
	[tilespmem:$0x1DC00] =	vst v63  }
0x19f: {  	_ =	swait.ge [sflag:s10], $0xA00  }
0x1a0: {  	[sflag:s10] =	ssyncset.done $0x0  }
0x1a1: {  	[sflag:s10] =	ssyncadd.s32 $0xFFFFF600  }
0x1a2: {  	[tilespmem:s9], [sflag:$0x1] =	stream.indirect.gather [hbm4b:s4+s12], $0x80, s17, s12, $0xb8;
	[tilespmem:$0x1DC00] =	vst v63  }
0x1a3: {  	s25 =	rddreg [dreg:$0x5]  }
0x1a4: {  	[tilespmem:s19], [sflag:$0x2] =	stream.indirect.gather [hbm4b:s4+s12], $0x80, s25, s12, $0xb8;
	[tilespmem:$0x1DC00] =	vst v63  }
0x1a5: {  	_ =	swait.ge [sflag:s20], $0x4000  }
0x1a6: {  	[sflag:s20] =	ssyncset.done $0x0  }
0x1a7: {  	[sflag:s20] =	ssyncadd.s32 $0xFFFFC000  }
0x1a8: {  	[spmem:s2] =	stream.indirect.scatter.add.f32 [tilespmem:s9], [sflag:$0x3], $0x80, s18, s12, $0xb8;
	[tilespmem:$0x1DC00] =	vst v63  }
0x1a9: {  	_ =	swait.ge [sflag:s10], $0x4000  }
0x1aa: {  	[sflag:s10] =	ssyncset.done $0x0  }
0x1ab: {  	s8 =	rddreg [dreg:$0x6];
	[sflag:s10] =	ssyncadd.s32 $0xFFFFC000  }
0x1ac: {  	[tilespmem:s9], [sflag:$0x1] =	stream.indirect.gather [hbm4b:s4+s12], $0x80, s8, s12, $0xb8;
	[tilespmem:$0x1DC00] =	vst v63  }
0x1ad: {  	_ =	swait.ge [sflag:s21], $0x4000  }
0x1ae: {  	[sflag:s21] =	ssyncset.done $0x0  }
0x1af: {  	s11 =	rddreg [dreg:$0x7];
	[sflag:s21] =	ssyncadd.s32 $0xFFFFC000  }
0x1b0: {  	[spmem:s2] =	stream.indirect.scatter.add.f32 [tilespmem:s19], [sflag:$0x3], $0x80, s11, s12, $0xb8;
	[tilespmem:$0x1DC00] =	vst v63  }
0x1b1: {  	_ =	swait.ge [sflag:s10], $0x4000  }
0x1b2: {  	[sflag:s10] =	ssyncset.done $0x0  }
0x1b3: {  	s25 =	rddreg [dreg:$0x8];
	[sflag:s10] =	ssyncadd.s32 $0xFFFFC000  }
0x1b4: {  	[tilespmem:s19], [sflag:$0x2] =	stream.indirect.gather [hbm4b:s4+s12], $0x80, s25, s12, $0xb8;
	[tilespmem:$0x1DC00] =	vst v63  }
0x1b5: {  	_ =	swait.ge [sflag:s20], $0x4000  }
0x1b6: {  	[sflag:s20] =	ssyncset.done $0x0  }
0x1b7: {  	s8 =	rddreg [dreg:$0x9];
	[sflag:s20] =	ssyncadd.s32 $0xFFFFC000  }
0x1b8: {  	[spmem:s2] =	stream.indirect.scatter.add.f32 [tilespmem:s9], [sflag:$0x3], $0x80, s8, s12, $0xb8;
	[tilespmem:$0x1DC00] =	vst v63  }
0x1b9: {  	_ =	swait.ge [sflag:s10], $0x4000  }
0x1ba: {  	[sflag:s10] =	ssyncset.done $0x0  }
0x1bb: {  	s11 =	rddreg [dreg:$0xa];
	[sflag:s10] =	ssyncadd.s32 $0xFFFFC000  }
0x1bc: {  	[tilespmem:s9], [sflag:$0x1] =	stream.indirect.gather [hbm4b:s4+s12], $0x80, s11, s12, $0xb8;
	[tilespmem:$0x1DC00] =	vst v63  }
0x1bd: {  	_ =	swait.ge [sflag:s21], $0x4000  }
0x1be: {  	[sflag:s21] =	ssyncset.done $0x0  }
0x1bf: {  	s25 =	rddreg [dreg:$0xb];
	[sflag:s21] =	ssyncadd.s32 $0xFFFFC000  }
0x1c0: {  	[spmem:s2] =	stream.indirect.scatter.add.f32 [tilespmem:s19], [sflag:$0x3], $0x80, s25, s12, $0xb8;
	[tilespmem:$0x1DC00] =	vst v63  }
0x1c1: {  	_ =	swait.ge [sflag:s10], $0x4000  }
0x1c2: {  	[sflag:s10] =	ssyncset.done $0x0  }
0x1c3: {  	s8 =	rddreg [dreg:$0xc];
	[sflag:s10] =	ssyncadd.s32 $0xFFFFC000  }
0x1c4: {  	[tilespmem:s19], [sflag:$0x2] =	stream.indirect.gather [hbm4b:s4+s12], $0x80, s8, s12, $0xb8;
	[tilespmem:$0x1DC00] =	vst v63  }
0x1c5: {  	_ =	swait.ge [sflag:s20], $0x4000  }
0x1c6: {  	[sflag:s20] =	ssyncset.done $0x0  }
0x1c7: {  	s11 =	rddreg [dreg:$0xd];
	[sflag:s20] =	ssyncadd.s32 $0xFFFFC000  }
0x1c8: {  	[spmem:s2] =	stream.indirect.scatter.add.f32 [tilespmem:s9], [sflag:$0x3], $0x80, s11, s12, $0xb8;
	[tilespmem:$0x1DC00] =	vst v63  }
0x1c9: {  	_ =	swait.ge [sflag:s10], $0x4000  }
0x1ca: {  	[sflag:s10] =	ssyncset.done $0x0  }
0x1cb: {  	s25 =	rddreg [dreg:$0xe];
	[sflag:s10] =	ssyncadd.s32 $0xFFFFC000  }
0x1cc: {  	[tilespmem:s9], [sflag:$0x1] =	stream.indirect.gather [hbm4b:s4+s12], $0x80, s25, s12, $0xb8;
	[tilespmem:$0x1DC00] =	vst v63  }
0x1cd: {  	_ =	swait.ge [sflag:s21], $0x4000  }
0x1ce: {  	[sflag:s21] =	ssyncset.done $0x0  }
0x1cf: {  	s8 =	rddreg [dreg:$0xf];
	[sflag:s21] =	ssyncadd.s32 $0xFFFFC000  }
0x1d0: {  	[spmem:s2] =	stream.indirect.scatter.add.f32 [tilespmem:s19], [sflag:$0x3], $0x80, s8, s12, $0xb8;
	[tilespmem:$0x1DC00] =	vst v63  }
0x1d1: {  	_ =	swait.ge [sflag:s10], $0x4000  }
0x1d2: {  	[sflag:s10] =	ssyncset.done $0x0  }
0x1d3: {  	s11 =	rddreg [dreg:$0x10];
	[sflag:s10] =	ssyncadd.s32 $0xFFFFC000  }
0x1d4: {  	[tilespmem:s19], [sflag:$0x2] =	stream.indirect.gather [hbm4b:s4+s12], $0x80, s11, s12, $0xb8;
	[tilespmem:$0x1DC00] =	vst v63  }
0x1d5: {  	_ =	swait.ge [sflag:s20], $0x4000  }
0x1d6: {  	[sflag:s20] =	ssyncset.done $0x0  }
0x1d7: {  	s25 =	rddreg [dreg:$0x11];
	[sflag:s20] =	ssyncadd.s32 $0xFFFFC000  }
0x1d8: {  	[spmem:s2] =	stream.indirect.scatter.add.f32 [tilespmem:s9], [sflag:$0x3], $0x80, s25, s12, $0xb8;
	[tilespmem:$0x1DC00] =	vst v63  }
0x1d9: {  	_ =	swait.ge [sflag:s10], $0x4000  }
0x1da: {  	[sflag:s10] =	ssyncset.done $0x0  }
0x1db: {  	s8 =	rddreg [dreg:$0x12];
	[sflag:s10] =	ssyncadd.s32 $0xFFFFC000  }
0x1dc: {  	[tilespmem:s9], [sflag:$0x1] =	stream.indirect.gather [hbm4b:s4+s12], $0x80, s8, s12, $0xb8;
	[tilespmem:$0x1DC00] =	vst v63  }
0x1dd: {  	_ =	swait.ge [sflag:s21], $0x4000  }
0x1de: {  	[sflag:s21] =	ssyncset.done $0x0  }
0x1df: {  	s11 =	rddreg [dreg:$0x13];
	[sflag:s21] =	ssyncadd.s32 $0xFFFFC000  }
0x1e0: {  	[spmem:s2] =	stream.indirect.scatter.add.f32 [tilespmem:s19], [sflag:$0x3], $0x80, s11, s12, $0xb8;
	[tilespmem:$0x1DC00] =	vst v63  }
0x1e1: {  	_ =	swait.ge [sflag:s10], $0x4000  }
0x1e2: {  	[sflag:s10] =	ssyncset.done $0x0  }
0x1e3: {  	s25 =	rddreg [dreg:$0x14];
	[sflag:s10] =	ssyncadd.s32 $0xFFFFC000  }
0x1e4: {  	[tilespmem:s19], [sflag:$0x2] =	stream.indirect.gather [hbm4b:s4+s12], $0x80, s25, s12, $0xb8;
	[tilespmem:$0x1DC00] =	vst v63  }
0x1e5: {  	_ =	swait.ge [sflag:s20], $0x4000  }
0x1e6: {  	[sflag:s20] =	ssyncset.done $0x0  }
0x1e7: {  	s8 =	rddreg [dreg:$0x15];
	[sflag:s20] =	ssyncadd.s32 $0xFFFFC000  }
0x1e8: {  	[spmem:s2] =	stream.indirect.scatter.add.f32 [tilespmem:s9], [sflag:$0x3], $0x80, s8, s12, $0xb8;
	[tilespmem:$0x1DC00] =	vst v63  }
0x1e9: {  	_ =	swait.ge [sflag:s10], $0x4000  }
0x1ea: {  	[sflag:s10] =	ssyncset.done $0x0  }
0x1eb: {  	s11 =	rddreg [dreg:$0x16];
	[sflag:s10] =	ssyncadd.s32 $0xFFFFC000  }
0x1ec: {  	[tilespmem:s9], [sflag:$0x1] =	stream.indirect.gather [hbm4b:s4+s12], $0x80, s11, s12, $0xb8;
	[tilespmem:$0x1DC00] =	vst v63  }
0x1ed: {  	_ =	swait.ge [sflag:s21], $0x4000  }
0x1ee: {  	[sflag:s21] =	ssyncset.done $0x0  }
0x1ef: {  	s25 =	rddreg [dreg:$0x17];
	[sflag:s21] =	ssyncadd.s32 $0xFFFFC000  }
0x1f0: {  	[spmem:s2] =	stream.indirect.scatter.add.f32 [tilespmem:s19], [sflag:$0x3], $0x80, s25, s12, $0xb8;
	[tilespmem:$0x1DC00] =	vst v63  }
0x1f1: {  	_ =	swait.ge [sflag:s10], $0x4000  }
0x1f2: {  	[sflag:s10] =	ssyncset.done $0x0  }
0x1f3: {  	s8 =	rddreg [dreg:$0x18];
	[sflag:s10] =	ssyncadd.s32 $0xFFFFC000  }
0x1f4: {  	[tilespmem:s19], [sflag:$0x2] =	stream.indirect.gather [hbm4b:s4+s12], $0x80, s8, s12, $0xb8;
	[tilespmem:$0x1DC00] =	vst v63  }
0x1f5: {  	_ =	swait.ge [sflag:s20], $0x4000  }
0x1f6: {  	[sflag:s20] =	ssyncset.done $0x0  }
0x1f7: {  	s11 =	rddreg [dreg:$0x19];
	[sflag:s20] =	ssyncadd.s32 $0xFFFFC000  }
0x1f8: {  	[spmem:s2] =	stream.indirect.scatter.add.f32 [tilespmem:s9], [sflag:$0x3], $0x80, s11, s12, $0xb8;
	[tilespmem:$0x1DC00] =	vst v63  }
0x1f9: {  	_ =	swait.ge [sflag:s10], $0x4000  }
0x1fa: {  	[sflag:s10] =	ssyncset.done $0x0  }
0x1fb: {  	s25 =	rddreg [dreg:$0x1a];
	[sflag:s10] =	ssyncadd.s32 $0xFFFFC000  }
0x1fc: {  	[tilespmem:s9], [sflag:$0x1] =	stream.indirect.gather [hbm4b:s4+s12], $0x80, s25, s12, $0xb8;
	[tilespmem:$0x1DC00] =	vst v63  }
0x1fd: {  	_ =	swait.ge [sflag:s21], $0x4000  }
0x1fe: {  	[sflag:s21] =	ssyncset.done $0x0  }
0x1ff: {  	[sflag:s21] =	ssyncadd.s32 $0xFFFFC000  }
0x200: {  	[spmem:s2] =	stream.indirect.scatter.add.f32 [tilespmem:s19], [sflag:$0x3], $0x80, s22, s12, $0xb8;
	[tilespmem:$0x1DC00] =	vst v63  }
0x201: {  	_ =	swait.ge [sflag:s10], $0x4000  }
0x202: {  	[sflag:s10] =	ssyncset.done $0x0  }
0x203: {  	[sflag:s10] =	ssyncadd.s32 $0xFFFFC000  }
0x204: {  	[tilespmem:s19], [sflag:$0x2] =	stream.indirect.gather [hbm4b:s4+s12], $0x80, s23, s12, $0xb8;
	[tilespmem:$0x1DC00] =	vst v63  }
0x205: {  	_ =	swait.ge [sflag:s20], $0x4000  }
0x206: {  	[sflag:s20] =	ssyncset.done $0x0  }
0x207: {  	[sflag:s20] =	ssyncadd.s32 $0xFFFFC000  }
0x208: {  	[spmem:s2] =	stream.indirect.scatter.add.f32 [tilespmem:s9], [sflag:$0x3], $0x80, s24, s12, $0xb8;
	[tilespmem:$0x1DC00] =	vst v63  }
0x209: {  	_ =	swait.ge [sflag:s10], $0x4000  }
0x20a: {  	[sflag:s10] =	ssyncset.done $0x0  }
0x20b: {  	[sflag:s10] =	ssyncadd.s32 $0xFFFFC000  }
0x20c: {  	[tilespmem:s9], [sflag:$0x1] =	stream.indirect.gather [hbm4b:s4+s12], $0x80, s26, s12, $0xb8;
	[tilespmem:$0x1DC00] =	vst v63  }
0x20d: {  	_ =	swait.ge [sflag:s21], $0x4000  }
0x20e: {  	[sflag:s21] =	ssyncset.done $0x0  }
0x20f: {  	[sflag:s21] =	ssyncadd.s32 $0xFFFFC000  }
0x210: {  	[spmem:s2] =	stream.indirect.scatter.add.f32 [tilespmem:s19], [sflag:$0x3], $0x80, s28, s12, $0xb8;
	[tilespmem:$0x1DC00] =	vst v63  }
0x211: {  	_ =	swait.ge [sflag:s10], $0x4000  }
0x212: {  	[sflag:s10] =	ssyncset.done $0x0  }
0x213: {  	[sflag:s10] =	ssyncadd.s32 $0xFFFFC000  }
0x214: {  	[tilespmem:s19], [sflag:$0x2] =	stream.indirect.gather [hbm4b:s4+s12], $0x80, s29, s12, $0xb8;
	[tilespmem:$0x1DC00] =	vst v63  }
0x215: {  	_ =	swait.ge [sflag:s20], $0x4000  }
0x216: {  	[sflag:s20] =	ssyncset.done $0x0  }
0x217: {  	[sflag:s20] =	ssyncadd.s32 $0xFFFFC000  }
0x218: {  	[spmem:s2] =	stream.indirect.scatter.add.f32 [tilespmem:s9], [sflag:$0x3], $0x80, s30, s12, $0xb8;
	[tilespmem:$0x1DC00] =	vst v63  }
0x219: {  	_ =	swait.ge [sflag:s10], $0x4000  }
0x21a: {  	[sflag:s10] =	ssyncset.done $0x0  }
0x21b: {  	[sflag:s10] =	ssyncadd.s32 $0xFFFFC000  }
0x21c: {  	[tilespmem:s9], [sflag:$0x1] =	stream.indirect.gather [hbm4b:s4+s12], $0x80, s31, s12, $0xb8;
	[tilespmem:$0x1DC00] =	vst v63  }
0x21d: {  	_ =	swait.ge [sflag:s21], $0x4000  }
0x21e: {  	[sflag:s21] =	ssyncset.done $0x0  }
0x21f: {  	[sflag:s21] =	ssyncadd.s32 $0xFFFFC000  }
0x220: {  	[spmem:s2] =	stream.indirect.scatter.add.f32 [tilespmem:s19], [sflag:$0x3], $0x80, s1, s12, $0xb8;
	[tilespmem:$0x1DC00] =	vst v63  }
0x221: {  	_ =	swait.ge [sflag:s10], $0x4000  }
0x222: {  	[sflag:s10] =	ssyncset.done $0x0  }
0x223: {  	[sflag:s10] =	ssyncadd.s32 $0xFFFFC000  }
0x224: {  	[tilespmem:s19], [sflag:$0x2] =	stream.indirect.gather [hbm4b:s4+s12], $0x80, s13, s12, $0xb8;
	[tilespmem:$0x1DC00] =	vst v63  }
0x225: {  	_ =	swait.ge [sflag:s20], $0x4000  }
0x226: {  	[sflag:s20] =	ssyncset.done $0x0  }
0x227: {  	[sflag:s20] =	ssyncadd.s32 $0xFFFFC000  }
0x228: {  	[spmem:s2] =	stream.indirect.scatter.add.f32 [tilespmem:s9], [sflag:$0x3], $0x80, s14, s12, $0xb8;
	[tilespmem:$0x1DC00] =	vst v63  }
0x229: {  	_ =	swait.ge [sflag:s10], $0x4000  }
0x22a: {  	[sflag:s10] =	ssyncset.done $0x0  }
0x22b: {  	[sflag:s10] =	ssyncadd.s32 $0xFFFFC000  }
0x22c: {  	[tilespmem:s9], [sflag:$0x1] =	stream.indirect.gather [hbm4b:s4+s12], $0x80, s15, s12, $0xb8;
	[tilespmem:$0x1DC00] =	vst v63  }
0x22d: {  	_ =	swait.ge [sflag:s21], $0x4000  }
0x22e: {  	[sflag:s21] =	ssyncset.done $0x0  }
0x22f: {  	[sflag:s21] =	ssyncadd.s32 $0xFFFFC000  }
0x230: {  	[spmem:s2] =	stream.indirect.scatter.add.f32 [tilespmem:s19], [sflag:$0x3], $0x80, s16, s12, $0xb8;
	[tilespmem:$0x1DC00] =	vst v63  }
0x231: {  	_ =	swait.ge [sflag:s10], $0x4000  }
0x232: {  	[sflag:s10] =	ssyncset.done $0x0  }
0x233: {  	[sflag:s10] =	ssyncadd.s32 $0xFFFFC000  }
0x234: {  	[tilespmem:s19], [sflag:$0x2] =	stream.indirect.gather [hbm4b:s4+s12], $0x80, s0, s12, $0xb8;
	[tilespmem:$0x1DC00] =	vst v63  }
0x235: {  	_ =	swait.ge [sflag:s20], $0x4000  }
0x236: {  	[sflag:s20] =	ssyncset.done $0x0  }
0x237: {  	[sflag:s20] =	ssyncadd.s32 $0xFFFFC000  }
0x238: {  	[spmem:s2] =	stream.indirect.scatter.add.f32 [tilespmem:s9], [sflag:$0x3], $0x80, s5, s12, $0xb8;
	[tilespmem:$0x1DC00] =	vst v63  }
0x239: {  	_ =	swait.ge [sflag:s10], $0x4000  }
0x23a: {  	[sflag:s10] =	ssyncset.done $0x0  }
0x23b: {  	[sflag:s10] =	ssyncadd.s32 $0xFFFFC000  }
0x23c: {  	_ =	swait.ge [sflag:s21], $0x4000  }
0x23d: {  	[sflag:s21] =	ssyncset.done $0x0  }
0x23e: {  	[sflag:s21] =	ssyncadd.s32 $0xFFFFC000  }
0x23f: {  	[spmem:s2] =	stream.indirect.scatter.add.f32 [tilespmem:s19], [sflag:$0x3], $0x80, s6, s12, $0xb8;
	[tilespmem:$0x1DC00] =	vst v63  }
0x240: {  	_ =	swait.ge [sflag:s10], $0x4000  }
0x241: {  	[sflag:s10] =	ssyncset.done $0x0  }
0x242: {  	[sflag:s10] =	ssyncadd.s32 $0xFFFFC000  }
0x243: {  	s7 =	stileid.u32;
	[bflag:$0x0] =	sbarrier.arrive $0xFFFF  }
0x244: {  	s7 =	sshll.u32 @!p0 s7, $0x6;
	s8 =	rddreg [dreg:$0x1d]  }
0x245: {  	s7 =	sor.u32 @!p0 $0x1C03, s7;
	s11 =	rddreg [dreg:$0x1f]  }
0x246: {  	[hbm:s8], [sflag:s7] =	dma.local @!p0 [spmem:s11], $0x3E80  }
0x247: {  	s7 =	simm.s32 @!p0 $0x3  }
0x248: {  	_ =	swait.ge @!p0 [sflag:s7], $0x3E80  }
0x249: {  	s8 =	sld [smem:$0x7FD];
	_ =	sdelay $0x2  }
0x24a: {  	s25 =	rddreg [dreg:$0x1e];
	s11 =	sadd.s32 $0x1, s8  }
0x24b: {  	p1 =	sne.s32 s11, s25  }
.Ltmp1:
0x24c: {  	_ = 	snop;
	(pc) =	sbr.rel @p1 .LBB2_1-.Ltmp1, $3  }
0x24d: {  	_ =	sdelay $0x1  }
0x24e: {  	[sflag:s7] =	ssyncset.done @!p0 $0x0  }
0x24f: {  	[sflag:s7] =	ssyncadd.s32 @!p0 $0xFFFFC180  }
0x250: {  	_ =	sfence.sel $0x180000  }
0x251: {  	[bflag:$0x0] =	sbarrier.arrive $0xFFFF  }
0x252: {  	_ =	strace $0x9000004D  }
0x253: {  	s0 =	stileid.u32;
	[bflag:$0x2] =	sbarrier.arrive $0xFFFF  }
0x254: {  	p0 =	sne.s32 s0, $0x0;
	s0 =	rddreg [dreg:$0x2]  }
0x255: {  	s0 =	sadd.s32 @!p0 $0x100000, s0  }
0x256: {  	[sflag:s0] =	ssyncadd.tile.s32 @!p0 $0x1;
	_ =	shalt  }
.Lfunc_end2:
_tile_overlayer_lowered:
.L_overlay_start_2:
0x257: {  	(tag) =	ssettag $0x2  }
0x258: {  	s0 =	rddreg [dreg:$0x0];
	s2 =	stileid.u32  }
0x259: {  	s1 =	rddreg [dreg:$0x1];
	p0 =	sne.s32 s2, $0x0  }
0x25a: {  	s3 =	rddreg [dreg:$0x2];
	[bflag:$0x3] =	sbarrier.arrive $0xFFFF;
	s2 =	simm.s32 @!p0 $0x1C03  }
0x25b: {  	[timem:s3], [sflag:s2] =	dma.local @!p0 [hbm:s0], s1  }
0x25c: {  	s0 =	simm.s32 @!p0 $0x3  }
0x25d: {  	_ =	swait.ge @!p0 [sflag:s0], s1  }
0x25e: {  	s1 =	ssub.s32 @!p0 $0x0, s1;
	[sflag:s0] =	ssyncset.done @!p0 $0x0  }
0x25f: {  	[sflag:s0] =	ssyncadd.s32 @!p0 s1  }
0x260: {  	[bflag:$0x3] =	sbarrier.arrive $0xFFFF  }
0x261: {  	_ =	shalt  }

// kernel: kernel.18.cloned.1.call-start
scs
__scs_entry_jumppad:
0x0: {  	(pc) =	sbr.rel $0x88, $3  }
0x1: {  	(tag) =	ssettag $0x0;
	lr =	simm.s32 $0x1  }
0x2: {  	[smem:$0x3F96] =	sst lr;
	_ =	strace $0xD0000000  }
0x3: {  	_ = 	snop  }
0x4: {  	_ = 	snop  }
0x5: {  	_ = 	snop  }
0x6: {  	_ = 	snop  }
0x7: {  	_ = 	snop  }
__scs_overlays_trampoline_lowered:
0x8: {  	[smem:$0x3FA5] =	sst s0  }
0x9: {  	[smem:$0x3FA6] =	sst s1  }
0xa: {  	[smem:$0x3FA7] =	sst s2  }
0xb: {  	[smem:$0x3FA8] =	sst s3  }
0xc: {  	[smem:$0x3FA9] =	sst s4  }
0xd: {  	[smem:$0x3FAA] =	sst s5  }
0xe: {  	[smem:$0x3FAB] =	sst s6  }
0xf: {  	[smem:$0x3FAC] =	sst s7  }
0x10: {  	[smem:$0x3FAD] =	sst s8  }
0x11: {  	[smem:$0x3FAE] =	sst s9;
	s0 =	simm.s32 @!p0 $0x0  }
0x12: {  	s1 =	sld [smem:$0x3F94];
	s0 =	simm.s32 @p0 $0x1  }
0x13: {  	[smem:$0x3FAF] =	sst s0;
	s0 =	simm.s32 @!p1 $0x0  }
0x14: {  	s2 =	sld [smem:$0x3F93];
	s0 =	simm.s32 @p1 $0x1  }
0x15: {  	[smem:$0x3FB0] =	sst s0;
	s0 =	simm.s32 @!p2 $0x0  }
0x16: {  	s3 =	sld [smem:$0x3FDB];
	s0 =	simm.s32 @p2 $0x1  }
0x17: {  	s4 =	simm.s32 $0x1BF5;
	[smem:$0x3FB2] =	sst s0  }
0x18: {  	s0 =	sld [smem:$0x3F95];
	_ =	swait.ge [sflag:s4], $0x0  }
0x19: {  	s7 =	sld [smem:$0x3F96]  }
0x1a: {  	s8 =	sadd.s32 $0xFFFFE003, lr  }
0x1b: {  	s9 =	sadd.s32 $0xFFFFFEF7, lr;
	s5 =	simm.s32 $0xFFFFFFFF;
	p2 =	slt.u32 s8, $0xFFFFF086  }
0x1c: {  	p1 =	slt.u32 s9, $0xF7A;
	s5 =	simm.s32 @!p2 $0x0  }
0x1d: {  	s5 =	simm.s32 @p1 $0x1;
	p0 =	seq.s32 s7, s2  }
0x1e: {  	s7 =	smul.u32 @!p0 $0xF7A, s2;
	p2 =	seq.s32 @!p0 s5, $0x0  }
0x1f: {  	s9 =	smul.u32 $0xF7A, s1;
	s8 =	simm.s32 @!p0 $0x1BF5;
	p2 =	por !p2, p0  }
0x20: {  	[sflag:s8] =	ssyncset.s32 @!p0 $0xFFFFF086;
	s6 =	sadd.s32 @!p0 s3, s7;
	s7 =	simm.s32 @!p0 $0x108  }
0x21: {  	s3 =	sadd.s32 s3, s9;
	s6 =	sadd.s32 @!p0 $0x88, s6;
	s7 =	simm.s32 @p2 $0x1082  }
0x22: {  	[simem:s7], [sflag:s8] =	dma.local @!p0 [hbm:s6], $0xF7A  }
0x23: {  	s9 =	sor.u32 $0xD0000000, s2;
	s6 =	simm.s32 $0x108;
	_ =	swait.ge @!p0 [sflag:s8], $0x0  }
0x24: {  	s3 =	sadd.s32 $0x88, s3;
	s6 =	simm.s32 @!p1 $0x1082;
	[sflag:s4] =	ssyncset.s32 $0xFFFFF086  }
0x25: {  	[simem:s6], [sflag:s4] =	dma.local [hbm:s3], $0xF7A  }
0x26: {  	[smem:$0x3F96] =	sst s1;
	(tag) =	ssettag s2;
	_ =	strace s9  }
0x27: {  	s1 =	sld [smem:$0x3FA6]  }
0x28: {  	s2 =	sld [smem:$0x3FA7]  }
0x29: {  	s4 =	sld [smem:$0x3FA9]  }
0x2a: {  	p0 =	seq.s32 s5, $0x0;
	s5 =	sld [smem:$0x3FAA]  }
0x2b: {  	s6 =	sld [smem:$0x3FAB]  }
0x2c: {  	s7 =	sld [smem:$0x3FAC]  }
0x2d: {  	s3 =	simm.s32 $0x108;
	s8 =	sld [smem:$0x3FAD]  }
0x2e: {  	s3 =	simm.s32 @!p0 $0x1082;
	s9 =	sld [smem:$0x3FAE]  }
0x2f: {  	lr =	sadd.s32 s0, s3;
	s0 =	sld [smem:$0x3FA5]  }
0x30: {  	s3 =	sld [smem:$0x3FA8]  }
0x31: {  	[smem:$0x3FB1] =	sst s10  }
0x32: {  	s10 =	sld [smem:$0x3FAF];
	_ =	sdelay $0x3  }
0x33: {  	p0 =	seq.s32 s10, $0x1;
	s10 =	sld [smem:$0x3FB1];
	_ =	sdelay $0x3  }
0x34: {  	[smem:$0x3FB1] =	sst s10  }
0x35: {  	s10 =	sld [smem:$0x3FB0];
	_ =	sdelay $0x3  }
0x36: {  	p1 =	seq.s32 s10, $0x1;
	s10 =	sld [smem:$0x3FB1];
	_ =	sdelay $0x3  }
0x37: {  	[smem:$0x3FB1] =	sst s10  }
0x38: {  	s10 =	sld [smem:$0x3FB2]  }
0x39: {  	_ = 	snop;
	(pc) =	sbr.ind lr, $3  }
0x3a: {  	_ = 	snop  }
0x3b: {  	_ = 	snop  }
0x3c: {  	p2 =	seq.s32 s10, $0x1;
	s10 =	sld [smem:$0x3FB1]  }
0x3d: {  	_ =	shalt  }
0x3e: {  	_ =	shalt  }
0x3f: {  	_ =	shalt  }
0x40: {  	_ =	shalt  }
0x41: {  	_ =	shalt  }
0x42: {  	_ =	shalt  }
0x43: {  	_ =	shalt  }
0x44: {  	_ =	shalt  }
0x45: {  	_ =	shalt  }
0x46: {  	_ =	shalt  }
0x47: {  	_ =	shalt  }
0x48: {  	_ =	shalt  }
0x49: {  	_ =	shalt  }
0x4a: {  	_ =	shalt  }
0x4b: {  	_ =	shalt  }
0x4c: {  	_ =	shalt  }
0x4d: {  	_ =	shalt  }
0x4e: {  	_ =	shalt  }
0x4f: {  	_ =	shalt  }
0x50: {  	_ =	shalt  }
0x51: {  	_ =	shalt  }
0x52: {  	_ =	shalt  }
0x53: {  	_ =	shalt  }
0x54: {  	_ =	shalt  }
0x55: {  	_ =	shalt  }
0x56: {  	_ =	shalt  }
0x57: {  	_ =	shalt  }
0x58: {  	_ =	shalt  }
0x59: {  	_ =	shalt  }
0x5a: {  	_ =	shalt  }
0x5b: {  	_ =	shalt  }
0x5c: {  	_ =	shalt  }
0x5d: {  	_ =	shalt  }
0x5e: {  	_ =	shalt  }
0x5f: {  	_ =	shalt  }
0x60: {  	_ =	shalt  }
0x61: {  	_ =	shalt  }
0x62: {  	_ =	shalt  }
0x63: {  	_ =	shalt  }
0x64: {  	_ =	shalt  }
0x65: {  	_ =	shalt  }
0x66: {  	_ =	shalt  }
0x67: {  	_ =	shalt  }
0x68: {  	_ =	shalt  }
0x69: {  	_ =	shalt  }
0x6a: {  	_ =	shalt  }
0x6b: {  	_ =	shalt  }
0x6c: {  	_ =	shalt  }
0x6d: {  	_ =	shalt  }
0x6e: {  	_ =	shalt  }
0x6f: {  	_ =	shalt  }
0x70: {  	_ =	shalt  }
0x71: {  	_ =	shalt  }
0x72: {  	_ =	shalt  }
0x73: {  	_ =	shalt  }
0x74: {  	_ =	shalt  }
0x75: {  	_ =	shalt  }
0x76: {  	_ =	shalt  }
0x77: {  	_ =	shalt  }
0x78: {  	_ =	shalt  }
0x79: {  	_ =	shalt  }
0x7a: {  	_ =	shalt  }
0x7b: {  	_ =	shalt  }
0x7c: {  	_ =	shalt  }
0x7d: {  	_ =	shalt  }
0x7e: {  	_ =	shalt  }
0x7f: {  	_ =	shalt  }
0x80: {  	_ =	shalt  }
0x81: {  	_ =	shalt  }
0x82: {  	_ =	shalt  }
0x83: {  	_ =	shalt  }
0x84: {  	_ =	shalt  }
0x85: {  	_ =	shalt  }
0x86: {  	_ =	shalt  }
0x87: {  	_ =	shalt  }
.Lfunc_end0:
.L_simem_size_0:
called_computation.3_lowered:
.L_overlay_start_0:
0x88: {  	s2 =	sld [smem:$0x3FD9]  }
0x89: {  	s3 =	sld [smem:$0x3FFE];
	_ =	sdelay $0x1  }
0x8a: {  	s1 =	srdreg.scid  }
0x8b: {  	s0 =	sand.u32 $0x1, s1  }
0x8c: {  	s16 =	sshll.u32 s0, $0xA;
	s2 =	sadd.s32 s3, s2  }
0x8d: {  	s2 =	sadd.s32 s2, s16  }
0x8e: {  	[smem:$0x3FBD] =	sst s2  }
0x8f: {  	_ = 	snop  }
0x90: {  	(tm) =	ssettm $0x1  }
0x91: {  	s17 =	sld [smem:$0x3FFB];
	_ =	sdelay $0x3  }
0x92: {  	_ =	strace s17  }
0x93: {  	s2 =	sld [smem:$0x3FFC];
	_ =	sdelay $0x3  }
0x94: {  	_ =	strace s2  }
0x95: {  	s2 =	sld [smem:$0x3FFD];
	_ =	sdelay $0x3  }
0x96: {  	_ =	strace s2  }
0x97: {  	_ =	strace $0x8FFFFFFF  }
0x98: {  	s18 =	sld [smem:$0x3FDB];
	_ =	sdelay $0x1  }
0x99: {  	s19 =	simm.s32 $_scs_section_size  }
0x9a: {  	s4 =	simm.s32 $_size__tile_overlayer_lowered;
	s5 =	simm.s32 $_tile_overlayer_lowered  }
0x9b: {  	s22 =	simm.s32 $0x1BFF;
	s21 =	sshll.u32 s5, $0x1;
	s2 =	sadd.s32 s19, s18  }
0x9c: {  	s6 =	simm.s32 $0x0;
	s20 =	sshll.u32 s4, $0x1;
	s4 =	sadd.s32 s21, s2  }
0x9d: {  	[timem:s6], [sflag:s22] =	dma.local [hbm:s4], s20  }
0x9e: {  	_ =	swait.ge [sflag:s22], s20  }
0x9f: {  	s3 =	ssub.s32 $0x0, s20;
	[sflag:s22] =	ssyncset.done $0x0  }
0xa0: {  	[sflag:s22] =	ssyncadd.s32 s3;
	_ =	sdelay $0x1  }
0xa1: {  	s23 =	simm.s32 $0x1B8B  }
0xa2: {  	_ =	swait.ge [sflag:s23], $0x1  }
0xa3: {  	[sflag:s23] =	ssyncset.done $0x0  }
0xa4: {  	s25 =	simm.s32 $0x1B8E;
	s24 =	sld [smem:$0x3FFE];
	[sflag:s23] =	ssyncadd.s32 $0xFFFFFFFF  }
0xa5: {  	s26 =	simm.s32 $execute0_lowered;
	[smem:$0x3FD2] =	sst s25  }
0xa6: {  	s4 =	sshll.u32 s26, $0x1;
	_ =	strace $0x8000004F;
	[dreg:$0x1] =	wrdreg $0xFFFFFFFF  }
0xa7: {  	s28 =	simm.s32 $_size_execute0_lowered;
	s2 =	sadd.s32 s2, s4;
	[dreg:$0x0] =	wrdreg $0x0  }
0xa8: {  	s4 =	sshll.u32 s28, $0x1;
	[dreg:$0x2] =	wrdreg s2  }
0xa9: {  	[dreg:$0x3] =	wrdreg s4  }
0xaa: {  	[dreg:$0x4] =	wrdreg $0xC0  }
0xab: {  	_ =	task [dreg:s6], $0x5FFFF  }
0xac: {  	[dreg:$0x1] =	wrdreg $0xFFFFFFFF  }
0xad: {  	[dreg:$0x0] =	wrdreg $0x60  }
0xae: {  	[dreg:$0x2] =	wrdreg s24  }
0xaf: {  	[dreg:$0x3] =	wrdreg $0x0  }
0xb0: {  	[dreg:$0x4] =	wrdreg $0x9  }
0xb1: {  	_ =	task.clear_ibuf [dreg:s6], $0x5FFFF;
	_ =	strace $0x9000004F  }
0xb2: {  	s29 =	simm.s32 $0x9;
	_ =	strace $0x80000051  }
0xb3: {  	_ =	swait.ge [sflag:s29], $0x1  }
0xb4: {  	[sflag:s29] =	ssyncadd.s32 $0xFFFFFFFF  }
0xb5: {  	_ =	strace $0x90000051  }
0xb6: {  	_ =	sfence  }
0xb7: {  	s30 =	sld [smem:$0x0];
	_ =	sdelay $0x2  }
0xb8: {  	s31 =	sshll.u32 s1, $0xD;
	s1 =	sshrl.u32 s1, $0x2  }
0xb9: {  	s3 =	sand.u32 $0x4000, s31;
	s1 =	sadd.s32 s1, s30  }
0xba: {  	s0 =	sor.u32 s3, s0;
	s1 =	sshll.u32 s1, $0x11  }
0xbb: {  	s0 =	sor.u32 s1, s0  }
0xbc: {  	s0 =	sadd.s32 $0x8F2B, s0  }
0xbd: {  	[sflag:s0] =	ssyncadd.remote.s32 $0x1  }
0xbe: {  	_ =	sfence.sel $0xFFFF  }
0xbf: {  	[dreg:$0x0] =	wrdreg $0xFFFFFFFF;
	(pc) =	sbr.abs _section_cstart, $3  }
0xc0: {  	[dreg:$0x1] =	wrdreg $0xFFFFFFFF  }
0xc1: {  	_ =	task.clear_ibuf [dreg:s6], $0x2FFFF;
	_ =	strace $0x9FFFFFFF  }
0xc2: {  	(tm) =	ssettm $0x7FFFFFFF  }
0xc3: {  	_ =	shalt  }
tec
execute0_lowered:
.L_overlay_start_1:
0x0: {  	(tag) =	ssettag $0x1  }
0x1: {  	s0 =	rddreg [dreg:$0x0]  }
0x2: {  	s1 =	srdreg.scid;
	s11 =	stileid.u32  }
0x3: {  	s2 =	rddreg [dreg:$0x1];
	s3 =	simm.s32 $0x0;
	s21 =	simm.s32 $0x14080  }
0x4: {  	s22 =	simm.s32 $0x14100;
	[smem:$0x7FF] =	sst s3;
	s8 =	sadd.s32 $0x1C600, s0  }
0x5: {  	s24 =	simm.s32 $0x14C80;
	_ =	strace $0x80000050;
	[dreg:$0x1b] =	wrdreg s8  }
0x6: {  	s25 =	simm.s32 $0x14180;
	s9 =	simm.s32 $0x14D80;
	[dreg:$0x5] =	wrdreg s21  }
0x7: {  	s12 =	simm.s32 $0x14280;
	s13 =	simm.s32 $0x14E00;
	[dreg:$0x6] =	wrdreg s22  }
0x8: {  	s14 =	simm.s32 $0x14300;
	s15 =	simm.s32 $0x14E80;
	[dreg:$0x7] =	wrdreg s24  }
0x9: {  	s16 =	simm.s32 $0x14380;
	s17 =	simm.s32 $0x14F00;
	[dreg:$0x8] =	wrdreg s25  }
0xa: {  	s18 =	simm.s32 $0x14400;
	s28 =	simm.s32 $0x15280;
	[dreg:$0xb] =	wrdreg s9  }
0xb: {  	s29 =	simm.s32 $0x14780;
	s30 =	simm.s32 $0x15300;
	[dreg:$0xc] =	wrdreg s12  }
0xc: {  	s31 =	simm.s32 $0x14800;
	s4 =	smul.u32 $0x6000, s11;
	[dreg:$0xd] =	wrdreg s13  }
0xd: {  	s1 =	sand.u32 $0x1, s1;
	s7 =	smul.u32 $0x1F400, s11;
	[dreg:$0xe] =	wrdreg s14  }
0xe: {  	s19 =	sshll.u32 s11, $0x7;
	s5 =	smul.u32 $0x3000, s1;
	[dreg:$0xf] =	wrdreg s15  }
0xf: {  	p0 =	sgt.u32 s11, $0x9;
	s6 =	smul.u32 $0x138800, s1;
	[dreg:$0x10] =	wrdreg s16  }
0x10: {  	s8 =	sadd.s32 s19, s0;
	s1 =	ssub.s32 $0x2, s1;
	[dreg:$0x11] =	wrdreg s17  }
0x11: {  	s9 =	simm.s32 $0x15C00;
	s12 =	simm.s32 $0x80;
	[dreg:$0x12] =	wrdreg s18  }
0x12: {  	s19 =	simm.s32 $0x14F80;
	s21 =	simm.s32 $0x15000;
	s22 =	simm.s32 $0x14500  }
0x13: {  	s17 =	simm.s32 $0x14000;
	s18 =	simm.s32 $0x14C00;
	s24 =	simm.s32 $0x14580  }
0x14: {  	s25 =	simm.s32 $0x15100;
	s13 =	simm.s32 $0x14880;
	[dreg:$0x13] =	wrdreg s19  }
0x15: {  	s14 =	simm.s32 $0x15400;
	s15 =	simm.s32 $0x14900;
	[dreg:$0x15] =	wrdreg s21  }
0x16: {  	s16 =	simm.s32 $0x15480;
	s23 =	sshrl.u32 s1, $0x1;
	[dreg:$0x16] =	wrdreg s22  }
0x17: {  	s26 =	sadd.s32 $0x1BE00, s8;
	s8 =	simm.s32 $0x14200;
	[dreg:$0x18] =	wrdreg s24  }
0x18: {  	s19 =	simm.s32 $0x19C00;
	[dreg:$0x19] =	wrdreg s25;
	s21 =	simm.s32 $0x2  }
0x19: {  	s22 =	simm.s32 $0x15180;
	s24 =	simm.s32 $0x15200;
	s5 =	sadd.s32 s5, s4  }
0x1a: {  	s4 =	sadd.s32 $0x1CE00, s0;
	s6 =	sadd.s32 s7, s6;
	[dreg:$0x1c] =	wrdreg s26  }
0x1b: {  	s1 =	ssub.s32 s1, s23;
	s7 =	smul.u32 $0x7D000, s11;
	[dreg:$0xa] =	wrdreg s8  }
0x1c: {  	s23 =	simm.s32 $0x15080;
	s26 =	simm.s32 $0x14600;
	s11 =	simm.s32 $0x0  }
0x1d: {  	s5 =	sshrl.u32 s5, $0x3;
	s6 =	sshrl.u32 s6, $0x3;
	[dreg:$0x17] =	wrdreg s23  }
0x1e: {  	s1 =	smax.u32 s1, $0x1;
	[dreg:$0x1a] =	wrdreg s26;
	s5 =	sadd.s32 s5, s0  }
0x1f: {  	s0 =	sadd.s32 s6, s0;
	s6 =	simm.s32 $0x14D00;
	[dreg:$0x1e] =	wrdreg s1  }
0x20: {  	s23 =	simm.s32 $0x14680;
	s20 =	sadd.s32 $0x3E00, s5;
	[dreg:$0x9] =	wrdreg s6  }
0x21: {  	s26 =	simm.s32 $0x14700;
	s5 =	sadd.s32 $0xFE00, s5;
	[dreg:$0x3] =	wrdreg s20  }
0x22: {  	s10 =	sshrl.u32 s7, $0x2;
	s0 =	sadd.s32 $0x44000, s0;
	[dreg:$0x4] =	wrdreg s5  }
0x23: {  	s1 =	simm.s32 $0x15380;
	s6 =	simm.s32 $0x15580;
	[dreg:$0x1d] =	wrdreg s0  }
0x24: {  	s5 =	sadd.s32 s10, s2;
	s10 =	simm.s32 $0x3;
	s20 =	simm.s32 $0x14480  }
0x25: {  	[dreg:$0x14] =	wrdreg s20;
	s20 =	simm.s32 $0x1;
	s0 =	sshrl.u32 @!p0 s5, $0x3  }
0x26: {  	s5 =	simm.s32 $0x15500;
	[dreg:$0x1f] =	wrdreg s0;
	s0 =	simm.s32 $0x14980  }
.LBB2_1:
0x27: {  	[smem:$0x7FD] =	sst s11  }
0x28: {  	s7 =	rddreg [dreg:$0x1b]  }
0x29: {  	[tilespmem:s9], [sflag:$0x3] =	stream.linear.gather [hbm4b:s7+s3], $0x4000, $0x38;
	[tilespmem:$0x1DC00] =	vst v63  }
0x2a: {  	_ =	swait.ge [sflag:s10], $0x4000  }
0x2b: {  	[sflag:s10] =	ssyncset.done $0x0  }
0x2c: {  	s8 =	simm.s32 $0x15800;
	s11 =	rddreg [dreg:$0x1c];
	[sflag:s10] =	ssyncadd.s32 $0xFFFFC000  }
0x2d: {  	[tilespmem:s8], [sflag:$0x3] =	stream.linear.gather [hbm4b:s11+s3], $0x280, $0x38;
	[tilespmem:$0x1DC00] =	vst v63  }
0x2e: {  	_ =	swait.ge [sflag:s10], $0x280  }
0x2f: {  	[sflag:s10] =	ssyncset.done $0x0  }
0x30: {  	[sflag:s10] =	ssyncadd.s32 $0xFFFFFD80  }
0x31: {  	[spmem:s2] =	stream.indirect.scatter [tilespmem:s9], [sflag:$0x3], $0x80, s8, s12, $0xb8;
	[tilespmem:$0x1DC00] =	vst v63  }
0x32: {  	_ =	swait.ge [sflag:s10], $0x4000  }
0x33: {  	[sflag:s10] =	ssyncset.done $0x0  }
0x34: {  	s25 =	simm.s32 $0x15880;
	[sflag:s10] =	ssyncadd.s32 $0xFFFFC000  }
0x35: {  	[spmem:s2] =	stream.indirect.scatter [tilespmem:s9], [sflag:$0x3], $0x80, s25, s12, $0xb8;
	[tilespmem:$0x1DC00] =	vst v63  }
0x36: {  	_ =	swait.ge [sflag:s10], $0x4000  }
0x37: {  	[sflag:s10] =	ssyncset.done $0x0  }
0x38: {  	s8 =	simm.s32 $0x15900;
	[sflag:s10] =	ssyncadd.s32 $0xFFFFC000  }
0x39: {  	[spmem:s2] =	stream.indirect.scatter [tilespmem:s9], [sflag:$0x3], $0x80, s8, s12, $0xb8;
	[tilespmem:$0x1DC00] =	vst v63  }
0x3a: {  	_ =	swait.ge [sflag:s10], $0x4000  }
0x3b: {  	[sflag:s10] =	ssyncset.done $0x0  }
0x3c: {  	s11 =	simm.s32 $0x15980;
	[sflag:s10] =	ssyncadd.s32 $0xFFFFC000  }
0x3d: {  	[spmem:s2] =	stream.indirect.scatter [tilespmem:s9], [sflag:$0x3], $0x80, s11, s12, $0xb8;
	[tilespmem:$0x1DC00] =	vst v63  }
0x3e: {  	_ =	swait.ge [sflag:s10], $0x4000  }
0x3f: {  	[sflag:s10] =	ssyncset.done $0x0  }
0x40: {  	s25 =	simm.s32 $0x15A00;
	[sflag:s10] =	ssyncadd.s32 $0xFFFFC000  }
0x41: {  	[spmem:s2] =	stream.indirect.scatter [tilespmem:s9], [sflag:$0x3], $0x80, s25, s12, $0xb8;
	[tilespmem:$0x1DC00] =	vst v63  }
0x42: {  	_ =	swait.ge [sflag:s10], $0x4000  }
0x43: {  	[sflag:s10] =	ssyncset.done $0x0  }
0x44: {  	[sflag:s10] =	ssyncadd.s32 $0xFFFFC000  }
0x45: {  	[bflag:$0x0] =	sbarrier.arrive $0xFFFF  }
0x46: {  	s7 =	rddreg [dreg:$0x4]  }
0x47: {  	s8 =	sadd.s32 $0x0, s7  }
0x48: {  	[tilespmem:s17], [sflag:$0x3] =	stream.linear.gather [hbm4b:s8+s3], $0xA00, $0x38;
	[tilespmem:$0x1DC00] =	vst v63  }
0x49: {  	_ =	swait.ge [sflag:s10], $0xA00  }
0x4a: {  	s11 =	rddreg [dreg:$0x3];
	[sflag:s10] =	ssyncset.done $0x0  }
0x4b: {  	[sflag:s10] =	ssyncadd.s32 $0xFFFFF600;
	s8 =	sadd.s32 $0x0, s11  }
0x4c: {  	[tilespmem:s18], [sflag:$0x3] =	stream.linear.gather [hbm4b:s8+s3], $0xA00, $0x38;
	[tilespmem:$0x1DC00] =	vst v63  }
0x4d: {  	_ =	swait.ge [sflag:s10], $0xA00  }
0x4e: {  	[sflag:s10] =	ssyncset.done $0x0  }
0x4f: {  	[sflag:s10] =	ssyncadd.s32 $0xFFFFF600  }
0x50: {  	[tilespmem:s9], [sflag:$0x1] =	stream.indirect.gather [hbm4b:s4+s12], $0x80, s17, s12, $0xb8;
	[tilespmem:$0x1DC00] =	vst v63  }
0x51: {  	s25 =	rddreg [dreg:$0x5]  }
0x52: {  	[tilespmem:s19], [sflag:$0x2] =	stream.indirect.gather [hbm4b:s4+s12], $0x80, s25, s12, $0xb8;
	[tilespmem:$0x1DC00] =	vst v63  }
0x53: {  	_ =	swait.ge [sflag:s20], $0x4000  }
0x54: {  	[sflag:s20] =	ssyncset.done $0x0  }
0x55: {  	[sflag:s20] =	ssyncadd.s32 $0xFFFFC000  }
0x56: {  	[spmem:s2] =	stream.indirect.scatter.add.f32 [tilespmem:s9], [sflag:$0x3], $0x80, s18, s12, $0xb8;
	[tilespmem:$0x1DC00] =	vst v63  }
0x57: {  	_ =	swait.ge [sflag:s10], $0x4000  }
0x58: {  	[sflag:s10] =	ssyncset.done $0x0  }
0x59: {  	s7 =	rddreg [dreg:$0x6];
	[sflag:s10] =	ssyncadd.s32 $0xFFFFC000  }
0x5a: {  	[tilespmem:s9], [sflag:$0x1] =	stream.indirect.gather [hbm4b:s4+s12], $0x80, s7, s12, $0xb8;
	[tilespmem:$0x1DC00] =	vst v63  }
0x5b: {  	_ =	swait.ge [sflag:s21], $0x4000  }
0x5c: {  	[sflag:s21] =	ssyncset.done $0x0  }
0x5d: {  	s11 =	rddreg [dreg:$0x7];
	[sflag:s21] =	ssyncadd.s32 $0xFFFFC000  }
0x5e: {  	[spmem:s2] =	stream.indirect.scatter.add.f32 [tilespmem:s19], [sflag:$0x3], $0x80, s11, s12, $0xb8;
	[tilespmem:$0x1DC00] =	vst v63  }
0x5f: {  	_ =	swait.ge [sflag:s10], $0x4000  }
0x60: {  	[sflag:s10] =	ssyncset.done $0x0  }
0x61: {  	s25 =	rddreg [dreg:$0x8];
	[sflag:s10] =	ssyncadd.s32 $0xFFFFC000  }
0x62: {  	[tilespmem:s19], [sflag:$0x2] =	stream.indirect.gather [hbm4b:s4+s12], $0x80, s25, s12, $0xb8;
	[tilespmem:$0x1DC00] =	vst v63  }
0x63: {  	_ =	swait.ge [sflag:s20], $0x4000  }
0x64: {  	[sflag:s20] =	ssyncset.done $0x0  }
0x65: {  	s7 =	rddreg [dreg:$0x9];
	[sflag:s20] =	ssyncadd.s32 $0xFFFFC000  }
0x66: {  	[spmem:s2] =	stream.indirect.scatter.add.f32 [tilespmem:s9], [sflag:$0x3], $0x80, s7, s12, $0xb8;
	[tilespmem:$0x1DC00] =	vst v63  }
0x67: {  	_ =	swait.ge [sflag:s10], $0x4000  }
0x68: {  	[sflag:s10] =	ssyncset.done $0x0  }
0x69: {  	s11 =	rddreg [dreg:$0xa];
	[sflag:s10] =	ssyncadd.s32 $0xFFFFC000  }
0x6a: {  	[tilespmem:s9], [sflag:$0x1] =	stream.indirect.gather [hbm4b:s4+s12], $0x80, s11, s12, $0xb8;
	[tilespmem:$0x1DC00] =	vst v63  }
0x6b: {  	_ =	swait.ge [sflag:s21], $0x4000  }
0x6c: {  	[sflag:s21] =	ssyncset.done $0x0  }
0x6d: {  	s25 =	rddreg [dreg:$0xb];
	[sflag:s21] =	ssyncadd.s32 $0xFFFFC000  }
0x6e: {  	[spmem:s2] =	stream.indirect.scatter.add.f32 [tilespmem:s19], [sflag:$0x3], $0x80, s25, s12, $0xb8;
	[tilespmem:$0x1DC00] =	vst v63  }
0x6f: {  	_ =	swait.ge [sflag:s10], $0x4000  }
0x70: {  	[sflag:s10] =	ssyncset.done $0x0  }
0x71: {  	s7 =	rddreg [dreg:$0xc];
	[sflag:s10] =	ssyncadd.s32 $0xFFFFC000  }
0x72: {  	[tilespmem:s19], [sflag:$0x2] =	stream.indirect.gather [hbm4b:s4+s12], $0x80, s7, s12, $0xb8;
	[tilespmem:$0x1DC00] =	vst v63  }
0x73: {  	_ =	swait.ge [sflag:s20], $0x4000  }
0x74: {  	[sflag:s20] =	ssyncset.done $0x0  }
0x75: {  	s11 =	rddreg [dreg:$0xd];
	[sflag:s20] =	ssyncadd.s32 $0xFFFFC000  }
0x76: {  	[spmem:s2] =	stream.indirect.scatter.add.f32 [tilespmem:s9], [sflag:$0x3], $0x80, s11, s12, $0xb8;
	[tilespmem:$0x1DC00] =	vst v63  }
0x77: {  	_ =	swait.ge [sflag:s10], $0x4000  }
0x78: {  	[sflag:s10] =	ssyncset.done $0x0  }
0x79: {  	s25 =	rddreg [dreg:$0xe];
	[sflag:s10] =	ssyncadd.s32 $0xFFFFC000  }
0x7a: {  	[tilespmem:s9], [sflag:$0x1] =	stream.indirect.gather [hbm4b:s4+s12], $0x80, s25, s12, $0xb8;
	[tilespmem:$0x1DC00] =	vst v63  }
0x7b: {  	_ =	swait.ge [sflag:s21], $0x4000  }
0x7c: {  	[sflag:s21] =	ssyncset.done $0x0  }
0x7d: {  	s7 =	rddreg [dreg:$0xf];
	[sflag:s21] =	ssyncadd.s32 $0xFFFFC000  }
0x7e: {  	[spmem:s2] =	stream.indirect.scatter.add.f32 [tilespmem:s19], [sflag:$0x3], $0x80, s7, s12, $0xb8;
	[tilespmem:$0x1DC00] =	vst v63  }
0x7f: {  	_ =	swait.ge [sflag:s10], $0x4000  }
0x80: {  	[sflag:s10] =	ssyncset.done $0x0  }
0x81: {  	s11 =	rddreg [dreg:$0x10];
	[sflag:s10] =	ssyncadd.s32 $0xFFFFC000  }
0x82: {  	[tilespmem:s19], [sflag:$0x2] =	stream.indirect.gather [hbm4b:s4+s12], $0x80, s11, s12, $0xb8;
	[tilespmem:$0x1DC00] =	vst v63  }
0x83: {  	_ =	swait.ge [sflag:s20], $0x4000  }
0x84: {  	[sflag:s20] =	ssyncset.done $0x0  }
0x85: {  	s25 =	rddreg [dreg:$0x11];
	[sflag:s20] =	ssyncadd.s32 $0xFFFFC000  }
0x86: {  	[spmem:s2] =	stream.indirect.scatter.add.f32 [tilespmem:s9], [sflag:$0x3], $0x80, s25, s12, $0xb8;
	[tilespmem:$0x1DC00] =	vst v63  }
0x87: {  	_ =	swait.ge [sflag:s10], $0x4000  }
0x88: {  	[sflag:s10] =	ssyncset.done $0x0  }
0x89: {  	s7 =	rddreg [dreg:$0x12];
	[sflag:s10] =	ssyncadd.s32 $0xFFFFC000  }
0x8a: {  	[tilespmem:s9], [sflag:$0x1] =	stream.indirect.gather [hbm4b:s4+s12], $0x80, s7, s12, $0xb8;
	[tilespmem:$0x1DC00] =	vst v63  }
0x8b: {  	_ =	swait.ge [sflag:s21], $0x4000  }
0x8c: {  	[sflag:s21] =	ssyncset.done $0x0  }
0x8d: {  	s11 =	rddreg [dreg:$0x13];
	[sflag:s21] =	ssyncadd.s32 $0xFFFFC000  }
0x8e: {  	[spmem:s2] =	stream.indirect.scatter.add.f32 [tilespmem:s19], [sflag:$0x3], $0x80, s11, s12, $0xb8;
	[tilespmem:$0x1DC00] =	vst v63  }
0x8f: {  	_ =	swait.ge [sflag:s10], $0x4000  }
0x90: {  	[sflag:s10] =	ssyncset.done $0x0  }
0x91: {  	s25 =	rddreg [dreg:$0x14];
	[sflag:s10] =	ssyncadd.s32 $0xFFFFC000  }
0x92: {  	[tilespmem:s19], [sflag:$0x2] =	stream.indirect.gather [hbm4b:s4+s12], $0x80, s25, s12, $0xb8;
	[tilespmem:$0x1DC00] =	vst v63  }
0x93: {  	_ =	swait.ge [sflag:s20], $0x4000  }
0x94: {  	[sflag:s20] =	ssyncset.done $0x0  }
0x95: {  	s7 =	rddreg [dreg:$0x15];
	[sflag:s20] =	ssyncadd.s32 $0xFFFFC000  }
0x96: {  	[spmem:s2] =	stream.indirect.scatter.add.f32 [tilespmem:s9], [sflag:$0x3], $0x80, s7, s12, $0xb8;
	[tilespmem:$0x1DC00] =	vst v63  }
0x97: {  	_ =	swait.ge [sflag:s10], $0x4000  }
0x98: {  	[sflag:s10] =	ssyncset.done $0x0  }
0x99: {  	s11 =	rddreg [dreg:$0x16];
	[sflag:s10] =	ssyncadd.s32 $0xFFFFC000  }
0x9a: {  	[tilespmem:s9], [sflag:$0x1] =	stream.indirect.gather [hbm4b:s4+s12], $0x80, s11, s12, $0xb8;
	[tilespmem:$0x1DC00] =	vst v63  }
0x9b: {  	_ =	swait.ge [sflag:s21], $0x4000  }
0x9c: {  	[sflag:s21] =	ssyncset.done $0x0  }
0x9d: {  	s25 =	rddreg [dreg:$0x17];
	[sflag:s21] =	ssyncadd.s32 $0xFFFFC000  }
0x9e: {  	[spmem:s2] =	stream.indirect.scatter.add.f32 [tilespmem:s19], [sflag:$0x3], $0x80, s25, s12, $0xb8;
	[tilespmem:$0x1DC00] =	vst v63  }
0x9f: {  	_ =	swait.ge [sflag:s10], $0x4000  }
0xa0: {  	[sflag:s10] =	ssyncset.done $0x0  }
0xa1: {  	s7 =	rddreg [dreg:$0x18];
	[sflag:s10] =	ssyncadd.s32 $0xFFFFC000  }
0xa2: {  	[tilespmem:s19], [sflag:$0x2] =	stream.indirect.gather [hbm4b:s4+s12], $0x80, s7, s12, $0xb8;
	[tilespmem:$0x1DC00] =	vst v63  }
0xa3: {  	_ =	swait.ge [sflag:s20], $0x4000  }
0xa4: {  	[sflag:s20] =	ssyncset.done $0x0  }
0xa5: {  	s11 =	rddreg [dreg:$0x19];
	[sflag:s20] =	ssyncadd.s32 $0xFFFFC000  }
0xa6: {  	[spmem:s2] =	stream.indirect.scatter.add.f32 [tilespmem:s9], [sflag:$0x3], $0x80, s11, s12, $0xb8;
	[tilespmem:$0x1DC00] =	vst v63  }
0xa7: {  	_ =	swait.ge [sflag:s10], $0x4000  }
0xa8: {  	[sflag:s10] =	ssyncset.done $0x0  }
0xa9: {  	s25 =	rddreg [dreg:$0x1a];
	[sflag:s10] =	ssyncadd.s32 $0xFFFFC000  }
0xaa: {  	[tilespmem:s9], [sflag:$0x1] =	stream.indirect.gather [hbm4b:s4+s12], $0x80, s25, s12, $0xb8;
	[tilespmem:$0x1DC00] =	vst v63  }
0xab: {  	_ =	swait.ge [sflag:s21], $0x4000  }
0xac: {  	[sflag:s21] =	ssyncset.done $0x0  }
0xad: {  	[sflag:s21] =	ssyncadd.s32 $0xFFFFC000  }
0xae: {  	[spmem:s2] =	stream.indirect.scatter.add.f32 [tilespmem:s19], [sflag:$0x3], $0x80, s22, s12, $0xb8;
	[tilespmem:$0x1DC00] =	vst v63  }
0xaf: {  	_ =	swait.ge [sflag:s10], $0x4000  }
0xb0: {  	[sflag:s10] =	ssyncset.done $0x0  }
0xb1: {  	[sflag:s10] =	ssyncadd.s32 $0xFFFFC000  }
0xb2: {  	[tilespmem:s19], [sflag:$0x2] =	stream.indirect.gather [hbm4b:s4+s12], $0x80, s23, s12, $0xb8;
	[tilespmem:$0x1DC00] =	vst v63  }
0xb3: {  	_ =	swait.ge [sflag:s20], $0x4000  }
0xb4: {  	[sflag:s20] =	ssyncset.done $0x0  }
0xb5: {  	[sflag:s20] =	ssyncadd.s32 $0xFFFFC000  }
0xb6: {  	[spmem:s2] =	stream.indirect.scatter.add.f32 [tilespmem:s9], [sflag:$0x3], $0x80, s24, s12, $0xb8;
	[tilespmem:$0x1DC00] =	vst v63  }
0xb7: {  	_ =	swait.ge [sflag:s10], $0x4000  }
0xb8: {  	[sflag:s10] =	ssyncset.done $0x0  }
0xb9: {  	[sflag:s10] =	ssyncadd.s32 $0xFFFFC000  }
0xba: {  	[tilespmem:s9], [sflag:$0x1] =	stream.indirect.gather [hbm4b:s4+s12], $0x80, s26, s12, $0xb8;
	[tilespmem:$0x1DC00] =	vst v63  }
0xbb: {  	_ =	swait.ge [sflag:s21], $0x4000  }
0xbc: {  	[sflag:s21] =	ssyncset.done $0x0  }
0xbd: {  	[sflag:s21] =	ssyncadd.s32 $0xFFFFC000  }
0xbe: {  	[spmem:s2] =	stream.indirect.scatter.add.f32 [tilespmem:s19], [sflag:$0x3], $0x80, s28, s12, $0xb8;
	[tilespmem:$0x1DC00] =	vst v63  }
0xbf: {  	_ =	swait.ge [sflag:s10], $0x4000  }
0xc0: {  	[sflag:s10] =	ssyncset.done $0x0  }
0xc1: {  	[sflag:s10] =	ssyncadd.s32 $0xFFFFC000  }
0xc2: {  	[tilespmem:s19], [sflag:$0x2] =	stream.indirect.gather [hbm4b:s4+s12], $0x80, s29, s12, $0xb8;
	[tilespmem:$0x1DC00] =	vst v63  }
0xc3: {  	_ =	swait.ge [sflag:s20], $0x4000  }
0xc4: {  	[sflag:s20] =	ssyncset.done $0x0  }
0xc5: {  	[sflag:s20] =	ssyncadd.s32 $0xFFFFC000  }
0xc6: {  	[spmem:s2] =	stream.indirect.scatter.add.f32 [tilespmem:s9], [sflag:$0x3], $0x80, s30, s12, $0xb8;
	[tilespmem:$0x1DC00] =	vst v63  }
0xc7: {  	_ =	swait.ge [sflag:s10], $0x4000  }
0xc8: {  	[sflag:s10] =	ssyncset.done $0x0  }
0xc9: {  	[sflag:s10] =	ssyncadd.s32 $0xFFFFC000  }
0xca: {  	[tilespmem:s9], [sflag:$0x1] =	stream.indirect.gather [hbm4b:s4+s12], $0x80, s31, s12, $0xb8;
	[tilespmem:$0x1DC00] =	vst v63  }
0xcb: {  	_ =	swait.ge [sflag:s21], $0x4000  }
0xcc: {  	[sflag:s21] =	ssyncset.done $0x0  }
0xcd: {  	[sflag:s21] =	ssyncadd.s32 $0xFFFFC000  }
0xce: {  	[spmem:s2] =	stream.indirect.scatter.add.f32 [tilespmem:s19], [sflag:$0x3], $0x80, s1, s12, $0xb8;
	[tilespmem:$0x1DC00] =	vst v63  }
0xcf: {  	_ =	swait.ge [sflag:s10], $0x4000  }
0xd0: {  	[sflag:s10] =	ssyncset.done $0x0  }
0xd1: {  	[sflag:s10] =	ssyncadd.s32 $0xFFFFC000  }
0xd2: {  	[tilespmem:s19], [sflag:$0x2] =	stream.indirect.gather [hbm4b:s4+s12], $0x80, s13, s12, $0xb8;
	[tilespmem:$0x1DC00] =	vst v63  }
0xd3: {  	_ =	swait.ge [sflag:s20], $0x4000  }
0xd4: {  	[sflag:s20] =	ssyncset.done $0x0  }
0xd5: {  	[sflag:s20] =	ssyncadd.s32 $0xFFFFC000  }
0xd6: {  	[spmem:s2] =	stream.indirect.scatter.add.f32 [tilespmem:s9], [sflag:$0x3], $0x80, s14, s12, $0xb8;
	[tilespmem:$0x1DC00] =	vst v63  }
0xd7: {  	_ =	swait.ge [sflag:s10], $0x4000  }
0xd8: {  	[sflag:s10] =	ssyncset.done $0x0  }
0xd9: {  	[sflag:s10] =	ssyncadd.s32 $0xFFFFC000  }
0xda: {  	[tilespmem:s9], [sflag:$0x1] =	stream.indirect.gather [hbm4b:s4+s12], $0x80, s15, s12, $0xb8;
	[tilespmem:$0x1DC00] =	vst v63  }
0xdb: {  	_ =	swait.ge [sflag:s21], $0x4000  }
0xdc: {  	[sflag:s21] =	ssyncset.done $0x0  }
0xdd: {  	[sflag:s21] =	ssyncadd.s32 $0xFFFFC000  }
0xde: {  	[spmem:s2] =	stream.indirect.scatter.add.f32 [tilespmem:s19], [sflag:$0x3], $0x80, s16, s12, $0xb8;
	[tilespmem:$0x1DC00] =	vst v63  }
0xdf: {  	_ =	swait.ge [sflag:s10], $0x4000  }
0xe0: {  	[sflag:s10] =	ssyncset.done $0x0  }
0xe1: {  	[sflag:s10] =	ssyncadd.s32 $0xFFFFC000  }
0xe2: {  	[tilespmem:s19], [sflag:$0x2] =	stream.indirect.gather [hbm4b:s4+s12], $0x80, s0, s12, $0xb8;
	[tilespmem:$0x1DC00] =	vst v63  }
0xe3: {  	_ =	swait.ge [sflag:s20], $0x4000  }
0xe4: {  	[sflag:s20] =	ssyncset.done $0x0  }
0xe5: {  	[sflag:s20] =	ssyncadd.s32 $0xFFFFC000  }
0xe6: {  	[spmem:s2] =	stream.indirect.scatter.add.f32 [tilespmem:s9], [sflag:$0x3], $0x80, s5, s12, $0xb8;
	[tilespmem:$0x1DC00] =	vst v63  }
0xe7: {  	_ =	swait.ge [sflag:s10], $0x4000  }
0xe8: {  	[sflag:s10] =	ssyncset.done $0x0  }
0xe9: {  	[sflag:s10] =	ssyncadd.s32 $0xFFFFC000  }
0xea: {  	_ =	swait.ge [sflag:s21], $0x4000  }
0xeb: {  	[sflag:s21] =	ssyncset.done $0x0  }
0xec: {  	[sflag:s21] =	ssyncadd.s32 $0xFFFFC000  }
0xed: {  	[spmem:s2] =	stream.indirect.scatter.add.f32 [tilespmem:s19], [sflag:$0x3], $0x80, s6, s12, $0xb8;
	[tilespmem:$0x1DC00] =	vst v63  }
0xee: {  	s8 =	simm.s32 $0x300;
	_ =	swait.ge [sflag:s10], $0x4000  }
0xef: {  	s11 =	simm.s32 $0x180;
	s25 =	rddreg [dreg:$0x4];
	[sflag:s10] =	ssyncset.done $0x0  }
.LBB2_2:
0xf0: {  	[sflag:s10] =	ssyncadd.s32 $0xFFFFC000;
	s25 =	sadd.s32 s11, s25  }
0xf1: {  	[tilespmem:s17], [sflag:$0x3] =	stream.linear.gather [hbm4b:s25+s3], $0xA00, $0x38;
	[tilespmem:$0x1DC00] =	vst v63  }
0xf2: {  	_ =	swait.ge [sflag:s10], $0xA00  }
0xf3: {  	s25 =	rddreg [dreg:$0x3];
	[sflag:s10] =	ssyncset.done $0x0  }
0xf4: {  	[sflag:s10] =	ssyncadd.s32 $0xFFFFF600;
	s25 =	sadd.s32 s11, s25  }
0xf5: {  	[tilespmem:s18], [sflag:$0x3] =	stream.linear.gather [hbm4b:s25+s3], $0xA00, $0x38;
	[tilespmem:$0x1DC00] =	vst v63  }
0xf6: {  	_ =	swait.ge [sflag:s10], $0xA00  }
0xf7: {  	[sflag:s10] =	ssyncset.done $0x0  }
0xf8: {  	[sflag:s10] =	ssyncadd.s32 $0xFFFFF600  }
0xf9: {  	[tilespmem:s9], [sflag:$0x1] =	stream.indirect.gather [hbm4b:s4+s12], $0x80, s17, s12, $0xb8;
	[tilespmem:$0x1DC00] =	vst v63  }
0xfa: {  	s25 =	rddreg [dreg:$0x5]  }
0xfb: {  	[tilespmem:s19], [sflag:$0x2] =	stream.indirect.gather [hbm4b:s4+s12], $0x80, s25, s12, $0xb8;
	[tilespmem:$0x1DC00] =	vst v63  }
0xfc: {  	_ =	swait.ge [sflag:s20], $0x4000  }
0xfd: {  	[sflag:s20] =	ssyncset.done $0x0  }
0xfe: {  	[sflag:s20] =	ssyncadd.s32 $0xFFFFC000  }
0xff: {  	[spmem:s2] =	stream.indirect.scatter.add.f32 [tilespmem:s9], [sflag:$0x3], $0x80, s18, s12, $0xb8;
	[tilespmem:$0x1DC00] =	vst v63  }
0x100: {  	_ =	swait.ge [sflag:s10], $0x4000  }
0x101: {  	[sflag:s10] =	ssyncset.done $0x0  }
0x102: {  	s25 =	rddreg [dreg:$0x6];
	[sflag:s10] =	ssyncadd.s32 $0xFFFFC000  }
0x103: {  	[tilespmem:s9], [sflag:$0x1] =	stream.indirect.gather [hbm4b:s4+s12], $0x80, s25, s12, $0xb8;
	[tilespmem:$0x1DC00] =	vst v63  }
0x104: {  	_ =	swait.ge [sflag:s21], $0x4000  }
0x105: {  	[sflag:s21] =	ssyncset.done $0x0  }
0x106: {  	s25 =	rddreg [dreg:$0x7];
	[sflag:s21] =	ssyncadd.s32 $0xFFFFC000  }
0x107: {  	[spmem:s2] =	stream.indirect.scatter.add.f32 [tilespmem:s19], [sflag:$0x3], $0x80, s25, s12, $0xb8;
	[tilespmem:$0x1DC00] =	vst v63  }
0x108: {  	_ =	swait.ge [sflag:s10], $0x4000  }
0x109: {  	[sflag:s10] =	ssyncset.done $0x0  }
0x10a: {  	s25 =	rddreg [dreg:$0x8];
	[sflag:s10] =	ssyncadd.s32 $0xFFFFC000  }
0x10b: {  	[tilespmem:s19], [sflag:$0x2] =	stream.indirect.gather [hbm4b:s4+s12], $0x80, s25, s12, $0xb8;
	[tilespmem:$0x1DC00] =	vst v63  }
0x10c: {  	_ =	swait.ge [sflag:s20], $0x4000  }
0x10d: {  	[sflag:s20] =	ssyncset.done $0x0  }
0x10e: {  	s25 =	rddreg [dreg:$0x9];
	[sflag:s20] =	ssyncadd.s32 $0xFFFFC000  }
0x10f: {  	[spmem:s2] =	stream.indirect.scatter.add.f32 [tilespmem:s9], [sflag:$0x3], $0x80, s25, s12, $0xb8;
	[tilespmem:$0x1DC00] =	vst v63  }
0x110: {  	_ =	swait.ge [sflag:s10], $0x4000  }
0x111: {  	[sflag:s10] =	ssyncset.done $0x0  }
0x112: {  	s25 =	rddreg [dreg:$0xa];
	[sflag:s10] =	ssyncadd.s32 $0xFFFFC000  }
0x113: {  	[tilespmem:s9], [sflag:$0x1] =	stream.indirect.gather [hbm4b:s4+s12], $0x80, s25, s12, $0xb8;
	[tilespmem:$0x1DC00] =	vst v63  }
0x114: {  	_ =	swait.ge [sflag:s21], $0x4000  }
0x115: {  	[sflag:s21] =	ssyncset.done $0x0  }
0x116: {  	s25 =	rddreg [dreg:$0xb];
	[sflag:s21] =	ssyncadd.s32 $0xFFFFC000  }
0x117: {  	[spmem:s2] =	stream.indirect.scatter.add.f32 [tilespmem:s19], [sflag:$0x3], $0x80, s25, s12, $0xb8;
	[tilespmem:$0x1DC00] =	vst v63  }
0x118: {  	_ =	swait.ge [sflag:s10], $0x4000  }
0x119: {  	[sflag:s10] =	ssyncset.done $0x0  }
0x11a: {  	s25 =	rddreg [dreg:$0xc];
	[sflag:s10] =	ssyncadd.s32 $0xFFFFC000  }
0x11b: {  	[tilespmem:s19], [sflag:$0x2] =	stream.indirect.gather [hbm4b:s4+s12], $0x80, s25, s12, $0xb8;
	[tilespmem:$0x1DC00] =	vst v63  }
0x11c: {  	_ =	swait.ge [sflag:s20], $0x4000  }
0x11d: {  	[sflag:s20] =	ssyncset.done $0x0  }
0x11e: {  	s25 =	rddreg [dreg:$0xd];
	[sflag:s20] =	ssyncadd.s32 $0xFFFFC000  }
0x11f: {  	[spmem:s2] =	stream.indirect.scatter.add.f32 [tilespmem:s9], [sflag:$0x3], $0x80, s25, s12, $0xb8;
	[tilespmem:$0x1DC00] =	vst v63  }
0x120: {  	_ =	swait.ge [sflag:s10], $0x4000  }
0x121: {  	[sflag:s10] =	ssyncset.done $0x0  }
0x122: {  	s25 =	rddreg [dreg:$0xe];
	[sflag:s10] =	ssyncadd.s32 $0xFFFFC000  }
0x123: {  	[tilespmem:s9], [sflag:$0x1] =	stream.indirect.gather [hbm4b:s4+s12], $0x80, s25, s12, $0xb8;
	[tilespmem:$0x1DC00] =	vst v63  }
0x124: {  	_ =	swait.ge [sflag:s21], $0x4000  }
0x125: {  	[sflag:s21] =	ssyncset.done $0x0  }
0x126: {  	s25 =	rddreg [dreg:$0xf];
	[sflag:s21] =	ssyncadd.s32 $0xFFFFC000  }
0x127: {  	[spmem:s2] =	stream.indirect.scatter.add.f32 [tilespmem:s19], [sflag:$0x3], $0x80, s25, s12, $0xb8;
	[tilespmem:$0x1DC00] =	vst v63  }
0x128: {  	_ =	swait.ge [sflag:s10], $0x4000  }
0x129: {  	[sflag:s10] =	ssyncset.done $0x0  }
0x12a: {  	s25 =	rddreg [dreg:$0x10];
	[sflag:s10] =	ssyncadd.s32 $0xFFFFC000  }
0x12b: {  	[tilespmem:s19], [sflag:$0x2] =	stream.indirect.gather [hbm4b:s4+s12], $0x80, s25, s12, $0xb8;
	[tilespmem:$0x1DC00] =	vst v63  }
0x12c: {  	_ =	swait.ge [sflag:s20], $0x4000  }
0x12d: {  	[sflag:s20] =	ssyncset.done $0x0  }
0x12e: {  	s25 =	rddreg [dreg:$0x11];
	[sflag:s20] =	ssyncadd.s32 $0xFFFFC000  }
0x12f: {  	[spmem:s2] =	stream.indirect.scatter.add.f32 [tilespmem:s9], [sflag:$0x3], $0x80, s25, s12, $0xb8;
	[tilespmem:$0x1DC00] =	vst v63  }
0x130: {  	_ =	swait.ge [sflag:s10], $0x4000  }
0x131: {  	[sflag:s10] =	ssyncset.done $0x0  }
0x132: {  	s25 =	rddreg [dreg:$0x12];
	[sflag:s10] =	ssyncadd.s32 $0xFFFFC000  }
0x133: {  	[tilespmem:s9], [sflag:$0x1] =	stream.indirect.gather [hbm4b:s4+s12], $0x80, s25, s12, $0xb8;
	[tilespmem:$0x1DC00] =	vst v63  }
0x134: {  	_ =	swait.ge [sflag:s21], $0x4000  }
0x135: {  	[sflag:s21] =	ssyncset.done $0x0  }
0x136: {  	s25 =	rddreg [dreg:$0x13];
	[sflag:s21] =	ssyncadd.s32 $0xFFFFC000  }
0x137: {  	[spmem:s2] =	stream.indirect.scatter.add.f32 [tilespmem:s19], [sflag:$0x3], $0x80, s25, s12, $0xb8;
	[tilespmem:$0x1DC00] =	vst v63  }
0x138: {  	_ =	swait.ge [sflag:s10], $0x4000  }
0x139: {  	[sflag:s10] =	ssyncset.done $0x0  }
0x13a: {  	s25 =	rddreg [dreg:$0x14];
	[sflag:s10] =	ssyncadd.s32 $0xFFFFC000  }
0x13b: {  	[tilespmem:s19], [sflag:$0x2] =	stream.indirect.gather [hbm4b:s4+s12], $0x80, s25, s12, $0xb8;
	[tilespmem:$0x1DC00] =	vst v63  }
0x13c: {  	_ =	swait.ge [sflag:s20], $0x4000  }
0x13d: {  	[sflag:s20] =	ssyncset.done $0x0  }
0x13e: {  	s25 =	rddreg [dreg:$0x15];
	[sflag:s20] =	ssyncadd.s32 $0xFFFFC000  }
0x13f: {  	[spmem:s2] =	stream.indirect.scatter.add.f32 [tilespmem:s9], [sflag:$0x3], $0x80, s25, s12, $0xb8;
	[tilespmem:$0x1DC00] =	vst v63  }
0x140: {  	_ =	swait.ge [sflag:s10], $0x4000  }
0x141: {  	[sflag:s10] =	ssyncset.done $0x0  }
0x142: {  	s25 =	rddreg [dreg:$0x16];
	[sflag:s10] =	ssyncadd.s32 $0xFFFFC000  }
0x143: {  	[tilespmem:s9], [sflag:$0x1] =	stream.indirect.gather [hbm4b:s4+s12], $0x80, s25, s12, $0xb8;
	[tilespmem:$0x1DC00] =	vst v63  }
0x144: {  	_ =	swait.ge [sflag:s21], $0x4000  }
0x145: {  	[sflag:s21] =	ssyncset.done $0x0  }
0x146: {  	s25 =	rddreg [dreg:$0x17];
	[sflag:s21] =	ssyncadd.s32 $0xFFFFC000  }
0x147: {  	[spmem:s2] =	stream.indirect.scatter.add.f32 [tilespmem:s19], [sflag:$0x3], $0x80, s25, s12, $0xb8;
	[tilespmem:$0x1DC00] =	vst v63  }
0x148: {  	_ =	swait.ge [sflag:s10], $0x4000  }
0x149: {  	[sflag:s10] =	ssyncset.done $0x0  }
0x14a: {  	s25 =	rddreg [dreg:$0x18];
	[sflag:s10] =	ssyncadd.s32 $0xFFFFC000  }
0x14b: {  	[tilespmem:s19], [sflag:$0x2] =	stream.indirect.gather [hbm4b:s4+s12], $0x80, s25, s12, $0xb8;
	[tilespmem:$0x1DC00] =	vst v63  }
0x14c: {  	_ =	swait.ge [sflag:s20], $0x4000  }
0x14d: {  	[sflag:s20] =	ssyncset.done $0x0  }
0x14e: {  	s25 =	rddreg [dreg:$0x19];
	[sflag:s20] =	ssyncadd.s32 $0xFFFFC000  }
0x14f: {  	[spmem:s2] =	stream.indirect.scatter.add.f32 [tilespmem:s9], [sflag:$0x3], $0x80, s25, s12, $0xb8;
	[tilespmem:$0x1DC00] =	vst v63  }
0x150: {  	_ =	swait.ge [sflag:s10], $0x4000  }
0x151: {  	[sflag:s10] =	ssyncset.done $0x0  }
0x152: {  	s25 =	rddreg [dreg:$0x1a];
	[sflag:s10] =	ssyncadd.s32 $0xFFFFC000  }
0x153: {  	[tilespmem:s9], [sflag:$0x1] =	stream.indirect.gather [hbm4b:s4+s12], $0x80, s25, s12, $0xb8;
	[tilespmem:$0x1DC00] =	vst v63  }
0x154: {  	_ =	swait.ge [sflag:s21], $0x4000  }
0x155: {  	[sflag:s21] =	ssyncset.done $0x0  }
0x156: {  	[sflag:s21] =	ssyncadd.s32 $0xFFFFC000  }
0x157: {  	[spmem:s2] =	stream.indirect.scatter.add.f32 [tilespmem:s19], [sflag:$0x3], $0x80, s22, s12, $0xb8;
	[tilespmem:$0x1DC00] =	vst v63  }
0x158: {  	_ =	swait.ge [sflag:s10], $0x4000  }
0x159: {  	[sflag:s10] =	ssyncset.done $0x0  }
0x15a: {  	[sflag:s10] =	ssyncadd.s32 $0xFFFFC000  }
0x15b: {  	[tilespmem:s19], [sflag:$0x2] =	stream.indirect.gather [hbm4b:s4+s12], $0x80, s23, s12, $0xb8;
	[tilespmem:$0x1DC00] =	vst v63  }
0x15c: {  	_ =	swait.ge [sflag:s20], $0x4000  }
0x15d: {  	[sflag:s20] =	ssyncset.done $0x0  }
0x15e: {  	[sflag:s20] =	ssyncadd.s32 $0xFFFFC000  }
0x15f: {  	[spmem:s2] =	stream.indirect.scatter.add.f32 [tilespmem:s9], [sflag:$0x3], $0x80, s24, s12, $0xb8;
	[tilespmem:$0x1DC00] =	vst v63  }
0x160: {  	_ =	swait.ge [sflag:s10], $0x4000  }
0x161: {  	[sflag:s10] =	ssyncset.done $0x0  }
0x162: {  	[sflag:s10] =	ssyncadd.s32 $0xFFFFC000  }
0x163: {  	[tilespmem:s9], [sflag:$0x1] =	stream.indirect.gather [hbm4b:s4+s12], $0x80, s26, s12, $0xb8;
	[tilespmem:$0x1DC00] =	vst v63  }
0x164: {  	_ =	swait.ge [sflag:s21], $0x4000  }
0x165: {  	[sflag:s21] =	ssyncset.done $0x0  }
0x166: {  	[sflag:s21] =	ssyncadd.s32 $0xFFFFC000  }
0x167: {  	[spmem:s2] =	stream.indirect.scatter.add.f32 [tilespmem:s19], [sflag:$0x3], $0x80, s28, s12, $0xb8;
	[tilespmem:$0x1DC00] =	vst v63  }
0x168: {  	_ =	swait.ge [sflag:s10], $0x4000  }
0x169: {  	[sflag:s10] =	ssyncset.done $0x0  }
0x16a: {  	[sflag:s10] =	ssyncadd.s32 $0xFFFFC000  }
0x16b: {  	[tilespmem:s19], [sflag:$0x2] =	stream.indirect.gather [hbm4b:s4+s12], $0x80, s29, s12, $0xb8;
	[tilespmem:$0x1DC00] =	vst v63  }
0x16c: {  	_ =	swait.ge [sflag:s20], $0x4000  }
0x16d: {  	[sflag:s20] =	ssyncset.done $0x0  }
0x16e: {  	[sflag:s20] =	ssyncadd.s32 $0xFFFFC000  }
0x16f: {  	[spmem:s2] =	stream.indirect.scatter.add.f32 [tilespmem:s9], [sflag:$0x3], $0x80, s30, s12, $0xb8;
	[tilespmem:$0x1DC00] =	vst v63  }
0x170: {  	_ =	swait.ge [sflag:s10], $0x4000  }
0x171: {  	[sflag:s10] =	ssyncset.done $0x0  }
0x172: {  	[sflag:s10] =	ssyncadd.s32 $0xFFFFC000  }
0x173: {  	[tilespmem:s9], [sflag:$0x1] =	stream.indirect.gather [hbm4b:s4+s12], $0x80, s31, s12, $0xb8;
	[tilespmem:$0x1DC00] =	vst v63  }
0x174: {  	_ =	swait.ge [sflag:s21], $0x4000  }
0x175: {  	[sflag:s21] =	ssyncset.done $0x0  }
0x176: {  	[sflag:s21] =	ssyncadd.s32 $0xFFFFC000  }
0x177: {  	[spmem:s2] =	stream.indirect.scatter.add.f32 [tilespmem:s19], [sflag:$0x3], $0x80, s1, s12, $0xb8;
	[tilespmem:$0x1DC00] =	vst v63  }
0x178: {  	_ =	swait.ge [sflag:s10], $0x4000  }
0x179: {  	[sflag:s10] =	ssyncset.done $0x0  }
0x17a: {  	[sflag:s10] =	ssyncadd.s32 $0xFFFFC000  }
0x17b: {  	[tilespmem:s19], [sflag:$0x2] =	stream.indirect.gather [hbm4b:s4+s12], $0x80, s13, s12, $0xb8;
	[tilespmem:$0x1DC00] =	vst v63  }
0x17c: {  	_ =	swait.ge [sflag:s20], $0x4000  }
0x17d: {  	[sflag:s20] =	ssyncset.done $0x0  }
0x17e: {  	[sflag:s20] =	ssyncadd.s32 $0xFFFFC000  }
0x17f: {  	[spmem:s2] =	stream.indirect.scatter.add.f32 [tilespmem:s9], [sflag:$0x3], $0x80, s14, s12, $0xb8;
	[tilespmem:$0x1DC00] =	vst v63  }
0x180: {  	_ =	swait.ge [sflag:s10], $0x4000  }
0x181: {  	[sflag:s10] =	ssyncset.done $0x0  }
0x182: {  	[sflag:s10] =	ssyncadd.s32 $0xFFFFC000  }
0x183: {  	[tilespmem:s9], [sflag:$0x1] =	stream.indirect.gather [hbm4b:s4+s12], $0x80, s15, s12, $0xb8;
	[tilespmem:$0x1DC00] =	vst v63  }
0x184: {  	_ =	swait.ge [sflag:s21], $0x4000  }
0x185: {  	[sflag:s21] =	ssyncset.done $0x0  }
0x186: {  	[sflag:s21] =	ssyncadd.s32 $0xFFFFC000  }
0x187: {  	[spmem:s2] =	stream.indirect.scatter.add.f32 [tilespmem:s19], [sflag:$0x3], $0x80, s16, s12, $0xb8;
	[tilespmem:$0x1DC00] =	vst v63  }
0x188: {  	_ =	swait.ge [sflag:s10], $0x4000  }
0x189: {  	[sflag:s10] =	ssyncset.done $0x0  }
0x18a: {  	[sflag:s10] =	ssyncadd.s32 $0xFFFFC000  }
0x18b: {  	[tilespmem:s19], [sflag:$0x2] =	stream.indirect.gather [hbm4b:s4+s12], $0x80, s0, s12, $0xb8;
	[tilespmem:$0x1DC00] =	vst v63  }
0x18c: {  	_ =	swait.ge [sflag:s20], $0x4000  }
0x18d: {  	[sflag:s20] =	ssyncset.done $0x0  }
0x18e: {  	[sflag:s20] =	ssyncadd.s32 $0xFFFFC000  }
0x18f: {  	[spmem:s2] =	stream.indirect.scatter.add.f32 [tilespmem:s9], [sflag:$0x3], $0x80, s5, s12, $0xb8;
	[tilespmem:$0x1DC00] =	vst v63  }
0x190: {  	_ =	swait.ge [sflag:s10], $0x4000  }
0x191: {  	[sflag:s10] =	ssyncset.done $0x0  }
0x192: {  	[sflag:s10] =	ssyncadd.s32 $0xFFFFC000  }
0x193: {  	p1 =	sne.s32 s8, $0x480;
	_ =	swait.ge [sflag:s21], $0x4000  }
.Ltmp0:
0x194: {  	[sflag:s21] =	ssyncset.done $0x0;
	(pc) =	sbr.rel @p1 .LBB2_2-.Ltmp0, $4  }
0x195: {  	[sflag:s21] =	ssyncadd.s32 $0xFFFFC000  }
0x196: {  	[spmem:s2] =	stream.indirect.scatter.add.f32 [tilespmem:s19], [sflag:$0x3], $0x80, s6, s12, $0xb8;
	[tilespmem:$0x1DC00] =	vst v63  }
0x197: {  	s7 =	smov.u32 s8;
	s8 =	sadd.s32 $0x180, s8;
	_ =	swait.ge [sflag:s10], $0x4000  }
0x198: {  	s11 =	smov.u32 s7;
	s25 =	rddreg [dreg:$0x4];
	[sflag:s10] =	ssyncset.done $0x0  }
0x199: {  	[sflag:s10] =	ssyncadd.s32 $0xFFFFC000;
	s7 =	sadd.s32 s11, s25  }
0x19a: {  	[tilespmem:s17], [sflag:$0x3] =	stream.linear.gather [hbm4b:s7+s3], $0xA00, $0x38;
	[tilespmem:$0x1DC00] =	vst v63  }
0x19b: {  	_ =	swait.ge [sflag:s10], $0xA00  }
0x19c: {  	s8 =	rddreg [dreg:$0x3];
	[sflag:s10] =	ssyncset.done $0x0  }
0x19d: {  	s7 =	sadd.s32 s11, s8;
	[sflag:s10] =	ssyncadd.s32 $0xFFFFF600  }
0x19e: {  	[tilespmem:s18], [sflag:$0x3] =	stream.linear.gather [hbm4b:s7+s3], $0xA00, $0x38;
	[tilespmem:$0x1DC00] =	vst v63  }
0x19f: {  	_ =	swait.ge [sflag:s10], $0xA00  }
0x1a0: {  	[sflag:s10] =	ssyncset.done $0x0  }
0x1a1: {  	[sflag:s10] =	ssyncadd.s32 $0xFFFFF600  }
0x1a2: {  	[tilespmem:s9], [sflag:$0x1] =	stream.indirect.gather [hbm4b:s4+s12], $0x80, s17, s12, $0xb8;
	[tilespmem:$0x1DC00] =	vst v63  }
0x1a3: {  	s25 =	rddreg [dreg:$0x5]  }
0x1a4: {  	[tilespmem:s19], [sflag:$0x2] =	stream.indirect.gather [hbm4b:s4+s12], $0x80, s25, s12, $0xb8;
	[tilespmem:$0x1DC00] =	vst v63  }
0x1a5: {  	_ =	swait.ge [sflag:s20], $0x4000  }
0x1a6: {  	[sflag:s20] =	ssyncset.done $0x0  }
0x1a7: {  	[sflag:s20] =	ssyncadd.s32 $0xFFFFC000  }
0x1a8: {  	[spmem:s2] =	stream.indirect.scatter.add.f32 [tilespmem:s9], [sflag:$0x3], $0x80, s18, s12, $0xb8;
	[tilespmem:$0x1DC00] =	vst v63  }
0x1a9: {  	_ =	swait.ge [sflag:s10], $0x4000  }
0x1aa: {  	[sflag:s10] =	ssyncset.done $0x0  }
0x1ab: {  	s8 =	rddreg [dreg:$0x6];
	[sflag:s10] =	ssyncadd.s32 $0xFFFFC000  }
0x1ac: {  	[tilespmem:s9], [sflag:$0x1] =	stream.indirect.gather [hbm4b:s4+s12], $0x80, s8, s12, $0xb8;
	[tilespmem:$0x1DC00] =	vst v63  }
0x1ad: {  	_ =	swait.ge [sflag:s21], $0x4000  }
0x1ae: {  	[sflag:s21] =	ssyncset.done $0x0  }
0x1af: {  	s11 =	rddreg [dreg:$0x7];
	[sflag:s21] =	ssyncadd.s32 $0xFFFFC000  }
0x1b0: {  	[spmem:s2] =	stream.indirect.scatter.add.f32 [tilespmem:s19], [sflag:$0x3], $0x80, s11, s12, $0xb8;
	[tilespmem:$0x1DC00] =	vst v63  }
0x1b1: {  	_ =	swait.ge [sflag:s10], $0x4000  }
0x1b2: {  	[sflag:s10] =	ssyncset.done $0x0  }
0x1b3: {  	s25 =	rddreg [dreg:$0x8];
	[sflag:s10] =	ssyncadd.s32 $0xFFFFC000  }
0x1b4: {  	[tilespmem:s19], [sflag:$0x2] =	stream.indirect.gather [hbm4b:s4+s12], $0x80, s25, s12, $0xb8;
	[tilespmem:$0x1DC00] =	vst v63  }
0x1b5: {  	_ =	swait.ge [sflag:s20], $0x4000  }
0x1b6: {  	[sflag:s20] =	ssyncset.done $0x0  }
0x1b7: {  	s8 =	rddreg [dreg:$0x9];
	[sflag:s20] =	ssyncadd.s32 $0xFFFFC000  }
0x1b8: {  	[spmem:s2] =	stream.indirect.scatter.add.f32 [tilespmem:s9], [sflag:$0x3], $0x80, s8, s12, $0xb8;
	[tilespmem:$0x1DC00] =	vst v63  }
0x1b9: {  	_ =	swait.ge [sflag:s10], $0x4000  }
0x1ba: {  	[sflag:s10] =	ssyncset.done $0x0  }
0x1bb: {  	s11 =	rddreg [dreg:$0xa];
	[sflag:s10] =	ssyncadd.s32 $0xFFFFC000  }
0x1bc: {  	[tilespmem:s9], [sflag:$0x1] =	stream.indirect.gather [hbm4b:s4+s12], $0x80, s11, s12, $0xb8;
	[tilespmem:$0x1DC00] =	vst v63  }
0x1bd: {  	_ =	swait.ge [sflag:s21], $0x4000  }
0x1be: {  	[sflag:s21] =	ssyncset.done $0x0  }
0x1bf: {  	s25 =	rddreg [dreg:$0xb];
	[sflag:s21] =	ssyncadd.s32 $0xFFFFC000  }
0x1c0: {  	[spmem:s2] =	stream.indirect.scatter.add.f32 [tilespmem:s19], [sflag:$0x3], $0x80, s25, s12, $0xb8;
	[tilespmem:$0x1DC00] =	vst v63  }
0x1c1: {  	_ =	swait.ge [sflag:s10], $0x4000  }
0x1c2: {  	[sflag:s10] =	ssyncset.done $0x0  }
0x1c3: {  	s8 =	rddreg [dreg:$0xc];
	[sflag:s10] =	ssyncadd.s32 $0xFFFFC000  }
0x1c4: {  	[tilespmem:s19], [sflag:$0x2] =	stream.indirect.gather [hbm4b:s4+s12], $0x80, s8, s12, $0xb8;
	[tilespmem:$0x1DC00] =	vst v63  }
0x1c5: {  	_ =	swait.ge [sflag:s20], $0x4000  }
0x1c6: {  	[sflag:s20] =	ssyncset.done $0x0  }
0x1c7: {  	s11 =	rddreg [dreg:$0xd];
	[sflag:s20] =	ssyncadd.s32 $0xFFFFC000  }
0x1c8: {  	[spmem:s2] =	stream.indirect.scatter.add.f32 [tilespmem:s9], [sflag:$0x3], $0x80, s11, s12, $0xb8;
	[tilespmem:$0x1DC00] =	vst v63  }
0x1c9: {  	_ =	swait.ge [sflag:s10], $0x4000  }
0x1ca: {  	[sflag:s10] =	ssyncset.done $0x0  }
0x1cb: {  	s25 =	rddreg [dreg:$0xe];
	[sflag:s10] =	ssyncadd.s32 $0xFFFFC000  }
0x1cc: {  	[tilespmem:s9], [sflag:$0x1] =	stream.indirect.gather [hbm4b:s4+s12], $0x80, s25, s12, $0xb8;
	[tilespmem:$0x1DC00] =	vst v63  }
0x1cd: {  	_ =	swait.ge [sflag:s21], $0x4000  }
0x1ce: {  	[sflag:s21] =	ssyncset.done $0x0  }
0x1cf: {  	s8 =	rddreg [dreg:$0xf];
	[sflag:s21] =	ssyncadd.s32 $0xFFFFC000  }
0x1d0: {  	[spmem:s2] =	stream.indirect.scatter.add.f32 [tilespmem:s19], [sflag:$0x3], $0x80, s8, s12, $0xb8;
	[tilespmem:$0x1DC00] =	vst v63  }
0x1d1: {  	_ =	swait.ge [sflag:s10], $0x4000  }
0x1d2: {  	[sflag:s10] =	ssyncset.done $0x0  }
0x1d3: {  	s11 =	rddreg [dreg:$0x10];
	[sflag:s10] =	ssyncadd.s32 $0xFFFFC000  }
0x1d4: {  	[tilespmem:s19], [sflag:$0x2] =	stream.indirect.gather [hbm4b:s4+s12], $0x80, s11, s12, $0xb8;
	[tilespmem:$0x1DC00] =	vst v63  }
0x1d5: {  	_ =	swait.ge [sflag:s20], $0x4000  }
0x1d6: {  	[sflag:s20] =	ssyncset.done $0x0  }
0x1d7: {  	s25 =	rddreg [dreg:$0x11];
	[sflag:s20] =	ssyncadd.s32 $0xFFFFC000  }
0x1d8: {  	[spmem:s2] =	stream.indirect.scatter.add.f32 [tilespmem:s9], [sflag:$0x3], $0x80, s25, s12, $0xb8;
	[tilespmem:$0x1DC00] =	vst v63  }
0x1d9: {  	_ =	swait.ge [sflag:s10], $0x4000  }
0x1da: {  	[sflag:s10] =	ssyncset.done $0x0  }
0x1db: {  	s8 =	rddreg [dreg:$0x12];
	[sflag:s10] =	ssyncadd.s32 $0xFFFFC000  }
0x1dc: {  	[tilespmem:s9], [sflag:$0x1] =	stream.indirect.gather [hbm4b:s4+s12], $0x80, s8, s12, $0xb8;
	[tilespmem:$0x1DC00] =	vst v63  }
0x1dd: {  	_ =	swait.ge [sflag:s21], $0x4000  }
0x1de: {  	[sflag:s21] =	ssyncset.done $0x0  }
0x1df: {  	s11 =	rddreg [dreg:$0x13];
	[sflag:s21] =	ssyncadd.s32 $0xFFFFC000  }
0x1e0: {  	[spmem:s2] =	stream.indirect.scatter.add.f32 [tilespmem:s19], [sflag:$0x3], $0x80, s11, s12, $0xb8;
	[tilespmem:$0x1DC00] =	vst v63  }
0x1e1: {  	_ =	swait.ge [sflag:s10], $0x4000  }
0x1e2: {  	[sflag:s10] =	ssyncset.done $0x0  }
0x1e3: {  	s25 =	rddreg [dreg:$0x14];
	[sflag:s10] =	ssyncadd.s32 $0xFFFFC000  }
0x1e4: {  	[tilespmem:s19], [sflag:$0x2] =	stream.indirect.gather [hbm4b:s4+s12], $0x80, s25, s12, $0xb8;
	[tilespmem:$0x1DC00] =	vst v63  }
0x1e5: {  	_ =	swait.ge [sflag:s20], $0x4000  }
0x1e6: {  	[sflag:s20] =	ssyncset.done $0x0  }
0x1e7: {  	s8 =	rddreg [dreg:$0x15];
	[sflag:s20] =	ssyncadd.s32 $0xFFFFC000  }
0x1e8: {  	[spmem:s2] =	stream.indirect.scatter.add.f32 [tilespmem:s9], [sflag:$0x3], $0x80, s8, s12, $0xb8;
	[tilespmem:$0x1DC00] =	vst v63  }
0x1e9: {  	_ =	swait.ge [sflag:s10], $0x4000  }
0x1ea: {  	[sflag:s10] =	ssyncset.done $0x0  }
0x1eb: {  	s11 =	rddreg [dreg:$0x16];
	[sflag:s10] =	ssyncadd.s32 $0xFFFFC000  }
0x1ec: {  	[tilespmem:s9], [sflag:$0x1] =	stream.indirect.gather [hbm4b:s4+s12], $0x80, s11, s12, $0xb8;
	[tilespmem:$0x1DC00] =	vst v63  }
0x1ed: {  	_ =	swait.ge [sflag:s21], $0x4000  }
0x1ee: {  	[sflag:s21] =	ssyncset.done $0x0  }
0x1ef: {  	s25 =	rddreg [dreg:$0x17];
	[sflag:s21] =	ssyncadd.s32 $0xFFFFC000  }
0x1f0: {  	[spmem:s2] =	stream.indirect.scatter.add.f32 [tilespmem:s19], [sflag:$0x3], $0x80, s25, s12, $0xb8;
	[tilespmem:$0x1DC00] =	vst v63  }
0x1f1: {  	_ =	swait.ge [sflag:s10], $0x4000  }
0x1f2: {  	[sflag:s10] =	ssyncset.done $0x0  }
0x1f3: {  	s8 =	rddreg [dreg:$0x18];
	[sflag:s10] =	ssyncadd.s32 $0xFFFFC000  }
0x1f4: {  	[tilespmem:s19], [sflag:$0x2] =	stream.indirect.gather [hbm4b:s4+s12], $0x80, s8, s12, $0xb8;
	[tilespmem:$0x1DC00] =	vst v63  }
0x1f5: {  	_ =	swait.ge [sflag:s20], $0x4000  }
0x1f6: {  	[sflag:s20] =	ssyncset.done $0x0  }
0x1f7: {  	s11 =	rddreg [dreg:$0x19];
	[sflag:s20] =	ssyncadd.s32 $0xFFFFC000  }
0x1f8: {  	[spmem:s2] =	stream.indirect.scatter.add.f32 [tilespmem:s9], [sflag:$0x3], $0x80, s11, s12, $0xb8;
	[tilespmem:$0x1DC00] =	vst v63  }
0x1f9: {  	_ =	swait.ge [sflag:s10], $0x4000  }
0x1fa: {  	[sflag:s10] =	ssyncset.done $0x0  }
0x1fb: {  	s25 =	rddreg [dreg:$0x1a];
	[sflag:s10] =	ssyncadd.s32 $0xFFFFC000  }
0x1fc: {  	[tilespmem:s9], [sflag:$0x1] =	stream.indirect.gather [hbm4b:s4+s12], $0x80, s25, s12, $0xb8;
	[tilespmem:$0x1DC00] =	vst v63  }
0x1fd: {  	_ =	swait.ge [sflag:s21], $0x4000  }
0x1fe: {  	[sflag:s21] =	ssyncset.done $0x0  }
0x1ff: {  	[sflag:s21] =	ssyncadd.s32 $0xFFFFC000  }
0x200: {  	[spmem:s2] =	stream.indirect.scatter.add.f32 [tilespmem:s19], [sflag:$0x3], $0x80, s22, s12, $0xb8;
	[tilespmem:$0x1DC00] =	vst v63  }
0x201: {  	_ =	swait.ge [sflag:s10], $0x4000  }
0x202: {  	[sflag:s10] =	ssyncset.done $0x0  }
0x203: {  	[sflag:s10] =	ssyncadd.s32 $0xFFFFC000  }
0x204: {  	[tilespmem:s19], [sflag:$0x2] =	stream.indirect.gather [hbm4b:s4+s12], $0x80, s23, s12, $0xb8;
	[tilespmem:$0x1DC00] =	vst v63  }
0x205: {  	_ =	swait.ge [sflag:s20], $0x4000  }
0x206: {  	[sflag:s20] =	ssyncset.done $0x0  }
0x207: {  	[sflag:s20] =	ssyncadd.s32 $0xFFFFC000  }
0x208: {  	[spmem:s2] =	stream.indirect.scatter.add.f32 [tilespmem:s9], [sflag:$0x3], $0x80, s24, s12, $0xb8;
	[tilespmem:$0x1DC00] =	vst v63  }
0x209: {  	_ =	swait.ge [sflag:s10], $0x4000  }
0x20a: {  	[sflag:s10] =	ssyncset.done $0x0  }
0x20b: {  	[sflag:s10] =	ssyncadd.s32 $0xFFFFC000  }
0x20c: {  	[tilespmem:s9], [sflag:$0x1] =	stream.indirect.gather [hbm4b:s4+s12], $0x80, s26, s12, $0xb8;
	[tilespmem:$0x1DC00] =	vst v63  }
0x20d: {  	_ =	swait.ge [sflag:s21], $0x4000  }
0x20e: {  	[sflag:s21] =	ssyncset.done $0x0  }
0x20f: {  	[sflag:s21] =	ssyncadd.s32 $0xFFFFC000  }
0x210: {  	[spmem:s2] =	stream.indirect.scatter.add.f32 [tilespmem:s19], [sflag:$0x3], $0x80, s28, s12, $0xb8;
	[tilespmem:$0x1DC00] =	vst v63  }
0x211: {  	_ =	swait.ge [sflag:s10], $0x4000  }
0x212: {  	[sflag:s10] =	ssyncset.done $0x0  }
0x213: {  	[sflag:s10] =	ssyncadd.s32 $0xFFFFC000  }
0x214: {  	[tilespmem:s19], [sflag:$0x2] =	stream.indirect.gather [hbm4b:s4+s12], $0x80, s29, s12, $0xb8;
	[tilespmem:$0x1DC00] =	vst v63  }
0x215: {  	_ =	swait.ge [sflag:s20], $0x4000  }
0x216: {  	[sflag:s20] =	ssyncset.done $0x0  }
0x217: {  	[sflag:s20] =	ssyncadd.s32 $0xFFFFC000  }
0x218: {  	[spmem:s2] =	stream.indirect.scatter.add.f32 [tilespmem:s9], [sflag:$0x3], $0x80, s30, s12, $0xb8;
	[tilespmem:$0x1DC00] =	vst v63  }
0x219: {  	_ =	swait.ge [sflag:s10], $0x4000  }
0x21a: {  	[sflag:s10] =	ssyncset.done $0x0  }
0x21b: {  	[sflag:s10] =	ssyncadd.s32 $0xFFFFC000  }
0x21c: {  	[tilespmem:s9], [sflag:$0x1] =	stream.indirect.gather [hbm4b:s4+s12], $0x80, s31, s12, $0xb8;
	[tilespmem:$0x1DC00] =	vst v63  }
0x21d: {  	_ =	swait.ge [sflag:s21], $0x4000  }
0x21e: {  	[sflag:s21] =	ssyncset.done $0x0  }
0x21f: {  	[sflag:s21] =	ssyncadd.s32 $0xFFFFC000  }
0x220: {  	[spmem:s2] =	stream.indirect.scatter.add.f32 [tilespmem:s19], [sflag:$0x3], $0x80, s1, s12, $0xb8;
	[tilespmem:$0x1DC00] =	vst v63  }
0x221: {  	_ =	swait.ge [sflag:s10], $0x4000  }
0x222: {  	[sflag:s10] =	ssyncset.done $0x0  }
0x223: {  	[sflag:s10] =	ssyncadd.s32 $0xFFFFC000  }
0x224: {  	[tilespmem:s19], [sflag:$0x2] =	stream.indirect.gather [hbm4b:s4+s12], $0x80, s13, s12, $0xb8;
	[tilespmem:$0x1DC00] =	vst v63  }
0x225: {  	_ =	swait.ge [sflag:s20], $0x4000  }
0x226: {  	[sflag:s20] =	ssyncset.done $0x0  }
0x227: {  	[sflag:s20] =	ssyncadd.s32 $0xFFFFC000  }
0x228: {  	[spmem:s2] =	stream.indirect.scatter.add.f32 [tilespmem:s9], [sflag:$0x3], $0x80, s14, s12, $0xb8;
	[tilespmem:$0x1DC00] =	vst v63  }
0x229: {  	_ =	swait.ge [sflag:s10], $0x4000  }
0x22a: {  	[sflag:s10] =	ssyncset.done $0x0  }
0x22b: {  	[sflag:s10] =	ssyncadd.s32 $0xFFFFC000  }
0x22c: {  	[tilespmem:s9], [sflag:$0x1] =	stream.indirect.gather [hbm4b:s4+s12], $0x80, s15, s12, $0xb8;
	[tilespmem:$0x1DC00] =	vst v63  }
0x22d: {  	_ =	swait.ge [sflag:s21], $0x4000  }
0x22e: {  	[sflag:s21] =	ssyncset.done $0x0  }
0x22f: {  	[sflag:s21] =	ssyncadd.s32 $0xFFFFC000  }
0x230: {  	[spmem:s2] =	stream.indirect.scatter.add.f32 [tilespmem:s19], [sflag:$0x3], $0x80, s16, s12, $0xb8;
	[tilespmem:$0x1DC00] =	vst v63  }
0x231: {  	_ =	swait.ge [sflag:s10], $0x4000  }
0x232: {  	[sflag:s10] =	ssyncset.done $0x0  }
0x233: {  	[sflag:s10] =	ssyncadd.s32 $0xFFFFC000  }
0x234: {  	[tilespmem:s19], [sflag:$0x2] =	stream.indirect.gather [hbm4b:s4+s12], $0x80, s0, s12, $0xb8;
	[tilespmem:$0x1DC00] =	vst v63  }
0x235: {  	_ =	swait.ge [sflag:s20], $0x4000  }
0x236: {  	[sflag:s20] =	ssyncset.done $0x0  }
0x237: {  	[sflag:s20] =	ssyncadd.s32 $0xFFFFC000  }
0x238: {  	[spmem:s2] =	stream.indirect.scatter.add.f32 [tilespmem:s9], [sflag:$0x3], $0x80, s5, s12, $0xb8;
	[tilespmem:$0x1DC00] =	vst v63  }
0x239: {  	_ =	swait.ge [sflag:s10], $0x4000  }
0x23a: {  	[sflag:s10] =	ssyncset.done $0x0  }
0x23b: {  	[sflag:s10] =	ssyncadd.s32 $0xFFFFC000  }
0x23c: {  	_ =	swait.ge [sflag:s21], $0x4000  }
0x23d: {  	[sflag:s21] =	ssyncset.done $0x0  }
0x23e: {  	[sflag:s21] =	ssyncadd.s32 $0xFFFFC000  }
0x23f: {  	[spmem:s2] =	stream.indirect.scatter.add.f32 [tilespmem:s19], [sflag:$0x3], $0x80, s6, s12, $0xb8;
	[tilespmem:$0x1DC00] =	vst v63  }
0x240: {  	_ =	swait.ge [sflag:s10], $0x4000  }
0x241: {  	[sflag:s10] =	ssyncset.done $0x0  }
0x242: {  	[sflag:s10] =	ssyncadd.s32 $0xFFFFC000  }
0x243: {  	s7 =	stileid.u32;
	[bflag:$0x0] =	sbarrier.arrive $0xFFFF  }
0x244: {  	s7 =	sshll.u32 @!p0 s7, $0x6;
	s8 =	rddreg [dreg:$0x1d]  }
0x245: {  	s7 =	sor.u32 @!p0 $0x1C03, s7;
	s11 =	rddreg [dreg:$0x1f]  }
0x246: {  	[hbm:s8], [sflag:s7] =	dma.local @!p0 [spmem:s11], $0x3E80  }
0x247: {  	s7 =	simm.s32 @!p0 $0x3  }
0x248: {  	_ =	swait.ge @!p0 [sflag:s7], $0x3E80  }
0x249: {  	s8 =	sld [smem:$0x7FD];
	_ =	sdelay $0x2  }
0x24a: {  	s25 =	rddreg [dreg:$0x1e];
	s11 =	sadd.s32 $0x1, s8  }
0x24b: {  	p1 =	sne.s32 s11, s25  }
.Ltmp1:
0x24c: {  	_ = 	snop;
	(pc) =	sbr.rel @p1 .LBB2_1-.Ltmp1, $3  }
0x24d: {  	_ =	sdelay $0x1  }
0x24e: {  	[sflag:s7] =	ssyncset.done @!p0 $0x0  }
0x24f: {  	[sflag:s7] =	ssyncadd.s32 @!p0 $0xFFFFC180  }
0x250: {  	_ =	sfence.sel $0x180000  }
0x251: {  	[bflag:$0x0] =	sbarrier.arrive $0xFFFF  }
0x252: {  	_ =	strace $0x90000050  }
0x253: {  	s0 =	stileid.u32;
	[bflag:$0x2] =	sbarrier.arrive $0xFFFF  }
0x254: {  	p0 =	sne.s32 s0, $0x0;
	s0 =	rddreg [dreg:$0x2]  }
0x255: {  	s0 =	sadd.s32 @!p0 $0x100000, s0  }
0x256: {  	[sflag:s0] =	ssyncadd.tile.s32 @!p0 $0x1;
	_ =	shalt  }
.Lfunc_end2:
_tile_overlayer_lowered:
.L_overlay_start_2:
0x257: {  	(tag) =	ssettag $0x2  }
0x258: {  	s0 =	rddreg [dreg:$0x0];
	s2 =	stileid.u32  }
0x259: {  	s1 =	rddreg [dreg:$0x1];
	p0 =	sne.s32 s2, $0x0  }
0x25a: {  	s3 =	rddreg [dreg:$0x2];
	[bflag:$0x3] =	sbarrier.arrive $0xFFFF;
	s2 =	simm.s32 @!p0 $0x1C03  }
0x25b: {  	[timem:s3], [sflag:s2] =	dma.local @!p0 [hbm:s0], s1  }
0x25c: {  	s0 =	simm.s32 @!p0 $0x3  }
0x25d: {  	_ =	swait.ge @!p0 [sflag:s0], s1  }
0x25e: {  	s1 =	ssub.s32 @!p0 $0x0, s1;
	[sflag:s0] =	ssyncset.done @!p0 $0x0  }
0x25f: {  	[sflag:s0] =	ssyncadd.s32 @!p0 s1  }
0x260: {  	[bflag:$0x3] =	sbarrier.arrive $0xFFFF  }
0x261: {  	_ =	shalt  }

// kernel: kernel.9.cloned.1.call-start
scs
__scs_entry_jumppad:
0x0: {  	(pc) =	sbr.rel $0x88, $3  }
0x1: {  	(tag) =	ssettag $0x0;
	lr =	simm.s32 $0x1  }
0x2: {  	[smem:$0x3F96] =	sst lr;
	_ =	strace $0xD0000000  }
0x3: {  	_ = 	snop  }
0x4: {  	_ = 	snop  }
0x5: {  	_ = 	snop  }
0x6: {  	_ = 	snop  }
0x7: {  	_ = 	snop  }
__scs_overlays_trampoline_lowered:
0x8: {  	[smem:$0x3FA5] =	sst s0  }
0x9: {  	[smem:$0x3FA6] =	sst s1  }
0xa: {  	[smem:$0x3FA7] =	sst s2  }
0xb: {  	[smem:$0x3FA8] =	sst s3  }
0xc: {  	[smem:$0x3FA9] =	sst s4  }
0xd: {  	[smem:$0x3FAA] =	sst s5  }
0xe: {  	[smem:$0x3FAB] =	sst s6  }
0xf: {  	[smem:$0x3FAC] =	sst s7  }
0x10: {  	[smem:$0x3FAD] =	sst s8  }
0x11: {  	[smem:$0x3FAE] =	sst s9;
	s0 =	simm.s32 @!p0 $0x0  }
0x12: {  	s1 =	sld [smem:$0x3F94];
	s0 =	simm.s32 @p0 $0x1  }
0x13: {  	[smem:$0x3FAF] =	sst s0;
	s0 =	simm.s32 @!p1 $0x0  }
0x14: {  	s2 =	sld [smem:$0x3F93];
	s0 =	simm.s32 @p1 $0x1  }
0x15: {  	[smem:$0x3FB0] =	sst s0;
	s0 =	simm.s32 @!p2 $0x0  }
0x16: {  	s3 =	sld [smem:$0x3FDB];
	s0 =	simm.s32 @p2 $0x1  }
0x17: {  	s4 =	simm.s32 $0x1BF5;
	[smem:$0x3FB2] =	sst s0  }
0x18: {  	s0 =	sld [smem:$0x3F95];
	_ =	swait.ge [sflag:s4], $0x0  }
0x19: {  	s7 =	sld [smem:$0x3F96]  }
0x1a: {  	s8 =	sadd.s32 $0xFFFFE003, lr  }
0x1b: {  	s9 =	sadd.s32 $0xFFFFFEF7, lr;
	s5 =	simm.s32 $0xFFFFFFFF;
	p2 =	slt.u32 s8, $0xFFFFF086  }
0x1c: {  	p1 =	slt.u32 s9, $0xF7A;
	s5 =	simm.s32 @!p2 $0x0  }
0x1d: {  	s5 =	simm.s32 @p1 $0x1;
	p0 =	seq.s32 s7, s2  }
0x1e: {  	s7 =	smul.u32 @!p0 $0xF7A, s2;
	p2 =	seq.s32 @!p0 s5, $0x0  }
0x1f: {  	s9 =	smul.u32 $0xF7A, s1;
	s8 =	simm.s32 @!p0 $0x1BF5;
	p2 =	por !p2, p0  }
0x20: {  	[sflag:s8] =	ssyncset.s32 @!p0 $0xFFFFF086;
	s6 =	sadd.s32 @!p0 s3, s7;
	s7 =	simm.s32 @!p0 $0x108  }
0x21: {  	s3 =	sadd.s32 s3, s9;
	s6 =	sadd.s32 @!p0 $0x88, s6;
	s7 =	simm.s32 @p2 $0x1082  }
0x22: {  	[simem:s7], [sflag:s8] =	dma.local @!p0 [hbm:s6], $0xF7A  }
0x23: {  	s9 =	sor.u32 $0xD0000000, s2;
	s6 =	simm.s32 $0x108;
	_ =	swait.ge @!p0 [sflag:s8], $0x0  }
0x24: {  	s3 =	sadd.s32 $0x88, s3;
	s6 =	simm.s32 @!p1 $0x1082;
	[sflag:s4] =	ssyncset.s32 $0xFFFFF086  }
0x25: {  	[simem:s6], [sflag:s4] =	dma.local [hbm:s3], $0xF7A  }
0x26: {  	[smem:$0x3F96] =	sst s1;
	(tag) =	ssettag s2;
	_ =	strace s9  }
0x27: {  	s1 =	sld [smem:$0x3FA6]  }
0x28: {  	s2 =	sld [smem:$0x3FA7]  }
0x29: {  	s4 =	sld [smem:$0x3FA9]  }
0x2a: {  	p0 =	seq.s32 s5, $0x0;
	s5 =	sld [smem:$0x3FAA]  }
0x2b: {  	s6 =	sld [smem:$0x3FAB]  }
0x2c: {  	s7 =	sld [smem:$0x3FAC]  }
0x2d: {  	s3 =	simm.s32 $0x108;
	s8 =	sld [smem:$0x3FAD]  }
0x2e: {  	s3 =	simm.s32 @!p0 $0x1082;
	s9 =	sld [smem:$0x3FAE]  }
0x2f: {  	lr =	sadd.s32 s0, s3;
	s0 =	sld [smem:$0x3FA5]  }
0x30: {  	s3 =	sld [smem:$0x3FA8]  }
0x31: {  	[smem:$0x3FB1] =	sst s10  }
0x32: {  	s10 =	sld [smem:$0x3FAF];
	_ =	sdelay $0x3  }
0x33: {  	p0 =	seq.s32 s10, $0x1;
	s10 =	sld [smem:$0x3FB1];
	_ =	sdelay $0x3  }
0x34: {  	[smem:$0x3FB1] =	sst s10  }
0x35: {  	s10 =	sld [smem:$0x3FB0];
	_ =	sdelay $0x3  }
0x36: {  	p1 =	seq.s32 s10, $0x1;
	s10 =	sld [smem:$0x3FB1];
	_ =	sdelay $0x3  }
0x37: {  	[smem:$0x3FB1] =	sst s10  }
0x38: {  	s10 =	sld [smem:$0x3FB2]  }
0x39: {  	_ = 	snop;
	(pc) =	sbr.ind lr, $3  }
0x3a: {  	_ = 	snop  }
0x3b: {  	_ = 	snop  }
0x3c: {  	p2 =	seq.s32 s10, $0x1;
	s10 =	sld [smem:$0x3FB1]  }
0x3d: {  	_ =	shalt  }
0x3e: {  	_ =	shalt  }
0x3f: {  	_ =	shalt  }
0x40: {  	_ =	shalt  }
0x41: {  	_ =	shalt  }
0x42: {  	_ =	shalt  }
0x43: {  	_ =	shalt  }
0x44: {  	_ =	shalt  }
0x45: {  	_ =	shalt  }
0x46: {  	_ =	shalt  }
0x47: {  	_ =	shalt  }
0x48: {  	_ =	shalt  }
0x49: {  	_ =	shalt  }
0x4a: {  	_ =	shalt  }
0x4b: {  	_ =	shalt  }
0x4c: {  	_ =	shalt  }
0x4d: {  	_ =	shalt  }
0x4e: {  	_ =	shalt  }
0x4f: {  	_ =	shalt  }
0x50: {  	_ =	shalt  }
0x51: {  	_ =	shalt  }
0x52: {  	_ =	shalt  }
0x53: {  	_ =	shalt  }
0x54: {  	_ =	shalt  }
0x55: {  	_ =	shalt  }
0x56: {  	_ =	shalt  }
0x57: {  	_ =	shalt  }
0x58: {  	_ =	shalt  }
0x59: {  	_ =	shalt  }
0x5a: {  	_ =	shalt  }
0x5b: {  	_ =	shalt  }
0x5c: {  	_ =	shalt  }
0x5d: {  	_ =	shalt  }
0x5e: {  	_ =	shalt  }
0x5f: {  	_ =	shalt  }
0x60: {  	_ =	shalt  }
0x61: {  	_ =	shalt  }
0x62: {  	_ =	shalt  }
0x63: {  	_ =	shalt  }
0x64: {  	_ =	shalt  }
0x65: {  	_ =	shalt  }
0x66: {  	_ =	shalt  }
0x67: {  	_ =	shalt  }
0x68: {  	_ =	shalt  }
0x69: {  	_ =	shalt  }
0x6a: {  	_ =	shalt  }
0x6b: {  	_ =	shalt  }
0x6c: {  	_ =	shalt  }
0x6d: {  	_ =	shalt  }
0x6e: {  	_ =	shalt  }
0x6f: {  	_ =	shalt  }
0x70: {  	_ =	shalt  }
0x71: {  	_ =	shalt  }
0x72: {  	_ =	shalt  }
0x73: {  	_ =	shalt  }
0x74: {  	_ =	shalt  }
0x75: {  	_ =	shalt  }
0x76: {  	_ =	shalt  }
0x77: {  	_ =	shalt  }
0x78: {  	_ =	shalt  }
0x79: {  	_ =	shalt  }
0x7a: {  	_ =	shalt  }
0x7b: {  	_ =	shalt  }
0x7c: {  	_ =	shalt  }
0x7d: {  	_ =	shalt  }
0x7e: {  	_ =	shalt  }
0x7f: {  	_ =	shalt  }
0x80: {  	_ =	shalt  }
0x81: {  	_ =	shalt  }
0x82: {  	_ =	shalt  }
0x83: {  	_ =	shalt  }
0x84: {  	_ =	shalt  }
0x85: {  	_ =	shalt  }
0x86: {  	_ =	shalt  }
0x87: {  	_ =	shalt  }
.Lfunc_end0:
.L_simem_size_0:
called_computation_lowered:
.L_overlay_start_0:
0x88: {  	s2 =	sld [smem:$0x3FD9]  }
0x89: {  	s3 =	sld [smem:$0x3FFE];
	_ =	sdelay $0x1  }
0x8a: {  	s1 =	srdreg.scid  }
0x8b: {  	s0 =	sand.u32 $0x1, s1  }
0x8c: {  	s17 =	sshll.u32 s0, $0xA;
	s2 =	sadd.s32 s3, s2  }
0x8d: {  	s2 =	sadd.s32 s2, s17  }
0x8e: {  	[smem:$0x3FBD] =	sst s2  }
0x8f: {  	_ = 	snop  }
0x90: {  	s2 =	sld [smem:$0x3FD0];
	(tm) =	ssettm $0x1  }
0x91: {  	s18 =	sld [smem:$0x3FFB];
	_ =	sdelay $0x3  }
0x92: {  	_ =	strace s18  }
0x93: {  	s3 =	sld [smem:$0x3FFC];
	_ =	sdelay $0x3  }
0x94: {  	_ =	strace s3  }
0x95: {  	s3 =	sld [smem:$0x3FFD];
	_ =	sdelay $0x3  }
0x96: {  	_ =	strace s3  }
0x97: {  	_ =	strace $0x8FFFFFFF  }
0x98: {  	s19 =	sld [smem:$0x3FDB];
	_ =	sdelay $0x1  }
0x99: {  	s4 =	simm.s32 $_scs_section_size  }
0x9a: {  	s5 =	simm.s32 $_size__tile_overlayer_lowered;
	s6 =	simm.s32 $_tile_overlayer_lowered  }
0x9b: {  	s22 =	simm.s32 $0x1BFF;
	s21 =	sshll.u32 s6, $0x1;
	s3 =	sadd.s32 s4, s19  }
0x9c: {  	s7 =	simm.s32 $0x0;
	s20 =	sshll.u32 s5, $0x1;
	s5 =	sadd.s32 s21, s3  }
0x9d: {  	[timem:s7], [sflag:s22] =	dma.local [hbm:s5], s20  }
0x9e: {  	_ =	swait.ge [sflag:s22], s20  }
0x9f: {  	s4 =	ssub.s32 $0x0, s20;
	[sflag:s22] =	ssyncset.done $0x0  }
0xa0: {  	[sflag:s22] =	ssyncadd.s32 s4;
	_ =	sdelay $0x1  }
0xa1: {  	s23 =	simm.s32 $0x1B8B  }
0xa2: {  	_ =	swait.ge [sflag:s23], $0x1  }
0xa3: {  	[sflag:s23] =	ssyncset.done $0x0  }
0xa4: {  	s25 =	simm.s32 $0x1B8E;
	s24 =	sld [smem:$0x3FFE];
	[sflag:s23] =	ssyncadd.s32 $0xFFFFFFFF  }
0xa5: {  	s26 =	simm.s32 $execute0_lowered;
	[smem:$0x3FD2] =	sst s25  }
0xa6: {  	s5 =	sshll.u32 s26, $0x1;
	_ =	strace $0x80000046;
	[dreg:$0x1] =	wrdreg $0xFFFFFFFF  }
0xa7: {  	s28 =	simm.s32 $_size_execute0_lowered;
	s3 =	sadd.s32 s3, s5;
	[dreg:$0x0] =	wrdreg $0x0  }
0xa8: {  	s5 =	sshll.u32 s28, $0x1;
	[dreg:$0x2] =	wrdreg s3  }
0xa9: {  	[dreg:$0x3] =	wrdreg s5  }
0xaa: {  	[dreg:$0x4] =	wrdreg $0xC0  }
0xab: {  	_ =	task [dreg:s7], $0x5FFFF  }
0xac: {  	[dreg:$0x1] =	wrdreg $0xFFFFFFFF  }
0xad: {  	[dreg:$0x0] =	wrdreg $0x60  }
0xae: {  	[dreg:$0x2] =	wrdreg s2  }
0xaf: {  	[dreg:$0x3] =	wrdreg s24  }
0xb0: {  	[dreg:$0x4] =	wrdreg $0x0  }
0xb1: {  	[dreg:$0x5] =	wrdreg $0x9  }
0xb2: {  	_ =	task.clear_ibuf [dreg:s7], $0x6FFFF;
	_ =	strace $0x90000046  }
0xb3: {  	s29 =	simm.s32 $0x9;
	_ =	strace $0x80000048  }
0xb4: {  	_ =	swait.ge [sflag:s29], $0x1  }
0xb5: {  	[sflag:s29] =	ssyncadd.s32 $0xFFFFFFFF  }
0xb6: {  	_ =	strace $0x90000048  }
0xb7: {  	_ =	sfence  }
0xb8: {  	s30 =	sld [smem:$0x0];
	_ =	sdelay $0x2  }
0xb9: {  	s31 =	sshll.u32 s1, $0xD;
	s1 =	sshrl.u32 s1, $0x2  }
0xba: {  	s3 =	sand.u32 $0x4000, s31;
	s1 =	sadd.s32 s1, s30  }
0xbb: {  	s0 =	sor.u32 s3, s0;
	s1 =	sshll.u32 s1, $0x11  }
0xbc: {  	s0 =	sor.u32 s1, s0  }
0xbd: {  	s0 =	sadd.s32 $0x8F2B, s0  }
0xbe: {  	[sflag:s0] =	ssyncadd.remote.s32 $0x1  }
0xbf: {  	_ =	sfence.sel $0xFFFF  }
0xc0: {  	[dreg:$0x0] =	wrdreg $0xFFFFFFFF;
	(pc) =	sbr.abs _section_cstart, $3  }
0xc1: {  	[dreg:$0x1] =	wrdreg $0xFFFFFFFF  }
0xc2: {  	_ =	task.clear_ibuf [dreg:s7], $0x2FFFF;
	_ =	strace $0x9FFFFFFF  }
0xc3: {  	(tm) =	ssettm $0x7FFFFFFF  }
tec
execute0_lowered:
.L_overlay_start_1:
0x0: {  	(tag) =	ssettag $0x1  }
0x1: {  	s6 =	rddreg [dreg:$0x0]  }
0x2: {  	s5 =	rddreg [dreg:$0x1]  }
0x3: {  	s1 =	rddreg [dreg:$0x2]  }
0x4: {  	s0 =	rddreg [dreg:$0x3];
	s3 =	simm.s32 $0x0  }
0x5: {  	s4 =	srdreg.scid;
	s2 =	stileid.u32;
	s13 =	simm.s32 $0x280  }
0x6: {  	s14 =	simm.s32 $0x5280;
	[smem:$0x7FF] =	sst s3;
	s7 =	sand.u32 $0x1, s4  }
0x7: {  	s8 =	smul.u32 $0xA00, s2;
	s4 =	sadd.s32 $0x2E00, s5;
	s10 =	sshrl.u32 s2, $0x2  }
0x8: {  	s12 =	sshll.u32 s2, $0x8;
	s28 =	smul.u32 $0x1400, s2;
	p0 =	sgt.u32 s2, $0x7  }
0x9: {  	_ =	strace $0x80000047;
	s9 =	sshll.u32 s7, $0x7;
	s10 =	smul.u32 $0x14000, s10  }
0xa: {  	s7 =	ssub.s32 $0x2, s7;
	s12 =	sand.u32 $0x300, s12;
	s15 =	sshll.u32 @!p0 s2, $0x6  }
0xb: {  	s11 =	sor.u32 s9, s8;
	s26 =	sshrl.u32 s7, $0x1;
	s8 =	sshrl.u32 s8, $0x2  }
0xc: {  	s31 =	sshrl.u32 s28, $0x2;
	s15 =	sor.u32 @!p0 $0x1C01, s15;
	s11 =	sshrl.u32 s11, $0x3  }
0xd: {  	s10 =	sor.u32 s10, s12;
	s29 =	ssub.s32 s7, s26;
	s16 =	sadd.s32 s31, s1  }
0xe: {  	s12 =	simm.s32 $0x400;
	s11 =	sadd.s32 s11, s5;
	s9 =	sor.u32 s9, s10  }
0xf: {  	s5 =	sadd.s32 s8, s1;
	s8 =	smax.u32 s29, $0x1;
	s10 =	simm.s32 $0x1  }
0x10: {  	s16 =	sshrl.u32 @!p0 s16, $0x3;
	s30 =	sshrl.u32 s9, $0x3;
	s7 =	sadd.s32 $0x3400, s11  }
0x11: {  	v0 =	vimm.f32 $0.0e+00;
	v1 =	vimm.f32 $1.000000000e+00;
	s9 =	simm.s32 $0x2A80;
	s11 =	simm.s32 $0x80;
	s6 =	sadd.s32 s6, s30  }
.LBB2_1:
0x12: {  	s17 =	simm.s32 $0x40;
	s18 =	simm.s32 $0x0  }
.LBB2_2:
0x13: {  	p1 =	sne.s32 s17, $0x9FC0;
	[tilespmem:s18+$0x2A80] =	vst v0;
	s18 =	smov.u32 s17;
	s17 =	sadd.s32 $0x40, s17  }
.Ltmp0:
0x14: {  	(pc) =	sbr.rel @p1 .LBB2_2-.Ltmp0, $2  }
0x15: {  	_ =	sdelay $0x2  }
0x16: {  	s18 =	sshra.s32 s18, $0x2  }
0x17: {  	[tilespmem:s18+$0x2A80] =	vst v0  }
0x18: {  	[spmem:s5] =	stream.linear.scatter [tilespmem:s9], [sflag:$0x1], $0x280, $0x38;
	[tilespmem:$0x7A80] =	vst v63  }
0x19: {  	_ =	swait.ge [sflag:s10], $0x280  }
0x1a: {  	[sflag:s10] =	ssyncset.done $0x0  }
0x1b: {  	[sflag:s10] =	ssyncadd.s32 $0xFFFFFD80  }
0x1c: {  	[tilespmem:s13], [sflag:$0x1] =	stream.strided.gather [hbm4b:s6+s11], $0x2800, s12, s11, $0x38;
	[tilespmem:$0x7A80] =	vst v63  }
0x1d: {  	_ =	swait.ge [sflag:s10], $0x2800  }
0x1e: {  	[sflag:s10] =	ssyncset.done $0x0  }
0x1f: {  	s17 =	simm.s32 $0x0;
	[sflag:s10] =	ssyncadd.s32 $0xFFFFD800  }
0x20: {  	[tilespmem:s14], [sflag:$0x1] =	stream.linear.gather [hbm4b:s4+s17], $0x2800, $0x38;
	[tilespmem:$0x7A80] =	vst v63  }
0x21: {  	_ =	swait.ge [sflag:s10], $0x2800  }
0x22: {  	[sflag:s10] =	ssyncset.done $0x0  }
0x23: {  	[sflag:s10] =	ssyncadd.s32 $0xFFFFD800  }
0x24: {  	s18 =	simm.s32 $0x0;
	s17 =	simm.s32 $0x40;
	[bflag:$0x0] =	sbarrier.arrive $0xFFFF  }
.LBB2_4:
0x25: {  	p1 =	sne.s32 s17, $0x9FC0;
	v2 =	vld [tilespmem:s18+$0x280];
	_ =	sdelay $0x3  }
.Ltmp1:
0x26: {  	(pc) =	sbr.rel @p1 .LBB2_4-.Ltmp1, $2  }
0x27: {  	_ =	sdelay $0x2  }
0x28: {  	s18 =	sshra.s32 s17, $0x2;
	s17 =	sadd.s32 $0x40, s17;
	[tilespmem:v2+s9+$0x0] =	vst.idx.add.f32.msk $0xffff, v1  }
0x29: {  	v2 =	vld [tilespmem:s18+$0x280];
	_ =	sdelay $0x7  }
0x2a: {  	s17 =	simm.s32 $0x2A80;
	s31 =	simm.s32 $0x5280;
	[tilespmem:v2+s9+$0x0] =	vst.idx.add.f32.msk $0xffff, v1  }
0x2b: {  	[spmem:s1] =	stream.indirect.scatter.add.f32 [tilespmem:s17], [sflag:$0x1], $0x1, s31, s11, $0xb8;
	[tilespmem:$0x7A80] =	vst v63  }
0x2c: {  	s17 =	simm.s32 $0x200;
	_ =	swait.ge [sflag:s10], $0x80  }
.LBB2_6:
0x2d: {  	s18 =	sshra.s32 s17, $0x2  }
0x2e: {  	[sflag:s10] =	ssyncset.done $0x0;
	p1 =	sne.s32 s17, $0x9E00;
	s19 =	sadd.s32 $0x2A80, s18  }
.Ltmp2:
0x2f: {  	s18 =	sadd.s32 $0x5280, s18;
	[sflag:s10] =	ssyncadd.s32 $0xFFFFFF80;
	(pc) =	sbr.rel @p1 .LBB2_6-.Ltmp2, $3  }
0x30: {  	[spmem:s1] =	stream.indirect.scatter.add.f32 [tilespmem:s19], [sflag:$0x1], $0x1, s18, s11, $0xb8;
	[tilespmem:$0x7A80] =	vst v63  }
0x31: {  	s17 =	sadd.s32 $0x200, s17;
	_ =	sdelay $0x1  }
0x32: {  	_ =	swait.ge [sflag:s10], $0x80  }
0x33: {  	[sflag:s10] =	ssyncset.done $0x0;
	s17 =	simm.s32 @!p0 $0x1;
	s3 =	sadd.s32 $0x1, s3  }
0x34: {  	s18 =	simm.s32 @!p0 $0x20;
	[sflag:s10] =	ssyncadd.s32 $0xFFFFFF80;
	p1 =	sne.s32 s3, s8  }
.Ltmp3:
0x35: {  	s19 =	simm.s32 @!p0 $0x10;
	[bflag:$0x0] =	sbarrier.arrive $0xFFFF;
	(pc) =	sbr.rel @p1 .LBB2_1-.Ltmp3, $4  }
0x36: {  	[hbm:s7@s18], [sflag:s15] =	dma.strided @!p0 [spmem:s16@s19], $0xA0, s17, $0x10   }
0x37: {  	_ =	swait.ge @!p0 [sflag:s17], $0xA0  }
0x38: {  	[sflag:s17] =	ssyncset.done @!p0 $0x0  }
0x39: {  	[sflag:s17] =	ssyncadd.s32 @!p0 $0xFFFFFF60  }
0x3a: {  	_ =	sfence.sel $0x180000  }
0x3b: {  	[bflag:$0x0] =	sbarrier.arrive $0xFFFF  }
0x3c: {  	p0 =	sne.s32 s2, $0x0;
	_ =	strace $0x90000047  }
0x3d: {  	s0 =	sadd.s32 @!p0 $0x100000, s0;
	[bflag:$0x2] =	sbarrier.arrive $0xFFFF  }
0x3e: {  	[sflag:s0] =	ssyncadd.tile.s32 @!p0 $0x1;
	_ =	shalt  }
.Lfunc_end2:
_tile_overlayer_lowered:
.L_overlay_start_2:
0x3f: {  	(tag) =	ssettag $0x2  }
0x40: {  	s0 =	rddreg [dreg:$0x0];
	s2 =	stileid.u32  }
0x41: {  	s1 =	rddreg [dreg:$0x1];
	p0 =	sne.s32 s2, $0x0  }
0x42: {  	s3 =	rddreg [dreg:$0x2];
	[bflag:$0x3] =	sbarrier.arrive $0xFFFF;
	s2 =	simm.s32 @!p0 $0x1C01  }
0x43: {  	[timem:s3], [sflag:s2] =	dma.local @!p0 [hbm:s0], s1  }
0x44: {  	s0 =	simm.s32 @!p0 $0x1  }
0x45: {  	_ =	swait.ge @!p0 [sflag:s0], s1  }
0x46: {  	s1 =	ssub.s32 @!p0 $0x0, s1;
	[sflag:s0] =	ssyncset.done @!p0 $0x0  }
0x47: {  	[sflag:s0] =	ssyncadd.s32 @!p0 s1  }
0x48: {  	[bflag:$0x3] =	sbarrier.arrive $0xFFFF  }
0x49: {  	_ =	shalt  }

</sc_bundles>
